<compile_context>
chip_gen: v7x
topology: tpu7x:2x2x1
jax: 0.10.2.dev20260603
libtpu: 0.0.44.dev20260713+nightly
codegen_flags: <defaults>
</compile_context>

<pallas_src>
import functools

import jax
import jax.numpy as jnp
from jax import lax
from jax.experimental import pallas as pl
from jax.experimental.pallas import tpu as pltpu
from jax.experimental.pallas import tpu_sc as plsc

H = 64
HIST = 200
CH0 = 104
CH1 = HIST - CH0
LANES = 16
NVD = H // LANES
NB = 4
NBI = 2 * NB


def _build(B, NC, NS):
  NW = NC * NS
  IPW = B // NW

  mesh = plsc.VectorSubcoreMesh(core_axis_name="c", subcore_axis_name="s")

  @functools.partial(
      pl.kernel,
      mesh=mesh,
      compiler_params=pltpu.CompilerParams(use_tc_tiling_on_sc=False),
      out_type=[
          jax.ShapeDtypeStruct((B, H), jnp.float32),
          jax.ShapeDtypeStruct((B, LANES), jnp.float32),
      ],
      scratch_types=[
          pltpu.VMEM((NBI, HIST), jnp.int32),
          pltpu.VMEM((NB, HIST, H), jnp.float32),
          pltpu.VMEM((IPW, H), jnp.float32),
          pltpu.VMEM((IPW, LANES), jnp.float32),
          pltpu.VMEM((H,), jnp.float32),
          pltpu.VMEM((LANES,), jnp.float32),
          pltpu.SemaphoreType.DMA((NBI,)),
          pltpu.SemaphoreType.DMA((NB,)),
      ],
  )
  def k(x_hbm, ids_hbm, tab_hbm, w_hbm, b_hbm, comb_hbm, conf_hbm,
        idxb, rowsb, xs, confs, wv, bv, isem, gsem):
    wid = lax.axis_index("s") * NC + lax.axis_index("c")
    base = wid * IPW
    pltpu.sync_copy(x_hbm.at[pl.ds(base, IPW)], xs)
    pltpu.sync_copy(w_hbm, wv)
    pltpu.sync_copy(b_hbm, bv)

    def idx_start(li, q):
      pltpu.async_copy(ids_hbm.at[base + li], idxb.at[q], isem.at[q])

    def idx_wait(li, q):
      pltpu.make_async_copy(ids_hbm.at[base + li], idxb.at[q],
                            isem.at[q]).wait()

    def gather_start(q, p):
      pltpu.async_copy(tab_hbm.at[idxb.at[q, pl.ds(0, CH0)]],
                       rowsb.at[p, pl.ds(0, CH0)], gsem.at[p])
      pltpu.async_copy(tab_hbm.at[idxb.at[q, pl.ds(CH0, CH1)]],
                       rowsb.at[p, pl.ds(CH0, CH1)], gsem.at[p])

    def gather_wait(q, p):
      pltpu.make_async_copy(tab_hbm.at[idxb.at[q, pl.ds(0, CH0)]],
                            rowsb.at[p, pl.ds(0, CH0)], gsem.at[p]).wait()
      pltpu.make_async_copy(tab_hbm.at[idxb.at[q, pl.ds(CH0, CH1)]],
                            rowsb.at[p, pl.ds(CH0, CH1)], gsem.at[p]).wait()

    for li in range(NBI):
      idx_start(li, li)
    for li in range(NB):
      idx_wait(li, li)
      gather_start(li, li)

    wvec = [wv[pl.ds(d * LANES, LANES)] for d in range(NVD)]
    bvec = bv[...]
    inv = 1.0 / HIST
    lanes = lax.iota(jnp.int32, LANES)
    dnums = lax.GatherDimensionNumbers(
        offset_dims=(), collapsed_slice_dims=(0,), start_index_map=(0,))

    def lane_sum(v):
      for s in (8, 4, 2, 1):
        perm = lax.gather(v, (lanes ^ s)[:, None], dnums, slice_sizes=(1,),
                          unique_indices=True, indices_are_sorted=False,
                          mode=lax.GatherScatterMode.PROMISE_IN_BOUNDS)
        v = v + perm
      return v

    def item(li, q, p):
      gather_wait(q, p)

      @pl.when(li + NBI < IPW)
      def _():
        idx_start(li + NBI, q)

      def step(j, accs):
        new = list(accs)
        for uu in range(4):
          r = j * 4 + uu
          for d in range(NVD):
            new[d] = new[d] + rowsb[p, r, pl.ds(d * LANES, LANES)]
        return tuple(new)

      init = tuple(jnp.zeros((LANES,), jnp.float32) for _ in range(NVD))
      accs = lax.fori_loop(0, HIST // 4, step, init)

      z = None
      for d in range(NVD):
        c = xs[li, pl.ds(d * LANES, LANES)] + accs[d] * inv
        xs[li, pl.ds(d * LANES, LANES)] = c
        t = c * wvec[d]
        z = t if z is None else z + t
      zv = lane_sum(z) + bvec
      confs[li] = 1.0 / (1.0 + jnp.exp(-zv))

      @pl.when(li + NB < IPW)
      def _():
        idx_wait(li + NB, (q + NB) % NBI)
        gather_start((q + NB) % NBI, p)

    def outer(g, carry):
      for u in range(NBI):
        item(NBI * g + u, u, u % NB)
      return carry

    lax.fori_loop(0, IPW // NBI, outer, 0)

    pltpu.sync_copy(xs, comb_hbm.at[pl.ds(base, IPW)])
    pltpu.sync_copy(confs, conf_hbm.at[pl.ds(base, IPW)])

  return k


def kernel(x, rule_ids, rule_table, W, b):
  B = x.shape[0]
  try:
    info = plsc.get_sparse_core_info()
    nc, ns = info.num_cores, info.num_subcores
  except Exception:
    nc, ns = 2, 16
  ids = rule_ids.astype(jnp.int32)
  w_flat = W.reshape(H).astype(jnp.float32)
  b_vec = jnp.broadcast_to(b.astype(jnp.float32), (LANES,))
  comb, conf = _build(B, nc, ns)(x, ids, rule_table, w_flat, b_vec)
  return (comb, conf[:, :1])

# --- scband reference (transcript-rebuilt; emitter-appended) ---
"""Pipeline reference for scband-symbolic-world-12463995093761 (READ-ONLY COPY).

The authoritative reference and input builder live on the scoring server;
editing this copy changes nothing except your own understanding.
"""

import jax, jax.numpy as jnp
import numpy as np

NUM_RULES = 1000000
HIDDEN_DIM = 64
BATCH = 4096
HIST = 200

def setup_inputs(seed: int = 0) -> dict:
    key = jax.random.key(seed)
    k1, k2, k3, k4, k5 = jax.random.split(key, 5)
    x = jax.random.normal(k1, (BATCH, HIDDEN_DIM), dtype=jnp.float32)
    rule_ids = jax.random.randint(k2, (BATCH, HIST), 0, NUM_RULES, dtype=jnp.int64)
    rule_table = jax.random.normal(k3, (NUM_RULES, HIDDEN_DIM), dtype=jnp.float32) * 0.02
    W = jax.random.normal(k4, (HIDDEN_DIM, 1), dtype=jnp.float32) * 0.02
    b = jnp.zeros((1,), dtype=jnp.float32)
    return {"x": x, "rule_ids": rule_ids, "rule_table": rule_table, "W": W, "b": b}

def reference(x, rule_ids, rule_table, W, b):
    # nn.Embedding lookup -> gather rows, then mean over rule axis
    rule_emb = jnp.take(rule_table, rule_ids, axis=0).mean(axis=1)  # [B, H]
    combined = x + rule_emb
    # confidence_head + sigmoid (original .item() only valid for B=1; return array)
    confidence = jax.nn.sigmoid(combined @ W + b)  # [B, 1]
    return (combined, confidence)

if __name__ == "__main__":
    import jax
    _d = setup_inputs()
    print(jax.jit(kernel)(*tuple(_d.values())))

</pallas_src>

<mosaic_0001>
#map = affine_map<(d0, d1) -> (0, 0)>
#map1 = affine_map<(d0, d1) -> (0)>
module attributes {stable_mosaic.version = 14 : i64} {
  func.func @k(%arg0: i32, %arg1: i32, %arg2: memref<4096x64xf32, #tpu.memory_space<hbm>>, %arg3: memref<4096x200xi32, #tpu.memory_space<hbm>>, %arg4: memref<1000000x64xf32, #tpu.memory_space<hbm>>, %arg5: memref<64xf32, #tpu.memory_space<hbm>>, %arg6: memref<16xf32, #tpu.memory_space<hbm>>, %arg7: memref<4096x64xf32, #tpu.memory_space<hbm>>, %arg8: memref<4096x16xf32, #tpu.memory_space<hbm>>, %arg9: memref<8x200xi32, #tpu.memory_space<vmem>>, %arg10: memref<4x200x64xf32, #tpu.memory_space<vmem>>, %arg11: memref<128x64xf32, #tpu.memory_space<vmem>>, %arg12: memref<128x16xf32, #tpu.memory_space<vmem>>, %arg13: memref<64xf32, #tpu.memory_space<vmem>>, %arg14: memref<16xf32, #tpu.memory_space<vmem>>, %arg15: memref<8x!tpu.dma_semaphore, #tpu.memory_space<semaphore_mem>>, %arg16: memref<4x!tpu.dma_semaphore, #tpu.memory_space<semaphore_mem>>) attributes {dimension_semantics = [#tpu.dimension_semantics<core_parallel>, #tpu.dimension_semantics<subcore_parallel>], iteration_bounds = array<i64: 2, 16>, scalar_prefetch = 0 : i64, scratch_operands = 8 : i64, tpu.core_type = #tpu.core_type<sc_vector_subcore>, window_params = [{transform_indices = #map}, {transform_indices = #map}, {transform_indices = #map}, {transform_indices = #map1}, {transform_indices = #map1}, {transform_indices = #map}, {transform_indices = #map}]} {
    %mul3A = arith.constant 2 : i32
    %mul3A_0 = arith.muli %arg1, %mul3A : i32
    %add3A = arith.addi %mul3A_0, %arg0 : i32
    %mul3A_1 = arith.constant 128 : i32
    %mul3A_2 = arith.muli %add3A, %mul3A_1 : i32
    "tpu.region"() ({
      %run_scoped3A = tpu.sem_alloc : memref<!tpu.dma_semaphore, #tpu.memory_space<semaphore_mem>>
      %dma_start3A_356 = arith.constant 0 : i32
      %dma_start3A_357 = tpu.memref_slice %arg2[%mul3A_2, %dma_start3A_356] : memref<4096x64xf32, #tpu.memory_space<hbm>> -> memref<128x64xf32, #tpu.memory_space<hbm>>
      %dma_start3A_358 = arith.constant 0 : i32
      %dma_start3A_359 = tpu.memref_slice %arg2[%mul3A_2, %dma_start3A_358] : memref<4096x64xf32, #tpu.memory_space<hbm>> -> memref<128x64xf32, #tpu.memory_space<hbm>>
      tpu.enqueue_dma source(%dma_start3A_359 : memref<128x64xf32, #tpu.memory_space<hbm>>) target(%arg11 : memref<128x64xf32, #tpu.memory_space<vmem>>) target_semaphore(%run_scoped3A : memref<!tpu.dma_semaphore, #tpu.memory_space<semaphore_mem>>)
      %dma_wait3A_360 = arith.constant 0 : i32
      %dma_wait3A_361 = tpu.memref_slice %arg2[%mul3A_2, %dma_wait3A_360] : memref<4096x64xf32, #tpu.memory_space<hbm>> -> memref<128x64xf32, #tpu.memory_space<hbm>>
      %dma_wait3A_362 = arith.constant 0 : i32
      %dma_wait3A_363 = tpu.memref_slice %arg2[%mul3A_2, %dma_wait3A_362] : memref<4096x64xf32, #tpu.memory_space<hbm>> -> memref<128x64xf32, #tpu.memory_space<hbm>>
      tpu.wait_dma2 semaphore(%run_scoped3A : memref<!tpu.dma_semaphore, #tpu.memory_space<semaphore_mem>>) src(%dma_wait3A_363 : memref<128x64xf32, #tpu.memory_space<hbm>>) dst(%arg11 : memref<128x64xf32, #tpu.memory_space<vmem>>)
      tpu.yield
    }) : () -> ()
    "tpu.region"() ({
      %run_scoped3A = tpu.sem_alloc : memref<!tpu.dma_semaphore, #tpu.memory_space<semaphore_mem>>
      tpu.enqueue_dma source(%arg5 : memref<64xf32, #tpu.memory_space<hbm>>) target(%arg13 : memref<64xf32, #tpu.memory_space<vmem>>) target_semaphore(%run_scoped3A : memref<!tpu.dma_semaphore, #tpu.memory_space<semaphore_mem>>)
      tpu.wait_dma2 semaphore(%run_scoped3A : memref<!tpu.dma_semaphore, #tpu.memory_space<semaphore_mem>>) src(%arg5 : memref<64xf32, #tpu.memory_space<hbm>>) dst(%arg13 : memref<64xf32, #tpu.memory_space<vmem>>)
      tpu.yield
    }) : () -> ()
    "tpu.region"() ({
      %run_scoped3A = tpu.sem_alloc : memref<!tpu.dma_semaphore, #tpu.memory_space<semaphore_mem>>
      tpu.enqueue_dma source(%arg6 : memref<16xf32, #tpu.memory_space<hbm>>) target(%arg14 : memref<16xf32, #tpu.memory_space<vmem>>) target_semaphore(%run_scoped3A : memref<!tpu.dma_semaphore, #tpu.memory_space<semaphore_mem>>)
      tpu.wait_dma2 semaphore(%run_scoped3A : memref<!tpu.dma_semaphore, #tpu.memory_space<semaphore_mem>>) src(%arg6 : memref<16xf32, #tpu.memory_space<hbm>>) dst(%arg14 : memref<16xf32, #tpu.memory_space<vmem>>)
      tpu.yield
    }) : () -> ()
    %add3A_3 = arith.constant 0 : i32
    %add3A_4 = arith.addi %mul3A_2, %add3A_3 : i32
    %dma_start3A = arith.constant 0 : i32
    %dma_start3A_5 = arith.constant 0 : i32
    %dma_start3A_6 = arith.constant 0 : i32
    %dma_start3A_7 = tpu.memref_slice %arg9[%dma_start3A, %dma_start3A_6] : memref<8x200xi32, #tpu.memory_space<vmem>> -> memref<1x200xi32, #tpu.memory_space<vmem>>
    %dma_start3A_8 = tpu.memref_squeeze %dma_start3A_7 : memref<1x200xi32, #tpu.memory_space<vmem>> -> memref<200xi32, #tpu.memory_space<vmem>>
    %dma_start3A_9 = arith.constant 0 : i32
    %dma_start3A_10 = tpu.memref_slice %arg3[%add3A_4, %dma_start3A_9] : memref<4096x200xi32, #tpu.memory_space<hbm>> -> memref<1x200xi32, #tpu.memory_space<hbm>>
    %dma_start3A_11 = tpu.memref_squeeze %dma_start3A_10 : memref<1x200xi32, #tpu.memory_space<hbm>> -> memref<200xi32, #tpu.memory_space<hbm>>
    %dma_start3A_12 = tpu.memref_slice %arg15[%dma_start3A_5] : memref<8x!tpu.dma_semaphore, #tpu.memory_space<semaphore_mem>> -> memref<1x!tpu.dma_semaphore, #tpu.memory_space<semaphore_mem>>
    %dma_start3A_13 = tpu.memref_squeeze %dma_start3A_12 : memref<1x!tpu.dma_semaphore, #tpu.memory_space<semaphore_mem>> -> memref<!tpu.dma_semaphore, #tpu.memory_space<semaphore_mem>>
    %dma_start3A_14 = arith.constant 0 : i32
    %dma_start3A_15 = tpu.memref_slice %arg9[%dma_start3A, %dma_start3A_14] : memref<8x200xi32, #tpu.memory_space<vmem>> -> memref<1x200xi32, #tpu.memory_space<vmem>>
    %dma_start3A_16 = tpu.memref_squeeze %dma_start3A_15 : memref<1x200xi32, #tpu.memory_space<vmem>> -> memref<200xi32, #tpu.memory_space<vmem>>
    %dma_start3A_17 = arith.constant 0 : i32
    %dma_start3A_18 = tpu.memref_slice %arg3[%add3A_4, %dma_start3A_17] : memref<4096x200xi32, #tpu.memory_space<hbm>> -> memref<1x200xi32, #tpu.memory_space<hbm>>
    %dma_start3A_19 = tpu.memref_squeeze %dma_start3A_18 : memref<1x200xi32, #tpu.memory_space<hbm>> -> memref<200xi32, #tpu.memory_space<hbm>>
    tpu.enqueue_dma source(%dma_start3A_19 : memref<200xi32, #tpu.memory_space<hbm>>) target(%dma_start3A_16 : memref<200xi32, #tpu.memory_space<vmem>>) target_semaphore(%dma_start3A_13 : memref<!tpu.dma_semaphore, #tpu.memory_space<semaphore_mem>>)
    %add3A_20 = arith.constant 1 : i32
    %add3A_21 = arith.addi %mul3A_2, %add3A_20 : i32
    %dma_start3A_22 = arith.constant 1 : i32
    %dma_start3A_23 = arith.constant 1 : i32
    %dma_start3A_24 = arith.constant 0 : i32
    %dma_start3A_25 = tpu.memref_slice %arg9[%dma_start3A_22, %dma_start3A_24] : memref<8x200xi32, #tpu.memory_space<vmem>> -> memref<1x200xi32, #tpu.memory_space<vmem>>
    %dma_start3A_26 = tpu.memref_squeeze %dma_start3A_25 : memref<1x200xi32, #tpu.memory_space<vmem>> -> memref<200xi32, #tpu.memory_space<vmem>>
    %dma_start3A_27 = arith.constant 0 : i32
    %dma_start3A_28 = tpu.memref_slice %arg3[%add3A_21, %dma_start3A_27] : memref<4096x200xi32, #tpu.memory_space<hbm>> -> memref<1x200xi32, #tpu.memory_space<hbm>>
    %dma_start3A_29 = tpu.memref_squeeze %dma_start3A_28 : memref<1x200xi32, #tpu.memory_space<hbm>> -> memref<200xi32, #tpu.memory_space<hbm>>
    %dma_start3A_30 = tpu.memref_slice %arg15[%dma_start3A_23] : memref<8x!tpu.dma_semaphore, #tpu.memory_space<semaphore_mem>> -> memref<1x!tpu.dma_semaphore, #tpu.memory_space<semaphore_mem>>
    %dma_start3A_31 = tpu.memref_squeeze %dma_start3A_30 : memref<1x!tpu.dma_semaphore, #tpu.memory_space<semaphore_mem>> -> memref<!tpu.dma_semaphore, #tpu.memory_space<semaphore_mem>>
    %dma_start3A_32 = arith.constant 0 : i32
    %dma_start3A_33 = tpu.memref_slice %arg9[%dma_start3A_22, %dma_start3A_32] : memref<8x200xi32, #tpu.memory_space<vmem>> -> memref<1x200xi32, #tpu.memory_space<vmem>>
    %dma_start3A_34 = tpu.memref_squeeze %dma_start3A_33 : memref<1x200xi32, #tpu.memory_space<vmem>> -> memref<200xi32, #tpu.memory_space<vmem>>
    %dma_start3A_35 = arith.constant 0 : i32
    %dma_start3A_36 = tpu.memref_slice %arg3[%add3A_21, %dma_start3A_35] : memref<4096x200xi32, #tpu.memory_space<hbm>> -> memref<1x200xi32, #tpu.memory_space<hbm>>
    %dma_start3A_37 = tpu.memref_squeeze %dma_start3A_36 : memref<1x200xi32, #tpu.memory_space<hbm>> -> memref<200xi32, #tpu.memory_space<hbm>>
    tpu.enqueue_dma source(%dma_start3A_37 : memref<200xi32, #tpu.memory_space<hbm>>) target(%dma_start3A_34 : memref<200xi32, #tpu.memory_space<vmem>>) target_semaphore(%dma_start3A_31 : memref<!tpu.dma_semaphore, #tpu.memory_space<semaphore_mem>>)
    %add3A_38 = arith.constant 2 : i32
    %add3A_39 = arith.addi %mul3A_2, %add3A_38 : i32
    %dma_start3A_40 = arith.constant 2 : i32
    %dma_start3A_41 = arith.constant 2 : i32
    %dma_start3A_42 = arith.constant 0 : i32
    %dma_start3A_43 = tpu.memref_slice %arg9[%dma_start3A_40, %dma_start3A_42] : memref<8x200xi32, #tpu.memory_space<vmem>> -> memref<1x200xi32, #tpu.memory_space<vmem>>
    %dma_start3A_44 = tpu.memref_squeeze %dma_start3A_43 : memref<1x200xi32, #tpu.memory_space<vmem>> -> memref<200xi32, #tpu.memory_space<vmem>>
    %dma_start3A_45 = arith.constant 0 : i32
    %dma_start3A_46 = tpu.memref_slice %arg3[%add3A_39, %dma_start3A_45] : memref<4096x200xi32, #tpu.memory_space<hbm>> -> memref<1x200xi32, #tpu.memory_space<hbm>>
    %dma_start3A_47 = tpu.memref_squeeze %dma_start3A_46 : memref<1x200xi32, #tpu.memory_space<hbm>> -> memref<200xi32, #tpu.memory_space<hbm>>
    %dma_start3A_48 = tpu.memref_slice %arg15[%dma_start3A_41] : memref<8x!tpu.dma_semaphore, #tpu.memory_space<semaphore_mem>> -> memref<1x!tpu.dma_semaphore, #tpu.memory_space<semaphore_mem>>
    %dma_start3A_49 = tpu.memref_squeeze %dma_start3A_48 : memref<1x!tpu.dma_semaphore, #tpu.memory_space<semaphore_mem>> -> memref<!tpu.dma_semaphore, #tpu.memory_space<semaphore_mem>>
    %dma_start3A_50 = arith.constant 0 : i32
    %dma_start3A_51 = tpu.memref_slice %arg9[%dma_start3A_40, %dma_start3A_50] : memref<8x200xi32, #tpu.memory_space<vmem>> -> memref<1x200xi32, #tpu.memory_space<vmem>>
    %dma_start3A_52 = tpu.memref_squeeze %dma_start3A_51 : memref<1x200xi32, #tpu.memory_space<vmem>> -> memref<200xi32, #tpu.memory_space<vmem>>
    %dma_start3A_53 = arith.constant 0 : i32
    %dma_start3A_54 = tpu.memref_slice %arg3[%add3A_39, %dma_start3A_53] : memref<4096x200xi32, #tpu.memory_space<hbm>> -> memref<1x200xi32, #tpu.memory_space<hbm>>
    %dma_start3A_55 = tpu.memref_squeeze %dma_start3A_54 : memref<1x200xi32, #tpu.memory_space<hbm>> -> memref<200xi32, #tpu.memory_space<hbm>>
    tpu.enqueue_dma source(%dma_start3A_55 : memref<200xi32, #tpu.memory_space<hbm>>) target(%dma_start3A_52 : memref<200xi32, #tpu.memory_space<vmem>>) target_semaphore(%dma_start3A_49 : memref<!tpu.dma_semaphore, #tpu.memory_space<semaphore_mem>>)
    %add3A_56 = arith.constant 3 : i32
    %add3A_57 = arith.addi %mul3A_2, %add3A_56 : i32
    %dma_start3A_58 = arith.constant 3 : i32
    %dma_start3A_59 = arith.constant 3 : i32
    %dma_start3A_60 = arith.constant 0 : i32
    %dma_start3A_61 = tpu.memref_slice %arg9[%dma_start3A_58, %dma_start3A_60] : memref<8x200xi32, #tpu.memory_space<vmem>> -> memref<1x200xi32, #tpu.memory_space<vmem>>
    %dma_start3A_62 = tpu.memref_squeeze %dma_start3A_61 : memref<1x200xi32, #tpu.memory_space<vmem>> -> memref<200xi32, #tpu.memory_space<vmem>>
    %dma_start3A_63 = arith.constant 0 : i32
    %dma_start3A_64 = tpu.memref_slice %arg3[%add3A_57, %dma_start3A_63] : memref<4096x200xi32, #tpu.memory_space<hbm>> -> memref<1x200xi32, #tpu.memory_space<hbm>>
    %dma_start3A_65 = tpu.memref_squeeze %dma_start3A_64 : memref<1x200xi32, #tpu.memory_space<hbm>> -> memref<200xi32, #tpu.memory_space<hbm>>
    %dma_start3A_66 = tpu.memref_slice %arg15[%dma_start3A_59] : memref<8x!tpu.dma_semaphore, #tpu.memory_space<semaphore_mem>> -> memref<1x!tpu.dma_semaphore, #tpu.memory_space<semaphore_mem>>
    %dma_start3A_67 = tpu.memref_squeeze %dma_start3A_66 : memref<1x!tpu.dma_semaphore, #tpu.memory_space<semaphore_mem>> -> memref<!tpu.dma_semaphore, #tpu.memory_space<semaphore_mem>>
    %dma_start3A_68 = arith.constant 0 : i32
    %dma_start3A_69 = tpu.memref_slice %arg9[%dma_start3A_58, %dma_start3A_68] : memref<8x200xi32, #tpu.memory_space<vmem>> -> memref<1x200xi32, #tpu.memory_space<vmem>>
    %dma_start3A_70 = tpu.memref_squeeze %dma_start3A_69 : memref<1x200xi32, #tpu.memory_space<vmem>> -> memref<200xi32, #tpu.memory_space<vmem>>
    %dma_start3A_71 = arith.constant 0 : i32
    %dma_start3A_72 = tpu.memref_slice %arg3[%add3A_57, %dma_start3A_71] : memref<4096x200xi32, #tpu.memory_space<hbm>> -> memref<1x200xi32, #tpu.memory_space<hbm>>
    %dma_start3A_73 = tpu.memref_squeeze %dma_start3A_72 : memref<1x200xi32, #tpu.memory_space<hbm>> -> memref<200xi32, #tpu.memory_space<hbm>>
    tpu.enqueue_dma source(%dma_start3A_73 : memref<200xi32, #tpu.memory_space<hbm>>) target(%dma_start3A_70 : memref<200xi32, #tpu.memory_space<vmem>>) target_semaphore(%dma_start3A_67 : memref<!tpu.dma_semaphore, #tpu.memory_space<semaphore_mem>>)
    %add3A_74 = arith.constant 4 : i32
    %add3A_75 = arith.addi %mul3A_2, %add3A_74 : i32
    %dma_start3A_76 = arith.constant 4 : i32
    %dma_start3A_77 = arith.constant 4 : i32
    %dma_start3A_78 = arith.constant 0 : i32
    %dma_start3A_79 = tpu.memref_slice %arg9[%dma_start3A_76, %dma_start3A_78] : memref<8x200xi32, #tpu.memory_space<vmem>> -> memref<1x200xi32, #tpu.memory_space<vmem>>
    %dma_start3A_80 = tpu.memref_squeeze %dma_start3A_79 : memref<1x200xi32, #tpu.memory_space<vmem>> -> memref<200xi32, #tpu.memory_space<vmem>>
    %dma_start3A_81 = arith.constant 0 : i32
    %dma_start3A_82 = tpu.memref_slice %arg3[%add3A_75, %dma_start3A_81] : memref<4096x200xi32, #tpu.memory_space<hbm>> -> memref<1x200xi32, #tpu.memory_space<hbm>>
    %dma_start3A_83 = tpu.memref_squeeze %dma_start3A_82 : memref<1x200xi32, #tpu.memory_space<hbm>> -> memref<200xi32, #tpu.memory_space<hbm>>
    %dma_start3A_84 = tpu.memref_slice %arg15[%dma_start3A_77] : memref<8x!tpu.dma_semaphore, #tpu.memory_space<semaphore_mem>> -> memref<1x!tpu.dma_semaphore, #tpu.memory_space<semaphore_mem>>
    %dma_start3A_85 = tpu.memref_squeeze %dma_start3A_84 : memref<1x!tpu.dma_semaphore, #tpu.memory_space<semaphore_mem>> -> memref<!tpu.dma_semaphore, #tpu.memory_space<semaphore_mem>>
    %dma_start3A_86 = arith.constant 0 : i32
    %dma_start3A_87 = tpu.memref_slice %arg9[%dma_start3A_76, %dma_start3A_86] : memref<8x200xi32, #tpu.memory_space<vmem>> -> memref<1x200xi32, #tpu.memory_space<vmem>>
    %dma_start3A_88 = tpu.memref_squeeze %dma_start3A_87 : memref<1x200xi32, #tpu.memory_space<vmem>> -> memref<200xi32, #tpu.memory_space<vmem>>
    %dma_start3A_89 = arith.constant 0 : i32
    %dma_start3A_90 = tpu.memref_slice %arg3[%add3A_75, %dma_start3A_89] : memref<4096x200xi32, #tpu.memory_space<hbm>> -> memref<1x200xi32, #tpu.memory_space<hbm>>
    %dma_start3A_91 = tpu.memref_squeeze %dma_start3A_90 : memref<1x200xi32, #tpu.memory_space<hbm>> -> memref<200xi32, #tpu.memory_space<hbm>>
    tpu.enqueue_dma source(%dma_start3A_91 : memref<200xi32, #tpu.memory_space<hbm>>) target(%dma_start3A_88 : memref<200xi32, #tpu.memory_space<vmem>>) target_semaphore(%dma_start3A_85 : memref<!tpu.dma_semaphore, #tpu.memory_space<semaphore_mem>>)
    %add3A_92 = arith.constant 5 : i32
    %add3A_93 = arith.addi %mul3A_2, %add3A_92 : i32
    %dma_start3A_94 = arith.constant 5 : i32
    %dma_start3A_95 = arith.constant 5 : i32
    %dma_start3A_96 = arith.constant 0 : i32
    %dma_start3A_97 = tpu.memref_slice %arg9[%dma_start3A_94, %dma_start3A_96] : memref<8x200xi32, #tpu.memory_space<vmem>> -> memref<1x200xi32, #tpu.memory_space<vmem>>
    %dma_start3A_98 = tpu.memref_squeeze %dma_start3A_97 : memref<1x200xi32, #tpu.memory_space<vmem>> -> memref<200xi32, #tpu.memory_space<vmem>>
    %dma_start3A_99 = arith.constant 0 : i32
    %dma_start3A_100 = tpu.memref_slice %arg3[%add3A_93, %dma_start3A_99] : memref<4096x200xi32, #tpu.memory_space<hbm>> -> memref<1x200xi32, #tpu.memory_space<hbm>>
    %dma_start3A_101 = tpu.memref_squeeze %dma_start3A_100 : memref<1x200xi32, #tpu.memory_space<hbm>> -> memref<200xi32, #tpu.memory_space<hbm>>
    %dma_start3A_102 = tpu.memref_slice %arg15[%dma_start3A_95] : memref<8x!tpu.dma_semaphore, #tpu.memory_space<semaphore_mem>> -> memref<1x!tpu.dma_semaphore, #tpu.memory_space<semaphore_mem>>
    %dma_start3A_103 = tpu.memref_squeeze %dma_start3A_102 : memref<1x!tpu.dma_semaphore, #tpu.memory_space<semaphore_mem>> -> memref<!tpu.dma_semaphore, #tpu.memory_space<semaphore_mem>>
    %dma_start3A_104 = arith.constant 0 : i32
    %dma_start3A_105 = tpu.memref_slice %arg9[%dma_start3A_94, %dma_start3A_104] : memref<8x200xi32, #tpu.memory_space<vmem>> -> memref<1x200xi32, #tpu.memory_space<vmem>>
    %dma_start3A_106 = tpu.memref_squeeze %dma_start3A_105 : memref<1x200xi32, #tpu.memory_space<vmem>> -> memref<200xi32, #tpu.memory_space<vmem>>
    %dma_start3A_107 = arith.constant 0 : i32
    %dma_start3A_108 = tpu.memref_slice %arg3[%add3A_93, %dma_start3A_107] : memref<4096x200xi32, #tpu.memory_space<hbm>> -> memref<1x200xi32, #tpu.memory_space<hbm>>
    %dma_start3A_109 = tpu.memref_squeeze %dma_start3A_108 : memref<1x200xi32, #tpu.memory_space<hbm>> -> memref<200xi32, #tpu.memory_space<hbm>>
    tpu.enqueue_dma source(%dma_start3A_109 : memref<200xi32, #tpu.memory_space<hbm>>) target(%dma_start3A_106 : memref<200xi32, #tpu.memory_space<vmem>>) target_semaphore(%dma_start3A_103 : memref<!tpu.dma_semaphore, #tpu.memory_space<semaphore_mem>>)
    %add3A_110 = arith.constant 6 : i32
    %add3A_111 = arith.addi %mul3A_2, %add3A_110 : i32
    %dma_start3A_112 = arith.constant 6 : i32
    %dma_start3A_113 = arith.constant 6 : i32
    %dma_start3A_114 = arith.constant 0 : i32
    %dma_start3A_115 = tpu.memref_slice %arg9[%dma_start3A_112, %dma_start3A_114] : memref<8x200xi32, #tpu.memory_space<vmem>> -> memref<1x200xi32, #tpu.memory_space<vmem>>
    %dma_start3A_116 = tpu.memref_squeeze %dma_start3A_115 : memref<1x200xi32, #tpu.memory_space<vmem>> -> memref<200xi32, #tpu.memory_space<vmem>>
    %dma_start3A_117 = arith.constant 0 : i32
    %dma_start3A_118 = tpu.memref_slice %arg3[%add3A_111, %dma_start3A_117] : memref<4096x200xi32, #tpu.memory_space<hbm>> -> memref<1x200xi32, #tpu.memory_space<hbm>>
    %dma_start3A_119 = tpu.memref_squeeze %dma_start3A_118 : memref<1x200xi32, #tpu.memory_space<hbm>> -> memref<200xi32, #tpu.memory_space<hbm>>
    %dma_start3A_120 = tpu.memref_slice %arg15[%dma_start3A_113] : memref<8x!tpu.dma_semaphore, #tpu.memory_space<semaphore_mem>> -> memref<1x!tpu.dma_semaphore, #tpu.memory_space<semaphore_mem>>
    %dma_start3A_121 = tpu.memref_squeeze %dma_start3A_120 : memref<1x!tpu.dma_semaphore, #tpu.memory_space<semaphore_mem>> -> memref<!tpu.dma_semaphore, #tpu.memory_space<semaphore_mem>>
    %dma_start3A_122 = arith.constant 0 : i32
    %dma_start3A_123 = tpu.memref_slice %arg9[%dma_start3A_112, %dma_start3A_122] : memref<8x200xi32, #tpu.memory_space<vmem>> -> memref<1x200xi32, #tpu.memory_space<vmem>>
    %dma_start3A_124 = tpu.memref_squeeze %dma_start3A_123 : memref<1x200xi32, #tpu.memory_space<vmem>> -> memref<200xi32, #tpu.memory_space<vmem>>
    %dma_start3A_125 = arith.constant 0 : i32
    %dma_start3A_126 = tpu.memref_slice %arg3[%add3A_111, %dma_start3A_125] : memref<4096x200xi32, #tpu.memory_space<hbm>> -> memref<1x200xi32, #tpu.memory_space<hbm>>
    %dma_start3A_127 = tpu.memref_squeeze %dma_start3A_126 : memref<1x200xi32, #tpu.memory_space<hbm>> -> memref<200xi32, #tpu.memory_space<hbm>>
    tpu.enqueue_dma source(%dma_start3A_127 : memref<200xi32, #tpu.memory_space<hbm>>) target(%dma_start3A_124 : memref<200xi32, #tpu.memory_space<vmem>>) target_semaphore(%dma_start3A_121 : memref<!tpu.dma_semaphore, #tpu.memory_space<semaphore_mem>>)
    %add3A_128 = arith.constant 7 : i32
    %add3A_129 = arith.addi %mul3A_2, %add3A_128 : i32
    %dma_start3A_130 = arith.constant 7 : i32
    %dma_start3A_131 = arith.constant 7 : i32
    %dma_start3A_132 = arith.constant 0 : i32
    %dma_start3A_133 = tpu.memref_slice %arg9[%dma_start3A_130, %dma_start3A_132] : memref<8x200xi32, #tpu.memory_space<vmem>> -> memref<1x200xi32, #tpu.memory_space<vmem>>
    %dma_start3A_134 = tpu.memref_squeeze %dma_start3A_133 : memref<1x200xi32, #tpu.memory_space<vmem>> -> memref<200xi32, #tpu.memory_space<vmem>>
    %dma_start3A_135 = arith.constant 0 : i32
    %dma_start3A_136 = tpu.memref_slice %arg3[%add3A_129, %dma_start3A_135] : memref<4096x200xi32, #tpu.memory_space<hbm>> -> memref<1x200xi32, #tpu.memory_space<hbm>>
    %dma_start3A_137 = tpu.memref_squeeze %dma_start3A_136 : memref<1x200xi32, #tpu.memory_space<hbm>> -> memref<200xi32, #tpu.memory_space<hbm>>
    %dma_start3A_138 = tpu.memref_slice %arg15[%dma_start3A_131] : memref<8x!tpu.dma_semaphore, #tpu.memory_space<semaphore_mem>> -> memref<1x!tpu.dma_semaphore, #tpu.memory_space<semaphore_mem>>
    %dma_start3A_139 = tpu.memref_squeeze %dma_start3A_138 : memref<1x!tpu.dma_semaphore, #tpu.memory_space<semaphore_mem>> -> memref<!tpu.dma_semaphore, #tpu.memory_space<semaphore_mem>>
    %dma_start3A_140 = arith.constant 0 : i32
    %dma_start3A_141 = tpu.memref_slice %arg9[%dma_start3A_130, %dma_start3A_140] : memref<8x200xi32, #tpu.memory_space<vmem>> -> memref<1x200xi32, #tpu.memory_space<vmem>>
    %dma_start3A_142 = tpu.memref_squeeze %dma_start3A_141 : memref<1x200xi32, #tpu.memory_space<vmem>> -> memref<200xi32, #tpu.memory_space<vmem>>
    %dma_start3A_143 = arith.constant 0 : i32
    %dma_start3A_144 = tpu.memref_slice %arg3[%add3A_129, %dma_start3A_143] : memref<4096x200xi32, #tpu.memory_space<hbm>> -> memref<1x200xi32, #tpu.memory_space<hbm>>
    %dma_start3A_145 = tpu.memref_squeeze %dma_start3A_144 : memref<1x200xi32, #tpu.memory_space<hbm>> -> memref<200xi32, #tpu.memory_space<hbm>>
    tpu.enqueue_dma source(%dma_start3A_145 : memref<200xi32, #tpu.memory_space<hbm>>) target(%dma_start3A_142 : memref<200xi32, #tpu.memory_space<vmem>>) target_semaphore(%dma_start3A_139 : memref<!tpu.dma_semaphore, #tpu.memory_space<semaphore_mem>>)
    %add3A_146 = arith.constant 0 : i32
    %add3A_147 = arith.addi %mul3A_2, %add3A_146 : i32
    %dma_wait3A = arith.constant 0 : i32
    %dma_wait3A_148 = arith.constant 0 : i32
    %dma_wait3A_149 = arith.constant 0 : i32
    %dma_wait3A_150 = tpu.memref_slice %arg9[%dma_wait3A, %dma_wait3A_149] : memref<8x200xi32, #tpu.memory_space<vmem>> -> memref<1x200xi32, #tpu.memory_space<vmem>>
    %dma_wait3A_151 = tpu.memref_squeeze %dma_wait3A_150 : memref<1x200xi32, #tpu.memory_space<vmem>> -> memref<200xi32, #tpu.memory_space<vmem>>
    %dma_wait3A_152 = arith.constant 0 : i32
    %dma_wait3A_153 = tpu.memref_slice %arg3[%add3A_147, %dma_wait3A_152] : memref<4096x200xi32, #tpu.memory_space<hbm>> -> memref<1x200xi32, #tpu.memory_space<hbm>>
    %dma_wait3A_154 = tpu.memref_squeeze %dma_wait3A_153 : memref<1x200xi32, #tpu.memory_space<hbm>> -> memref<200xi32, #tpu.memory_space<hbm>>
    %dma_wait3A_155 = tpu.memref_slice %arg15[%dma_wait3A_148] : memref<8x!tpu.dma_semaphore, #tpu.memory_space<semaphore_mem>> -> memref<1x!tpu.dma_semaphore, #tpu.memory_space<semaphore_mem>>
    %dma_wait3A_156 = tpu.memref_squeeze %dma_wait3A_155 : memref<1x!tpu.dma_semaphore, #tpu.memory_space<semaphore_mem>> -> memref<!tpu.dma_semaphore, #tpu.memory_space<semaphore_mem>>
    %dma_wait3A_157 = arith.constant 0 : i32
    %dma_wait3A_158 = tpu.memref_slice %arg9[%dma_wait3A, %dma_wait3A_157] : memref<8x200xi32, #tpu.memory_space<vmem>> -> memref<1x200xi32, #tpu.memory_space<vmem>>
    %dma_wait3A_159 = tpu.memref_squeeze %dma_wait3A_158 : memref<1x200xi32, #tpu.memory_space<vmem>> -> memref<200xi32, #tpu.memory_space<vmem>>
    %dma_wait3A_160 = arith.constant 0 : i32
    %dma_wait3A_161 = tpu.memref_slice %arg3[%add3A_147, %dma_wait3A_160] : memref<4096x200xi32, #tpu.memory_space<hbm>> -> memref<1x200xi32, #tpu.memory_space<hbm>>
    %dma_wait3A_162 = tpu.memref_squeeze %dma_wait3A_161 : memref<1x200xi32, #tpu.memory_space<hbm>> -> memref<200xi32, #tpu.memory_space<hbm>>
    tpu.wait_dma2 semaphore(%dma_wait3A_156 : memref<!tpu.dma_semaphore, #tpu.memory_space<semaphore_mem>>) src(%dma_wait3A_162 : memref<200xi32, #tpu.memory_space<hbm>>) dst(%dma_wait3A_159 : memref<200xi32, #tpu.memory_space<vmem>>)
    %dma_start3A_163 = arith.constant 0 : i32
    %dma_start3A_164 = arith.constant 0 : i32
    %dma_start3A_165 = arith.constant 0 : i32
    %dma_start3A_166 = arith.constant 0 : i32
    %dma_start3A_167 = arith.constant 0 : i32
    %dma_start3A_168 = tpu.memref_slice %arg10[%dma_start3A_164, %dma_start3A_166, %dma_start3A_167] : memref<4x200x64xf32, #tpu.memory_space<vmem>> -> memref<1x104x64xf32, #tpu.memory_space<vmem>>
    %dma_start3A_169 = tpu.memref_squeeze %dma_start3A_168 : memref<1x104x64xf32, #tpu.memory_space<vmem>> -> memref<104x64xf32, #tpu.memory_space<vmem>>
    %dma_start3A_170 = arith.constant 0 : i32
    %dma_start3A_171 = tpu.memref_slice %arg9[%dma_start3A_163, %dma_start3A_170] : memref<8x200xi32, #tpu.memory_space<vmem>> -> memref<1x104xi32, #tpu.memory_space<vmem>>
    %dma_start3A_172 = tpu.memref_squeeze %dma_start3A_171 : memref<1x104xi32, #tpu.memory_space<vmem>> -> memref<104xi32, #tpu.memory_space<vmem>>
    %dma_start3A_173 = arith.constant 0 : i32
    %dma_start3A_174 = arith.constant 0 : i32
    %dma_start3A_175 = tpu.memref_slice %arg4[%dma_start3A_173, %dma_start3A_174] : memref<1000000x64xf32, #tpu.memory_space<hbm>> -> memref<1000000x64xf32, #tpu.memory_space<hbm>>
    %dma_start3A_176 = tpu.memref_slice %arg16[%dma_start3A_165] : memref<4x!tpu.dma_semaphore, #tpu.memory_space<semaphore_mem>> -> memref<1x!tpu.dma_semaphore, #tpu.memory_space<semaphore_mem>>
    %dma_start3A_177 = tpu.memref_squeeze %dma_start3A_176 : memref<1x!tpu.dma_semaphore, #tpu.memory_space<semaphore_mem>> -> memref<!tpu.dma_semaphore, #tpu.memory_space<semaphore_mem>>
    tpu.enqueue_indirect_dma source(%dma_start3A_175 : memref<1000000x64xf32, #tpu.memory_space<hbm>>) target(%dma_start3A_169 : memref<104x64xf32, #tpu.memory_space<vmem>>) offsets(%dma_start3A_172 : memref<104xi32, #tpu.memory_space<vmem>>) semaphore(%dma_start3A_177 : memref<!tpu.dma_semaphore, #tpu.memory_space<semaphore_mem>>)
    %dma_start3A_178 = arith.constant 0 : i32
    %dma_start3A_179 = arith.constant 0 : i32
    %dma_start3A_180 = arith.constant 0 : i32
    %dma_start3A_181 = arith.constant 104 : i32
    %dma_start3A_182 = arith.constant 0 : i32
    %dma_start3A_183 = tpu.memref_slice %arg10[%dma_start3A_179, %dma_start3A_181, %dma_start3A_182] : memref<4x200x64xf32, #tpu.memory_space<vmem>> -> memref<1x96x64xf32, #tpu.memory_space<vmem>>
    %dma_start3A_184 = tpu.memref_squeeze %dma_start3A_183 : memref<1x96x64xf32, #tpu.memory_space<vmem>> -> memref<96x64xf32, #tpu.memory_space<vmem>>
    %dma_start3A_185 = arith.constant 104 : i32
    %dma_start3A_186 = tpu.memref_slice %arg9[%dma_start3A_178, %dma_start3A_185] : memref<8x200xi32, #tpu.memory_space<vmem>> -> memref<1x96xi32, #tpu.memory_space<vmem>>
    %dma_start3A_187 = tpu.memref_squeeze %dma_start3A_186 : memref<1x96xi32, #tpu.memory_space<vmem>> -> memref<96xi32, #tpu.memory_space<vmem>>
    %dma_start3A_188 = arith.constant 0 : i32
    %dma_start3A_189 = arith.constant 0 : i32
    %dma_start3A_190 = tpu.memref_slice %arg4[%dma_start3A_188, %dma_start3A_189] : memref<1000000x64xf32, #tpu.memory_space<hbm>> -> memref<1000000x64xf32, #tpu.memory_space<hbm>>
    %dma_start3A_191 = tpu.memref_slice %arg16[%dma_start3A_180] : memref<4x!tpu.dma_semaphore, #tpu.memory_space<semaphore_mem>> -> memref<1x!tpu.dma_semaphore, #tpu.memory_space<semaphore_mem>>
    %dma_start3A_192 = tpu.memref_squeeze %dma_start3A_191 : memref<1x!tpu.dma_semaphore, #tpu.memory_space<semaphore_mem>> -> memref<!tpu.dma_semaphore, #tpu.memory_space<semaphore_mem>>
    tpu.enqueue_indirect_dma source(%dma_start3A_190 : memref<1000000x64xf32, #tpu.memory_space<hbm>>) target(%dma_start3A_184 : memref<96x64xf32, #tpu.memory_space<vmem>>) offsets(%dma_start3A_187 : memref<96xi32, #tpu.memory_space<vmem>>) semaphore(%dma_start3A_192 : memref<!tpu.dma_semaphore, #tpu.memory_space<semaphore_mem>>)
    %add3A_193 = arith.constant 1 : i32
    %add3A_194 = arith.addi %mul3A_2, %add3A_193 : i32
    %dma_wait3A_195 = arith.constant 1 : i32
    %dma_wait3A_196 = arith.constant 1 : i32
    %dma_wait3A_197 = arith.constant 0 : i32
    %dma_wait3A_198 = tpu.memref_slice %arg9[%dma_wait3A_195, %dma_wait3A_197] : memref<8x200xi32, #tpu.memory_space<vmem>> -> memref<1x200xi32, #tpu.memory_space<vmem>>
    %dma_wait3A_199 = tpu.memref_squeeze %dma_wait3A_198 : memref<1x200xi32, #tpu.memory_space<vmem>> -> memref<200xi32, #tpu.memory_space<vmem>>
    %dma_wait3A_200 = arith.constant 0 : i32
    %dma_wait3A_201 = tpu.memref_slice %arg3[%add3A_194, %dma_wait3A_200] : memref<4096x200xi32, #tpu.memory_space<hbm>> -> memref<1x200xi32, #tpu.memory_space<hbm>>
    %dma_wait3A_202 = tpu.memref_squeeze %dma_wait3A_201 : memref<1x200xi32, #tpu.memory_space<hbm>> -> memref<200xi32, #tpu.memory_space<hbm>>
    %dma_wait3A_203 = tpu.memref_slice %arg15[%dma_wait3A_196] : memref<8x!tpu.dma_semaphore, #tpu.memory_space<semaphore_mem>> -> memref<1x!tpu.dma_semaphore, #tpu.memory_space<semaphore_mem>>
    %dma_wait3A_204 = tpu.memref_squeeze %dma_wait3A_203 : memref<1x!tpu.dma_semaphore, #tpu.memory_space<semaphore_mem>> -> memref<!tpu.dma_semaphore, #tpu.memory_space<semaphore_mem>>
    %dma_wait3A_205 = arith.constant 0 : i32
    %dma_wait3A_206 = tpu.memref_slice %arg9[%dma_wait3A_195, %dma_wait3A_205] : memref<8x200xi32, #tpu.memory_space<vmem>> -> memref<1x200xi32, #tpu.memory_space<vmem>>
    %dma_wait3A_207 = tpu.memref_squeeze %dma_wait3A_206 : memref<1x200xi32, #tpu.memory_space<vmem>> -> memref<200xi32, #tpu.memory_space<vmem>>
    %dma_wait3A_208 = arith.constant 0 : i32
    %dma_wait3A_209 = tpu.memref_slice %arg3[%add3A_194, %dma_wait3A_208] : memref<4096x200xi32, #tpu.memory_space<hbm>> -> memref<1x200xi32, #tpu.memory_space<hbm>>
    %dma_wait3A_210 = tpu.memref_squeeze %dma_wait3A_209 : memref<1x200xi32, #tpu.memory_space<hbm>> -> memref<200xi32, #tpu.memory_space<hbm>>
    tpu.wait_dma2 semaphore(%dma_wait3A_204 : memref<!tpu.dma_semaphore, #tpu.memory_space<semaphore_mem>>) src(%dma_wait3A_210 : memref<200xi32, #tpu.memory_space<hbm>>) dst(%dma_wait3A_207 : memref<200xi32, #tpu.memory_space<vmem>>)
    %dma_start3A_211 = arith.constant 1 : i32
    %dma_start3A_212 = arith.constant 1 : i32
    %dma_start3A_213 = arith.constant 1 : i32
    %dma_start3A_214 = arith.constant 0 : i32
    %dma_start3A_215 = arith.constant 0 : i32
    %dma_start3A_216 = tpu.memref_slice %arg10[%dma_start3A_212, %dma_start3A_214, %dma_start3A_215] : memref<4x200x64xf32, #tpu.memory_space<vmem>> -> memref<1x104x64xf32, #tpu.memory_space<vmem>>
    %dma_start3A_217 = tpu.memref_squeeze %dma_start3A_216 : memref<1x104x64xf32, #tpu.memory_space<vmem>> -> memref<104x64xf32, #tpu.memory_space<vmem>>
    %dma_start3A_218 = arith.constant 0 : i32
    %dma_start3A_219 = tpu.memref_slice %arg9[%dma_start3A_211, %dma_start3A_218] : memref<8x200xi32, #tpu.memory_space<vmem>> -> memref<1x104xi32, #tpu.memory_space<vmem>>
    %dma_start3A_220 = tpu.memref_squeeze %dma_start3A_219 : memref<1x104xi32, #tpu.memory_space<vmem>> -> memref<104xi32, #tpu.memory_space<vmem>>
    %dma_start3A_221 = arith.constant 0 : i32
    %dma_start3A_222 = arith.constant 0 : i32
    %dma_start3A_223 = tpu.memref_slice %arg4[%dma_start3A_221, %dma_start3A_222] : memref<1000000x64xf32, #tpu.memory_space<hbm>> -> memref<1000000x64xf32, #tpu.memory_space<hbm>>
    %dma_start3A_224 = tpu.memref_slice %arg16[%dma_start3A_213] : memref<4x!tpu.dma_semaphore, #tpu.memory_space<semaphore_mem>> -> memref<1x!tpu.dma_semaphore, #tpu.memory_space<semaphore_mem>>
    %dma_start3A_225 = tpu.memref_squeeze %dma_start3A_224 : memref<1x!tpu.dma_semaphore, #tpu.memory_space<semaphore_mem>> -> memref<!tpu.dma_semaphore, #tpu.memory_space<semaphore_mem>>
    tpu.enqueue_indirect_dma source(%dma_start3A_223 : memref<1000000x64xf32, #tpu.memory_space<hbm>>) target(%dma_start3A_217 : memref<104x64xf32, #tpu.memory_space<vmem>>) offsets(%dma_start3A_220 : memref<104xi32, #tpu.memory_space<vmem>>) semaphore(%dma_start3A_225 : memref<!tpu.dma_semaphore, #tpu.memory_space<semaphore_mem>>)
    %dma_start3A_226 = arith.constant 1 : i32
    %dma_start3A_227 = arith.constant 1 : i32
    %dma_start3A_228 = arith.constant 1 : i32
    %dma_start3A_229 = arith.constant 104 : i32
    %dma_start3A_230 = arith.constant 0 : i32
    %dma_start3A_231 = tpu.memref_slice %arg10[%dma_start3A_227, %dma_start3A_229, %dma_start3A_230] : memref<4x200x64xf32, #tpu.memory_space<vmem>> -> memref<1x96x64xf32, #tpu.memory_space<vmem>>
    %dma_start3A_232 = tpu.memref_squeeze %dma_start3A_231 : memref<1x96x64xf32, #tpu.memory_space<vmem>> -> memref<96x64xf32, #tpu.memory_space<vmem>>
    %dma_start3A_233 = arith.constant 104 : i32
    %dma_start3A_234 = tpu.memref_slice %arg9[%dma_start3A_226, %dma_start3A_233] : memref<8x200xi32, #tpu.memory_space<vmem>> -> memref<1x96xi32, #tpu.memory_space<vmem>>
    %dma_start3A_235 = tpu.memref_squeeze %dma_start3A_234 : memref<1x96xi32, #tpu.memory_space<vmem>> -> memref<96xi32, #tpu.memory_space<vmem>>
    %dma_start3A_236 = arith.constant 0 : i32
    %dma_start3A_237 = arith.constant 0 : i32
    %dma_start3A_238 = tpu.memref_slice %arg4[%dma_start3A_236, %dma_start3A_237] : memref<1000000x64xf32, #tpu.memory_space<hbm>> -> memref<1000000x64xf32, #tpu.memory_space<hbm>>
    %dma_start3A_239 = tpu.memref_slice %arg16[%dma_start3A_228] : memref<4x!tpu.dma_semaphore, #tpu.memory_space<semaphore_mem>> -> memref<1x!tpu.dma_semaphore, #tpu.memory_space<semaphore_mem>>
    %dma_start3A_240 = tpu.memref_squeeze %dma_start3A_239 : memref<1x!tpu.dma_semaphore, #tpu.memory_space<semaphore_mem>> -> memref<!tpu.dma_semaphore, #tpu.memory_space<semaphore_mem>>
    tpu.enqueue_indirect_dma source(%dma_start3A_238 : memref<1000000x64xf32, #tpu.memory_space<hbm>>) target(%dma_start3A_232 : memref<96x64xf32, #tpu.memory_space<vmem>>) offsets(%dma_start3A_235 : memref<96xi32, #tpu.memory_space<vmem>>) semaphore(%dma_start3A_240 : memref<!tpu.dma_semaphore, #tpu.memory_space<semaphore_mem>>)
    %add3A_241 = arith.constant 2 : i32
    %add3A_242 = arith.addi %mul3A_2, %add3A_241 : i32
    %dma_wait3A_243 = arith.constant 2 : i32
    %dma_wait3A_244 = arith.constant 2 : i32
    %dma_wait3A_245 = arith.constant 0 : i32
    %dma_wait3A_246 = tpu.memref_slice %arg9[%dma_wait3A_243, %dma_wait3A_245] : memref<8x200xi32, #tpu.memory_space<vmem>> -> memref<1x200xi32, #tpu.memory_space<vmem>>
    %dma_wait3A_247 = tpu.memref_squeeze %dma_wait3A_246 : memref<1x200xi32, #tpu.memory_space<vmem>> -> memref<200xi32, #tpu.memory_space<vmem>>
    %dma_wait3A_248 = arith.constant 0 : i32
    %dma_wait3A_249 = tpu.memref_slice %arg3[%add3A_242, %dma_wait3A_248] : memref<4096x200xi32, #tpu.memory_space<hbm>> -> memref<1x200xi32, #tpu.memory_space<hbm>>
    %dma_wait3A_250 = tpu.memref_squeeze %dma_wait3A_249 : memref<1x200xi32, #tpu.memory_space<hbm>> -> memref<200xi32, #tpu.memory_space<hbm>>
    %dma_wait3A_251 = tpu.memref_slice %arg15[%dma_wait3A_244] : memref<8x!tpu.dma_semaphore, #tpu.memory_space<semaphore_mem>> -> memref<1x!tpu.dma_semaphore, #tpu.memory_space<semaphore_mem>>
    %dma_wait3A_252 = tpu.memref_squeeze %dma_wait3A_251 : memref<1x!tpu.dma_semaphore, #tpu.memory_space<semaphore_mem>> -> memref<!tpu.dma_semaphore, #tpu.memory_space<semaphore_mem>>
    %dma_wait3A_253 = arith.constant 0 : i32
    %dma_wait3A_254 = tpu.memref_slice %arg9[%dma_wait3A_243, %dma_wait3A_253] : memref<8x200xi32, #tpu.memory_space<vmem>> -> memref<1x200xi32, #tpu.memory_space<vmem>>
    %dma_wait3A_255 = tpu.memref_squeeze %dma_wait3A_254 : memref<1x200xi32, #tpu.memory_space<vmem>> -> memref<200xi32, #tpu.memory_space<vmem>>
    %dma_wait3A_256 = arith.constant 0 : i32
    %dma_wait3A_257 = tpu.memref_slice %arg3[%add3A_242, %dma_wait3A_256] : memref<4096x200xi32, #tpu.memory_space<hbm>> -> memref<1x200xi32, #tpu.memory_space<hbm>>
    %dma_wait3A_258 = tpu.memref_squeeze %dma_wait3A_257 : memref<1x200xi32, #tpu.memory_space<hbm>> -> memref<200xi32, #tpu.memory_space<hbm>>
    tpu.wait_dma2 semaphore(%dma_wait3A_252 : memref<!tpu.dma_semaphore, #tpu.memory_space<semaphore_mem>>) src(%dma_wait3A_258 : memref<200xi32, #tpu.memory_space<hbm>>) dst(%dma_wait3A_255 : memref<200xi32, #tpu.memory_space<vmem>>)
    %dma_start3A_259 = arith.constant 2 : i32
    %dma_start3A_260 = arith.constant 2 : i32
    %dma_start3A_261 = arith.constant 2 : i32
    %dma_start3A_262 = arith.constant 0 : i32
    %dma_start3A_263 = arith.constant 0 : i32
    %dma_start3A_264 = tpu.memref_slice %arg10[%dma_start3A_260, %dma_start3A_262, %dma_start3A_263] : memref<4x200x64xf32, #tpu.memory_space<vmem>> -> memref<1x104x64xf32, #tpu.memory_space<vmem>>
    %dma_start3A_265 = tpu.memref_squeeze %dma_start3A_264 : memref<1x104x64xf32, #tpu.memory_space<vmem>> -> memref<104x64xf32, #tpu.memory_space<vmem>>
    %dma_start3A_266 = arith.constant 0 : i32
    %dma_start3A_267 = tpu.memref_slice %arg9[%dma_start3A_259, %dma_start3A_266] : memref<8x200xi32, #tpu.memory_space<vmem>> -> memref<1x104xi32, #tpu.memory_space<vmem>>
    %dma_start3A_268 = tpu.memref_squeeze %dma_start3A_267 : memref<1x104xi32, #tpu.memory_space<vmem>> -> memref<104xi32, #tpu.memory_space<vmem>>
    %dma_start3A_269 = arith.constant 0 : i32
    %dma_start3A_270 = arith.constant 0 : i32
    %dma_start3A_271 = tpu.memref_slice %arg4[%dma_start3A_269, %dma_start3A_270] : memref<1000000x64xf32, #tpu.memory_space<hbm>> -> memref<1000000x64xf32, #tpu.memory_space<hbm>>
    %dma_start3A_272 = tpu.memref_slice %arg16[%dma_start3A_261] : memref<4x!tpu.dma_semaphore, #tpu.memory_space<semaphore_mem>> -> memref<1x!tpu.dma_semaphore, #tpu.memory_space<semaphore_mem>>
    %dma_start3A_273 = tpu.memref_squeeze %dma_start3A_272 : memref<1x!tpu.dma_semaphore, #tpu.memory_space<semaphore_mem>> -> memref<!tpu.dma_semaphore, #tpu.memory_space<semaphore_mem>>
    tpu.enqueue_indirect_dma source(%dma_start3A_271 : memref<1000000x64xf32, #tpu.memory_space<hbm>>) target(%dma_start3A_265 : memref<104x64xf32, #tpu.memory_space<vmem>>) offsets(%dma_start3A_268 : memref<104xi32, #tpu.memory_space<vmem>>) semaphore(%dma_start3A_273 : memref<!tpu.dma_semaphore, #tpu.memory_space<semaphore_mem>>)
    %dma_start3A_274 = arith.constant 2 : i32
    %dma_start3A_275 = arith.constant 2 : i32
    %dma_start3A_276 = arith.constant 2 : i32
    %dma_start3A_277 = arith.constant 104 : i32
    %dma_start3A_278 = arith.constant 0 : i32
    %dma_start3A_279 = tpu.memref_slice %arg10[%dma_start3A_275, %dma_start3A_277, %dma_start3A_278] : memref<4x200x64xf32, #tpu.memory_space<vmem>> -> memref<1x96x64xf32, #tpu.memory_space<vmem>>
    %dma_start3A_280 = tpu.memref_squeeze %dma_start3A_279 : memref<1x96x64xf32, #tpu.memory_space<vmem>> -> memref<96x64xf32, #tpu.memory_space<vmem>>
    %dma_start3A_281 = arith.constant 104 : i32
    %dma_start3A_282 = tpu.memref_slice %arg9[%dma_start3A_274, %dma_start3A_281] : memref<8x200xi32, #tpu.memory_space<vmem>> -> memref<1x96xi32, #tpu.memory_space<vmem>>
    %dma_start3A_283 = tpu.memref_squeeze %dma_start3A_282 : memref<1x96xi32, #tpu.memory_space<vmem>> -> memref<96xi32, #tpu.memory_space<vmem>>
    %dma_start3A_284 = arith.constant 0 : i32
    %dma_start3A_285 = arith.constant 0 : i32
    %dma_start3A_286 = tpu.memref_slice %arg4[%dma_start3A_284, %dma_start3A_285] : memref<1000000x64xf32, #tpu.memory_space<hbm>> -> memref<1000000x64xf32, #tpu.memory_space<hbm>>
    %dma_start3A_287 = tpu.memref_slice %arg16[%dma_start3A_276] : memref<4x!tpu.dma_semaphore, #tpu.memory_space<semaphore_mem>> -> memref<1x!tpu.dma_semaphore, #tpu.memory_space<semaphore_mem>>
    %dma_start3A_288 = tpu.memref_squeeze %dma_start3A_287 : memref<1x!tpu.dma_semaphore, #tpu.memory_space<semaphore_mem>> -> memref<!tpu.dma_semaphore, #tpu.memory_space<semaphore_mem>>
    tpu.enqueue_indirect_dma source(%dma_start3A_286 : memref<1000000x64xf32, #tpu.memory_space<hbm>>) target(%dma_start3A_280 : memref<96x64xf32, #tpu.memory_space<vmem>>) offsets(%dma_start3A_283 : memref<96xi32, #tpu.memory_space<vmem>>) semaphore(%dma_start3A_288 : memref<!tpu.dma_semaphore, #tpu.memory_space<semaphore_mem>>)
    %add3A_289 = arith.constant 3 : i32
    %add3A_290 = arith.addi %mul3A_2, %add3A_289 : i32
    %dma_wait3A_291 = arith.constant 3 : i32
    %dma_wait3A_292 = arith.constant 3 : i32
    %dma_wait3A_293 = arith.constant 0 : i32
    %dma_wait3A_294 = tpu.memref_slice %arg9[%dma_wait3A_291, %dma_wait3A_293] : memref<8x200xi32, #tpu.memory_space<vmem>> -> memref<1x200xi32, #tpu.memory_space<vmem>>
    %dma_wait3A_295 = tpu.memref_squeeze %dma_wait3A_294 : memref<1x200xi32, #tpu.memory_space<vmem>> -> memref<200xi32, #tpu.memory_space<vmem>>
    %dma_wait3A_296 = arith.constant 0 : i32
    %dma_wait3A_297 = tpu.memref_slice %arg3[%add3A_290, %dma_wait3A_296] : memref<4096x200xi32, #tpu.memory_space<hbm>> -> memref<1x200xi32, #tpu.memory_space<hbm>>
    %dma_wait3A_298 = tpu.memref_squeeze %dma_wait3A_297 : memref<1x200xi32, #tpu.memory_space<hbm>> -> memref<200xi32, #tpu.memory_space<hbm>>
    %dma_wait3A_299 = tpu.memref_slice %arg15[%dma_wait3A_292] : memref<8x!tpu.dma_semaphore, #tpu.memory_space<semaphore_mem>> -> memref<1x!tpu.dma_semaphore, #tpu.memory_space<semaphore_mem>>
    %dma_wait3A_300 = tpu.memref_squeeze %dma_wait3A_299 : memref<1x!tpu.dma_semaphore, #tpu.memory_space<semaphore_mem>> -> memref<!tpu.dma_semaphore, #tpu.memory_space<semaphore_mem>>
    %dma_wait3A_301 = arith.constant 0 : i32
    %dma_wait3A_302 = tpu.memref_slice %arg9[%dma_wait3A_291, %dma_wait3A_301] : memref<8x200xi32, #tpu.memory_space<vmem>> -> memref<1x200xi32, #tpu.memory_space<vmem>>
    %dma_wait3A_303 = tpu.memref_squeeze %dma_wait3A_302 : memref<1x200xi32, #tpu.memory_space<vmem>> -> memref<200xi32, #tpu.memory_space<vmem>>
    %dma_wait3A_304 = arith.constant 0 : i32
    %dma_wait3A_305 = tpu.memref_slice %arg3[%add3A_290, %dma_wait3A_304] : memref<4096x200xi32, #tpu.memory_space<hbm>> -> memref<1x200xi32, #tpu.memory_space<hbm>>
    %dma_wait3A_306 = tpu.memref_squeeze %dma_wait3A_305 : memref<1x200xi32, #tpu.memory_space<hbm>> -> memref<200xi32, #tpu.memory_space<hbm>>
    tpu.wait_dma2 semaphore(%dma_wait3A_300 : memref<!tpu.dma_semaphore, #tpu.memory_space<semaphore_mem>>) src(%dma_wait3A_306 : memref<200xi32, #tpu.memory_space<hbm>>) dst(%dma_wait3A_303 : memref<200xi32, #tpu.memory_space<vmem>>)
    %dma_start3A_307 = arith.constant 3 : i32
    %dma_start3A_308 = arith.constant 3 : i32
    %dma_start3A_309 = arith.constant 3 : i32
    %dma_start3A_310 = arith.constant 0 : i32
    %dma_start3A_311 = arith.constant 0 : i32
    %dma_start3A_312 = tpu.memref_slice %arg10[%dma_start3A_308, %dma_start3A_310, %dma_start3A_311] : memref<4x200x64xf32, #tpu.memory_space<vmem>> -> memref<1x104x64xf32, #tpu.memory_space<vmem>>
    %dma_start3A_313 = tpu.memref_squeeze %dma_start3A_312 : memref<1x104x64xf32, #tpu.memory_space<vmem>> -> memref<104x64xf32, #tpu.memory_space<vmem>>
    %dma_start3A_314 = arith.constant 0 : i32
    %dma_start3A_315 = tpu.memref_slice %arg9[%dma_start3A_307, %dma_start3A_314] : memref<8x200xi32, #tpu.memory_space<vmem>> -> memref<1x104xi32, #tpu.memory_space<vmem>>
    %dma_start3A_316 = tpu.memref_squeeze %dma_start3A_315 : memref<1x104xi32, #tpu.memory_space<vmem>> -> memref<104xi32, #tpu.memory_space<vmem>>
    %dma_start3A_317 = arith.constant 0 : i32
    %dma_start3A_318 = arith.constant 0 : i32
    %dma_start3A_319 = tpu.memref_slice %arg4[%dma_start3A_317, %dma_start3A_318] : memref<1000000x64xf32, #tpu.memory_space<hbm>> -> memref<1000000x64xf32, #tpu.memory_space<hbm>>
    %dma_start3A_320 = tpu.memref_slice %arg16[%dma_start3A_309] : memref<4x!tpu.dma_semaphore, #tpu.memory_space<semaphore_mem>> -> memref<1x!tpu.dma_semaphore, #tpu.memory_space<semaphore_mem>>
    %dma_start3A_321 = tpu.memref_squeeze %dma_start3A_320 : memref<1x!tpu.dma_semaphore, #tpu.memory_space<semaphore_mem>> -> memref<!tpu.dma_semaphore, #tpu.memory_space<semaphore_mem>>
    tpu.enqueue_indirect_dma source(%dma_start3A_319 : memref<1000000x64xf32, #tpu.memory_space<hbm>>) target(%dma_start3A_313 : memref<104x64xf32, #tpu.memory_space<vmem>>) offsets(%dma_start3A_316 : memref<104xi32, #tpu.memory_space<vmem>>) semaphore(%dma_start3A_321 : memref<!tpu.dma_semaphore, #tpu.memory_space<semaphore_mem>>)
    %dma_start3A_322 = arith.constant 3 : i32
    %dma_start3A_323 = arith.constant 3 : i32
    %dma_start3A_324 = arith.constant 3 : i32
    %dma_start3A_325 = arith.constant 104 : i32
    %dma_start3A_326 = arith.constant 0 : i32
    %dma_start3A_327 = tpu.memref_slice %arg10[%dma_start3A_323, %dma_start3A_325, %dma_start3A_326] : memref<4x200x64xf32, #tpu.memory_space<vmem>> -> memref<1x96x64xf32, #tpu.memory_space<vmem>>
    %dma_start3A_328 = tpu.memref_squeeze %dma_start3A_327 : memref<1x96x64xf32, #tpu.memory_space<vmem>> -> memref<96x64xf32, #tpu.memory_space<vmem>>
    %dma_start3A_329 = arith.constant 104 : i32
    %dma_start3A_330 = tpu.memref_slice %arg9[%dma_start3A_322, %dma_start3A_329] : memref<8x200xi32, #tpu.memory_space<vmem>> -> memref<1x96xi32, #tpu.memory_space<vmem>>
    %dma_start3A_331 = tpu.memref_squeeze %dma_start3A_330 : memref<1x96xi32, #tpu.memory_space<vmem>> -> memref<96xi32, #tpu.memory_space<vmem>>
    %dma_start3A_332 = arith.constant 0 : i32
    %dma_start3A_333 = arith.constant 0 : i32
    %dma_start3A_334 = tpu.memref_slice %arg4[%dma_start3A_332, %dma_start3A_333] : memref<1000000x64xf32, #tpu.memory_space<hbm>> -> memref<1000000x64xf32, #tpu.memory_space<hbm>>
    %dma_start3A_335 = tpu.memref_slice %arg16[%dma_start3A_324] : memref<4x!tpu.dma_semaphore, #tpu.memory_space<semaphore_mem>> -> memref<1x!tpu.dma_semaphore, #tpu.memory_space<semaphore_mem>>
    %dma_start3A_336 = tpu.memref_squeeze %dma_start3A_335 : memref<1x!tpu.dma_semaphore, #tpu.memory_space<semaphore_mem>> -> memref<!tpu.dma_semaphore, #tpu.memory_space<semaphore_mem>>
    tpu.enqueue_indirect_dma source(%dma_start3A_334 : memref<1000000x64xf32, #tpu.memory_space<hbm>>) target(%dma_start3A_328 : memref<96x64xf32, #tpu.memory_space<vmem>>) offsets(%dma_start3A_331 : memref<96xi32, #tpu.memory_space<vmem>>) semaphore(%dma_start3A_336 : memref<!tpu.dma_semaphore, #tpu.memory_space<semaphore_mem>>)
    %get3A = arith.constant 0 : index
    %get3A_337 = tpu.vector_load %arg13[%get3A] {strides = array<i32>} : memref<64xf32, #tpu.memory_space<vmem>>, vector<16xf32>,
    %get3A_338 = vector.shape_cast %get3A_337 : vector<16xf32> to vector<16xf32>
    %get3A_339 = arith.constant 16 : index
    %get3A_340 = tpu.vector_load %arg13[%get3A_339] {strides = array<i32>} : memref<64xf32, #tpu.memory_space<vmem>>, vector<16xf32>,
    %get3A_341 = vector.shape_cast %get3A_340 : vector<16xf32> to vector<16xf32>
    %get3A_342 = arith.constant 32 : index
    %get3A_343 = tpu.vector_load %arg13[%get3A_342] {strides = array<i32>} : memref<64xf32, #tpu.memory_space<vmem>>, vector<16xf32>,
    %get3A_344 = vector.shape_cast %get3A_343 : vector<16xf32> to vector<16xf32>
    %get3A_345 = arith.constant 48 : index
    %get3A_346 = tpu.vector_load %arg13[%get3A_345] {strides = array<i32>} : memref<64xf32, #tpu.memory_space<vmem>>, vector<16xf32>,
    %get3A_347 = vector.shape_cast %get3A_346 : vector<16xf32> to vector<16xf32>
    %get3A_348 = arith.constant 0 : index
    %get3A_349 = tpu.vector_load %arg14[%get3A_348] {strides = array<i32>} : memref<16xf32, #tpu.memory_space<vmem>>, vector<16xf32>,
    %get3A_350 = vector.shape_cast %get3A_349 : vector<16xf32> to vector<16xf32>
    %iota3A = tpu.iota {dimensions = array<i32: 0>} : vector<16xi32>
    %scan3A = arith.constant 0 : i32
    %scan3A_351 = arith.constant 0 : i32
    %scan3A_352 = arith.constant 16 : i32
    %scan3A_353 = arith.addi %scan3A_351, %scan3A_352 : i32
    %scan3A_354 = arith.constant 1 : i32
    scf.for %scan3A_356 = %scan3A_351 to %scan3A_353 step %scan3A_354  : i32 {
      %mul3A_357 = arith.constant 8 : i32
      %mul3A_358 = arith.muli %mul3A_357, %scan3A_356 : i32
      %add3A_359 = arith.constant 0 : i32
      %add3A_360 = arith.addi %mul3A_358, %add3A_359 : i32
      %dma_wait3A_361 = arith.constant 0 : i32
      %dma_wait3A_362 = arith.constant 0 : i32
      %dma_wait3A_363 = arith.constant 0 : i32
      %dma_wait3A_364 = arith.constant 0 : i32
      %dma_wait3A_365 = arith.constant 0 : i32
      %dma_wait3A_366 = tpu.memref_slice %arg10[%dma_wait3A_362, %dma_wait3A_364, %dma_wait3A_365] : memref<4x200x64xf32, #tpu.memory_space<vmem>> -> memref<1x104x64xf32, #tpu.memory_space<vmem>>
      %dma_wait3A_367 = tpu.memref_squeeze %dma_wait3A_366 : memref<1x104x64xf32, #tpu.memory_space<vmem>> -> memref<104x64xf32, #tpu.memory_space<vmem>>
      %dma_wait3A_368 = arith.constant 0 : i32
      %dma_wait3A_369 = tpu.memref_slice %arg9[%dma_wait3A_361, %dma_wait3A_368] : memref<8x200xi32, #tpu.memory_space<vmem>> -> memref<1x104xi32, #tpu.memory_space<vmem>>
      %dma_wait3A_370 = tpu.memref_squeeze %dma_wait3A_369 : memref<1x104xi32, #tpu.memory_space<vmem>> -> memref<104xi32, #tpu.memory_space<vmem>>
      %dma_wait3A_371 = arith.constant 0 : i32
      %dma_wait3A_372 = arith.constant 0 : i32
      %dma_wait3A_373 = tpu.memref_slice %arg4[%dma_wait3A_371, %dma_wait3A_372] : memref<1000000x64xf32, #tpu.memory_space<hbm>> -> memref<1000000x64xf32, #tpu.memory_space<hbm>>
      %dma_wait3A_374 = tpu.memref_slice %arg16[%dma_wait3A_363] : memref<4x!tpu.dma_semaphore, #tpu.memory_space<semaphore_mem>> -> memref<1x!tpu.dma_semaphore, #tpu.memory_space<semaphore_mem>>
      %dma_wait3A_375 = tpu.memref_squeeze %dma_wait3A_374 : memref<1x!tpu.dma_semaphore, #tpu.memory_space<semaphore_mem>> -> memref<!tpu.dma_semaphore, #tpu.memory_space<semaphore_mem>>
      tpu.wait_indirect_dma semaphore(%dma_wait3A_375 : memref<!tpu.dma_semaphore, #tpu.memory_space<semaphore_mem>>) src(%dma_wait3A_373 : memref<1000000x64xf32, #tpu.memory_space<hbm>>) dst(%dma_wait3A_367 : memref<104x64xf32, #tpu.memory_space<vmem>>)
      %dma_wait3A_376 = arith.constant 0 : i32
      %dma_wait3A_377 = arith.constant 0 : i32
      %dma_wait3A_378 = arith.constant 0 : i32
      %dma_wait3A_379 = arith.constant 104 : i32
      %dma_wait3A_380 = arith.constant 0 : i32
      %dma_wait3A_381 = tpu.memref_slice %arg10[%dma_wait3A_377, %dma_wait3A_379, %dma_wait3A_380] : memref<4x200x64xf32, #tpu.memory_space<vmem>> -> memref<1x96x64xf32, #tpu.memory_space<vmem>>
      %dma_wait3A_382 = tpu.memref_squeeze %dma_wait3A_381 : memref<1x96x64xf32, #tpu.memory_space<vmem>> -> memref<96x64xf32, #tpu.memory_space<vmem>>
      %dma_wait3A_383 = arith.constant 104 : i32
      %dma_wait3A_384 = tpu.memref_slice %arg9[%dma_wait3A_376, %dma_wait3A_383] : memref<8x200xi32, #tpu.memory_space<vmem>> -> memref<1x96xi32, #tpu.memory_space<vmem>>
      %dma_wait3A_385 = tpu.memref_squeeze %dma_wait3A_384 : memref<1x96xi32, #tpu.memory_space<vmem>> -> memref<96xi32, #tpu.memory_space<vmem>>
      %dma_wait3A_386 = arith.constant 0 : i32
      %dma_wait3A_387 = arith.constant 0 : i32
      %dma_wait3A_388 = tpu.memref_slice %arg4[%dma_wait3A_386, %dma_wait3A_387] : memref<1000000x64xf32, #tpu.memory_space<hbm>> -> memref<1000000x64xf32, #tpu.memory_space<hbm>>
      %dma_wait3A_389 = tpu.memref_slice %arg16[%dma_wait3A_378] : memref<4x!tpu.dma_semaphore, #tpu.memory_space<semaphore_mem>> -> memref<1x!tpu.dma_semaphore, #tpu.memory_space<semaphore_mem>>
      %dma_wait3A_390 = tpu.memref_squeeze %dma_wait3A_389 : memref<1x!tpu.dma_semaphore, #tpu.memory_space<semaphore_mem>> -> memref<!tpu.dma_semaphore, #tpu.memory_space<semaphore_mem>>
      tpu.wait_indirect_dma semaphore(%dma_wait3A_390 : memref<!tpu.dma_semaphore, #tpu.memory_space<semaphore_mem>>) src(%dma_wait3A_388 : memref<1000000x64xf32, #tpu.memory_space<hbm>>) dst(%dma_wait3A_382 : memref<96x64xf32, #tpu.memory_space<vmem>>)
      %add3A_391 = arith.constant 8 : i32
      %add3A_392 = arith.addi %add3A_360, %add3A_391 : i32
      %lt3A = arith.constant 128 : i32
      %lt3A_393 = arith.cmpi slt, %add3A_392, %lt3A : i32
      %convert_element_type3A = arith.extui %lt3A_393 : i1 to i32
      %cond3A = arith.constant 0 : i32
      %cond3A_394 = arith.cmpi ne, %convert_element_type3A, %cond3A : i32
      scf.if %cond3A_394 {
        %add3A_1667 = arith.constant 8 : i32
        %add3A_1668 = arith.addi %add3A_360, %add3A_1667 : i32
        %add3A_1669 = arith.addi %mul3A_2, %add3A_1668 : i32
        %dma_start3A_1670 = arith.constant 0 : i32
        %dma_start3A_1671 = arith.constant 0 : i32
        %dma_start3A_1672 = arith.constant 0 : i32
        %dma_start3A_1673 = tpu.memref_slice %arg9[%dma_start3A_1670, %dma_start3A_1672] : memref<8x200xi32, #tpu.memory_space<vmem>> -> memref<1x200xi32, #tpu.memory_space<vmem>>
        %dma_start3A_1674 = tpu.memref_squeeze %dma_start3A_1673 : memref<1x200xi32, #tpu.memory_space<vmem>> -> memref<200xi32, #tpu.memory_space<vmem>>
        %dma_start3A_1675 = arith.constant 0 : i32
        %dma_start3A_1676 = tpu.memref_slice %arg3[%add3A_1669, %dma_start3A_1675] : memref<4096x200xi32, #tpu.memory_space<hbm>> -> memref<1x200xi32, #tpu.memory_space<hbm>>
        %dma_start3A_1677 = tpu.memref_squeeze %dma_start3A_1676 : memref<1x200xi32, #tpu.memory_space<hbm>> -> memref<200xi32, #tpu.memory_space<hbm>>
        %dma_start3A_1678 = tpu.memref_slice %arg15[%dma_start3A_1671] : memref<8x!tpu.dma_semaphore, #tpu.memory_space<semaphore_mem>> -> memref<1x!tpu.dma_semaphore, #tpu.memory_space<semaphore_mem>>
        %dma_start3A_1679 = tpu.memref_squeeze %dma_start3A_1678 : memref<1x!tpu.dma_semaphore, #tpu.memory_space<semaphore_mem>> -> memref<!tpu.dma_semaphore, #tpu.memory_space<semaphore_mem>>
        %dma_start3A_1680 = arith.constant 0 : i32
        %dma_start3A_1681 = tpu.memref_slice %arg9[%dma_start3A_1670, %dma_start3A_1680] : memref<8x200xi32, #tpu.memory_space<vmem>> -> memref<1x200xi32, #tpu.memory_space<vmem>>
        %dma_start3A_1682 = tpu.memref_squeeze %dma_start3A_1681 : memref<1x200xi32, #tpu.memory_space<vmem>> -> memref<200xi32, #tpu.memory_space<vmem>>
        %dma_start3A_1683 = arith.constant 0 : i32
        %dma_start3A_1684 = tpu.memref_slice %arg3[%add3A_1669, %dma_start3A_1683] : memref<4096x200xi32, #tpu.memory_space<hbm>> -> memref<1x200xi32, #tpu.memory_space<hbm>>
        %dma_start3A_1685 = tpu.memref_squeeze %dma_start3A_1684 : memref<1x200xi32, #tpu.memory_space<hbm>> -> memref<200xi32, #tpu.memory_space<hbm>>
        tpu.enqueue_dma source(%dma_start3A_1685 : memref<200xi32, #tpu.memory_space<hbm>>) target(%dma_start3A_1682 : memref<200xi32, #tpu.memory_space<vmem>>) target_semaphore(%dma_start3A_1679 : memref<!tpu.dma_semaphore, #tpu.memory_space<semaphore_mem>>)
      } else {
      }
      %broadcast_in_dim3A = arith.constant 0.000000e+00 : f32
      %broadcast_in_dim3A_395 = vector.broadcast %broadcast_in_dim3A : f32 to vector<16xf32>
      %broadcast_in_dim3A_396 = arith.constant 0.000000e+00 : f32
      %broadcast_in_dim3A_397 = vector.broadcast %broadcast_in_dim3A_396 : f32 to vector<16xf32>
      %broadcast_in_dim3A_398 = arith.constant 0.000000e+00 : f32
      %broadcast_in_dim3A_399 = vector.broadcast %broadcast_in_dim3A_398 : f32 to vector<16xf32>
      %broadcast_in_dim3A_400 = arith.constant 0.000000e+00 : f32
      %broadcast_in_dim3A_401 = vector.broadcast %broadcast_in_dim3A_400 : f32 to vector<16xf32>
      %scan3A_402 = arith.constant 0 : i32
      %scan3A_403 = arith.constant 50 : i32
      %scan3A_404 = arith.addi %scan3A_402, %scan3A_403 : i32
      %scan3A_405 = arith.constant 1 : i32
      %scan3A_406:4 = scf.for %scan3A_1667 = %scan3A_402 to %scan3A_404 step %scan3A_405 iter_args(%scan3A_1668 = %broadcast_in_dim3A_395, %scan3A_1669 = %broadcast_in_dim3A_397, %scan3A_1670 = %broadcast_in_dim3A_399, %scan3A_1671 = %broadcast_in_dim3A_401) -> (vector<16xf32>, vector<16xf32>, vector<16xf32>, vector<16xf32>)  : i32 {
        %mul3A_1672 = arith.constant 4 : i32
        %mul3A_1673 = arith.muli %scan3A_1667, %mul3A_1672 : i32
        %add3A_1674 = arith.constant 0 : i32
        %add3A_1675 = arith.addi %mul3A_1673, %add3A_1674 : i32
        %get3A_1676 = arith.constant 0 : i32
        %get3A_1677 = arith.index_cast %get3A_1676 : i32 to index
        %get3A_1678 = arith.index_cast %add3A_1675 : i32 to index
        %get3A_1679 = arith.constant 0 : index
        %get3A_1680 = tpu.vector_load %arg10[%get3A_1677, %get3A_1678, %get3A_1679] {strides = array<i32>} : memref<4x200x64xf32, #tpu.memory_space<vmem>>, vector<1x1x16xf32>,
        %get3A_1681 = vector.shape_cast %get3A_1680 : vector<1x1x16xf32> to vector<16xf32>
        %add3A_1682 = arith.addf %scan3A_1668, %get3A_1681 : vector<16xf32>
        %get3A_1683 = arith.constant 0 : i32
        %get3A_1684 = arith.index_cast %get3A_1683 : i32 to index
        %get3A_1685 = arith.index_cast %add3A_1675 : i32 to index
        %get3A_1686 = arith.constant 16 : index
        %get3A_1687 = tpu.vector_load %arg10[%get3A_1684, %get3A_1685, %get3A_1686] {strides = array<i32>} : memref<4x200x64xf32, #tpu.memory_space<vmem>>, vector<1x1x16xf32>,
        %get3A_1688 = vector.shape_cast %get3A_1687 : vector<1x1x16xf32> to vector<16xf32>
        %add3A_1689 = arith.addf %scan3A_1669, %get3A_1688 : vector<16xf32>
        %get3A_1690 = arith.constant 0 : i32
        %get3A_1691 = arith.index_cast %get3A_1690 : i32 to index
        %get3A_1692 = arith.index_cast %add3A_1675 : i32 to index
        %get3A_1693 = arith.constant 32 : index
        %get3A_1694 = tpu.vector_load %arg10[%get3A_1691, %get3A_1692, %get3A_1693] {strides = array<i32>} : memref<4x200x64xf32, #tpu.memory_space<vmem>>, vector<1x1x16xf32>,
        %get3A_1695 = vector.shape_cast %get3A_1694 : vector<1x1x16xf32> to vector<16xf32>
        %add3A_1696 = arith.addf %scan3A_1670, %get3A_1695 : vector<16xf32>
        %get3A_1697 = arith.constant 0 : i32
        %get3A_1698 = arith.index_cast %get3A_1697 : i32 to index
        %get3A_1699 = arith.index_cast %add3A_1675 : i32 to index
        %get3A_1700 = arith.constant 48 : index
        %get3A_1701 = tpu.vector_load %arg10[%get3A_1698, %get3A_1699, %get3A_1700] {strides = array<i32>} : memref<4x200x64xf32, #tpu.memory_space<vmem>>, vector<1x1x16xf32>,
        %get3A_1702 = vector.shape_cast %get3A_1701 : vector<1x1x16xf32> to vector<16xf32>
        %add3A_1703 = arith.addf %scan3A_1671, %get3A_1702 : vector<16xf32>
        %mul3A_1704 = arith.constant 4 : i32
        %mul3A_1705 = arith.muli %scan3A_1667, %mul3A_1704 : i32
        %add3A_1706 = arith.constant 1 : i32
        %add3A_1707 = arith.addi %mul3A_1705, %add3A_1706 : i32
        %get3A_1708 = arith.constant 0 : i32
        %get3A_1709 = arith.index_cast %get3A_1708 : i32 to index
        %get3A_1710 = arith.index_cast %add3A_1707 : i32 to index
        %get3A_1711 = arith.constant 0 : index
        %get3A_1712 = tpu.vector_load %arg10[%get3A_1709, %get3A_1710, %get3A_1711] {strides = array<i32>} : memref<4x200x64xf32, #tpu.memory_space<vmem>>, vector<1x1x16xf32>,
        %get3A_1713 = vector.shape_cast %get3A_1712 : vector<1x1x16xf32> to vector<16xf32>
        %add3A_1714 = arith.addf %add3A_1682, %get3A_1713 : vector<16xf32>
        %get3A_1715 = arith.constant 0 : i32
        %get3A_1716 = arith.index_cast %get3A_1715 : i32 to index
        %get3A_1717 = arith.index_cast %add3A_1707 : i32 to index
        %get3A_1718 = arith.constant 16 : index
        %get3A_1719 = tpu.vector_load %arg10[%get3A_1716, %get3A_1717, %get3A_1718] {strides = array<i32>} : memref<4x200x64xf32, #tpu.memory_space<vmem>>, vector<1x1x16xf32>,
        %get3A_1720 = vector.shape_cast %get3A_1719 : vector<1x1x16xf32> to vector<16xf32>
        %add3A_1721 = arith.addf %add3A_1689, %get3A_1720 : vector<16xf32>
        %get3A_1722 = arith.constant 0 : i32
        %get3A_1723 = arith.index_cast %get3A_1722 : i32 to index
        %get3A_1724 = arith.index_cast %add3A_1707 : i32 to index
        %get3A_1725 = arith.constant 32 : index
        %get3A_1726 = tpu.vector_load %arg10[%get3A_1723, %get3A_1724, %get3A_1725] {strides = array<i32>} : memref<4x200x64xf32, #tpu.memory_space<vmem>>, vector<1x1x16xf32>,
        %get3A_1727 = vector.shape_cast %get3A_1726 : vector<1x1x16xf32> to vector<16xf32>
        %add3A_1728 = arith.addf %add3A_1696, %get3A_1727 : vector<16xf32>
        %get3A_1729 = arith.constant 0 : i32
        %get3A_1730 = arith.index_cast %get3A_1729 : i32 to index
        %get3A_1731 = arith.index_cast %add3A_1707 : i32 to index
        %get3A_1732 = arith.constant 48 : index
        %get3A_1733 = tpu.vector_load %arg10[%get3A_1730, %get3A_1731, %get3A_1732] {strides = array<i32>} : memref<4x200x64xf32, #tpu.memory_space<vmem>>, vector<1x1x16xf32>,
        %get3A_1734 = vector.shape_cast %get3A_1733 : vector<1x1x16xf32> to vector<16xf32>
        %add3A_1735 = arith.addf %add3A_1703, %get3A_1734 : vector<16xf32>
        %mul3A_1736 = arith.constant 4 : i32
        %mul3A_1737 = arith.muli %scan3A_1667, %mul3A_1736 : i32
        %add3A_1738 = arith.constant 2 : i32
        %add3A_1739 = arith.addi %mul3A_1737, %add3A_1738 : i32
        %get3A_1740 = arith.constant 0 : i32
        %get3A_1741 = arith.index_cast %get3A_1740 : i32 to index
        %get3A_1742 = arith.index_cast %add3A_1739 : i32 to index
        %get3A_1743 = arith.constant 0 : index
        %get3A_1744 = tpu.vector_load %arg10[%get3A_1741, %get3A_1742, %get3A_1743] {strides = array<i32>} : memref<4x200x64xf32, #tpu.memory_space<vmem>>, vector<1x1x16xf32>,
        %get3A_1745 = vector.shape_cast %get3A_1744 : vector<1x1x16xf32> to vector<16xf32>
        %add3A_1746 = arith.addf %add3A_1714, %get3A_1745 : vector<16xf32>
        %get3A_1747 = arith.constant 0 : i32
        %get3A_1748 = arith.index_cast %get3A_1747 : i32 to index
        %get3A_1749 = arith.index_cast %add3A_1739 : i32 to index
        %get3A_1750 = arith.constant 16 : index
        %get3A_1751 = tpu.vector_load %arg10[%get3A_1748, %get3A_1749, %get3A_1750] {strides = array<i32>} : memref<4x200x64xf32, #tpu.memory_space<vmem>>, vector<1x1x16xf32>,
        %get3A_1752 = vector.shape_cast %get3A_1751 : vector<1x1x16xf32> to vector<16xf32>
        %add3A_1753 = arith.addf %add3A_1721, %get3A_1752 : vector<16xf32>
        %get3A_1754 = arith.constant 0 : i32
        %get3A_1755 = arith.index_cast %get3A_1754 : i32 to index
        %get3A_1756 = arith.index_cast %add3A_1739 : i32 to index
        %get3A_1757 = arith.constant 32 : index
        %get3A_1758 = tpu.vector_load %arg10[%get3A_1755, %get3A_1756, %get3A_1757] {strides = array<i32>} : memref<4x200x64xf32, #tpu.memory_space<vmem>>, vector<1x1x16xf32>,
        %get3A_1759 = vector.shape_cast %get3A_1758 : vector<1x1x16xf32> to vector<16xf32>
        %add3A_1760 = arith.addf %add3A_1728, %get3A_1759 : vector<16xf32>
        %get3A_1761 = arith.constant 0 : i32
        %get3A_1762 = arith.index_cast %get3A_1761 : i32 to index
        %get3A_1763 = arith.index_cast %add3A_1739 : i32 to index
        %get3A_1764 = arith.constant 48 : index
        %get3A_1765 = tpu.vector_load %arg10[%get3A_1762, %get3A_1763, %get3A_1764] {strides = array<i32>} : memref<4x200x64xf32, #tpu.memory_space<vmem>>, vector<1x1x16xf32>,
        %get3A_1766 = vector.shape_cast %get3A_1765 : vector<1x1x16xf32> to vector<16xf32>
        %add3A_1767 = arith.addf %add3A_1735, %get3A_1766 : vector<16xf32>
        %mul3A_1768 = arith.constant 4 : i32
        %mul3A_1769 = arith.muli %scan3A_1667, %mul3A_1768 : i32
        %add3A_1770 = arith.constant 3 : i32
        %add3A_1771 = arith.addi %mul3A_1769, %add3A_1770 : i32
        %get3A_1772 = arith.constant 0 : i32
        %get3A_1773 = arith.index_cast %get3A_1772 : i32 to index
        %get3A_1774 = arith.index_cast %add3A_1771 : i32 to index
        %get3A_1775 = arith.constant 0 : index
        %get3A_1776 = tpu.vector_load %arg10[%get3A_1773, %get3A_1774, %get3A_1775] {strides = array<i32>} : memref<4x200x64xf32, #tpu.memory_space<vmem>>, vector<1x1x16xf32>,
        %get3A_1777 = vector.shape_cast %get3A_1776 : vector<1x1x16xf32> to vector<16xf32>
        %add3A_1778 = arith.addf %add3A_1746, %get3A_1777 : vector<16xf32>
        %get3A_1779 = arith.constant 0 : i32
        %get3A_1780 = arith.index_cast %get3A_1779 : i32 to index
        %get3A_1781 = arith.index_cast %add3A_1771 : i32 to index
        %get3A_1782 = arith.constant 16 : index
        %get3A_1783 = tpu.vector_load %arg10[%get3A_1780, %get3A_1781, %get3A_1782] {strides = array<i32>} : memref<4x200x64xf32, #tpu.memory_space<vmem>>, vector<1x1x16xf32>,
        %get3A_1784 = vector.shape_cast %get3A_1783 : vector<1x1x16xf32> to vector<16xf32>
        %add3A_1785 = arith.addf %add3A_1753, %get3A_1784 : vector<16xf32>
        %get3A_1786 = arith.constant 0 : i32
        %get3A_1787 = arith.index_cast %get3A_1786 : i32 to index
        %get3A_1788 = arith.index_cast %add3A_1771 : i32 to index
        %get3A_1789 = arith.constant 32 : index
        %get3A_1790 = tpu.vector_load %arg10[%get3A_1787, %get3A_1788, %get3A_1789] {strides = array<i32>} : memref<4x200x64xf32, #tpu.memory_space<vmem>>, vector<1x1x16xf32>,
        %get3A_1791 = vector.shape_cast %get3A_1790 : vector<1x1x16xf32> to vector<16xf32>
        %add3A_1792 = arith.addf %add3A_1760, %get3A_1791 : vector<16xf32>
        %get3A_1793 = arith.constant 0 : i32
        %get3A_1794 = arith.index_cast %get3A_1793 : i32 to index
        %get3A_1795 = arith.index_cast %add3A_1771 : i32 to index
        %get3A_1796 = arith.constant 48 : index
        %get3A_1797 = tpu.vector_load %arg10[%get3A_1794, %get3A_1795, %get3A_1796] {strides = array<i32>} : memref<4x200x64xf32, #tpu.memory_space<vmem>>, vector<1x1x16xf32>,
        %get3A_1798 = vector.shape_cast %get3A_1797 : vector<1x1x16xf32> to vector<16xf32>
        %add3A_1799 = arith.addf %add3A_1767, %get3A_1798 : vector<16xf32>
        scf.yield %add3A_1778, %add3A_1785, %add3A_1792, %add3A_1799 : vector<16xf32>, vector<16xf32>, vector<16xf32>, vector<16xf32>
      }
      %scan3A_407 = arith.constant 50 : i32
      %get3A_408 = arith.index_cast %add3A_360 : i32 to index
      %get3A_409 = arith.constant 0 : index
      %get3A_410 = tpu.vector_load %arg11[%get3A_408, %get3A_409] {strides = array<i32>} : memref<128x64xf32, #tpu.memory_space<vmem>>, vector<1x16xf32>,
      %get3A_411 = vector.shape_cast %get3A_410 : vector<1x16xf32> to vector<16xf32>
      %mul3A_412 = arith.constant 5.000000e-03 : f32
      %mul3A_413 = vector.broadcast %mul3A_412 : f32 to vector<16xf32>
      %mul3A_414 = arith.mulf %scan3A_406#0, %mul3A_413 : vector<16xf32>
      %add3A_415 = arith.addf %get3A_411, %mul3A_414 : vector<16xf32>
      %swap3A = arith.index_cast %add3A_360 : i32 to index
      %swap3A_416 = arith.constant 0 : index
      %swap3A_417 = tpu.vector_load %arg11[%swap3A, %swap3A_416] {strides = array<i32>} : memref<128x64xf32, #tpu.memory_space<vmem>>, vector<1x16xf32>,
      %swap3A_418 = vector.shape_cast %swap3A_417 : vector<1x16xf32> to vector<16xf32>
      %swap3A_419 = vector.shape_cast %add3A_415 : vector<16xf32> to vector<1x16xf32>
      tpu.vector_store %arg11[%swap3A, %swap3A_416], %swap3A_419 {strides = array<i32>} : memref<128x64xf32, #tpu.memory_space<vmem>>, vector<1x16xf32>,
      %mul3A_420 = arith.mulf %add3A_415, %get3A_338 : vector<16xf32>
      %get3A_421 = arith.index_cast %add3A_360 : i32 to index
      %get3A_422 = arith.constant 16 : index
      %get3A_423 = tpu.vector_load %arg11[%get3A_421, %get3A_422] {strides = array<i32>} : memref<128x64xf32, #tpu.memory_space<vmem>>, vector<1x16xf32>,
      %get3A_424 = vector.shape_cast %get3A_423 : vector<1x16xf32> to vector<16xf32>
      %mul3A_425 = arith.constant 5.000000e-03 : f32
      %mul3A_426 = vector.broadcast %mul3A_425 : f32 to vector<16xf32>
      %mul3A_427 = arith.mulf %scan3A_406#1, %mul3A_426 : vector<16xf32>
      %add3A_428 = arith.addf %get3A_424, %mul3A_427 : vector<16xf32>
      %swap3A_429 = arith.index_cast %add3A_360 : i32 to index
      %swap3A_430 = arith.constant 16 : index
      %swap3A_431 = tpu.vector_load %arg11[%swap3A_429, %swap3A_430] {strides = array<i32>} : memref<128x64xf32, #tpu.memory_space<vmem>>, vector<1x16xf32>,
      %swap3A_432 = vector.shape_cast %swap3A_431 : vector<1x16xf32> to vector<16xf32>
      %swap3A_433 = vector.shape_cast %add3A_428 : vector<16xf32> to vector<1x16xf32>
      tpu.vector_store %arg11[%swap3A_429, %swap3A_430], %swap3A_433 {strides = array<i32>} : memref<128x64xf32, #tpu.memory_space<vmem>>, vector<1x16xf32>,
      %mul3A_434 = arith.mulf %add3A_428, %get3A_341 : vector<16xf32>
      %add3A_435 = arith.addf %mul3A_420, %mul3A_434 : vector<16xf32>
      %get3A_436 = arith.index_cast %add3A_360 : i32 to index
      %get3A_437 = arith.constant 32 : index
      %get3A_438 = tpu.vector_load %arg11[%get3A_436, %get3A_437] {strides = array<i32>} : memref<128x64xf32, #tpu.memory_space<vmem>>, vector<1x16xf32>,
      %get3A_439 = vector.shape_cast %get3A_438 : vector<1x16xf32> to vector<16xf32>
      %mul3A_440 = arith.constant 5.000000e-03 : f32
      %mul3A_441 = vector.broadcast %mul3A_440 : f32 to vector<16xf32>
      %mul3A_442 = arith.mulf %scan3A_406#2, %mul3A_441 : vector<16xf32>
      %add3A_443 = arith.addf %get3A_439, %mul3A_442 : vector<16xf32>
      %swap3A_444 = arith.index_cast %add3A_360 : i32 to index
      %swap3A_445 = arith.constant 32 : index
      %swap3A_446 = tpu.vector_load %arg11[%swap3A_444, %swap3A_445] {strides = array<i32>} : memref<128x64xf32, #tpu.memory_space<vmem>>, vector<1x16xf32>,
      %swap3A_447 = vector.shape_cast %swap3A_446 : vector<1x16xf32> to vector<16xf32>
      %swap3A_448 = vector.shape_cast %add3A_443 : vector<16xf32> to vector<1x16xf32>
      tpu.vector_store %arg11[%swap3A_444, %swap3A_445], %swap3A_448 {strides = array<i32>} : memref<128x64xf32, #tpu.memory_space<vmem>>, vector<1x16xf32>,
      %mul3A_449 = arith.mulf %add3A_443, %get3A_344 : vector<16xf32>
      %add3A_450 = arith.addf %add3A_435, %mul3A_449 : vector<16xf32>
      %get3A_451 = arith.index_cast %add3A_360 : i32 to index
      %get3A_452 = arith.constant 48 : index
      %get3A_453 = tpu.vector_load %arg11[%get3A_451, %get3A_452] {strides = array<i32>} : memref<128x64xf32, #tpu.memory_space<vmem>>, vector<1x16xf32>,
      %get3A_454 = vector.shape_cast %get3A_453 : vector<1x16xf32> to vector<16xf32>
      %mul3A_455 = arith.constant 5.000000e-03 : f32
      %mul3A_456 = vector.broadcast %mul3A_455 : f32 to vector<16xf32>
      %mul3A_457 = arith.mulf %scan3A_406#3, %mul3A_456 : vector<16xf32>
      %add3A_458 = arith.addf %get3A_454, %mul3A_457 : vector<16xf32>
      %swap3A_459 = arith.index_cast %add3A_360 : i32 to index
      %swap3A_460 = arith.constant 48 : index
      %swap3A_461 = tpu.vector_load %arg11[%swap3A_459, %swap3A_460] {strides = array<i32>} : memref<128x64xf32, #tpu.memory_space<vmem>>, vector<1x16xf32>,
      %swap3A_462 = vector.shape_cast %swap3A_461 : vector<1x16xf32> to vector<16xf32>
      %swap3A_463 = vector.shape_cast %add3A_458 : vector<16xf32> to vector<1x16xf32>
      tpu.vector_store %arg11[%swap3A_459, %swap3A_460], %swap3A_463 {strides = array<i32>} : memref<128x64xf32, #tpu.memory_space<vmem>>, vector<1x16xf32>,
      %mul3A_464 = arith.mulf %add3A_458, %get3A_347 : vector<16xf32>
      %add3A_465 = arith.addf %add3A_450, %mul3A_464 : vector<16xf32>
      %xor3A = arith.constant 8 : i32
      %xor3A_466 = vector.broadcast %xor3A : i32 to vector<16xi32>
      %xor3A_467 = arith.xori %iota3A, %xor3A_466 : vector<16xi32>
      %broadcast_in_dim3A_468 = vector.shape_cast %xor3A_467 : vector<16xi32> to vector<16x1xi32>
      %gather3A = vector.shape_cast %broadcast_in_dim3A_468 : vector<16x1xi32> to vector<16xi32>
      %gather3A_469 = tpu.dynamic_gather %add3A_465[%gather3A] in [0] : vector<16xf32>, vector<16xi32> -> vector<16xf32>
      %add3A_470 = arith.addf %add3A_465, %gather3A_469 : vector<16xf32>
      %xor3A_471 = arith.constant 4 : i32
      %xor3A_472 = vector.broadcast %xor3A_471 : i32 to vector<16xi32>
      %xor3A_473 = arith.xori %iota3A, %xor3A_472 : vector<16xi32>
      %broadcast_in_dim3A_474 = vector.shape_cast %xor3A_473 : vector<16xi32> to vector<16x1xi32>
      %gather3A_475 = vector.shape_cast %broadcast_in_dim3A_474 : vector<16x1xi32> to vector<16xi32>
      %gather3A_476 = tpu.dynamic_gather %add3A_470[%gather3A_475] in [0] : vector<16xf32>, vector<16xi32> -> vector<16xf32>
      %add3A_477 = arith.addf %add3A_470, %gather3A_476 : vector<16xf32>
      %xor3A_478 = arith.constant 2 : i32
      %xor3A_479 = vector.broadcast %xor3A_478 : i32 to vector<16xi32>
      %xor3A_480 = arith.xori %iota3A, %xor3A_479 : vector<16xi32>
      %broadcast_in_dim3A_481 = vector.shape_cast %xor3A_480 : vector<16xi32> to vector<16x1xi32>
      %gather3A_482 = vector.shape_cast %broadcast_in_dim3A_481 : vector<16x1xi32> to vector<16xi32>
      %gather3A_483 = tpu.dynamic_gather %add3A_477[%gather3A_482] in [0] : vector<16xf32>, vector<16xi32> -> vector<16xf32>
      %add3A_484 = arith.addf %add3A_477, %gather3A_483 : vector<16xf32>
      %xor3A_485 = arith.constant 1 : i32
      %xor3A_486 = vector.broadcast %xor3A_485 : i32 to vector<16xi32>
      %xor3A_487 = arith.xori %iota3A, %xor3A_486 : vector<16xi32>
      %broadcast_in_dim3A_488 = vector.shape_cast %xor3A_487 : vector<16xi32> to vector<16x1xi32>
      %gather3A_489 = vector.shape_cast %broadcast_in_dim3A_488 : vector<16x1xi32> to vector<16xi32>
      %gather3A_490 = tpu.dynamic_gather %add3A_484[%gather3A_489] in [0] : vector<16xf32>, vector<16xi32> -> vector<16xf32>
      %add3A_491 = arith.addf %add3A_484, %gather3A_490 : vector<16xf32>
      %add3A_492 = arith.addf %add3A_491, %get3A_350 : vector<16xf32>
      %neg3A = arith.constant 0.000000e+00 : f32
      %neg3A_493 = vector.broadcast %neg3A : f32 to vector<16xf32>
      %neg3A_494 = arith.subf %neg3A_493, %add3A_492 : vector<16xf32>
      %exp3A = math.exp %neg3A_494 : vector<16xf32>
      %add3A_495 = arith.constant 1.000000e+00 : f32
      %add3A_496 = vector.broadcast %add3A_495 : f32 to vector<16xf32>
      %add3A_497 = arith.addf %add3A_496, %exp3A : vector<16xf32>
      %div3A = arith.constant 1.000000e+00 : f32
      %div3A_498 = vector.broadcast %div3A : f32 to vector<16xf32>
      %div3A_499 = arith.divf %div3A_498, %add3A_497 : vector<16xf32>
      %swap3A_500 = arith.index_cast %add3A_360 : i32 to index
      %swap3A_501 = arith.constant 0 : index
      %swap3A_502 = tpu.vector_load %arg12[%swap3A_500, %swap3A_501] {strides = array<i32>} : memref<128x16xf32, #tpu.memory_space<vmem>>, vector<1x16xf32>,
      %swap3A_503 = vector.shape_cast %swap3A_502 : vector<1x16xf32> to vector<16xf32>
      %swap3A_504 = vector.shape_cast %div3A_499 : vector<16xf32> to vector<1x16xf32>
      tpu.vector_store %arg12[%swap3A_500, %swap3A_501], %swap3A_504 {strides = array<i32>} : memref<128x16xf32, #tpu.memory_space<vmem>>, vector<1x16xf32>,
      %add3A_505 = arith.constant 4 : i32
      %add3A_506 = arith.addi %add3A_360, %add3A_505 : i32
      %lt3A_507 = arith.constant 128 : i32
      %lt3A_508 = arith.cmpi slt, %add3A_506, %lt3A_507 : i32
      %convert_element_type3A_509 = arith.extui %lt3A_508 : i1 to i32
      %cond3A_510 = arith.constant 0 : i32
      %cond3A_511 = arith.cmpi ne, %convert_element_type3A_509, %cond3A_510 : i32
      scf.if %cond3A_511 {
        %add3A_1667 = arith.constant 4 : i32
        %add3A_1668 = arith.addi %add3A_360, %add3A_1667 : i32
        %add3A_1669 = arith.addi %mul3A_2, %add3A_1668 : i32
        %dma_wait3A_1670 = arith.constant 4 : i32
        %dma_wait3A_1671 = arith.constant 4 : i32
        %dma_wait3A_1672 = arith.constant 0 : i32
        %dma_wait3A_1673 = tpu.memref_slice %arg9[%dma_wait3A_1670, %dma_wait3A_1672] : memref<8x200xi32, #tpu.memory_space<vmem>> -> memref<1x200xi32, #tpu.memory_space<vmem>>
        %dma_wait3A_1674 = tpu.memref_squeeze %dma_wait3A_1673 : memref<1x200xi32, #tpu.memory_space<vmem>> -> memref<200xi32, #tpu.memory_space<vmem>>
        %dma_wait3A_1675 = arith.constant 0 : i32
        %dma_wait3A_1676 = tpu.memref_slice %arg3[%add3A_1669, %dma_wait3A_1675] : memref<4096x200xi32, #tpu.memory_space<hbm>> -> memref<1x200xi32, #tpu.memory_space<hbm>>
        %dma_wait3A_1677 = tpu.memref_squeeze %dma_wait3A_1676 : memref<1x200xi32, #tpu.memory_space<hbm>> -> memref<200xi32, #tpu.memory_space<hbm>>
        %dma_wait3A_1678 = tpu.memref_slice %arg15[%dma_wait3A_1671] : memref<8x!tpu.dma_semaphore, #tpu.memory_space<semaphore_mem>> -> memref<1x!tpu.dma_semaphore, #tpu.memory_space<semaphore_mem>>
        %dma_wait3A_1679 = tpu.memref_squeeze %dma_wait3A_1678 : memref<1x!tpu.dma_semaphore, #tpu.memory_space<semaphore_mem>> -> memref<!tpu.dma_semaphore, #tpu.memory_space<semaphore_mem>>
        %dma_wait3A_1680 = arith.constant 0 : i32
        %dma_wait3A_1681 = tpu.memref_slice %arg9[%dma_wait3A_1670, %dma_wait3A_1680] : memref<8x200xi32, #tpu.memory_space<vmem>> -> memref<1x200xi32, #tpu.memory_space<vmem>>
        %dma_wait3A_1682 = tpu.memref_squeeze %dma_wait3A_1681 : memref<1x200xi32, #tpu.memory_space<vmem>> -> memref<200xi32, #tpu.memory_space<vmem>>
        %dma_wait3A_1683 = arith.constant 0 : i32
        %dma_wait3A_1684 = tpu.memref_slice %arg3[%add3A_1669, %dma_wait3A_1683] : memref<4096x200xi32, #tpu.memory_space<hbm>> -> memref<1x200xi32, #tpu.memory_space<hbm>>
        %dma_wait3A_1685 = tpu.memref_squeeze %dma_wait3A_1684 : memref<1x200xi32, #tpu.memory_space<hbm>> -> memref<200xi32, #tpu.memory_space<hbm>>
        tpu.wait_dma2 semaphore(%dma_wait3A_1679 : memref<!tpu.dma_semaphore, #tpu.memory_space<semaphore_mem>>) src(%dma_wait3A_1685 : memref<200xi32, #tpu.memory_space<hbm>>) dst(%dma_wait3A_1682 : memref<200xi32, #tpu.memory_space<vmem>>)
        %dma_start3A_1686 = arith.constant 4 : i32
        %dma_start3A_1687 = arith.constant 0 : i32
        %dma_start3A_1688 = arith.constant 0 : i32
        %dma_start3A_1689 = arith.constant 0 : i32
        %dma_start3A_1690 = arith.constant 0 : i32
        %dma_start3A_1691 = tpu.memref_slice %arg10[%dma_start3A_1687, %dma_start3A_1689, %dma_start3A_1690] : memref<4x200x64xf32, #tpu.memory_space<vmem>> -> memref<1x104x64xf32, #tpu.memory_space<vmem>>
        %dma_start3A_1692 = tpu.memref_squeeze %dma_start3A_1691 : memref<1x104x64xf32, #tpu.memory_space<vmem>> -> memref<104x64xf32, #tpu.memory_space<vmem>>
        %dma_start3A_1693 = arith.constant 0 : i32
        %dma_start3A_1694 = tpu.memref_slice %arg9[%dma_start3A_1686, %dma_start3A_1693] : memref<8x200xi32, #tpu.memory_space<vmem>> -> memref<1x104xi32, #tpu.memory_space<vmem>>
        %dma_start3A_1695 = tpu.memref_squeeze %dma_start3A_1694 : memref<1x104xi32, #tpu.memory_space<vmem>> -> memref<104xi32, #tpu.memory_space<vmem>>
        %dma_start3A_1696 = arith.constant 0 : i32
        %dma_start3A_1697 = arith.constant 0 : i32
        %dma_start3A_1698 = tpu.memref_slice %arg4[%dma_start3A_1696, %dma_start3A_1697] : memref<1000000x64xf32, #tpu.memory_space<hbm>> -> memref<1000000x64xf32, #tpu.memory_space<hbm>>
        %dma_start3A_1699 = tpu.memref_slice %arg16[%dma_start3A_1688] : memref<4x!tpu.dma_semaphore, #tpu.memory_space<semaphore_mem>> -> memref<1x!tpu.dma_semaphore, #tpu.memory_space<semaphore_mem>>
        %dma_start3A_1700 = tpu.memref_squeeze %dma_start3A_1699 : memref<1x!tpu.dma_semaphore, #tpu.memory_space<semaphore_mem>> -> memref<!tpu.dma_semaphore, #tpu.memory_space<semaphore_mem>>
        tpu.enqueue_indirect_dma source(%dma_start3A_1698 : memref<1000000x64xf32, #tpu.memory_space<hbm>>) target(%dma_start3A_1692 : memref<104x64xf32, #tpu.memory_space<vmem>>) offsets(%dma_start3A_1695 : memref<104xi32, #tpu.memory_space<vmem>>) semaphore(%dma_start3A_1700 : memref<!tpu.dma_semaphore, #tpu.memory_space<semaphore_mem>>)
        %dma_start3A_1701 = arith.constant 4 : i32
        %dma_start3A_1702 = arith.constant 0 : i32
        %dma_start3A_1703 = arith.constant 0 : i32
        %dma_start3A_1704 = arith.constant 104 : i32
        %dma_start3A_1705 = arith.constant 0 : i32
        %dma_start3A_1706 = tpu.memref_slice %arg10[%dma_start3A_1702, %dma_start3A_1704, %dma_start3A_1705] : memref<4x200x64xf32, #tpu.memory_space<vmem>> -> memref<1x96x64xf32, #tpu.memory_space<vmem>>
        %dma_start3A_1707 = tpu.memref_squeeze %dma_start3A_1706 : memref<1x96x64xf32, #tpu.memory_space<vmem>> -> memref<96x64xf32, #tpu.memory_space<vmem>>
        %dma_start3A_1708 = arith.constant 104 : i32
        %dma_start3A_1709 = tpu.memref_slice %arg9[%dma_start3A_1701, %dma_start3A_1708] : memref<8x200xi32, #tpu.memory_space<vmem>> -> memref<1x96xi32, #tpu.memory_space<vmem>>
        %dma_start3A_1710 = tpu.memref_squeeze %dma_start3A_1709 : memref<1x96xi32, #tpu.memory_space<vmem>> -> memref<96xi32, #tpu.memory_space<vmem>>
        %dma_start3A_1711 = arith.constant 0 : i32
        %dma_start3A_1712 = arith.constant 0 : i32
        %dma_start3A_1713 = tpu.memref_slice %arg4[%dma_start3A_1711, %dma_start3A_1712] : memref<1000000x64xf32, #tpu.memory_space<hbm>> -> memref<1000000x64xf32, #tpu.memory_space<hbm>>
        %dma_start3A_1714 = tpu.memref_slice %arg16[%dma_start3A_1703] : memref<4x!tpu.dma_semaphore, #tpu.memory_space<semaphore_mem>> -> memref<1x!tpu.dma_semaphore, #tpu.memory_space<semaphore_mem>>
        %dma_start3A_1715 = tpu.memref_squeeze %dma_start3A_1714 : memref<1x!tpu.dma_semaphore, #tpu.memory_space<semaphore_mem>> -> memref<!tpu.dma_semaphore, #tpu.memory_space<semaphore_mem>>
        tpu.enqueue_indirect_dma source(%dma_start3A_1713 : memref<1000000x64xf32, #tpu.memory_space<hbm>>) target(%dma_start3A_1707 : memref<96x64xf32, #tpu.memory_space<vmem>>) offsets(%dma_start3A_1710 : memref<96xi32, #tpu.memory_space<vmem>>) semaphore(%dma_start3A_1715 : memref<!tpu.dma_semaphore, #tpu.memory_space<semaphore_mem>>)
      } else {
      }
      %mul3A_512 = arith.constant 8 : i32
      %mul3A_513 = arith.muli %mul3A_512, %scan3A_356 : i32
      %add3A_514 = arith.constant 1 : i32
      %add3A_515 = arith.addi %mul3A_513, %add3A_514 : i32
      %dma_wait3A_516 = arith.constant 1 : i32
      %dma_wait3A_517 = arith.constant 1 : i32
      %dma_wait3A_518 = arith.constant 1 : i32
      %dma_wait3A_519 = arith.constant 0 : i32
      %dma_wait3A_520 = arith.constant 0 : i32
      %dma_wait3A_521 = tpu.memref_slice %arg10[%dma_wait3A_517, %dma_wait3A_519, %dma_wait3A_520] : memref<4x200x64xf32, #tpu.memory_space<vmem>> -> memref<1x104x64xf32, #tpu.memory_space<vmem>>
      %dma_wait3A_522 = tpu.memref_squeeze %dma_wait3A_521 : memref<1x104x64xf32, #tpu.memory_space<vmem>> -> memref<104x64xf32, #tpu.memory_space<vmem>>
      %dma_wait3A_523 = arith.constant 0 : i32
      %dma_wait3A_524 = tpu.memref_slice %arg9[%dma_wait3A_516, %dma_wait3A_523] : memref<8x200xi32, #tpu.memory_space<vmem>> -> memref<1x104xi32, #tpu.memory_space<vmem>>
      %dma_wait3A_525 = tpu.memref_squeeze %dma_wait3A_524 : memref<1x104xi32, #tpu.memory_space<vmem>> -> memref<104xi32, #tpu.memory_space<vmem>>
      %dma_wait3A_526 = arith.constant 0 : i32
      %dma_wait3A_527 = arith.constant 0 : i32
      %dma_wait3A_528 = tpu.memref_slice %arg4[%dma_wait3A_526, %dma_wait3A_527] : memref<1000000x64xf32, #tpu.memory_space<hbm>> -> memref<1000000x64xf32, #tpu.memory_space<hbm>>
      %dma_wait3A_529 = tpu.memref_slice %arg16[%dma_wait3A_518] : memref<4x!tpu.dma_semaphore, #tpu.memory_space<semaphore_mem>> -> memref<1x!tpu.dma_semaphore, #tpu.memory_space<semaphore_mem>>
      %dma_wait3A_530 = tpu.memref_squeeze %dma_wait3A_529 : memref<1x!tpu.dma_semaphore, #tpu.memory_space<semaphore_mem>> -> memref<!tpu.dma_semaphore, #tpu.memory_space<semaphore_mem>>
      tpu.wait_indirect_dma semaphore(%dma_wait3A_530 : memref<!tpu.dma_semaphore, #tpu.memory_space<semaphore_mem>>) src(%dma_wait3A_528 : memref<1000000x64xf32, #tpu.memory_space<hbm>>) dst(%dma_wait3A_522 : memref<104x64xf32, #tpu.memory_space<vmem>>)
      %dma_wait3A_531 = arith.constant 1 : i32
      %dma_wait3A_532 = arith.constant 1 : i32
      %dma_wait3A_533 = arith.constant 1 : i32
      %dma_wait3A_534 = arith.constant 104 : i32
      %dma_wait3A_535 = arith.constant 0 : i32
      %dma_wait3A_536 = tpu.memref_slice %arg10[%dma_wait3A_532, %dma_wait3A_534, %dma_wait3A_535] : memref<4x200x64xf32, #tpu.memory_space<vmem>> -> memref<1x96x64xf32, #tpu.memory_space<vmem>>
      %dma_wait3A_537 = tpu.memref_squeeze %dma_wait3A_536 : memref<1x96x64xf32, #tpu.memory_space<vmem>> -> memref<96x64xf32, #tpu.memory_space<vmem>>
      %dma_wait3A_538 = arith.constant 104 : i32
      %dma_wait3A_539 = tpu.memref_slice %arg9[%dma_wait3A_531, %dma_wait3A_538] : memref<8x200xi32, #tpu.memory_space<vmem>> -> memref<1x96xi32, #tpu.memory_space<vmem>>
      %dma_wait3A_540 = tpu.memref_squeeze %dma_wait3A_539 : memref<1x96xi32, #tpu.memory_space<vmem>> -> memref<96xi32, #tpu.memory_space<vmem>>
      %dma_wait3A_541 = arith.constant 0 : i32
      %dma_wait3A_542 = arith.constant 0 : i32
      %dma_wait3A_543 = tpu.memref_slice %arg4[%dma_wait3A_541, %dma_wait3A_542] : memref<1000000x64xf32, #tpu.memory_space<hbm>> -> memref<1000000x64xf32, #tpu.memory_space<hbm>>
      %dma_wait3A_544 = tpu.memref_slice %arg16[%dma_wait3A_533] : memref<4x!tpu.dma_semaphore, #tpu.memory_space<semaphore_mem>> -> memref<1x!tpu.dma_semaphore, #tpu.memory_space<semaphore_mem>>
      %dma_wait3A_545 = tpu.memref_squeeze %dma_wait3A_544 : memref<1x!tpu.dma_semaphore, #tpu.memory_space<semaphore_mem>> -> memref<!tpu.dma_semaphore, #tpu.memory_space<semaphore_mem>>
      tpu.wait_indirect_dma semaphore(%dma_wait3A_545 : memref<!tpu.dma_semaphore, #tpu.memory_space<semaphore_mem>>) src(%dma_wait3A_543 : memref<1000000x64xf32, #tpu.memory_space<hbm>>) dst(%dma_wait3A_537 : memref<96x64xf32, #tpu.memory_space<vmem>>)
      %add3A_546 = arith.constant 8 : i32
      %add3A_547 = arith.addi %add3A_515, %add3A_546 : i32
      %lt3A_548 = arith.constant 128 : i32
      %lt3A_549 = arith.cmpi slt, %add3A_547, %lt3A_548 : i32
      %convert_element_type3A_550 = arith.extui %lt3A_549 : i1 to i32
      %cond3A_551 = arith.constant 0 : i32
      %cond3A_552 = arith.cmpi ne, %convert_element_type3A_550, %cond3A_551 : i32
      scf.if %cond3A_552 {
        %add3A_1667 = arith.constant 8 : i32
        %add3A_1668 = arith.addi %add3A_515, %add3A_1667 : i32
        %add3A_1669 = arith.addi %mul3A_2, %add3A_1668 : i32
        %dma_start3A_1670 = arith.constant 1 : i32
        %dma_start3A_1671 = arith.constant 1 : i32
        %dma_start3A_1672 = arith.constant 0 : i32
        %dma_start3A_1673 = tpu.memref_slice %arg9[%dma_start3A_1670, %dma_start3A_1672] : memref<8x200xi32, #tpu.memory_space<vmem>> -> memref<1x200xi32, #tpu.memory_space<vmem>>
        %dma_start3A_1674 = tpu.memref_squeeze %dma_start3A_1673 : memref<1x200xi32, #tpu.memory_space<vmem>> -> memref<200xi32, #tpu.memory_space<vmem>>
        %dma_start3A_1675 = arith.constant 0 : i32
        %dma_start3A_1676 = tpu.memref_slice %arg3[%add3A_1669, %dma_start3A_1675] : memref<4096x200xi32, #tpu.memory_space<hbm>> -> memref<1x200xi32, #tpu.memory_space<hbm>>
        %dma_start3A_1677 = tpu.memref_squeeze %dma_start3A_1676 : memref<1x200xi32, #tpu.memory_space<hbm>> -> memref<200xi32, #tpu.memory_space<hbm>>
        %dma_start3A_1678 = tpu.memref_slice %arg15[%dma_start3A_1671] : memref<8x!tpu.dma_semaphore, #tpu.memory_space<semaphore_mem>> -> memref<1x!tpu.dma_semaphore, #tpu.memory_space<semaphore_mem>>
        %dma_start3A_1679 = tpu.memref_squeeze %dma_start3A_1678 : memref<1x!tpu.dma_semaphore, #tpu.memory_space<semaphore_mem>> -> memref<!tpu.dma_semaphore, #tpu.memory_space<semaphore_mem>>
        %dma_start3A_1680 = arith.constant 0 : i32
        %dma_start3A_1681 = tpu.memref_slice %arg9[%dma_start3A_1670, %dma_start3A_1680] : memref<8x200xi32, #tpu.memory_space<vmem>> -> memref<1x200xi32, #tpu.memory_space<vmem>>
        %dma_start3A_1682 = tpu.memref_squeeze %dma_start3A_1681 : memref<1x200xi32, #tpu.memory_space<vmem>> -> memref<200xi32, #tpu.memory_space<vmem>>
        %dma_start3A_1683 = arith.constant 0 : i32
        %dma_start3A_1684 = tpu.memref_slice %arg3[%add3A_1669, %dma_start3A_1683] : memref<4096x200xi32, #tpu.memory_space<hbm>> -> memref<1x200xi32, #tpu.memory_space<hbm>>
        %dma_start3A_1685 = tpu.memref_squeeze %dma_start3A_1684 : memref<1x200xi32, #tpu.memory_space<hbm>> -> memref<200xi32, #tpu.memory_space<hbm>>
        tpu.enqueue_dma source(%dma_start3A_1685 : memref<200xi32, #tpu.memory_space<hbm>>) target(%dma_start3A_1682 : memref<200xi32, #tpu.memory_space<vmem>>) target_semaphore(%dma_start3A_1679 : memref<!tpu.dma_semaphore, #tpu.memory_space<semaphore_mem>>)
      } else {
      }
      %broadcast_in_dim3A_553 = arith.constant 0.000000e+00 : f32
      %broadcast_in_dim3A_554 = vector.broadcast %broadcast_in_dim3A_553 : f32 to vector<16xf32>
      %broadcast_in_dim3A_555 = arith.constant 0.000000e+00 : f32
      %broadcast_in_dim3A_556 = vector.broadcast %broadcast_in_dim3A_555 : f32 to vector<16xf32>
      %broadcast_in_dim3A_557 = arith.constant 0.000000e+00 : f32
      %broadcast_in_dim3A_558 = vector.broadcast %broadcast_in_dim3A_557 : f32 to vector<16xf32>
      %broadcast_in_dim3A_559 = arith.constant 0.000000e+00 : f32
      %broadcast_in_dim3A_560 = vector.broadcast %broadcast_in_dim3A_559 : f32 to vector<16xf32>
      %scan3A_561 = arith.constant 0 : i32
      %scan3A_562 = arith.constant 50 : i32
      %scan3A_563 = arith.addi %scan3A_561, %scan3A_562 : i32
      %scan3A_564 = arith.constant 1 : i32
      %scan3A_565:4 = scf.for %scan3A_1667 = %scan3A_561 to %scan3A_563 step %scan3A_564 iter_args(%scan3A_1668 = %broadcast_in_dim3A_554, %scan3A_1669 = %broadcast_in_dim3A_556, %scan3A_1670 = %broadcast_in_dim3A_558, %scan3A_1671 = %broadcast_in_dim3A_560) -> (vector<16xf32>, vector<16xf32>, vector<16xf32>, vector<16xf32>)  : i32 {
        %mul3A_1672 = arith.constant 4 : i32
        %mul3A_1673 = arith.muli %scan3A_1667, %mul3A_1672 : i32
        %add3A_1674 = arith.constant 0 : i32
        %add3A_1675 = arith.addi %mul3A_1673, %add3A_1674 : i32
        %get3A_1676 = arith.constant 1 : i32
        %get3A_1677 = arith.index_cast %get3A_1676 : i32 to index
        %get3A_1678 = arith.index_cast %add3A_1675 : i32 to index
        %get3A_1679 = arith.constant 0 : index
        %get3A_1680 = tpu.vector_load %arg10[%get3A_1677, %get3A_1678, %get3A_1679] {strides = array<i32>} : memref<4x200x64xf32, #tpu.memory_space<vmem>>, vector<1x1x16xf32>,
        %get3A_1681 = vector.shape_cast %get3A_1680 : vector<1x1x16xf32> to vector<16xf32>
        %add3A_1682 = arith.addf %scan3A_1668, %get3A_1681 : vector<16xf32>
        %get3A_1683 = arith.constant 1 : i32
        %get3A_1684 = arith.index_cast %get3A_1683 : i32 to index
        %get3A_1685 = arith.index_cast %add3A_1675 : i32 to index
        %get3A_1686 = arith.constant 16 : index
        %get3A_1687 = tpu.vector_load %arg10[%get3A_1684, %get3A_1685, %get3A_1686] {strides = array<i32>} : memref<4x200x64xf32, #tpu.memory_space<vmem>>, vector<1x1x16xf32>,
        %get3A_1688 = vector.shape_cast %get3A_1687 : vector<1x1x16xf32> to vector<16xf32>
        %add3A_1689 = arith.addf %scan3A_1669, %get3A_1688 : vector<16xf32>
        %get3A_1690 = arith.constant 1 : i32
        %get3A_1691 = arith.index_cast %get3A_1690 : i32 to index
        %get3A_1692 = arith.index_cast %add3A_1675 : i32 to index
        %get3A_1693 = arith.constant 32 : index
        %get3A_1694 = tpu.vector_load %arg10[%get3A_1691, %get3A_1692, %get3A_1693] {strides = array<i32>} : memref<4x200x64xf32, #tpu.memory_space<vmem>>, vector<1x1x16xf32>,
        %get3A_1695 = vector.shape_cast %get3A_1694 : vector<1x1x16xf32> to vector<16xf32>
        %add3A_1696 = arith.addf %scan3A_1670, %get3A_1695 : vector<16xf32>
        %get3A_1697 = arith.constant 1 : i32
        %get3A_1698 = arith.index_cast %get3A_1697 : i32 to index
        %get3A_1699 = arith.index_cast %add3A_1675 : i32 to index
        %get3A_1700 = arith.constant 48 : index
        %get3A_1701 = tpu.vector_load %arg10[%get3A_1698, %get3A_1699, %get3A_1700] {strides = array<i32>} : memref<4x200x64xf32, #tpu.memory_space<vmem>>, vector<1x1x16xf32>,
        %get3A_1702 = vector.shape_cast %get3A_1701 : vector<1x1x16xf32> to vector<16xf32>
        %add3A_1703 = arith.addf %scan3A_1671, %get3A_1702 : vector<16xf32>
        %mul3A_1704 = arith.constant 4 : i32
        %mul3A_1705 = arith.muli %scan3A_1667, %mul3A_1704 : i32
        %add3A_1706 = arith.constant 1 : i32
        %add3A_1707 = arith.addi %mul3A_1705, %add3A_1706 : i32
        %get3A_1708 = arith.constant 1 : i32
        %get3A_1709 = arith.index_cast %get3A_1708 : i32 to index
        %get3A_1710 = arith.index_cast %add3A_1707 : i32 to index
        %get3A_1711 = arith.constant 0 : index
        %get3A_1712 = tpu.vector_load %arg10[%get3A_1709, %get3A_1710, %get3A_1711] {strides = array<i32>} : memref<4x200x64xf32, #tpu.memory_space<vmem>>, vector<1x1x16xf32>,
        %get3A_1713 = vector.shape_cast %get3A_1712 : vector<1x1x16xf32> to vector<16xf32>
        %add3A_1714 = arith.addf %add3A_1682, %get3A_1713 : vector<16xf32>
        %get3A_1715 = arith.constant 1 : i32
        %get3A_1716 = arith.index_cast %get3A_1715 : i32 to index
        %get3A_1717 = arith.index_cast %add3A_1707 : i32 to index
        %get3A_1718 = arith.constant 16 : index
        %get3A_1719 = tpu.vector_load %arg10[%get3A_1716, %get3A_1717, %get3A_1718] {strides = array<i32>} : memref<4x200x64xf32, #tpu.memory_space<vmem>>, vector<1x1x16xf32>,
        %get3A_1720 = vector.shape_cast %get3A_1719 : vector<1x1x16xf32> to vector<16xf32>
        %add3A_1721 = arith.addf %add3A_1689, %get3A_1720 : vector<16xf32>
        %get3A_1722 = arith.constant 1 : i32
        %get3A_1723 = arith.index_cast %get3A_1722 : i32 to index
        %get3A_1724 = arith.index_cast %add3A_1707 : i32 to index
        %get3A_1725 = arith.constant 32 : index
        %get3A_1726 = tpu.vector_load %arg10[%get3A_1723, %get3A_1724, %get3A_1725] {strides = array<i32>} : memref<4x200x64xf32, #tpu.memory_space<vmem>>, vector<1x1x16xf32>,
        %get3A_1727 = vector.shape_cast %get3A_1726 : vector<1x1x16xf32> to vector<16xf32>
        %add3A_1728 = arith.addf %add3A_1696, %get3A_1727 : vector<16xf32>
        %get3A_1729 = arith.constant 1 : i32
        %get3A_1730 = arith.index_cast %get3A_1729 : i32 to index
        %get3A_1731 = arith.index_cast %add3A_1707 : i32 to index
        %get3A_1732 = arith.constant 48 : index
        %get3A_1733 = tpu.vector_load %arg10[%get3A_1730, %get3A_1731, %get3A_1732] {strides = array<i32>} : memref<4x200x64xf32, #tpu.memory_space<vmem>>, vector<1x1x16xf32>,
        %get3A_1734 = vector.shape_cast %get3A_1733 : vector<1x1x16xf32> to vector<16xf32>
        %add3A_1735 = arith.addf %add3A_1703, %get3A_1734 : vector<16xf32>
        %mul3A_1736 = arith.constant 4 : i32
        %mul3A_1737 = arith.muli %scan3A_1667, %mul3A_1736 : i32
        %add3A_1738 = arith.constant 2 : i32
        %add3A_1739 = arith.addi %mul3A_1737, %add3A_1738 : i32
        %get3A_1740 = arith.constant 1 : i32
        %get3A_1741 = arith.index_cast %get3A_1740 : i32 to index
        %get3A_1742 = arith.index_cast %add3A_1739 : i32 to index
        %get3A_1743 = arith.constant 0 : index
        %get3A_1744 = tpu.vector_load %arg10[%get3A_1741, %get3A_1742, %get3A_1743] {strides = array<i32>} : memref<4x200x64xf32, #tpu.memory_space<vmem>>, vector<1x1x16xf32>,
        %get3A_1745 = vector.shape_cast %get3A_1744 : vector<1x1x16xf32> to vector<16xf32>
        %add3A_1746 = arith.addf %add3A_1714, %get3A_1745 : vector<16xf32>
        %get3A_1747 = arith.constant 1 : i32
        %get3A_1748 = arith.index_cast %get3A_1747 : i32 to index
        %get3A_1749 = arith.index_cast %add3A_1739 : i32 to index
        %get3A_1750 = arith.constant 16 : index
        %get3A_1751 = tpu.vector_load %arg10[%get3A_1748, %get3A_1749, %get3A_1750] {strides = array<i32>} : memref<4x200x64xf32, #tpu.memory_space<vmem>>, vector<1x1x16xf32>,
        %get3A_1752 = vector.shape_cast %get3A_1751 : vector<1x1x16xf32> to vector<16xf32>
        %add3A_1753 = arith.addf %add3A_1721, %get3A_1752 : vector<16xf32>
        %get3A_1754 = arith.constant 1 : i32
        %get3A_1755 = arith.index_cast %get3A_1754 : i32 to index
        %get3A_1756 = arith.index_cast %add3A_1739 : i32 to index
        %get3A_1757 = arith.constant 32 : index
        %get3A_1758 = tpu.vector_load %arg10[%get3A_1755, %get3A_1756, %get3A_1757] {strides = array<i32>} : memref<4x200x64xf32, #tpu.memory_space<vmem>>, vector<1x1x16xf32>,
        %get3A_1759 = vector.shape_cast %get3A_1758 : vector<1x1x16xf32> to vector<16xf32>
        %add3A_1760 = arith.addf %add3A_1728, %get3A_1759 : vector<16xf32>
        %get3A_1761 = arith.constant 1 : i32
        %get3A_1762 = arith.index_cast %get3A_1761 : i32 to index
        %get3A_1763 = arith.index_cast %add3A_1739 : i32 to index
        %get3A_1764 = arith.constant 48 : index
        %get3A_1765 = tpu.vector_load %arg10[%get3A_1762, %get3A_1763, %get3A_1764] {strides = array<i32>} : memref<4x200x64xf32, #tpu.memory_space<vmem>>, vector<1x1x16xf32>,
        %get3A_1766 = vector.shape_cast %get3A_1765 : vector<1x1x16xf32> to vector<16xf32>
        %add3A_1767 = arith.addf %add3A_1735, %get3A_1766 : vector<16xf32>
        %mul3A_1768 = arith.constant 4 : i32
        %mul3A_1769 = arith.muli %scan3A_1667, %mul3A_1768 : i32
        %add3A_1770 = arith.constant 3 : i32
        %add3A_1771 = arith.addi %mul3A_1769, %add3A_1770 : i32
        %get3A_1772 = arith.constant 1 : i32
        %get3A_1773 = arith.index_cast %get3A_1772 : i32 to index
        %get3A_1774 = arith.index_cast %add3A_1771 : i32 to index
        %get3A_1775 = arith.constant 0 : index
        %get3A_1776 = tpu.vector_load %arg10[%get3A_1773, %get3A_1774, %get3A_1775] {strides = array<i32>} : memref<4x200x64xf32, #tpu.memory_space<vmem>>, vector<1x1x16xf32>,
        %get3A_1777 = vector.shape_cast %get3A_1776 : vector<1x1x16xf32> to vector<16xf32>
        %add3A_1778 = arith.addf %add3A_1746, %get3A_1777 : vector<16xf32>
        %get3A_1779 = arith.constant 1 : i32
        %get3A_1780 = arith.index_cast %get3A_1779 : i32 to index
        %get3A_1781 = arith.index_cast %add3A_1771 : i32 to index
        %get3A_1782 = arith.constant 16 : index
        %get3A_1783 = tpu.vector_load %arg10[%get3A_1780, %get3A_1781, %get3A_1782] {strides = array<i32>} : memref<4x200x64xf32, #tpu.memory_space<vmem>>, vector<1x1x16xf32>,
        %get3A_1784 = vector.shape_cast %get3A_1783 : vector<1x1x16xf32> to vector<16xf32>
        %add3A_1785 = arith.addf %add3A_1753, %get3A_1784 : vector<16xf32>
        %get3A_1786 = arith.constant 1 : i32
        %get3A_1787 = arith.index_cast %get3A_1786 : i32 to index
        %get3A_1788 = arith.index_cast %add3A_1771 : i32 to index
        %get3A_1789 = arith.constant 32 : index
        %get3A_1790 = tpu.vector_load %arg10[%get3A_1787, %get3A_1788, %get3A_1789] {strides = array<i32>} : memref<4x200x64xf32, #tpu.memory_space<vmem>>, vector<1x1x16xf32>,
        %get3A_1791 = vector.shape_cast %get3A_1790 : vector<1x1x16xf32> to vector<16xf32>
        %add3A_1792 = arith.addf %add3A_1760, %get3A_1791 : vector<16xf32>
        %get3A_1793 = arith.constant 1 : i32
        %get3A_1794 = arith.index_cast %get3A_1793 : i32 to index
        %get3A_1795 = arith.index_cast %add3A_1771 : i32 to index
        %get3A_1796 = arith.constant 48 : index
        %get3A_1797 = tpu.vector_load %arg10[%get3A_1794, %get3A_1795, %get3A_1796] {strides = array<i32>} : memref<4x200x64xf32, #tpu.memory_space<vmem>>, vector<1x1x16xf32>,
        %get3A_1798 = vector.shape_cast %get3A_1797 : vector<1x1x16xf32> to vector<16xf32>
        %add3A_1799 = arith.addf %add3A_1767, %get3A_1798 : vector<16xf32>
        scf.yield %add3A_1778, %add3A_1785, %add3A_1792, %add3A_1799 : vector<16xf32>, vector<16xf32>, vector<16xf32>, vector<16xf32>
      }
      %scan3A_566 = arith.constant 50 : i32
      %get3A_567 = arith.index_cast %add3A_515 : i32 to index
      %get3A_568 = arith.constant 0 : index
      %get3A_569 = tpu.vector_load %arg11[%get3A_567, %get3A_568] {strides = array<i32>} : memref<128x64xf32, #tpu.memory_space<vmem>>, vector<1x16xf32>,
      %get3A_570 = vector.shape_cast %get3A_569 : vector<1x16xf32> to vector<16xf32>
      %mul3A_571 = arith.constant 5.000000e-03 : f32
      %mul3A_572 = vector.broadcast %mul3A_571 : f32 to vector<16xf32>
      %mul3A_573 = arith.mulf %scan3A_565#0, %mul3A_572 : vector<16xf32>
      %add3A_574 = arith.addf %get3A_570, %mul3A_573 : vector<16xf32>
      %swap3A_575 = arith.index_cast %add3A_515 : i32 to index
      %swap3A_576 = arith.constant 0 : index
      %swap3A_577 = tpu.vector_load %arg11[%swap3A_575, %swap3A_576] {strides = array<i32>} : memref<128x64xf32, #tpu.memory_space<vmem>>, vector<1x16xf32>,
      %swap3A_578 = vector.shape_cast %swap3A_577 : vector<1x16xf32> to vector<16xf32>
      %swap3A_579 = vector.shape_cast %add3A_574 : vector<16xf32> to vector<1x16xf32>
      tpu.vector_store %arg11[%swap3A_575, %swap3A_576], %swap3A_579 {strides = array<i32>} : memref<128x64xf32, #tpu.memory_space<vmem>>, vector<1x16xf32>,
      %mul3A_580 = arith.mulf %add3A_574, %get3A_338 : vector<16xf32>
      %get3A_581 = arith.index_cast %add3A_515 : i32 to index
      %get3A_582 = arith.constant 16 : index
      %get3A_583 = tpu.vector_load %arg11[%get3A_581, %get3A_582] {strides = array<i32>} : memref<128x64xf32, #tpu.memory_space<vmem>>, vector<1x16xf32>,
      %get3A_584 = vector.shape_cast %get3A_583 : vector<1x16xf32> to vector<16xf32>
      %mul3A_585 = arith.constant 5.000000e-03 : f32
      %mul3A_586 = vector.broadcast %mul3A_585 : f32 to vector<16xf32>
      %mul3A_587 = arith.mulf %scan3A_565#1, %mul3A_586 : vector<16xf32>
      %add3A_588 = arith.addf %get3A_584, %mul3A_587 : vector<16xf32>
      %swap3A_589 = arith.index_cast %add3A_515 : i32 to index
      %swap3A_590 = arith.constant 16 : index
      %swap3A_591 = tpu.vector_load %arg11[%swap3A_589, %swap3A_590] {strides = array<i32>} : memref<128x64xf32, #tpu.memory_space<vmem>>, vector<1x16xf32>,
      %swap3A_592 = vector.shape_cast %swap3A_591 : vector<1x16xf32> to vector<16xf32>
      %swap3A_593 = vector.shape_cast %add3A_588 : vector<16xf32> to vector<1x16xf32>
      tpu.vector_store %arg11[%swap3A_589, %swap3A_590], %swap3A_593 {strides = array<i32>} : memref<128x64xf32, #tpu.memory_space<vmem>>, vector<1x16xf32>,
      %mul3A_594 = arith.mulf %add3A_588, %get3A_341 : vector<16xf32>
      %add3A_595 = arith.addf %mul3A_580, %mul3A_594 : vector<16xf32>
      %get3A_596 = arith.index_cast %add3A_515 : i32 to index
      %get3A_597 = arith.constant 32 : index
      %get3A_598 = tpu.vector_load %arg11[%get3A_596, %get3A_597] {strides = array<i32>} : memref<128x64xf32, #tpu.memory_space<vmem>>, vector<1x16xf32>,
      %get3A_599 = vector.shape_cast %get3A_598 : vector<1x16xf32> to vector<16xf32>
      %mul3A_600 = arith.constant 5.000000e-03 : f32
      %mul3A_601 = vector.broadcast %mul3A_600 : f32 to vector<16xf32>
      %mul3A_602 = arith.mulf %scan3A_565#2, %mul3A_601 : vector<16xf32>
      %add3A_603 = arith.addf %get3A_599, %mul3A_602 : vector<16xf32>
      %swap3A_604 = arith.index_cast %add3A_515 : i32 to index
      %swap3A_605 = arith.constant 32 : index
      %swap3A_606 = tpu.vector_load %arg11[%swap3A_604, %swap3A_605] {strides = array<i32>} : memref<128x64xf32, #tpu.memory_space<vmem>>, vector<1x16xf32>,
      %swap3A_607 = vector.shape_cast %swap3A_606 : vector<1x16xf32> to vector<16xf32>
      %swap3A_608 = vector.shape_cast %add3A_603 : vector<16xf32> to vector<1x16xf32>
      tpu.vector_store %arg11[%swap3A_604, %swap3A_605], %swap3A_608 {strides = array<i32>} : memref<128x64xf32, #tpu.memory_space<vmem>>, vector<1x16xf32>,
      %mul3A_609 = arith.mulf %add3A_603, %get3A_344 : vector<16xf32>
      %add3A_610 = arith.addf %add3A_595, %mul3A_609 : vector<16xf32>
      %get3A_611 = arith.index_cast %add3A_515 : i32 to index
      %get3A_612 = arith.constant 48 : index
      %get3A_613 = tpu.vector_load %arg11[%get3A_611, %get3A_612] {strides = array<i32>} : memref<128x64xf32, #tpu.memory_space<vmem>>, vector<1x16xf32>,
      %get3A_614 = vector.shape_cast %get3A_613 : vector<1x16xf32> to vector<16xf32>
      %mul3A_615 = arith.constant 5.000000e-03 : f32
      %mul3A_616 = vector.broadcast %mul3A_615 : f32 to vector<16xf32>
      %mul3A_617 = arith.mulf %scan3A_565#3, %mul3A_616 : vector<16xf32>
      %add3A_618 = arith.addf %get3A_614, %mul3A_617 : vector<16xf32>
      %swap3A_619 = arith.index_cast %add3A_515 : i32 to index
      %swap3A_620 = arith.constant 48 : index
      %swap3A_621 = tpu.vector_load %arg11[%swap3A_619, %swap3A_620] {strides = array<i32>} : memref<128x64xf32, #tpu.memory_space<vmem>>, vector<1x16xf32>,
      %swap3A_622 = vector.shape_cast %swap3A_621 : vector<1x16xf32> to vector<16xf32>
      %swap3A_623 = vector.shape_cast %add3A_618 : vector<16xf32> to vector<1x16xf32>
      tpu.vector_store %arg11[%swap3A_619, %swap3A_620], %swap3A_623 {strides = array<i32>} : memref<128x64xf32, #tpu.memory_space<vmem>>, vector<1x16xf32>,
      %mul3A_624 = arith.mulf %add3A_618, %get3A_347 : vector<16xf32>
      %add3A_625 = arith.addf %add3A_610, %mul3A_624 : vector<16xf32>
      %xor3A_626 = arith.constant 8 : i32
      %xor3A_627 = vector.broadcast %xor3A_626 : i32 to vector<16xi32>
      %xor3A_628 = arith.xori %iota3A, %xor3A_627 : vector<16xi32>
      %broadcast_in_dim3A_629 = vector.shape_cast %xor3A_628 : vector<16xi32> to vector<16x1xi32>
      %gather3A_630 = vector.shape_cast %broadcast_in_dim3A_629 : vector<16x1xi32> to vector<16xi32>
      %gather3A_631 = tpu.dynamic_gather %add3A_625[%gather3A_630] in [0] : vector<16xf32>, vector<16xi32> -> vector<16xf32>
      %add3A_632 = arith.addf %add3A_625, %gather3A_631 : vector<16xf32>
      %xor3A_633 = arith.constant 4 : i32
      %xor3A_634 = vector.broadcast %xor3A_633 : i32 to vector<16xi32>
      %xor3A_635 = arith.xori %iota3A, %xor3A_634 : vector<16xi32>
      %broadcast_in_dim3A_636 = vector.shape_cast %xor3A_635 : vector<16xi32> to vector<16x1xi32>
      %gather3A_637 = vector.shape_cast %broadcast_in_dim3A_636 : vector<16x1xi32> to vector<16xi32>
      %gather3A_638 = tpu.dynamic_gather %add3A_632[%gather3A_637] in [0] : vector<16xf32>, vector<16xi32> -> vector<16xf32>
      %add3A_639 = arith.addf %add3A_632, %gather3A_638 : vector<16xf32>
      %xor3A_640 = arith.constant 2 : i32
      %xor3A_641 = vector.broadcast %xor3A_640 : i32 to vector<16xi32>
      %xor3A_642 = arith.xori %iota3A, %xor3A_641 : vector<16xi32>
      %broadcast_in_dim3A_643 = vector.shape_cast %xor3A_642 : vector<16xi32> to vector<16x1xi32>
      %gather3A_644 = vector.shape_cast %broadcast_in_dim3A_643 : vector<16x1xi32> to vector<16xi32>
      %gather3A_645 = tpu.dynamic_gather %add3A_639[%gather3A_644] in [0] : vector<16xf32>, vector<16xi32> -> vector<16xf32>
      %add3A_646 = arith.addf %add3A_639, %gather3A_645 : vector<16xf32>
      %xor3A_647 = arith.constant 1 : i32
      %xor3A_648 = vector.broadcast %xor3A_647 : i32 to vector<16xi32>
      %xor3A_649 = arith.xori %iota3A, %xor3A_648 : vector<16xi32>
      %broadcast_in_dim3A_650 = vector.shape_cast %xor3A_649 : vector<16xi32> to vector<16x1xi32>
      %gather3A_651 = vector.shape_cast %broadcast_in_dim3A_650 : vector<16x1xi32> to vector<16xi32>
      %gather3A_652 = tpu.dynamic_gather %add3A_646[%gather3A_651] in [0] : vector<16xf32>, vector<16xi32> -> vector<16xf32>
      %add3A_653 = arith.addf %add3A_646, %gather3A_652 : vector<16xf32>
      %add3A_654 = arith.addf %add3A_653, %get3A_350 : vector<16xf32>
      %neg3A_655 = arith.constant 0.000000e+00 : f32
      %neg3A_656 = vector.broadcast %neg3A_655 : f32 to vector<16xf32>
      %neg3A_657 = arith.subf %neg3A_656, %add3A_654 : vector<16xf32>
      %exp3A_658 = math.exp %neg3A_657 : vector<16xf32>
      %add3A_659 = arith.constant 1.000000e+00 : f32
      %add3A_660 = vector.broadcast %add3A_659 : f32 to vector<16xf32>
      %add3A_661 = arith.addf %add3A_660, %exp3A_658 : vector<16xf32>
      %div3A_662 = arith.constant 1.000000e+00 : f32
      %div3A_663 = vector.broadcast %div3A_662 : f32 to vector<16xf32>
      %div3A_664 = arith.divf %div3A_663, %add3A_661 : vector<16xf32>
      %swap3A_665 = arith.index_cast %add3A_515 : i32 to index
      %swap3A_666 = arith.constant 0 : index
      %swap3A_667 = tpu.vector_load %arg12[%swap3A_665, %swap3A_666] {strides = array<i32>} : memref<128x16xf32, #tpu.memory_space<vmem>>, vector<1x16xf32>,
      %swap3A_668 = vector.shape_cast %swap3A_667 : vector<1x16xf32> to vector<16xf32>
      %swap3A_669 = vector.shape_cast %div3A_664 : vector<16xf32> to vector<1x16xf32>
      tpu.vector_store %arg12[%swap3A_665, %swap3A_666], %swap3A_669 {strides = array<i32>} : memref<128x16xf32, #tpu.memory_space<vmem>>, vector<1x16xf32>,
      %add3A_670 = arith.constant 4 : i32
      %add3A_671 = arith.addi %add3A_515, %add3A_670 : i32
      %lt3A_672 = arith.constant 128 : i32
      %lt3A_673 = arith.cmpi slt, %add3A_671, %lt3A_672 : i32
      %convert_element_type3A_674 = arith.extui %lt3A_673 : i1 to i32
      %cond3A_675 = arith.constant 0 : i32
      %cond3A_676 = arith.cmpi ne, %convert_element_type3A_674, %cond3A_675 : i32
      scf.if %cond3A_676 {
        %add3A_1667 = arith.constant 4 : i32
        %add3A_1668 = arith.addi %add3A_515, %add3A_1667 : i32
        %add3A_1669 = arith.addi %mul3A_2, %add3A_1668 : i32
        %dma_wait3A_1670 = arith.constant 5 : i32
        %dma_wait3A_1671 = arith.constant 5 : i32
        %dma_wait3A_1672 = arith.constant 0 : i32
        %dma_wait3A_1673 = tpu.memref_slice %arg9[%dma_wait3A_1670, %dma_wait3A_1672] : memref<8x200xi32, #tpu.memory_space<vmem>> -> memref<1x200xi32, #tpu.memory_space<vmem>>
        %dma_wait3A_1674 = tpu.memref_squeeze %dma_wait3A_1673 : memref<1x200xi32, #tpu.memory_space<vmem>> -> memref<200xi32, #tpu.memory_space<vmem>>
        %dma_wait3A_1675 = arith.constant 0 : i32
        %dma_wait3A_1676 = tpu.memref_slice %arg3[%add3A_1669, %dma_wait3A_1675] : memref<4096x200xi32, #tpu.memory_space<hbm>> -> memref<1x200xi32, #tpu.memory_space<hbm>>
        %dma_wait3A_1677 = tpu.memref_squeeze %dma_wait3A_1676 : memref<1x200xi32, #tpu.memory_space<hbm>> -> memref<200xi32, #tpu.memory_space<hbm>>
        %dma_wait3A_1678 = tpu.memref_slice %arg15[%dma_wait3A_1671] : memref<8x!tpu.dma_semaphore, #tpu.memory_space<semaphore_mem>> -> memref<1x!tpu.dma_semaphore, #tpu.memory_space<semaphore_mem>>
        %dma_wait3A_1679 = tpu.memref_squeeze %dma_wait3A_1678 : memref<1x!tpu.dma_semaphore, #tpu.memory_space<semaphore_mem>> -> memref<!tpu.dma_semaphore, #tpu.memory_space<semaphore_mem>>
        %dma_wait3A_1680 = arith.constant 0 : i32
        %dma_wait3A_1681 = tpu.memref_slice %arg9[%dma_wait3A_1670, %dma_wait3A_1680] : memref<8x200xi32, #tpu.memory_space<vmem>> -> memref<1x200xi32, #tpu.memory_space<vmem>>
        %dma_wait3A_1682 = tpu.memref_squeeze %dma_wait3A_1681 : memref<1x200xi32, #tpu.memory_space<vmem>> -> memref<200xi32, #tpu.memory_space<vmem>>
        %dma_wait3A_1683 = arith.constant 0 : i32
        %dma_wait3A_1684 = tpu.memref_slice %arg3[%add3A_1669, %dma_wait3A_1683] : memref<4096x200xi32, #tpu.memory_space<hbm>> -> memref<1x200xi32, #tpu.memory_space<hbm>>
        %dma_wait3A_1685 = tpu.memref_squeeze %dma_wait3A_1684 : memref<1x200xi32, #tpu.memory_space<hbm>> -> memref<200xi32, #tpu.memory_space<hbm>>
        tpu.wait_dma2 semaphore(%dma_wait3A_1679 : memref<!tpu.dma_semaphore, #tpu.memory_space<semaphore_mem>>) src(%dma_wait3A_1685 : memref<200xi32, #tpu.memory_space<hbm>>) dst(%dma_wait3A_1682 : memref<200xi32, #tpu.memory_space<vmem>>)
        %dma_start3A_1686 = arith.constant 5 : i32
        %dma_start3A_1687 = arith.constant 1 : i32
        %dma_start3A_1688 = arith.constant 1 : i32
        %dma_start3A_1689 = arith.constant 0 : i32
        %dma_start3A_1690 = arith.constant 0 : i32
        %dma_start3A_1691 = tpu.memref_slice %arg10[%dma_start3A_1687, %dma_start3A_1689, %dma_start3A_1690] : memref<4x200x64xf32, #tpu.memory_space<vmem>> -> memref<1x104x64xf32, #tpu.memory_space<vmem>>
        %dma_start3A_1692 = tpu.memref_squeeze %dma_start3A_1691 : memref<1x104x64xf32, #tpu.memory_space<vmem>> -> memref<104x64xf32, #tpu.memory_space<vmem>>
        %dma_start3A_1693 = arith.constant 0 : i32
        %dma_start3A_1694 = tpu.memref_slice %arg9[%dma_start3A_1686, %dma_start3A_1693] : memref<8x200xi32, #tpu.memory_space<vmem>> -> memref<1x104xi32, #tpu.memory_space<vmem>>
        %dma_start3A_1695 = tpu.memref_squeeze %dma_start3A_1694 : memref<1x104xi32, #tpu.memory_space<vmem>> -> memref<104xi32, #tpu.memory_space<vmem>>
        %dma_start3A_1696 = arith.constant 0 : i32
        %dma_start3A_1697 = arith.constant 0 : i32
        %dma_start3A_1698 = tpu.memref_slice %arg4[%dma_start3A_1696, %dma_start3A_1697] : memref<1000000x64xf32, #tpu.memory_space<hbm>> -> memref<1000000x64xf32, #tpu.memory_space<hbm>>
        %dma_start3A_1699 = tpu.memref_slice %arg16[%dma_start3A_1688] : memref<4x!tpu.dma_semaphore, #tpu.memory_space<semaphore_mem>> -> memref<1x!tpu.dma_semaphore, #tpu.memory_space<semaphore_mem>>
        %dma_start3A_1700 = tpu.memref_squeeze %dma_start3A_1699 : memref<1x!tpu.dma_semaphore, #tpu.memory_space<semaphore_mem>> -> memref<!tpu.dma_semaphore, #tpu.memory_space<semaphore_mem>>
        tpu.enqueue_indirect_dma source(%dma_start3A_1698 : memref<1000000x64xf32, #tpu.memory_space<hbm>>) target(%dma_start3A_1692 : memref<104x64xf32, #tpu.memory_space<vmem>>) offsets(%dma_start3A_1695 : memref<104xi32, #tpu.memory_space<vmem>>) semaphore(%dma_start3A_1700 : memref<!tpu.dma_semaphore, #tpu.memory_space<semaphore_mem>>)
        %dma_start3A_1701 = arith.constant 5 : i32
        %dma_start3A_1702 = arith.constant 1 : i32
        %dma_start3A_1703 = arith.constant 1 : i32
        %dma_start3A_1704 = arith.constant 104 : i32
        %dma_start3A_1705 = arith.constant 0 : i32
        %dma_start3A_1706 = tpu.memref_slice %arg10[%dma_start3A_1702, %dma_start3A_1704, %dma_start3A_1705] : memref<4x200x64xf32, #tpu.memory_space<vmem>> -> memref<1x96x64xf32, #tpu.memory_space<vmem>>
        %dma_start3A_1707 = tpu.memref_squeeze %dma_start3A_1706 : memref<1x96x64xf32, #tpu.memory_space<vmem>> -> memref<96x64xf32, #tpu.memory_space<vmem>>
        %dma_start3A_1708 = arith.constant 104 : i32
        %dma_start3A_1709 = tpu.memref_slice %arg9[%dma_start3A_1701, %dma_start3A_1708] : memref<8x200xi32, #tpu.memory_space<vmem>> -> memref<1x96xi32, #tpu.memory_space<vmem>>
        %dma_start3A_1710 = tpu.memref_squeeze %dma_start3A_1709 : memref<1x96xi32, #tpu.memory_space<vmem>> -> memref<96xi32, #tpu.memory_space<vmem>>
        %dma_start3A_1711 = arith.constant 0 : i32
        %dma_start3A_1712 = arith.constant 0 : i32
        %dma_start3A_1713 = tpu.memref_slice %arg4[%dma_start3A_1711, %dma_start3A_1712] : memref<1000000x64xf32, #tpu.memory_space<hbm>> -> memref<1000000x64xf32, #tpu.memory_space<hbm>>
        %dma_start3A_1714 = tpu.memref_slice %arg16[%dma_start3A_1703] : memref<4x!tpu.dma_semaphore, #tpu.memory_space<semaphore_mem>> -> memref<1x!tpu.dma_semaphore, #tpu.memory_space<semaphore_mem>>
        %dma_start3A_1715 = tpu.memref_squeeze %dma_start3A_1714 : memref<1x!tpu.dma_semaphore, #tpu.memory_space<semaphore_mem>> -> memref<!tpu.dma_semaphore, #tpu.memory_space<semaphore_mem>>
        tpu.enqueue_indirect_dma source(%dma_start3A_1713 : memref<1000000x64xf32, #tpu.memory_space<hbm>>) target(%dma_start3A_1707 : memref<96x64xf32, #tpu.memory_space<vmem>>) offsets(%dma_start3A_1710 : memref<96xi32, #tpu.memory_space<vmem>>) semaphore(%dma_start3A_1715 : memref<!tpu.dma_semaphore, #tpu.memory_space<semaphore_mem>>)
      } else {
      }
      %mul3A_677 = arith.constant 8 : i32
      %mul3A_678 = arith.muli %mul3A_677, %scan3A_356 : i32
      %add3A_679 = arith.constant 2 : i32
      %add3A_680 = arith.addi %mul3A_678, %add3A_679 : i32
      %dma_wait3A_681 = arith.constant 2 : i32
      %dma_wait3A_682 = arith.constant 2 : i32
      %dma_wait3A_683 = arith.constant 2 : i32
      %dma_wait3A_684 = arith.constant 0 : i32
      %dma_wait3A_685 = arith.constant 0 : i32
      %dma_wait3A_686 = tpu.memref_slice %arg10[%dma_wait3A_682, %dma_wait3A_684, %dma_wait3A_685] : memref<4x200x64xf32, #tpu.memory_space<vmem>> -> memref<1x104x64xf32, #tpu.memory_space<vmem>>
      %dma_wait3A_687 = tpu.memref_squeeze %dma_wait3A_686 : memref<1x104x64xf32, #tpu.memory_space<vmem>> -> memref<104x64xf32, #tpu.memory_space<vmem>>
      %dma_wait3A_688 = arith.constant 0 : i32
      %dma_wait3A_689 = tpu.memref_slice %arg9[%dma_wait3A_681, %dma_wait3A_688] : memref<8x200xi32, #tpu.memory_space<vmem>> -> memref<1x104xi32, #tpu.memory_space<vmem>>
      %dma_wait3A_690 = tpu.memref_squeeze %dma_wait3A_689 : memref<1x104xi32, #tpu.memory_space<vmem>> -> memref<104xi32, #tpu.memory_space<vmem>>
      %dma_wait3A_691 = arith.constant 0 : i32
      %dma_wait3A_692 = arith.constant 0 : i32
      %dma_wait3A_693 = tpu.memref_slice %arg4[%dma_wait3A_691, %dma_wait3A_692] : memref<1000000x64xf32, #tpu.memory_space<hbm>> -> memref<1000000x64xf32, #tpu.memory_space<hbm>>
      %dma_wait3A_694 = tpu.memref_slice %arg16[%dma_wait3A_683] : memref<4x!tpu.dma_semaphore, #tpu.memory_space<semaphore_mem>> -> memref<1x!tpu.dma_semaphore, #tpu.memory_space<semaphore_mem>>
      %dma_wait3A_695 = tpu.memref_squeeze %dma_wait3A_694 : memref<1x!tpu.dma_semaphore, #tpu.memory_space<semaphore_mem>> -> memref<!tpu.dma_semaphore, #tpu.memory_space<semaphore_mem>>
      tpu.wait_indirect_dma semaphore(%dma_wait3A_695 : memref<!tpu.dma_semaphore, #tpu.memory_space<semaphore_mem>>) src(%dma_wait3A_693 : memref<1000000x64xf32, #tpu.memory_space<hbm>>) dst(%dma_wait3A_687 : memref<104x64xf32, #tpu.memory_space<vmem>>)
      %dma_wait3A_696 = arith.constant 2 : i32
      %dma_wait3A_697 = arith.constant 2 : i32
      %dma_wait3A_698 = arith.constant 2 : i32
      %dma_wait3A_699 = arith.constant 104 : i32
      %dma_wait3A_700 = arith.constant 0 : i32
      %dma_wait3A_701 = tpu.memref_slice %arg10[%dma_wait3A_697, %dma_wait3A_699, %dma_wait3A_700] : memref<4x200x64xf32, #tpu.memory_space<vmem>> -> memref<1x96x64xf32, #tpu.memory_space<vmem>>
      %dma_wait3A_702 = tpu.memref_squeeze %dma_wait3A_701 : memref<1x96x64xf32, #tpu.memory_space<vmem>> -> memref<96x64xf32, #tpu.memory_space<vmem>>
      %dma_wait3A_703 = arith.constant 104 : i32
      %dma_wait3A_704 = tpu.memref_slice %arg9[%dma_wait3A_696, %dma_wait3A_703] : memref<8x200xi32, #tpu.memory_space<vmem>> -> memref<1x96xi32, #tpu.memory_space<vmem>>
      %dma_wait3A_705 = tpu.memref_squeeze %dma_wait3A_704 : memref<1x96xi32, #tpu.memory_space<vmem>> -> memref<96xi32, #tpu.memory_space<vmem>>
      %dma_wait3A_706 = arith.constant 0 : i32
      %dma_wait3A_707 = arith.constant 0 : i32
      %dma_wait3A_708 = tpu.memref_slice %arg4[%dma_wait3A_706, %dma_wait3A_707] : memref<1000000x64xf32, #tpu.memory_space<hbm>> -> memref<1000000x64xf32, #tpu.memory_space<hbm>>
      %dma_wait3A_709 = tpu.memref_slice %arg16[%dma_wait3A_698] : memref<4x!tpu.dma_semaphore, #tpu.memory_space<semaphore_mem>> -> memref<1x!tpu.dma_semaphore, #tpu.memory_space<semaphore_mem>>
      %dma_wait3A_710 = tpu.memref_squeeze %dma_wait3A_709 : memref<1x!tpu.dma_semaphore, #tpu.memory_space<semaphore_mem>> -> memref<!tpu.dma_semaphore, #tpu.memory_space<semaphore_mem>>
      tpu.wait_indirect_dma semaphore(%dma_wait3A_710 : memref<!tpu.dma_semaphore, #tpu.memory_space<semaphore_mem>>) src(%dma_wait3A_708 : memref<1000000x64xf32, #tpu.memory_space<hbm>>) dst(%dma_wait3A_702 : memref<96x64xf32, #tpu.memory_space<vmem>>)
      %add3A_711 = arith.constant 8 : i32
      %add3A_712 = arith.addi %add3A_680, %add3A_711 : i32
      %lt3A_713 = arith.constant 128 : i32
      %lt3A_714 = arith.cmpi slt, %add3A_712, %lt3A_713 : i32
      %convert_element_type3A_715 = arith.extui %lt3A_714 : i1 to i32
      %cond3A_716 = arith.constant 0 : i32
      %cond3A_717 = arith.cmpi ne, %convert_element_type3A_715, %cond3A_716 : i32
      scf.if %cond3A_717 {
        %add3A_1667 = arith.constant 8 : i32
        %add3A_1668 = arith.addi %add3A_680, %add3A_1667 : i32
        %add3A_1669 = arith.addi %mul3A_2, %add3A_1668 : i32
        %dma_start3A_1670 = arith.constant 2 : i32
        %dma_start3A_1671 = arith.constant 2 : i32
        %dma_start3A_1672 = arith.constant 0 : i32
        %dma_start3A_1673 = tpu.memref_slice %arg9[%dma_start3A_1670, %dma_start3A_1672] : memref<8x200xi32, #tpu.memory_space<vmem>> -> memref<1x200xi32, #tpu.memory_space<vmem>>
        %dma_start3A_1674 = tpu.memref_squeeze %dma_start3A_1673 : memref<1x200xi32, #tpu.memory_space<vmem>> -> memref<200xi32, #tpu.memory_space<vmem>>
        %dma_start3A_1675 = arith.constant 0 : i32
        %dma_start3A_1676 = tpu.memref_slice %arg3[%add3A_1669, %dma_start3A_1675] : memref<4096x200xi32, #tpu.memory_space<hbm>> -> memref<1x200xi32, #tpu.memory_space<hbm>>
        %dma_start3A_1677 = tpu.memref_squeeze %dma_start3A_1676 : memref<1x200xi32, #tpu.memory_space<hbm>> -> memref<200xi32, #tpu.memory_space<hbm>>
        %dma_start3A_1678 = tpu.memref_slice %arg15[%dma_start3A_1671] : memref<8x!tpu.dma_semaphore, #tpu.memory_space<semaphore_mem>> -> memref<1x!tpu.dma_semaphore, #tpu.memory_space<semaphore_mem>>
        %dma_start3A_1679 = tpu.memref_squeeze %dma_start3A_1678 : memref<1x!tpu.dma_semaphore, #tpu.memory_space<semaphore_mem>> -> memref<!tpu.dma_semaphore, #tpu.memory_space<semaphore_mem>>
        %dma_start3A_1680 = arith.constant 0 : i32
        %dma_start3A_1681 = tpu.memref_slice %arg9[%dma_start3A_1670, %dma_start3A_1680] : memref<8x200xi32, #tpu.memory_space<vmem>> -> memref<1x200xi32, #tpu.memory_space<vmem>>
        %dma_start3A_1682 = tpu.memref_squeeze %dma_start3A_1681 : memref<1x200xi32, #tpu.memory_space<vmem>> -> memref<200xi32, #tpu.memory_space<vmem>>
        %dma_start3A_1683 = arith.constant 0 : i32
        %dma_start3A_1684 = tpu.memref_slice %arg3[%add3A_1669, %dma_start3A_1683] : memref<4096x200xi32, #tpu.memory_space<hbm>> -> memref<1x200xi32, #tpu.memory_space<hbm>>
        %dma_start3A_1685 = tpu.memref_squeeze %dma_start3A_1684 : memref<1x200xi32, #tpu.memory_space<hbm>> -> memref<200xi32, #tpu.memory_space<hbm>>
        tpu.enqueue_dma source(%dma_start3A_1685 : memref<200xi32, #tpu.memory_space<hbm>>) target(%dma_start3A_1682 : memref<200xi32, #tpu.memory_space<vmem>>) target_semaphore(%dma_start3A_1679 : memref<!tpu.dma_semaphore, #tpu.memory_space<semaphore_mem>>)
      } else {
      }
      %broadcast_in_dim3A_718 = arith.constant 0.000000e+00 : f32
      %broadcast_in_dim3A_719 = vector.broadcast %broadcast_in_dim3A_718 : f32 to vector<16xf32>
      %broadcast_in_dim3A_720 = arith.constant 0.000000e+00 : f32
      %broadcast_in_dim3A_721 = vector.broadcast %broadcast_in_dim3A_720 : f32 to vector<16xf32>
      %broadcast_in_dim3A_722 = arith.constant 0.000000e+00 : f32
      %broadcast_in_dim3A_723 = vector.broadcast %broadcast_in_dim3A_722 : f32 to vector<16xf32>
      %broadcast_in_dim3A_724 = arith.constant 0.000000e+00 : f32
      %broadcast_in_dim3A_725 = vector.broadcast %broadcast_in_dim3A_724 : f32 to vector<16xf32>
      %scan3A_726 = arith.constant 0 : i32
      %scan3A_727 = arith.constant 50 : i32
      %scan3A_728 = arith.addi %scan3A_726, %scan3A_727 : i32
      %scan3A_729 = arith.constant 1 : i32
      %scan3A_730:4 = scf.for %scan3A_1667 = %scan3A_726 to %scan3A_728 step %scan3A_729 iter_args(%scan3A_1668 = %broadcast_in_dim3A_719, %scan3A_1669 = %broadcast_in_dim3A_721, %scan3A_1670 = %broadcast_in_dim3A_723, %scan3A_1671 = %broadcast_in_dim3A_725) -> (vector<16xf32>, vector<16xf32>, vector<16xf32>, vector<16xf32>)  : i32 {
        %mul3A_1672 = arith.constant 4 : i32
        %mul3A_1673 = arith.muli %scan3A_1667, %mul3A_1672 : i32
        %add3A_1674 = arith.constant 0 : i32
        %add3A_1675 = arith.addi %mul3A_1673, %add3A_1674 : i32
        %get3A_1676 = arith.constant 2 : i32
        %get3A_1677 = arith.index_cast %get3A_1676 : i32 to index
        %get3A_1678 = arith.index_cast %add3A_1675 : i32 to index
        %get3A_1679 = arith.constant 0 : index
        %get3A_1680 = tpu.vector_load %arg10[%get3A_1677, %get3A_1678, %get3A_1679] {strides = array<i32>} : memref<4x200x64xf32, #tpu.memory_space<vmem>>, vector<1x1x16xf32>,
        %get3A_1681 = vector.shape_cast %get3A_1680 : vector<1x1x16xf32> to vector<16xf32>
        %add3A_1682 = arith.addf %scan3A_1668, %get3A_1681 : vector<16xf32>
        %get3A_1683 = arith.constant 2 : i32
        %get3A_1684 = arith.index_cast %get3A_1683 : i32 to index
        %get3A_1685 = arith.index_cast %add3A_1675 : i32 to index
        %get3A_1686 = arith.constant 16 : index
        %get3A_1687 = tpu.vector_load %arg10[%get3A_1684, %get3A_1685, %get3A_1686] {strides = array<i32>} : memref<4x200x64xf32, #tpu.memory_space<vmem>>, vector<1x1x16xf32>,
        %get3A_1688 = vector.shape_cast %get3A_1687 : vector<1x1x16xf32> to vector<16xf32>
        %add3A_1689 = arith.addf %scan3A_1669, %get3A_1688 : vector<16xf32>
        %get3A_1690 = arith.constant 2 : i32
        %get3A_1691 = arith.index_cast %get3A_1690 : i32 to index
        %get3A_1692 = arith.index_cast %add3A_1675 : i32 to index
        %get3A_1693 = arith.constant 32 : index
        %get3A_1694 = tpu.vector_load %arg10[%get3A_1691, %get3A_1692, %get3A_1693] {strides = array<i32>} : memref<4x200x64xf32, #tpu.memory_space<vmem>>, vector<1x1x16xf32>,
        %get3A_1695 = vector.shape_cast %get3A_1694 : vector<1x1x16xf32> to vector<16xf32>
        %add3A_1696 = arith.addf %scan3A_1670, %get3A_1695 : vector<16xf32>
        %get3A_1697 = arith.constant 2 : i32
        %get3A_1698 = arith.index_cast %get3A_1697 : i32 to index
        %get3A_1699 = arith.index_cast %add3A_1675 : i32 to index
        %get3A_1700 = arith.constant 48 : index
        %get3A_1701 = tpu.vector_load %arg10[%get3A_1698, %get3A_1699, %get3A_1700] {strides = array<i32>} : memref<4x200x64xf32, #tpu.memory_space<vmem>>, vector<1x1x16xf32>,
        %get3A_1702 = vector.shape_cast %get3A_1701 : vector<1x1x16xf32> to vector<16xf32>
        %add3A_1703 = arith.addf %scan3A_1671, %get3A_1702 : vector<16xf32>
        %mul3A_1704 = arith.constant 4 : i32
        %mul3A_1705 = arith.muli %scan3A_1667, %mul3A_1704 : i32
        %add3A_1706 = arith.constant 1 : i32
        %add3A_1707 = arith.addi %mul3A_1705, %add3A_1706 : i32
        %get3A_1708 = arith.constant 2 : i32
        %get3A_1709 = arith.index_cast %get3A_1708 : i32 to index
        %get3A_1710 = arith.index_cast %add3A_1707 : i32 to index
        %get3A_1711 = arith.constant 0 : index
        %get3A_1712 = tpu.vector_load %arg10[%get3A_1709, %get3A_1710, %get3A_1711] {strides = array<i32>} : memref<4x200x64xf32, #tpu.memory_space<vmem>>, vector<1x1x16xf32>,
        %get3A_1713 = vector.shape_cast %get3A_1712 : vector<1x1x16xf32> to vector<16xf32>
        %add3A_1714 = arith.addf %add3A_1682, %get3A_1713 : vector<16xf32>
        %get3A_1715 = arith.constant 2 : i32
        %get3A_1716 = arith.index_cast %get3A_1715 : i32 to index
        %get3A_1717 = arith.index_cast %add3A_1707 : i32 to index
        %get3A_1718 = arith.constant 16 : index
        %get3A_1719 = tpu.vector_load %arg10[%get3A_1716, %get3A_1717, %get3A_1718] {strides = array<i32>} : memref<4x200x64xf32, #tpu.memory_space<vmem>>, vector<1x1x16xf32>,
        %get3A_1720 = vector.shape_cast %get3A_1719 : vector<1x1x16xf32> to vector<16xf32>
        %add3A_1721 = arith.addf %add3A_1689, %get3A_1720 : vector<16xf32>
        %get3A_1722 = arith.constant 2 : i32
        %get3A_1723 = arith.index_cast %get3A_1722 : i32 to index
        %get3A_1724 = arith.index_cast %add3A_1707 : i32 to index
        %get3A_1725 = arith.constant 32 : index
        %get3A_1726 = tpu.vector_load %arg10[%get3A_1723, %get3A_1724, %get3A_1725] {strides = array<i32>} : memref<4x200x64xf32, #tpu.memory_space<vmem>>, vector<1x1x16xf32>,
        %get3A_1727 = vector.shape_cast %get3A_1726 : vector<1x1x16xf32> to vector<16xf32>
        %add3A_1728 = arith.addf %add3A_1696, %get3A_1727 : vector<16xf32>
        %get3A_1729 = arith.constant 2 : i32
        %get3A_1730 = arith.index_cast %get3A_1729 : i32 to index
        %get3A_1731 = arith.index_cast %add3A_1707 : i32 to index
        %get3A_1732 = arith.constant 48 : index
        %get3A_1733 = tpu.vector_load %arg10[%get3A_1730, %get3A_1731, %get3A_1732] {strides = array<i32>} : memref<4x200x64xf32, #tpu.memory_space<vmem>>, vector<1x1x16xf32>,
        %get3A_1734 = vector.shape_cast %get3A_1733 : vector<1x1x16xf32> to vector<16xf32>
        %add3A_1735 = arith.addf %add3A_1703, %get3A_1734 : vector<16xf32>
        %mul3A_1736 = arith.constant 4 : i32
        %mul3A_1737 = arith.muli %scan3A_1667, %mul3A_1736 : i32
        %add3A_1738 = arith.constant 2 : i32
        %add3A_1739 = arith.addi %mul3A_1737, %add3A_1738 : i32
        %get3A_1740 = arith.constant 2 : i32
        %get3A_1741 = arith.index_cast %get3A_1740 : i32 to index
        %get3A_1742 = arith.index_cast %add3A_1739 : i32 to index
        %get3A_1743 = arith.constant 0 : index
        %get3A_1744 = tpu.vector_load %arg10[%get3A_1741, %get3A_1742, %get3A_1743] {strides = array<i32>} : memref<4x200x64xf32, #tpu.memory_space<vmem>>, vector<1x1x16xf32>,
        %get3A_1745 = vector.shape_cast %get3A_1744 : vector<1x1x16xf32> to vector<16xf32>
        %add3A_1746 = arith.addf %add3A_1714, %get3A_1745 : vector<16xf32>
        %get3A_1747 = arith.constant 2 : i32
        %get3A_1748 = arith.index_cast %get3A_1747 : i32 to index
        %get3A_1749 = arith.index_cast %add3A_1739 : i32 to index
        %get3A_1750 = arith.constant 16 : index
        %get3A_1751 = tpu.vector_load %arg10[%get3A_1748, %get3A_1749, %get3A_1750] {strides = array<i32>} : memref<4x200x64xf32, #tpu.memory_space<vmem>>, vector<1x1x16xf32>,
        %get3A_1752 = vector.shape_cast %get3A_1751 : vector<1x1x16xf32> to vector<16xf32>
        %add3A_1753 = arith.addf %add3A_1721, %get3A_1752 : vector<16xf32>
        %get3A_1754 = arith.constant 2 : i32
        %get3A_1755 = arith.index_cast %get3A_1754 : i32 to index
        %get3A_1756 = arith.index_cast %add3A_1739 : i32 to index
        %get3A_1757 = arith.constant 32 : index
        %get3A_1758 = tpu.vector_load %arg10[%get3A_1755, %get3A_1756, %get3A_1757] {strides = array<i32>} : memref<4x200x64xf32, #tpu.memory_space<vmem>>, vector<1x1x16xf32>,
        %get3A_1759 = vector.shape_cast %get3A_1758 : vector<1x1x16xf32> to vector<16xf32>
        %add3A_1760 = arith.addf %add3A_1728, %get3A_1759 : vector<16xf32>
        %get3A_1761 = arith.constant 2 : i32
        %get3A_1762 = arith.index_cast %get3A_1761 : i32 to index
        %get3A_1763 = arith.index_cast %add3A_1739 : i32 to index
        %get3A_1764 = arith.constant 48 : index
        %get3A_1765 = tpu.vector_load %arg10[%get3A_1762, %get3A_1763, %get3A_1764] {strides = array<i32>} : memref<4x200x64xf32, #tpu.memory_space<vmem>>, vector<1x1x16xf32>,
        %get3A_1766 = vector.shape_cast %get3A_1765 : vector<1x1x16xf32> to vector<16xf32>
        %add3A_1767 = arith.addf %add3A_1735, %get3A_1766 : vector<16xf32>
        %mul3A_1768 = arith.constant 4 : i32
        %mul3A_1769 = arith.muli %scan3A_1667, %mul3A_1768 : i32
        %add3A_1770 = arith.constant 3 : i32
        %add3A_1771 = arith.addi %mul3A_1769, %add3A_1770 : i32
        %get3A_1772 = arith.constant 2 : i32
        %get3A_1773 = arith.index_cast %get3A_1772 : i32 to index
        %get3A_1774 = arith.index_cast %add3A_1771 : i32 to index
        %get3A_1775 = arith.constant 0 : index
        %get3A_1776 = tpu.vector_load %arg10[%get3A_1773, %get3A_1774, %get3A_1775] {strides = array<i32>} : memref<4x200x64xf32, #tpu.memory_space<vmem>>, vector<1x1x16xf32>,
        %get3A_1777 = vector.shape_cast %get3A_1776 : vector<1x1x16xf32> to vector<16xf32>
        %add3A_1778 = arith.addf %add3A_1746, %get3A_1777 : vector<16xf32>
        %get3A_1779 = arith.constant 2 : i32
        %get3A_1780 = arith.index_cast %get3A_1779 : i32 to index
        %get3A_1781 = arith.index_cast %add3A_1771 : i32 to index
        %get3A_1782 = arith.constant 16 : index
        %get3A_1783 = tpu.vector_load %arg10[%get3A_1780, %get3A_1781, %get3A_1782] {strides = array<i32>} : memref<4x200x64xf32, #tpu.memory_space<vmem>>, vector<1x1x16xf32>,
        %get3A_1784 = vector.shape_cast %get3A_1783 : vector<1x1x16xf32> to vector<16xf32>
        %add3A_1785 = arith.addf %add3A_1753, %get3A_1784 : vector<16xf32>
        %get3A_1786 = arith.constant 2 : i32
        %get3A_1787 = arith.index_cast %get3A_1786 : i32 to index
        %get3A_1788 = arith.index_cast %add3A_1771 : i32 to index
        %get3A_1789 = arith.constant 32 : index
        %get3A_1790 = tpu.vector_load %arg10[%get3A_1787, %get3A_1788, %get3A_1789] {strides = array<i32>} : memref<4x200x64xf32, #tpu.memory_space<vmem>>, vector<1x1x16xf32>,
        %get3A_1791 = vector.shape_cast %get3A_1790 : vector<1x1x16xf32> to vector<16xf32>
        %add3A_1792 = arith.addf %add3A_1760, %get3A_1791 : vector<16xf32>
        %get3A_1793 = arith.constant 2 : i32
        %get3A_1794 = arith.index_cast %get3A_1793 : i32 to index
        %get3A_1795 = arith.index_cast %add3A_1771 : i32 to index
        %get3A_1796 = arith.constant 48 : index
        %get3A_1797 = tpu.vector_load %arg10[%get3A_1794, %get3A_1795, %get3A_1796] {strides = array<i32>} : memref<4x200x64xf32, #tpu.memory_space<vmem>>, vector<1x1x16xf32>,
        %get3A_1798 = vector.shape_cast %get3A_1797 : vector<1x1x16xf32> to vector<16xf32>
        %add3A_1799 = arith.addf %add3A_1767, %get3A_1798 : vector<16xf32>
        scf.yield %add3A_1778, %add3A_1785, %add3A_1792, %add3A_1799 : vector<16xf32>, vector<16xf32>, vector<16xf32>, vector<16xf32>
      }
      %scan3A_731 = arith.constant 50 : i32
      %get3A_732 = arith.index_cast %add3A_680 : i32 to index
      %get3A_733 = arith.constant 0 : index
      %get3A_734 = tpu.vector_load %arg11[%get3A_732, %get3A_733] {strides = array<i32>} : memref<128x64xf32, #tpu.memory_space<vmem>>, vector<1x16xf32>,
      %get3A_735 = vector.shape_cast %get3A_734 : vector<1x16xf32> to vector<16xf32>
      %mul3A_736 = arith.constant 5.000000e-03 : f32
      %mul3A_737 = vector.broadcast %mul3A_736 : f32 to vector<16xf32>
      %mul3A_738 = arith.mulf %scan3A_730#0, %mul3A_737 : vector<16xf32>
      %add3A_739 = arith.addf %get3A_735, %mul3A_738 : vector<16xf32>
      %swap3A_740 = arith.index_cast %add3A_680 : i32 to index
      %swap3A_741 = arith.constant 0 : index
      %swap3A_742 = tpu.vector_load %arg11[%swap3A_740, %swap3A_741] {strides = array<i32>} : memref<128x64xf32, #tpu.memory_space<vmem>>, vector<1x16xf32>,
      %swap3A_743 = vector.shape_cast %swap3A_742 : vector<1x16xf32> to vector<16xf32>
      %swap3A_744 = vector.shape_cast %add3A_739 : vector<16xf32> to vector<1x16xf32>
      tpu.vector_store %arg11[%swap3A_740, %swap3A_741], %swap3A_744 {strides = array<i32>} : memref<128x64xf32, #tpu.memory_space<vmem>>, vector<1x16xf32>,
      %mul3A_745 = arith.mulf %add3A_739, %get3A_338 : vector<16xf32>
      %get3A_746 = arith.index_cast %add3A_680 : i32 to index
      %get3A_747 = arith.constant 16 : index
      %get3A_748 = tpu.vector_load %arg11[%get3A_746, %get3A_747] {strides = array<i32>} : memref<128x64xf32, #tpu.memory_space<vmem>>, vector<1x16xf32>,
      %get3A_749 = vector.shape_cast %get3A_748 : vector<1x16xf32> to vector<16xf32>
      %mul3A_750 = arith.constant 5.000000e-03 : f32
      %mul3A_751 = vector.broadcast %mul3A_750 : f32 to vector<16xf32>
      %mul3A_752 = arith.mulf %scan3A_730#1, %mul3A_751 : vector<16xf32>
      %add3A_753 = arith.addf %get3A_749, %mul3A_752 : vector<16xf32>
      %swap3A_754 = arith.index_cast %add3A_680 : i32 to index
      %swap3A_755 = arith.constant 16 : index
      %swap3A_756 = tpu.vector_load %arg11[%swap3A_754, %swap3A_755] {strides = array<i32>} : memref<128x64xf32, #tpu.memory_space<vmem>>, vector<1x16xf32>,
      %swap3A_757 = vector.shape_cast %swap3A_756 : vector<1x16xf32> to vector<16xf32>
      %swap3A_758 = vector.shape_cast %add3A_753 : vector<16xf32> to vector<1x16xf32>
      tpu.vector_store %arg11[%swap3A_754, %swap3A_755], %swap3A_758 {strides = array<i32>} : memref<128x64xf32, #tpu.memory_space<vmem>>, vector<1x16xf32>,
      %mul3A_759 = arith.mulf %add3A_753, %get3A_341 : vector<16xf32>
      %add3A_760 = arith.addf %mul3A_745, %mul3A_759 : vector<16xf32>
      %get3A_761 = arith.index_cast %add3A_680 : i32 to index
      %get3A_762 = arith.constant 32 : index
      %get3A_763 = tpu.vector_load %arg11[%get3A_761, %get3A_762] {strides = array<i32>} : memref<128x64xf32, #tpu.memory_space<vmem>>, vector<1x16xf32>,
      %get3A_764 = vector.shape_cast %get3A_763 : vector<1x16xf32> to vector<16xf32>
      %mul3A_765 = arith.constant 5.000000e-03 : f32
      %mul3A_766 = vector.broadcast %mul3A_765 : f32 to vector<16xf32>
      %mul3A_767 = arith.mulf %scan3A_730#2, %mul3A_766 : vector<16xf32>
      %add3A_768 = arith.addf %get3A_764, %mul3A_767 : vector<16xf32>
      %swap3A_769 = arith.index_cast %add3A_680 : i32 to index
      %swap3A_770 = arith.constant 32 : index
      %swap3A_771 = tpu.vector_load %arg11[%swap3A_769, %swap3A_770] {strides = array<i32>} : memref<128x64xf32, #tpu.memory_space<vmem>>, vector<1x16xf32>,
      %swap3A_772 = vector.shape_cast %swap3A_771 : vector<1x16xf32> to vector<16xf32>
      %swap3A_773 = vector.shape_cast %add3A_768 : vector<16xf32> to vector<1x16xf32>
      tpu.vector_store %arg11[%swap3A_769, %swap3A_770], %swap3A_773 {strides = array<i32>} : memref<128x64xf32, #tpu.memory_space<vmem>>, vector<1x16xf32>,
      %mul3A_774 = arith.mulf %add3A_768, %get3A_344 : vector<16xf32>
      %add3A_775 = arith.addf %add3A_760, %mul3A_774 : vector<16xf32>
      %get3A_776 = arith.index_cast %add3A_680 : i32 to index
      %get3A_777 = arith.constant 48 : index
      %get3A_778 = tpu.vector_load %arg11[%get3A_776, %get3A_777] {strides = array<i32>} : memref<128x64xf32, #tpu.memory_space<vmem>>, vector<1x16xf32>,
      %get3A_779 = vector.shape_cast %get3A_778 : vector<1x16xf32> to vector<16xf32>
      %mul3A_780 = arith.constant 5.000000e-03 : f32
      %mul3A_781 = vector.broadcast %mul3A_780 : f32 to vector<16xf32>
      %mul3A_782 = arith.mulf %scan3A_730#3, %mul3A_781 : vector<16xf32>
      %add3A_783 = arith.addf %get3A_779, %mul3A_782 : vector<16xf32>
      %swap3A_784 = arith.index_cast %add3A_680 : i32 to index
      %swap3A_785 = arith.constant 48 : index
      %swap3A_786 = tpu.vector_load %arg11[%swap3A_784, %swap3A_785] {strides = array<i32>} : memref<128x64xf32, #tpu.memory_space<vmem>>, vector<1x16xf32>,
      %swap3A_787 = vector.shape_cast %swap3A_786 : vector<1x16xf32> to vector<16xf32>
      %swap3A_788 = vector.shape_cast %add3A_783 : vector<16xf32> to vector<1x16xf32>
      tpu.vector_store %arg11[%swap3A_784, %swap3A_785], %swap3A_788 {strides = array<i32>} : memref<128x64xf32, #tpu.memory_space<vmem>>, vector<1x16xf32>,
      %mul3A_789 = arith.mulf %add3A_783, %get3A_347 : vector<16xf32>
      %add3A_790 = arith.addf %add3A_775, %mul3A_789 : vector<16xf32>
      %xor3A_791 = arith.constant 8 : i32
      %xor3A_792 = vector.broadcast %xor3A_791 : i32 to vector<16xi32>
      %xor3A_793 = arith.xori %iota3A, %xor3A_792 : vector<16xi32>
      %broadcast_in_dim3A_794 = vector.shape_cast %xor3A_793 : vector<16xi32> to vector<16x1xi32>
      %gather3A_795 = vector.shape_cast %broadcast_in_dim3A_794 : vector<16x1xi32> to vector<16xi32>
      %gather3A_796 = tpu.dynamic_gather %add3A_790[%gather3A_795] in [0] : vector<16xf32>, vector<16xi32> -> vector<16xf32>
      %add3A_797 = arith.addf %add3A_790, %gather3A_796 : vector<16xf32>
      %xor3A_798 = arith.constant 4 : i32
      %xor3A_799 = vector.broadcast %xor3A_798 : i32 to vector<16xi32>
      %xor3A_800 = arith.xori %iota3A, %xor3A_799 : vector<16xi32>
      %broadcast_in_dim3A_801 = vector.shape_cast %xor3A_800 : vector<16xi32> to vector<16x1xi32>
      %gather3A_802 = vector.shape_cast %broadcast_in_dim3A_801 : vector<16x1xi32> to vector<16xi32>
      %gather3A_803 = tpu.dynamic_gather %add3A_797[%gather3A_802] in [0] : vector<16xf32>, vector<16xi32> -> vector<16xf32>
      %add3A_804 = arith.addf %add3A_797, %gather3A_803 : vector<16xf32>
      %xor3A_805 = arith.constant 2 : i32
      %xor3A_806 = vector.broadcast %xor3A_805 : i32 to vector<16xi32>
      %xor3A_807 = arith.xori %iota3A, %xor3A_806 : vector<16xi32>
      %broadcast_in_dim3A_808 = vector.shape_cast %xor3A_807 : vector<16xi32> to vector<16x1xi32>
      %gather3A_809 = vector.shape_cast %broadcast_in_dim3A_808 : vector<16x1xi32> to vector<16xi32>
      %gather3A_810 = tpu.dynamic_gather %add3A_804[%gather3A_809] in [0] : vector<16xf32>, vector<16xi32> -> vector<16xf32>
      %add3A_811 = arith.addf %add3A_804, %gather3A_810 : vector<16xf32>
      %xor3A_812 = arith.constant 1 : i32
      %xor3A_813 = vector.broadcast %xor3A_812 : i32 to vector<16xi32>
      %xor3A_814 = arith.xori %iota3A, %xor3A_813 : vector<16xi32>
      %broadcast_in_dim3A_815 = vector.shape_cast %xor3A_814 : vector<16xi32> to vector<16x1xi32>
      %gather3A_816 = vector.shape_cast %broadcast_in_dim3A_815 : vector<16x1xi32> to vector<16xi32>
      %gather3A_817 = tpu.dynamic_gather %add3A_811[%gather3A_816] in [0] : vector<16xf32>, vector<16xi32> -> vector<16xf32>
      %add3A_818 = arith.addf %add3A_811, %gather3A_817 : vector<16xf32>
      %add3A_819 = arith.addf %add3A_818, %get3A_350 : vector<16xf32>
      %neg3A_820 = arith.constant 0.000000e+00 : f32
      %neg3A_821 = vector.broadcast %neg3A_820 : f32 to vector<16xf32>
      %neg3A_822 = arith.subf %neg3A_821, %add3A_819 : vector<16xf32>
      %exp3A_823 = math.exp %neg3A_822 : vector<16xf32>
      %add3A_824 = arith.constant 1.000000e+00 : f32
      %add3A_825 = vector.broadcast %add3A_824 : f32 to vector<16xf32>
      %add3A_826 = arith.addf %add3A_825, %exp3A_823 : vector<16xf32>
      %div3A_827 = arith.constant 1.000000e+00 : f32
      %div3A_828 = vector.broadcast %div3A_827 : f32 to vector<16xf32>
      %div3A_829 = arith.divf %div3A_828, %add3A_826 : vector<16xf32>
      %swap3A_830 = arith.index_cast %add3A_680 : i32 to index
      %swap3A_831 = arith.constant 0 : index
      %swap3A_832 = tpu.vector_load %arg12[%swap3A_830, %swap3A_831] {strides = array<i32>} : memref<128x16xf32, #tpu.memory_space<vmem>>, vector<1x16xf32>,
      %swap3A_833 = vector.shape_cast %swap3A_832 : vector<1x16xf32> to vector<16xf32>
      %swap3A_834 = vector.shape_cast %div3A_829 : vector<16xf32> to vector<1x16xf32>
      tpu.vector_store %arg12[%swap3A_830, %swap3A_831], %swap3A_834 {strides = array<i32>} : memref<128x16xf32, #tpu.memory_space<vmem>>, vector<1x16xf32>,
      %add3A_835 = arith.constant 4 : i32
      %add3A_836 = arith.addi %add3A_680, %add3A_835 : i32
      %lt3A_837 = arith.constant 128 : i32
      %lt3A_838 = arith.cmpi slt, %add3A_836, %lt3A_837 : i32
      %convert_element_type3A_839 = arith.extui %lt3A_838 : i1 to i32
      %cond3A_840 = arith.constant 0 : i32
      %cond3A_841 = arith.cmpi ne, %convert_element_type3A_839, %cond3A_840 : i32
      scf.if %cond3A_841 {
        %add3A_1667 = arith.constant 4 : i32
        %add3A_1668 = arith.addi %add3A_680, %add3A_1667 : i32
        %add3A_1669 = arith.addi %mul3A_2, %add3A_1668 : i32
        %dma_wait3A_1670 = arith.constant 6 : i32
        %dma_wait3A_1671 = arith.constant 6 : i32
        %dma_wait3A_1672 = arith.constant 0 : i32
        %dma_wait3A_1673 = tpu.memref_slice %arg9[%dma_wait3A_1670, %dma_wait3A_1672] : memref<8x200xi32, #tpu.memory_space<vmem>> -> memref<1x200xi32, #tpu.memory_space<vmem>>
        %dma_wait3A_1674 = tpu.memref_squeeze %dma_wait3A_1673 : memref<1x200xi32, #tpu.memory_space<vmem>> -> memref<200xi32, #tpu.memory_space<vmem>>
        %dma_wait3A_1675 = arith.constant 0 : i32
        %dma_wait3A_1676 = tpu.memref_slice %arg3[%add3A_1669, %dma_wait3A_1675] : memref<4096x200xi32, #tpu.memory_space<hbm>> -> memref<1x200xi32, #tpu.memory_space<hbm>>
        %dma_wait3A_1677 = tpu.memref_squeeze %dma_wait3A_1676 : memref<1x200xi32, #tpu.memory_space<hbm>> -> memref<200xi32, #tpu.memory_space<hbm>>
        %dma_wait3A_1678 = tpu.memref_slice %arg15[%dma_wait3A_1671] : memref<8x!tpu.dma_semaphore, #tpu.memory_space<semaphore_mem>> -> memref<1x!tpu.dma_semaphore, #tpu.memory_space<semaphore_mem>>
        %dma_wait3A_1679 = tpu.memref_squeeze %dma_wait3A_1678 : memref<1x!tpu.dma_semaphore, #tpu.memory_space<semaphore_mem>> -> memref<!tpu.dma_semaphore, #tpu.memory_space<semaphore_mem>>
        %dma_wait3A_1680 = arith.constant 0 : i32
        %dma_wait3A_1681 = tpu.memref_slice %arg9[%dma_wait3A_1670, %dma_wait3A_1680] : memref<8x200xi32, #tpu.memory_space<vmem>> -> memref<1x200xi32, #tpu.memory_space<vmem>>
        %dma_wait3A_1682 = tpu.memref_squeeze %dma_wait3A_1681 : memref<1x200xi32, #tpu.memory_space<vmem>> -> memref<200xi32, #tpu.memory_space<vmem>>
        %dma_wait3A_1683 = arith.constant 0 : i32
        %dma_wait3A_1684 = tpu.memref_slice %arg3[%add3A_1669, %dma_wait3A_1683] : memref<4096x200xi32, #tpu.memory_space<hbm>> -> memref<1x200xi32, #tpu.memory_space<hbm>>
        %dma_wait3A_1685 = tpu.memref_squeeze %dma_wait3A_1684 : memref<1x200xi32, #tpu.memory_space<hbm>> -> memref<200xi32, #tpu.memory_space<hbm>>
        tpu.wait_dma2 semaphore(%dma_wait3A_1679 : memref<!tpu.dma_semaphore, #tpu.memory_space<semaphore_mem>>) src(%dma_wait3A_1685 : memref<200xi32, #tpu.memory_space<hbm>>) dst(%dma_wait3A_1682 : memref<200xi32, #tpu.memory_space<vmem>>)
        %dma_start3A_1686 = arith.constant 6 : i32
        %dma_start3A_1687 = arith.constant 2 : i32
        %dma_start3A_1688 = arith.constant 2 : i32
        %dma_start3A_1689 = arith.constant 0 : i32
        %dma_start3A_1690 = arith.constant 0 : i32
        %dma_start3A_1691 = tpu.memref_slice %arg10[%dma_start3A_1687, %dma_start3A_1689, %dma_start3A_1690] : memref<4x200x64xf32, #tpu.memory_space<vmem>> -> memref<1x104x64xf32, #tpu.memory_space<vmem>>
        %dma_start3A_1692 = tpu.memref_squeeze %dma_start3A_1691 : memref<1x104x64xf32, #tpu.memory_space<vmem>> -> memref<104x64xf32, #tpu.memory_space<vmem>>
        %dma_start3A_1693 = arith.constant 0 : i32
        %dma_start3A_1694 = tpu.memref_slice %arg9[%dma_start3A_1686, %dma_start3A_1693] : memref<8x200xi32, #tpu.memory_space<vmem>> -> memref<1x104xi32, #tpu.memory_space<vmem>>
        %dma_start3A_1695 = tpu.memref_squeeze %dma_start3A_1694 : memref<1x104xi32, #tpu.memory_space<vmem>> -> memref<104xi32, #tpu.memory_space<vmem>>
        %dma_start3A_1696 = arith.constant 0 : i32
        %dma_start3A_1697 = arith.constant 0 : i32
        %dma_start3A_1698 = tpu.memref_slice %arg4[%dma_start3A_1696, %dma_start3A_1697] : memref<1000000x64xf32, #tpu.memory_space<hbm>> -> memref<1000000x64xf32, #tpu.memory_space<hbm>>
        %dma_start3A_1699 = tpu.memref_slice %arg16[%dma_start3A_1688] : memref<4x!tpu.dma_semaphore, #tpu.memory_space<semaphore_mem>> -> memref<1x!tpu.dma_semaphore, #tpu.memory_space<semaphore_mem>>
        %dma_start3A_1700 = tpu.memref_squeeze %dma_start3A_1699 : memref<1x!tpu.dma_semaphore, #tpu.memory_space<semaphore_mem>> -> memref<!tpu.dma_semaphore, #tpu.memory_space<semaphore_mem>>
        tpu.enqueue_indirect_dma source(%dma_start3A_1698 : memref<1000000x64xf32, #tpu.memory_space<hbm>>) target(%dma_start3A_1692 : memref<104x64xf32, #tpu.memory_space<vmem>>) offsets(%dma_start3A_1695 : memref<104xi32, #tpu.memory_space<vmem>>) semaphore(%dma_start3A_1700 : memref<!tpu.dma_semaphore, #tpu.memory_space<semaphore_mem>>)
        %dma_start3A_1701 = arith.constant 6 : i32
        %dma_start3A_1702 = arith.constant 2 : i32
        %dma_start3A_1703 = arith.constant 2 : i32
        %dma_start3A_1704 = arith.constant 104 : i32
        %dma_start3A_1705 = arith.constant 0 : i32
        %dma_start3A_1706 = tpu.memref_slice %arg10[%dma_start3A_1702, %dma_start3A_1704, %dma_start3A_1705] : memref<4x200x64xf32, #tpu.memory_space<vmem>> -> memref<1x96x64xf32, #tpu.memory_space<vmem>>
        %dma_start3A_1707 = tpu.memref_squeeze %dma_start3A_1706 : memref<1x96x64xf32, #tpu.memory_space<vmem>> -> memref<96x64xf32, #tpu.memory_space<vmem>>
        %dma_start3A_1708 = arith.constant 104 : i32
        %dma_start3A_1709 = tpu.memref_slice %arg9[%dma_start3A_1701, %dma_start3A_1708] : memref<8x200xi32, #tpu.memory_space<vmem>> -> memref<1x96xi32, #tpu.memory_space<vmem>>
        %dma_start3A_1710 = tpu.memref_squeeze %dma_start3A_1709 : memref<1x96xi32, #tpu.memory_space<vmem>> -> memref<96xi32, #tpu.memory_space<vmem>>
        %dma_start3A_1711 = arith.constant 0 : i32
        %dma_start3A_1712 = arith.constant 0 : i32
        %dma_start3A_1713 = tpu.memref_slice %arg4[%dma_start3A_1711, %dma_start3A_1712] : memref<1000000x64xf32, #tpu.memory_space<hbm>> -> memref<1000000x64xf32, #tpu.memory_space<hbm>>
        %dma_start3A_1714 = tpu.memref_slice %arg16[%dma_start3A_1703] : memref<4x!tpu.dma_semaphore, #tpu.memory_space<semaphore_mem>> -> memref<1x!tpu.dma_semaphore, #tpu.memory_space<semaphore_mem>>
        %dma_start3A_1715 = tpu.memref_squeeze %dma_start3A_1714 : memref<1x!tpu.dma_semaphore, #tpu.memory_space<semaphore_mem>> -> memref<!tpu.dma_semaphore, #tpu.memory_space<semaphore_mem>>
        tpu.enqueue_indirect_dma source(%dma_start3A_1713 : memref<1000000x64xf32, #tpu.memory_space<hbm>>) target(%dma_start3A_1707 : memref<96x64xf32, #tpu.memory_space<vmem>>) offsets(%dma_start3A_1710 : memref<96xi32, #tpu.memory_space<vmem>>) semaphore(%dma_start3A_1715 : memref<!tpu.dma_semaphore, #tpu.memory_space<semaphore_mem>>)
      } else {
      }
      %mul3A_842 = arith.constant 8 : i32
      %mul3A_843 = arith.muli %mul3A_842, %scan3A_356 : i32
      %add3A_844 = arith.constant 3 : i32
      %add3A_845 = arith.addi %mul3A_843, %add3A_844 : i32
      %dma_wait3A_846 = arith.constant 3 : i32
      %dma_wait3A_847 = arith.constant 3 : i32
      %dma_wait3A_848 = arith.constant 3 : i32
      %dma_wait3A_849 = arith.constant 0 : i32
      %dma_wait3A_850 = arith.constant 0 : i32
      %dma_wait3A_851 = tpu.memref_slice %arg10[%dma_wait3A_847, %dma_wait3A_849, %dma_wait3A_850] : memref<4x200x64xf32, #tpu.memory_space<vmem>> -> memref<1x104x64xf32, #tpu.memory_space<vmem>>
      %dma_wait3A_852 = tpu.memref_squeeze %dma_wait3A_851 : memref<1x104x64xf32, #tpu.memory_space<vmem>> -> memref<104x64xf32, #tpu.memory_space<vmem>>
      %dma_wait3A_853 = arith.constant 0 : i32
      %dma_wait3A_854 = tpu.memref_slice %arg9[%dma_wait3A_846, %dma_wait3A_853] : memref<8x200xi32, #tpu.memory_space<vmem>> -> memref<1x104xi32, #tpu.memory_space<vmem>>
      %dma_wait3A_855 = tpu.memref_squeeze %dma_wait3A_854 : memref<1x104xi32, #tpu.memory_space<vmem>> -> memref<104xi32, #tpu.memory_space<vmem>>
      %dma_wait3A_856 = arith.constant 0 : i32
      %dma_wait3A_857 = arith.constant 0 : i32
      %dma_wait3A_858 = tpu.memref_slice %arg4[%dma_wait3A_856, %dma_wait3A_857] : memref<1000000x64xf32, #tpu.memory_space<hbm>> -> memref<1000000x64xf32, #tpu.memory_space<hbm>>
      %dma_wait3A_859 = tpu.memref_slice %arg16[%dma_wait3A_848] : memref<4x!tpu.dma_semaphore, #tpu.memory_space<semaphore_mem>> -> memref<1x!tpu.dma_semaphore, #tpu.memory_space<semaphore_mem>>
      %dma_wait3A_860 = tpu.memref_squeeze %dma_wait3A_859 : memref<1x!tpu.dma_semaphore, #tpu.memory_space<semaphore_mem>> -> memref<!tpu.dma_semaphore, #tpu.memory_space<semaphore_mem>>
      tpu.wait_indirect_dma semaphore(%dma_wait3A_860 : memref<!tpu.dma_semaphore, #tpu.memory_space<semaphore_mem>>) src(%dma_wait3A_858 : memref<1000000x64xf32, #tpu.memory_space<hbm>>) dst(%dma_wait3A_852 : memref<104x64xf32, #tpu.memory_space<vmem>>)
      %dma_wait3A_861 = arith.constant 3 : i32
      %dma_wait3A_862 = arith.constant 3 : i32
      %dma_wait3A_863 = arith.constant 3 : i32
      %dma_wait3A_864 = arith.constant 104 : i32
      %dma_wait3A_865 = arith.constant 0 : i32
      %dma_wait3A_866 = tpu.memref_slice %arg10[%dma_wait3A_862, %dma_wait3A_864, %dma_wait3A_865] : memref<4x200x64xf32, #tpu.memory_space<vmem>> -> memref<1x96x64xf32, #tpu.memory_space<vmem>>
      %dma_wait3A_867 = tpu.memref_squeeze %dma_wait3A_866 : memref<1x96x64xf32, #tpu.memory_space<vmem>> -> memref<96x64xf32, #tpu.memory_space<vmem>>
      %dma_wait3A_868 = arith.constant 104 : i32
      %dma_wait3A_869 = tpu.memref_slice %arg9[%dma_wait3A_861, %dma_wait3A_868] : memref<8x200xi32, #tpu.memory_space<vmem>> -> memref<1x96xi32, #tpu.memory_space<vmem>>
      %dma_wait3A_870 = tpu.memref_squeeze %dma_wait3A_869 : memref<1x96xi32, #tpu.memory_space<vmem>> -> memref<96xi32, #tpu.memory_space<vmem>>
      %dma_wait3A_871 = arith.constant 0 : i32
      %dma_wait3A_872 = arith.constant 0 : i32
      %dma_wait3A_873 = tpu.memref_slice %arg4[%dma_wait3A_871, %dma_wait3A_872] : memref<1000000x64xf32, #tpu.memory_space<hbm>> -> memref<1000000x64xf32, #tpu.memory_space<hbm>>
      %dma_wait3A_874 = tpu.memref_slice %arg16[%dma_wait3A_863] : memref<4x!tpu.dma_semaphore, #tpu.memory_space<semaphore_mem>> -> memref<1x!tpu.dma_semaphore, #tpu.memory_space<semaphore_mem>>
      %dma_wait3A_875 = tpu.memref_squeeze %dma_wait3A_874 : memref<1x!tpu.dma_semaphore, #tpu.memory_space<semaphore_mem>> -> memref<!tpu.dma_semaphore, #tpu.memory_space<semaphore_mem>>
      tpu.wait_indirect_dma semaphore(%dma_wait3A_875 : memref<!tpu.dma_semaphore, #tpu.memory_space<semaphore_mem>>) src(%dma_wait3A_873 : memref<1000000x64xf32, #tpu.memory_space<hbm>>) dst(%dma_wait3A_867 : memref<96x64xf32, #tpu.memory_space<vmem>>)
      %add3A_876 = arith.constant 8 : i32
      %add3A_877 = arith.addi %add3A_845, %add3A_876 : i32
      %lt3A_878 = arith.constant 128 : i32
      %lt3A_879 = arith.cmpi slt, %add3A_877, %lt3A_878 : i32
      %convert_element_type3A_880 = arith.extui %lt3A_879 : i1 to i32
      %cond3A_881 = arith.constant 0 : i32
      %cond3A_882 = arith.cmpi ne, %convert_element_type3A_880, %cond3A_881 : i32
      scf.if %cond3A_882 {
        %add3A_1667 = arith.constant 8 : i32
        %add3A_1668 = arith.addi %add3A_845, %add3A_1667 : i32
        %add3A_1669 = arith.addi %mul3A_2, %add3A_1668 : i32
        %dma_start3A_1670 = arith.constant 3 : i32
        %dma_start3A_1671 = arith.constant 3 : i32
        %dma_start3A_1672 = arith.constant 0 : i32
        %dma_start3A_1673 = tpu.memref_slice %arg9[%dma_start3A_1670, %dma_start3A_1672] : memref<8x200xi32, #tpu.memory_space<vmem>> -> memref<1x200xi32, #tpu.memory_space<vmem>>
        %dma_start3A_1674 = tpu.memref_squeeze %dma_start3A_1673 : memref<1x200xi32, #tpu.memory_space<vmem>> -> memref<200xi32, #tpu.memory_space<vmem>>
        %dma_start3A_1675 = arith.constant 0 : i32
        %dma_start3A_1676 = tpu.memref_slice %arg3[%add3A_1669, %dma_start3A_1675] : memref<4096x200xi32, #tpu.memory_space<hbm>> -> memref<1x200xi32, #tpu.memory_space<hbm>>
        %dma_start3A_1677 = tpu.memref_squeeze %dma_start3A_1676 : memref<1x200xi32, #tpu.memory_space<hbm>> -> memref<200xi32, #tpu.memory_space<hbm>>
        %dma_start3A_1678 = tpu.memref_slice %arg15[%dma_start3A_1671] : memref<8x!tpu.dma_semaphore, #tpu.memory_space<semaphore_mem>> -> memref<1x!tpu.dma_semaphore, #tpu.memory_space<semaphore_mem>>
        %dma_start3A_1679 = tpu.memref_squeeze %dma_start3A_1678 : memref<1x!tpu.dma_semaphore, #tpu.memory_space<semaphore_mem>> -> memref<!tpu.dma_semaphore, #tpu.memory_space<semaphore_mem>>
        %dma_start3A_1680 = arith.constant 0 : i32
        %dma_start3A_1681 = tpu.memref_slice %arg9[%dma_start3A_1670, %dma_start3A_1680] : memref<8x200xi32, #tpu.memory_space<vmem>> -> memref<1x200xi32, #tpu.memory_space<vmem>>
        %dma_start3A_1682 = tpu.memref_squeeze %dma_start3A_1681 : memref<1x200xi32, #tpu.memory_space<vmem>> -> memref<200xi32, #tpu.memory_space<vmem>>
        %dma_start3A_1683 = arith.constant 0 : i32
        %dma_start3A_1684 = tpu.memref_slice %arg3[%add3A_1669, %dma_start3A_1683] : memref<4096x200xi32, #tpu.memory_space<hbm>> -> memref<1x200xi32, #tpu.memory_space<hbm>>
        %dma_start3A_1685 = tpu.memref_squeeze %dma_start3A_1684 : memref<1x200xi32, #tpu.memory_space<hbm>> -> memref<200xi32, #tpu.memory_space<hbm>>
        tpu.enqueue_dma source(%dma_start3A_1685 : memref<200xi32, #tpu.memory_space<hbm>>) target(%dma_start3A_1682 : memref<200xi32, #tpu.memory_space<vmem>>) target_semaphore(%dma_start3A_1679 : memref<!tpu.dma_semaphore, #tpu.memory_space<semaphore_mem>>)
      } else {
      }
      %broadcast_in_dim3A_883 = arith.constant 0.000000e+00 : f32
      %broadcast_in_dim3A_884 = vector.broadcast %broadcast_in_dim3A_883 : f32 to vector<16xf32>
      %broadcast_in_dim3A_885 = arith.constant 0.000000e+00 : f32
      %broadcast_in_dim3A_886 = vector.broadcast %broadcast_in_dim3A_885 : f32 to vector<16xf32>
      %broadcast_in_dim3A_887 = arith.constant 0.000000e+00 : f32
      %broadcast_in_dim3A_888 = vector.broadcast %broadcast_in_dim3A_887 : f32 to vector<16xf32>
      %broadcast_in_dim3A_889 = arith.constant 0.000000e+00 : f32
      %broadcast_in_dim3A_890 = vector.broadcast %broadcast_in_dim3A_889 : f32 to vector<16xf32>
      %scan3A_891 = arith.constant 0 : i32
      %scan3A_892 = arith.constant 50 : i32
      %scan3A_893 = arith.addi %scan3A_891, %scan3A_892 : i32
      %scan3A_894 = arith.constant 1 : i32
      %scan3A_895:4 = scf.for %scan3A_1667 = %scan3A_891 to %scan3A_893 step %scan3A_894 iter_args(%scan3A_1668 = %broadcast_in_dim3A_884, %scan3A_1669 = %broadcast_in_dim3A_886, %scan3A_1670 = %broadcast_in_dim3A_888, %scan3A_1671 = %broadcast_in_dim3A_890) -> (vector<16xf32>, vector<16xf32>, vector<16xf32>, vector<16xf32>)  : i32 {
        %mul3A_1672 = arith.constant 4 : i32
        %mul3A_1673 = arith.muli %scan3A_1667, %mul3A_1672 : i32
        %add3A_1674 = arith.constant 0 : i32
        %add3A_1675 = arith.addi %mul3A_1673, %add3A_1674 : i32
        %get3A_1676 = arith.constant 3 : i32
        %get3A_1677 = arith.index_cast %get3A_1676 : i32 to index
        %get3A_1678 = arith.index_cast %add3A_1675 : i32 to index
        %get3A_1679 = arith.constant 0 : index
        %get3A_1680 = tpu.vector_load %arg10[%get3A_1677, %get3A_1678, %get3A_1679] {strides = array<i32>} : memref<4x200x64xf32, #tpu.memory_space<vmem>>, vector<1x1x16xf32>,
        %get3A_1681 = vector.shape_cast %get3A_1680 : vector<1x1x16xf32> to vector<16xf32>
        %add3A_1682 = arith.addf %scan3A_1668, %get3A_1681 : vector<16xf32>
        %get3A_1683 = arith.constant 3 : i32
        %get3A_1684 = arith.index_cast %get3A_1683 : i32 to index
        %get3A_1685 = arith.index_cast %add3A_1675 : i32 to index
        %get3A_1686 = arith.constant 16 : index
        %get3A_1687 = tpu.vector_load %arg10[%get3A_1684, %get3A_1685, %get3A_1686] {strides = array<i32>} : memref<4x200x64xf32, #tpu.memory_space<vmem>>, vector<1x1x16xf32>,
        %get3A_1688 = vector.shape_cast %get3A_1687 : vector<1x1x16xf32> to vector<16xf32>
        %add3A_1689 = arith.addf %scan3A_1669, %get3A_1688 : vector<16xf32>
        %get3A_1690 = arith.constant 3 : i32
        %get3A_1691 = arith.index_cast %get3A_1690 : i32 to index
        %get3A_1692 = arith.index_cast %add3A_1675 : i32 to index
        %get3A_1693 = arith.constant 32 : index
        %get3A_1694 = tpu.vector_load %arg10[%get3A_1691, %get3A_1692, %get3A_1693] {strides = array<i32>} : memref<4x200x64xf32, #tpu.memory_space<vmem>>, vector<1x1x16xf32>,
        %get3A_1695 = vector.shape_cast %get3A_1694 : vector<1x1x16xf32> to vector<16xf32>
        %add3A_1696 = arith.addf %scan3A_1670, %get3A_1695 : vector<16xf32>
        %get3A_1697 = arith.constant 3 : i32
        %get3A_1698 = arith.index_cast %get3A_1697 : i32 to index
        %get3A_1699 = arith.index_cast %add3A_1675 : i32 to index
        %get3A_1700 = arith.constant 48 : index
        %get3A_1701 = tpu.vector_load %arg10[%get3A_1698, %get3A_1699, %get3A_1700] {strides = array<i32>} : memref<4x200x64xf32, #tpu.memory_space<vmem>>, vector<1x1x16xf32>,
        %get3A_1702 = vector.shape_cast %get3A_1701 : vector<1x1x16xf32> to vector<16xf32>
        %add3A_1703 = arith.addf %scan3A_1671, %get3A_1702 : vector<16xf32>
        %mul3A_1704 = arith.constant 4 : i32
        %mul3A_1705 = arith.muli %scan3A_1667, %mul3A_1704 : i32
        %add3A_1706 = arith.constant 1 : i32
        %add3A_1707 = arith.addi %mul3A_1705, %add3A_1706 : i32
        %get3A_1708 = arith.constant 3 : i32
        %get3A_1709 = arith.index_cast %get3A_1708 : i32 to index
        %get3A_1710 = arith.index_cast %add3A_1707 : i32 to index
        %get3A_1711 = arith.constant 0 : index
        %get3A_1712 = tpu.vector_load %arg10[%get3A_1709, %get3A_1710, %get3A_1711] {strides = array<i32>} : memref<4x200x64xf32, #tpu.memory_space<vmem>>, vector<1x1x16xf32>,
        %get3A_1713 = vector.shape_cast %get3A_1712 : vector<1x1x16xf32> to vector<16xf32>
        %add3A_1714 = arith.addf %add3A_1682, %get3A_1713 : vector<16xf32>
        %get3A_1715 = arith.constant 3 : i32
        %get3A_1716 = arith.index_cast %get3A_1715 : i32 to index
        %get3A_1717 = arith.index_cast %add3A_1707 : i32 to index
        %get3A_1718 = arith.constant 16 : index
        %get3A_1719 = tpu.vector_load %arg10[%get3A_1716, %get3A_1717, %get3A_1718] {strides = array<i32>} : memref<4x200x64xf32, #tpu.memory_space<vmem>>, vector<1x1x16xf32>,
        %get3A_1720 = vector.shape_cast %get3A_1719 : vector<1x1x16xf32> to vector<16xf32>
        %add3A_1721 = arith.addf %add3A_1689, %get3A_1720 : vector<16xf32>
        %get3A_1722 = arith.constant 3 : i32
        %get3A_1723 = arith.index_cast %get3A_1722 : i32 to index
        %get3A_1724 = arith.index_cast %add3A_1707 : i32 to index
        %get3A_1725 = arith.constant 32 : index
        %get3A_1726 = tpu.vector_load %arg10[%get3A_1723, %get3A_1724, %get3A_1725] {strides = array<i32>} : memref<4x200x64xf32, #tpu.memory_space<vmem>>, vector<1x1x16xf32>,
        %get3A_1727 = vector.shape_cast %get3A_1726 : vector<1x1x16xf32> to vector<16xf32>
        %add3A_1728 = arith.addf %add3A_1696, %get3A_1727 : vector<16xf32>
        %get3A_1729 = arith.constant 3 : i32
        %get3A_1730 = arith.index_cast %get3A_1729 : i32 to index
        %get3A_1731 = arith.index_cast %add3A_1707 : i32 to index
        %get3A_1732 = arith.constant 48 : index
        %get3A_1733 = tpu.vector_load %arg10[%get3A_1730, %get3A_1731, %get3A_1732] {strides = array<i32>} : memref<4x200x64xf32, #tpu.memory_space<vmem>>, vector<1x1x16xf32>,
        %get3A_1734 = vector.shape_cast %get3A_1733 : vector<1x1x16xf32> to vector<16xf32>
        %add3A_1735 = arith.addf %add3A_1703, %get3A_1734 : vector<16xf32>
        %mul3A_1736 = arith.constant 4 : i32
        %mul3A_1737 = arith.muli %scan3A_1667, %mul3A_1736 : i32
        %add3A_1738 = arith.constant 2 : i32
        %add3A_1739 = arith.addi %mul3A_1737, %add3A_1738 : i32
        %get3A_1740 = arith.constant 3 : i32
        %get3A_1741 = arith.index_cast %get3A_1740 : i32 to index
        %get3A_1742 = arith.index_cast %add3A_1739 : i32 to index
        %get3A_1743 = arith.constant 0 : index
        %get3A_1744 = tpu.vector_load %arg10[%get3A_1741, %get3A_1742, %get3A_1743] {strides = array<i32>} : memref<4x200x64xf32, #tpu.memory_space<vmem>>, vector<1x1x16xf32>,
        %get3A_1745 = vector.shape_cast %get3A_1744 : vector<1x1x16xf32> to vector<16xf32>
        %add3A_1746 = arith.addf %add3A_1714, %get3A_1745 : vector<16xf32>
        %get3A_1747 = arith.constant 3 : i32
        %get3A_1748 = arith.index_cast %get3A_1747 : i32 to index
        %get3A_1749 = arith.index_cast %add3A_1739 : i32 to index
        %get3A_1750 = arith.constant 16 : index
        %get3A_1751 = tpu.vector_load %arg10[%get3A_1748, %get3A_1749, %get3A_1750] {strides = array<i32>} : memref<4x200x64xf32, #tpu.memory_space<vmem>>, vector<1x1x16xf32>,
        %get3A_1752 = vector.shape_cast %get3A_1751 : vector<1x1x16xf32> to vector<16xf32>
        %add3A_1753 = arith.addf %add3A_1721, %get3A_1752 : vector<16xf32>
        %get3A_1754 = arith.constant 3 : i32
        %get3A_1755 = arith.index_cast %get3A_1754 : i32 to index
        %get3A_1756 = arith.index_cast %add3A_1739 : i32 to index
        %get3A_1757 = arith.constant 32 : index
        %get3A_1758 = tpu.vector_load %arg10[%get3A_1755, %get3A_1756, %get3A_1757] {strides = array<i32>} : memref<4x200x64xf32, #tpu.memory_space<vmem>>, vector<1x1x16xf32>,
        %get3A_1759 = vector.shape_cast %get3A_1758 : vector<1x1x16xf32> to vector<16xf32>
        %add3A_1760 = arith.addf %add3A_1728, %get3A_1759 : vector<16xf32>
        %get3A_1761 = arith.constant 3 : i32
        %get3A_1762 = arith.index_cast %get3A_1761 : i32 to index
        %get3A_1763 = arith.index_cast %add3A_1739 : i32 to index
        %get3A_1764 = arith.constant 48 : index
        %get3A_1765 = tpu.vector_load %arg10[%get3A_1762, %get3A_1763, %get3A_1764] {strides = array<i32>} : memref<4x200x64xf32, #tpu.memory_space<vmem>>, vector<1x1x16xf32>,
        %get3A_1766 = vector.shape_cast %get3A_1765 : vector<1x1x16xf32> to vector<16xf32>
        %add3A_1767 = arith.addf %add3A_1735, %get3A_1766 : vector<16xf32>
        %mul3A_1768 = arith.constant 4 : i32
        %mul3A_1769 = arith.muli %scan3A_1667, %mul3A_1768 : i32
        %add3A_1770 = arith.constant 3 : i32
        %add3A_1771 = arith.addi %mul3A_1769, %add3A_1770 : i32
        %get3A_1772 = arith.constant 3 : i32
        %get3A_1773 = arith.index_cast %get3A_1772 : i32 to index
        %get3A_1774 = arith.index_cast %add3A_1771 : i32 to index
        %get3A_1775 = arith.constant 0 : index
        %get3A_1776 = tpu.vector_load %arg10[%get3A_1773, %get3A_1774, %get3A_1775] {strides = array<i32>} : memref<4x200x64xf32, #tpu.memory_space<vmem>>, vector<1x1x16xf32>,
        %get3A_1777 = vector.shape_cast %get3A_1776 : vector<1x1x16xf32> to vector<16xf32>
        %add3A_1778 = arith.addf %add3A_1746, %get3A_1777 : vector<16xf32>
        %get3A_1779 = arith.constant 3 : i32
        %get3A_1780 = arith.index_cast %get3A_1779 : i32 to index
        %get3A_1781 = arith.index_cast %add3A_1771 : i32 to index
        %get3A_1782 = arith.constant 16 : index
        %get3A_1783 = tpu.vector_load %arg10[%get3A_1780, %get3A_1781, %get3A_1782] {strides = array<i32>} : memref<4x200x64xf32, #tpu.memory_space<vmem>>, vector<1x1x16xf32>,
        %get3A_1784 = vector.shape_cast %get3A_1783 : vector<1x1x16xf32> to vector<16xf32>
        %add3A_1785 = arith.addf %add3A_1753, %get3A_1784 : vector<16xf32>
        %get3A_1786 = arith.constant 3 : i32
        %get3A_1787 = arith.index_cast %get3A_1786 : i32 to index
        %get3A_1788 = arith.index_cast %add3A_1771 : i32 to index
        %get3A_1789 = arith.constant 32 : index
        %get3A_1790 = tpu.vector_load %arg10[%get3A_1787, %get3A_1788, %get3A_1789] {strides = array<i32>} : memref<4x200x64xf32, #tpu.memory_space<vmem>>, vector<1x1x16xf32>,
        %get3A_1791 = vector.shape_cast %get3A_1790 : vector<1x1x16xf32> to vector<16xf32>
        %add3A_1792 = arith.addf %add3A_1760, %get3A_1791 : vector<16xf32>
        %get3A_1793 = arith.constant 3 : i32
        %get3A_1794 = arith.index_cast %get3A_1793 : i32 to index
        %get3A_1795 = arith.index_cast %add3A_1771 : i32 to index
        %get3A_1796 = arith.constant 48 : index
        %get3A_1797 = tpu.vector_load %arg10[%get3A_1794, %get3A_1795, %get3A_1796] {strides = array<i32>} : memref<4x200x64xf32, #tpu.memory_space<vmem>>, vector<1x1x16xf32>,
        %get3A_1798 = vector.shape_cast %get3A_1797 : vector<1x1x16xf32> to vector<16xf32>
        %add3A_1799 = arith.addf %add3A_1767, %get3A_1798 : vector<16xf32>
        scf.yield %add3A_1778, %add3A_1785, %add3A_1792, %add3A_1799 : vector<16xf32>, vector<16xf32>, vector<16xf32>, vector<16xf32>
      }
      %scan3A_896 = arith.constant 50 : i32
      %get3A_897 = arith.index_cast %add3A_845 : i32 to index
      %get3A_898 = arith.constant 0 : index
      %get3A_899 = tpu.vector_load %arg11[%get3A_897, %get3A_898] {strides = array<i32>} : memref<128x64xf32, #tpu.memory_space<vmem>>, vector<1x16xf32>,
      %get3A_900 = vector.shape_cast %get3A_899 : vector<1x16xf32> to vector<16xf32>
      %mul3A_901 = arith.constant 5.000000e-03 : f32
      %mul3A_902 = vector.broadcast %mul3A_901 : f32 to vector<16xf32>
      %mul3A_903 = arith.mulf %scan3A_895#0, %mul3A_902 : vector<16xf32>
      %add3A_904 = arith.addf %get3A_900, %mul3A_903 : vector<16xf32>
      %swap3A_905 = arith.index_cast %add3A_845 : i32 to index
      %swap3A_906 = arith.constant 0 : index
      %swap3A_907 = tpu.vector_load %arg11[%swap3A_905, %swap3A_906] {strides = array<i32>} : memref<128x64xf32, #tpu.memory_space<vmem>>, vector<1x16xf32>,
      %swap3A_908 = vector.shape_cast %swap3A_907 : vector<1x16xf32> to vector<16xf32>
      %swap3A_909 = vector.shape_cast %add3A_904 : vector<16xf32> to vector<1x16xf32>
      tpu.vector_store %arg11[%swap3A_905, %swap3A_906], %swap3A_909 {strides = array<i32>} : memref<128x64xf32, #tpu.memory_space<vmem>>, vector<1x16xf32>,
      %mul3A_910 = arith.mulf %add3A_904, %get3A_338 : vector<16xf32>
      %get3A_911 = arith.index_cast %add3A_845 : i32 to index
      %get3A_912 = arith.constant 16 : index
      %get3A_913 = tpu.vector_load %arg11[%get3A_911, %get3A_912] {strides = array<i32>} : memref<128x64xf32, #tpu.memory_space<vmem>>, vector<1x16xf32>,
      %get3A_914 = vector.shape_cast %get3A_913 : vector<1x16xf32> to vector<16xf32>
      %mul3A_915 = arith.constant 5.000000e-03 : f32
      %mul3A_916 = vector.broadcast %mul3A_915 : f32 to vector<16xf32>
      %mul3A_917 = arith.mulf %scan3A_895#1, %mul3A_916 : vector<16xf32>
      %add3A_918 = arith.addf %get3A_914, %mul3A_917 : vector<16xf32>
      %swap3A_919 = arith.index_cast %add3A_845 : i32 to index
      %swap3A_920 = arith.constant 16 : index
      %swap3A_921 = tpu.vector_load %arg11[%swap3A_919, %swap3A_920] {strides = array<i32>} : memref<128x64xf32, #tpu.memory_space<vmem>>, vector<1x16xf32>,
      %swap3A_922 = vector.shape_cast %swap3A_921 : vector<1x16xf32> to vector<16xf32>
      %swap3A_923 = vector.shape_cast %add3A_918 : vector<16xf32> to vector<1x16xf32>
      tpu.vector_store %arg11[%swap3A_919, %swap3A_920], %swap3A_923 {strides = array<i32>} : memref<128x64xf32, #tpu.memory_space<vmem>>, vector<1x16xf32>,
      %mul3A_924 = arith.mulf %add3A_918, %get3A_341 : vector<16xf32>
      %add3A_925 = arith.addf %mul3A_910, %mul3A_924 : vector<16xf32>
      %get3A_926 = arith.index_cast %add3A_845 : i32 to index
      %get3A_927 = arith.constant 32 : index
      %get3A_928 = tpu.vector_load %arg11[%get3A_926, %get3A_927] {strides = array<i32>} : memref<128x64xf32, #tpu.memory_space<vmem>>, vector<1x16xf32>,
      %get3A_929 = vector.shape_cast %get3A_928 : vector<1x16xf32> to vector<16xf32>
      %mul3A_930 = arith.constant 5.000000e-03 : f32
      %mul3A_931 = vector.broadcast %mul3A_930 : f32 to vector<16xf32>
      %mul3A_932 = arith.mulf %scan3A_895#2, %mul3A_931 : vector<16xf32>
      %add3A_933 = arith.addf %get3A_929, %mul3A_932 : vector<16xf32>
      %swap3A_934 = arith.index_cast %add3A_845 : i32 to index
      %swap3A_935 = arith.constant 32 : index
      %swap3A_936 = tpu.vector_load %arg11[%swap3A_934, %swap3A_935] {strides = array<i32>} : memref<128x64xf32, #tpu.memory_space<vmem>>, vector<1x16xf32>,
      %swap3A_937 = vector.shape_cast %swap3A_936 : vector<1x16xf32> to vector<16xf32>
      %swap3A_938 = vector.shape_cast %add3A_933 : vector<16xf32> to vector<1x16xf32>
      tpu.vector_store %arg11[%swap3A_934, %swap3A_935], %swap3A_938 {strides = array<i32>} : memref<128x64xf32, #tpu.memory_space<vmem>>, vector<1x16xf32>,
      %mul3A_939 = arith.mulf %add3A_933, %get3A_344 : vector<16xf32>
      %add3A_940 = arith.addf %add3A_925, %mul3A_939 : vector<16xf32>
      %get3A_941 = arith.index_cast %add3A_845 : i32 to index
      %get3A_942 = arith.constant 48 : index
      %get3A_943 = tpu.vector_load %arg11[%get3A_941, %get3A_942] {strides = array<i32>} : memref<128x64xf32, #tpu.memory_space<vmem>>, vector<1x16xf32>,
      %get3A_944 = vector.shape_cast %get3A_943 : vector<1x16xf32> to vector<16xf32>
      %mul3A_945 = arith.constant 5.000000e-03 : f32
      %mul3A_946 = vector.broadcast %mul3A_945 : f32 to vector<16xf32>
      %mul3A_947 = arith.mulf %scan3A_895#3, %mul3A_946 : vector<16xf32>
      %add3A_948 = arith.addf %get3A_944, %mul3A_947 : vector<16xf32>
      %swap3A_949 = arith.index_cast %add3A_845 : i32 to index
      %swap3A_950 = arith.constant 48 : index
      %swap3A_951 = tpu.vector_load %arg11[%swap3A_949, %swap3A_950] {strides = array<i32>} : memref<128x64xf32, #tpu.memory_space<vmem>>, vector<1x16xf32>,
      %swap3A_952 = vector.shape_cast %swap3A_951 : vector<1x16xf32> to vector<16xf32>
      %swap3A_953 = vector.shape_cast %add3A_948 : vector<16xf32> to vector<1x16xf32>
      tpu.vector_store %arg11[%swap3A_949, %swap3A_950], %swap3A_953 {strides = array<i32>} : memref<128x64xf32, #tpu.memory_space<vmem>>, vector<1x16xf32>,
      %mul3A_954 = arith.mulf %add3A_948, %get3A_347 : vector<16xf32>
      %add3A_955 = arith.addf %add3A_940, %mul3A_954 : vector<16xf32>
      %xor3A_956 = arith.constant 8 : i32
      %xor3A_957 = vector.broadcast %xor3A_956 : i32 to vector<16xi32>
      %xor3A_958 = arith.xori %iota3A, %xor3A_957 : vector<16xi32>
      %broadcast_in_dim3A_959 = vector.shape_cast %xor3A_958 : vector<16xi32> to vector<16x1xi32>
      %gather3A_960 = vector.shape_cast %broadcast_in_dim3A_959 : vector<16x1xi32> to vector<16xi32>
      %gather3A_961 = tpu.dynamic_gather %add3A_955[%gather3A_960] in [0] : vector<16xf32>, vector<16xi32> -> vector<16xf32>
      %add3A_962 = arith.addf %add3A_955, %gather3A_961 : vector<16xf32>
      %xor3A_963 = arith.constant 4 : i32
      %xor3A_964 = vector.broadcast %xor3A_963 : i32 to vector<16xi32>
      %xor3A_965 = arith.xori %iota3A, %xor3A_964 : vector<16xi32>
      %broadcast_in_dim3A_966 = vector.shape_cast %xor3A_965 : vector<16xi32> to vector<16x1xi32>
      %gather3A_967 = vector.shape_cast %broadcast_in_dim3A_966 : vector<16x1xi32> to vector<16xi32>
      %gather3A_968 = tpu.dynamic_gather %add3A_962[%gather3A_967] in [0] : vector<16xf32>, vector<16xi32> -> vector<16xf32>
      %add3A_969 = arith.addf %add3A_962, %gather3A_968 : vector<16xf32>
      %xor3A_970 = arith.constant 2 : i32
      %xor3A_971 = vector.broadcast %xor3A_970 : i32 to vector<16xi32>
      %xor3A_972 = arith.xori %iota3A, %xor3A_971 : vector<16xi32>
      %broadcast_in_dim3A_973 = vector.shape_cast %xor3A_972 : vector<16xi32> to vector<16x1xi32>
      %gather3A_974 = vector.shape_cast %broadcast_in_dim3A_973 : vector<16x1xi32> to vector<16xi32>
      %gather3A_975 = tpu.dynamic_gather %add3A_969[%gather3A_974] in [0] : vector<16xf32>, vector<16xi32> -> vector<16xf32>
      %add3A_976 = arith.addf %add3A_969, %gather3A_975 : vector<16xf32>
      %xor3A_977 = arith.constant 1 : i32
      %xor3A_978 = vector.broadcast %xor3A_977 : i32 to vector<16xi32>
      %xor3A_979 = arith.xori %iota3A, %xor3A_978 : vector<16xi32>
      %broadcast_in_dim3A_980 = vector.shape_cast %xor3A_979 : vector<16xi32> to vector<16x1xi32>
      %gather3A_981 = vector.shape_cast %broadcast_in_dim3A_980 : vector<16x1xi32> to vector<16xi32>
      %gather3A_982 = tpu.dynamic_gather %add3A_976[%gather3A_981] in [0] : vector<16xf32>, vector<16xi32> -> vector<16xf32>
      %add3A_983 = arith.addf %add3A_976, %gather3A_982 : vector<16xf32>
      %add3A_984 = arith.addf %add3A_983, %get3A_350 : vector<16xf32>
      %neg3A_985 = arith.constant 0.000000e+00 : f32
      %neg3A_986 = vector.broadcast %neg3A_985 : f32 to vector<16xf32>
      %neg3A_987 = arith.subf %neg3A_986, %add3A_984 : vector<16xf32>
      %exp3A_988 = math.exp %neg3A_987 : vector<16xf32>
      %add3A_989 = arith.constant 1.000000e+00 : f32
      %add3A_990 = vector.broadcast %add3A_989 : f32 to vector<16xf32>
      %add3A_991 = arith.addf %add3A_990, %exp3A_988 : vector<16xf32>
      %div3A_992 = arith.constant 1.000000e+00 : f32
      %div3A_993 = vector.broadcast %div3A_992 : f32 to vector<16xf32>
      %div3A_994 = arith.divf %div3A_993, %add3A_991 : vector<16xf32>
      %swap3A_995 = arith.index_cast %add3A_845 : i32 to index
      %swap3A_996 = arith.constant 0 : index
      %swap3A_997 = tpu.vector_load %arg12[%swap3A_995, %swap3A_996] {strides = array<i32>} : memref<128x16xf32, #tpu.memory_space<vmem>>, vector<1x16xf32>,
      %swap3A_998 = vector.shape_cast %swap3A_997 : vector<1x16xf32> to vector<16xf32>
      %swap3A_999 = vector.shape_cast %div3A_994 : vector<16xf32> to vector<1x16xf32>
      tpu.vector_store %arg12[%swap3A_995, %swap3A_996], %swap3A_999 {strides = array<i32>} : memref<128x16xf32, #tpu.memory_space<vmem>>, vector<1x16xf32>,
      %add3A_1000 = arith.constant 4 : i32
      %add3A_1001 = arith.addi %add3A_845, %add3A_1000 : i32
      %lt3A_1002 = arith.constant 128 : i32
      %lt3A_1003 = arith.cmpi slt, %add3A_1001, %lt3A_1002 : i32
      %convert_element_type3A_1004 = arith.extui %lt3A_1003 : i1 to i32
      %cond3A_1005 = arith.constant 0 : i32
      %cond3A_1006 = arith.cmpi ne, %convert_element_type3A_1004, %cond3A_1005 : i32
      scf.if %cond3A_1006 {
        %add3A_1667 = arith.constant 4 : i32
        %add3A_1668 = arith.addi %add3A_845, %add3A_1667 : i32
        %add3A_1669 = arith.addi %mul3A_2, %add3A_1668 : i32
        %dma_wait3A_1670 = arith.constant 7 : i32
        %dma_wait3A_1671 = arith.constant 7 : i32
        %dma_wait3A_1672 = arith.constant 0 : i32
        %dma_wait3A_1673 = tpu.memref_slice %arg9[%dma_wait3A_1670, %dma_wait3A_1672] : memref<8x200xi32, #tpu.memory_space<vmem>> -> memref<1x200xi32, #tpu.memory_space<vmem>>
        %dma_wait3A_1674 = tpu.memref_squeeze %dma_wait3A_1673 : memref<1x200xi32, #tpu.memory_space<vmem>> -> memref<200xi32, #tpu.memory_space<vmem>>
        %dma_wait3A_1675 = arith.constant 0 : i32
        %dma_wait3A_1676 = tpu.memref_slice %arg3[%add3A_1669, %dma_wait3A_1675] : memref<4096x200xi32, #tpu.memory_space<hbm>> -> memref<1x200xi32, #tpu.memory_space<hbm>>
        %dma_wait3A_1677 = tpu.memref_squeeze %dma_wait3A_1676 : memref<1x200xi32, #tpu.memory_space<hbm>> -> memref<200xi32, #tpu.memory_space<hbm>>
        %dma_wait3A_1678 = tpu.memref_slice %arg15[%dma_wait3A_1671] : memref<8x!tpu.dma_semaphore, #tpu.memory_space<semaphore_mem>> -> memref<1x!tpu.dma_semaphore, #tpu.memory_space<semaphore_mem>>
        %dma_wait3A_1679 = tpu.memref_squeeze %dma_wait3A_1678 : memref<1x!tpu.dma_semaphore, #tpu.memory_space<semaphore_mem>> -> memref<!tpu.dma_semaphore, #tpu.memory_space<semaphore_mem>>
        %dma_wait3A_1680 = arith.constant 0 : i32
        %dma_wait3A_1681 = tpu.memref_slice %arg9[%dma_wait3A_1670, %dma_wait3A_1680] : memref<8x200xi32, #tpu.memory_space<vmem>> -> memref<1x200xi32, #tpu.memory_space<vmem>>
        %dma_wait3A_1682 = tpu.memref_squeeze %dma_wait3A_1681 : memref<1x200xi32, #tpu.memory_space<vmem>> -> memref<200xi32, #tpu.memory_space<vmem>>
        %dma_wait3A_1683 = arith.constant 0 : i32
        %dma_wait3A_1684 = tpu.memref_slice %arg3[%add3A_1669, %dma_wait3A_1683] : memref<4096x200xi32, #tpu.memory_space<hbm>> -> memref<1x200xi32, #tpu.memory_space<hbm>>
        %dma_wait3A_1685 = tpu.memref_squeeze %dma_wait3A_1684 : memref<1x200xi32, #tpu.memory_space<hbm>> -> memref<200xi32, #tpu.memory_space<hbm>>
        tpu.wait_dma2 semaphore(%dma_wait3A_1679 : memref<!tpu.dma_semaphore, #tpu.memory_space<semaphore_mem>>) src(%dma_wait3A_1685 : memref<200xi32, #tpu.memory_space<hbm>>) dst(%dma_wait3A_1682 : memref<200xi32, #tpu.memory_space<vmem>>)
        %dma_start3A_1686 = arith.constant 7 : i32
        %dma_start3A_1687 = arith.constant 3 : i32
        %dma_start3A_1688 = arith.constant 3 : i32
        %dma_start3A_1689 = arith.constant 0 : i32
        %dma_start3A_1690 = arith.constant 0 : i32
        %dma_start3A_1691 = tpu.memref_slice %arg10[%dma_start3A_1687, %dma_start3A_1689, %dma_start3A_1690] : memref<4x200x64xf32, #tpu.memory_space<vmem>> -> memref<1x104x64xf32, #tpu.memory_space<vmem>>
        %dma_start3A_1692 = tpu.memref_squeeze %dma_start3A_1691 : memref<1x104x64xf32, #tpu.memory_space<vmem>> -> memref<104x64xf32, #tpu.memory_space<vmem>>
        %dma_start3A_1693 = arith.constant 0 : i32
        %dma_start3A_1694 = tpu.memref_slice %arg9[%dma_start3A_1686, %dma_start3A_1693] : memref<8x200xi32, #tpu.memory_space<vmem>> -> memref<1x104xi32, #tpu.memory_space<vmem>>
        %dma_start3A_1695 = tpu.memref_squeeze %dma_start3A_1694 : memref<1x104xi32, #tpu.memory_space<vmem>> -> memref<104xi32, #tpu.memory_space<vmem>>
        %dma_start3A_1696 = arith.constant 0 : i32
        %dma_start3A_1697 = arith.constant 0 : i32
        %dma_start3A_1698 = tpu.memref_slice %arg4[%dma_start3A_1696, %dma_start3A_1697] : memref<1000000x64xf32, #tpu.memory_space<hbm>> -> memref<1000000x64xf32, #tpu.memory_space<hbm>>
        %dma_start3A_1699 = tpu.memref_slice %arg16[%dma_start3A_1688] : memref<4x!tpu.dma_semaphore, #tpu.memory_space<semaphore_mem>> -> memref<1x!tpu.dma_semaphore, #tpu.memory_space<semaphore_mem>>
        %dma_start3A_1700 = tpu.memref_squeeze %dma_start3A_1699 : memref<1x!tpu.dma_semaphore, #tpu.memory_space<semaphore_mem>> -> memref<!tpu.dma_semaphore, #tpu.memory_space<semaphore_mem>>
        tpu.enqueue_indirect_dma source(%dma_start3A_1698 : memref<1000000x64xf32, #tpu.memory_space<hbm>>) target(%dma_start3A_1692 : memref<104x64xf32, #tpu.memory_space<vmem>>) offsets(%dma_start3A_1695 : memref<104xi32, #tpu.memory_space<vmem>>) semaphore(%dma_start3A_1700 : memref<!tpu.dma_semaphore, #tpu.memory_space<semaphore_mem>>)
        %dma_start3A_1701 = arith.constant 7 : i32
        %dma_start3A_1702 = arith.constant 3 : i32
        %dma_start3A_1703 = arith.constant 3 : i32
        %dma_start3A_1704 = arith.constant 104 : i32
        %dma_start3A_1705 = arith.constant 0 : i32
        %dma_start3A_1706 = tpu.memref_slice %arg10[%dma_start3A_1702, %dma_start3A_1704, %dma_start3A_1705] : memref<4x200x64xf32, #tpu.memory_space<vmem>> -> memref<1x96x64xf32, #tpu.memory_space<vmem>>
        %dma_start3A_1707 = tpu.memref_squeeze %dma_start3A_1706 : memref<1x96x64xf32, #tpu.memory_space<vmem>> -> memref<96x64xf32, #tpu.memory_space<vmem>>
        %dma_start3A_1708 = arith.constant 104 : i32
        %dma_start3A_1709 = tpu.memref_slice %arg9[%dma_start3A_1701, %dma_start3A_1708] : memref<8x200xi32, #tpu.memory_space<vmem>> -> memref<1x96xi32, #tpu.memory_space<vmem>>
        %dma_start3A_1710 = tpu.memref_squeeze %dma_start3A_1709 : memref<1x96xi32, #tpu.memory_space<vmem>> -> memref<96xi32, #tpu.memory_space<vmem>>
        %dma_start3A_1711 = arith.constant 0 : i32
        %dma_start3A_1712 = arith.constant 0 : i32
        %dma_start3A_1713 = tpu.memref_slice %arg4[%dma_start3A_1711, %dma_start3A_1712] : memref<1000000x64xf32, #tpu.memory_space<hbm>> -> memref<1000000x64xf32, #tpu.memory_space<hbm>>
        %dma_start3A_1714 = tpu.memref_slice %arg16[%dma_start3A_1703] : memref<4x!tpu.dma_semaphore, #tpu.memory_space<semaphore_mem>> -> memref<1x!tpu.dma_semaphore, #tpu.memory_space<semaphore_mem>>
        %dma_start3A_1715 = tpu.memref_squeeze %dma_start3A_1714 : memref<1x!tpu.dma_semaphore, #tpu.memory_space<semaphore_mem>> -> memref<!tpu.dma_semaphore, #tpu.memory_space<semaphore_mem>>
        tpu.enqueue_indirect_dma source(%dma_start3A_1713 : memref<1000000x64xf32, #tpu.memory_space<hbm>>) target(%dma_start3A_1707 : memref<96x64xf32, #tpu.memory_space<vmem>>) offsets(%dma_start3A_1710 : memref<96xi32, #tpu.memory_space<vmem>>) semaphore(%dma_start3A_1715 : memref<!tpu.dma_semaphore, #tpu.memory_space<semaphore_mem>>)
      } else {
      }
      %mul3A_1007 = arith.constant 8 : i32
      %mul3A_1008 = arith.muli %mul3A_1007, %scan3A_356 : i32
      %add3A_1009 = arith.constant 4 : i32
      %add3A_1010 = arith.addi %mul3A_1008, %add3A_1009 : i32
      %dma_wait3A_1011 = arith.constant 4 : i32
      %dma_wait3A_1012 = arith.constant 0 : i32
      %dma_wait3A_1013 = arith.constant 0 : i32
      %dma_wait3A_1014 = arith.constant 0 : i32
      %dma_wait3A_1015 = arith.constant 0 : i32
      %dma_wait3A_1016 = tpu.memref_slice %arg10[%dma_wait3A_1012, %dma_wait3A_1014, %dma_wait3A_1015] : memref<4x200x64xf32, #tpu.memory_space<vmem>> -> memref<1x104x64xf32, #tpu.memory_space<vmem>>
      %dma_wait3A_1017 = tpu.memref_squeeze %dma_wait3A_1016 : memref<1x104x64xf32, #tpu.memory_space<vmem>> -> memref<104x64xf32, #tpu.memory_space<vmem>>
      %dma_wait3A_1018 = arith.constant 0 : i32
      %dma_wait3A_1019 = tpu.memref_slice %arg9[%dma_wait3A_1011, %dma_wait3A_1018] : memref<8x200xi32, #tpu.memory_space<vmem>> -> memref<1x104xi32, #tpu.memory_space<vmem>>
      %dma_wait3A_1020 = tpu.memref_squeeze %dma_wait3A_1019 : memref<1x104xi32, #tpu.memory_space<vmem>> -> memref<104xi32, #tpu.memory_space<vmem>>
      %dma_wait3A_1021 = arith.constant 0 : i32
      %dma_wait3A_1022 = arith.constant 0 : i32
      %dma_wait3A_1023 = tpu.memref_slice %arg4[%dma_wait3A_1021, %dma_wait3A_1022] : memref<1000000x64xf32, #tpu.memory_space<hbm>> -> memref<1000000x64xf32, #tpu.memory_space<hbm>>
      %dma_wait3A_1024 = tpu.memref_slice %arg16[%dma_wait3A_1013] : memref<4x!tpu.dma_semaphore, #tpu.memory_space<semaphore_mem>> -> memref<1x!tpu.dma_semaphore, #tpu.memory_space<semaphore_mem>>
      %dma_wait3A_1025 = tpu.memref_squeeze %dma_wait3A_1024 : memref<1x!tpu.dma_semaphore, #tpu.memory_space<semaphore_mem>> -> memref<!tpu.dma_semaphore, #tpu.memory_space<semaphore_mem>>
      tpu.wait_indirect_dma semaphore(%dma_wait3A_1025 : memref<!tpu.dma_semaphore, #tpu.memory_space<semaphore_mem>>) src(%dma_wait3A_1023 : memref<1000000x64xf32, #tpu.memory_space<hbm>>) dst(%dma_wait3A_1017 : memref<104x64xf32, #tpu.memory_space<vmem>>)
      %dma_wait3A_1026 = arith.constant 4 : i32
      %dma_wait3A_1027 = arith.constant 0 : i32
      %dma_wait3A_1028 = arith.constant 0 : i32
      %dma_wait3A_1029 = arith.constant 104 : i32
      %dma_wait3A_1030 = arith.constant 0 : i32
      %dma_wait3A_1031 = tpu.memref_slice %arg10[%dma_wait3A_1027, %dma_wait3A_1029, %dma_wait3A_1030] : memref<4x200x64xf32, #tpu.memory_space<vmem>> -> memref<1x96x64xf32, #tpu.memory_space<vmem>>
      %dma_wait3A_1032 = tpu.memref_squeeze %dma_wait3A_1031 : memref<1x96x64xf32, #tpu.memory_space<vmem>> -> memref<96x64xf32, #tpu.memory_space<vmem>>
      %dma_wait3A_1033 = arith.constant 104 : i32
      %dma_wait3A_1034 = tpu.memref_slice %arg9[%dma_wait3A_1026, %dma_wait3A_1033] : memref<8x200xi32, #tpu.memory_space<vmem>> -> memref<1x96xi32, #tpu.memory_space<vmem>>
      %dma_wait3A_1035 = tpu.memref_squeeze %dma_wait3A_1034 : memref<1x96xi32, #tpu.memory_space<vmem>> -> memref<96xi32, #tpu.memory_space<vmem>>
      %dma_wait3A_1036 = arith.constant 0 : i32
      %dma_wait3A_1037 = arith.constant 0 : i32
      %dma_wait3A_1038 = tpu.memref_slice %arg4[%dma_wait3A_1036, %dma_wait3A_1037] : memref<1000000x64xf32, #tpu.memory_space<hbm>> -> memref<1000000x64xf32, #tpu.memory_space<hbm>>
      %dma_wait3A_1039 = tpu.memref_slice %arg16[%dma_wait3A_1028] : memref<4x!tpu.dma_semaphore, #tpu.memory_space<semaphore_mem>> -> memref<1x!tpu.dma_semaphore, #tpu.memory_space<semaphore_mem>>
      %dma_wait3A_1040 = tpu.memref_squeeze %dma_wait3A_1039 : memref<1x!tpu.dma_semaphore, #tpu.memory_space<semaphore_mem>> -> memref<!tpu.dma_semaphore, #tpu.memory_space<semaphore_mem>>
      tpu.wait_indirect_dma semaphore(%dma_wait3A_1040 : memref<!tpu.dma_semaphore, #tpu.memory_space<semaphore_mem>>) src(%dma_wait3A_1038 : memref<1000000x64xf32, #tpu.memory_space<hbm>>) dst(%dma_wait3A_1032 : memref<96x64xf32, #tpu.memory_space<vmem>>)
      %add3A_1041 = arith.constant 8 : i32
      %add3A_1042 = arith.addi %add3A_1010, %add3A_1041 : i32
      %lt3A_1043 = arith.constant 128 : i32
      %lt3A_1044 = arith.cmpi slt, %add3A_1042, %lt3A_1043 : i32
      %convert_element_type3A_1045 = arith.extui %lt3A_1044 : i1 to i32
      %cond3A_1046 = arith.constant 0 : i32
      %cond3A_1047 = arith.cmpi ne, %convert_element_type3A_1045, %cond3A_1046 : i32
      scf.if %cond3A_1047 {
        %add3A_1667 = arith.constant 8 : i32
        %add3A_1668 = arith.addi %add3A_1010, %add3A_1667 : i32
        %add3A_1669 = arith.addi %mul3A_2, %add3A_1668 : i32
        %dma_start3A_1670 = arith.constant 4 : i32
        %dma_start3A_1671 = arith.constant 4 : i32
        %dma_start3A_1672 = arith.constant 0 : i32
        %dma_start3A_1673 = tpu.memref_slice %arg9[%dma_start3A_1670, %dma_start3A_1672] : memref<8x200xi32, #tpu.memory_space<vmem>> -> memref<1x200xi32, #tpu.memory_space<vmem>>
        %dma_start3A_1674 = tpu.memref_squeeze %dma_start3A_1673 : memref<1x200xi32, #tpu.memory_space<vmem>> -> memref<200xi32, #tpu.memory_space<vmem>>
        %dma_start3A_1675 = arith.constant 0 : i32
        %dma_start3A_1676 = tpu.memref_slice %arg3[%add3A_1669, %dma_start3A_1675] : memref<4096x200xi32, #tpu.memory_space<hbm>> -> memref<1x200xi32, #tpu.memory_space<hbm>>
        %dma_start3A_1677 = tpu.memref_squeeze %dma_start3A_1676 : memref<1x200xi32, #tpu.memory_space<hbm>> -> memref<200xi32, #tpu.memory_space<hbm>>
        %dma_start3A_1678 = tpu.memref_slice %arg15[%dma_start3A_1671] : memref<8x!tpu.dma_semaphore, #tpu.memory_space<semaphore_mem>> -> memref<1x!tpu.dma_semaphore, #tpu.memory_space<semaphore_mem>>
        %dma_start3A_1679 = tpu.memref_squeeze %dma_start3A_1678 : memref<1x!tpu.dma_semaphore, #tpu.memory_space<semaphore_mem>> -> memref<!tpu.dma_semaphore, #tpu.memory_space<semaphore_mem>>
        %dma_start3A_1680 = arith.constant 0 : i32
        %dma_start3A_1681 = tpu.memref_slice %arg9[%dma_start3A_1670, %dma_start3A_1680] : memref<8x200xi32, #tpu.memory_space<vmem>> -> memref<1x200xi32, #tpu.memory_space<vmem>>
        %dma_start3A_1682 = tpu.memref_squeeze %dma_start3A_1681 : memref<1x200xi32, #tpu.memory_space<vmem>> -> memref<200xi32, #tpu.memory_space<vmem>>
        %dma_start3A_1683 = arith.constant 0 : i32
        %dma_start3A_1684 = tpu.memref_slice %arg3[%add3A_1669, %dma_start3A_1683] : memref<4096x200xi32, #tpu.memory_space<hbm>> -> memref<1x200xi32, #tpu.memory_space<hbm>>
        %dma_start3A_1685 = tpu.memref_squeeze %dma_start3A_1684 : memref<1x200xi32, #tpu.memory_space<hbm>> -> memref<200xi32, #tpu.memory_space<hbm>>
        tpu.enqueue_dma source(%dma_start3A_1685 : memref<200xi32, #tpu.memory_space<hbm>>) target(%dma_start3A_1682 : memref<200xi32, #tpu.memory_space<vmem>>) target_semaphore(%dma_start3A_1679 : memref<!tpu.dma_semaphore, #tpu.memory_space<semaphore_mem>>)
      } else {
      }
      %broadcast_in_dim3A_1048 = arith.constant 0.000000e+00 : f32
      %broadcast_in_dim3A_1049 = vector.broadcast %broadcast_in_dim3A_1048 : f32 to vector<16xf32>
      %broadcast_in_dim3A_1050 = arith.constant 0.000000e+00 : f32
      %broadcast_in_dim3A_1051 = vector.broadcast %broadcast_in_dim3A_1050 : f32 to vector<16xf32>
      %broadcast_in_dim3A_1052 = arith.constant 0.000000e+00 : f32
      %broadcast_in_dim3A_1053 = vector.broadcast %broadcast_in_dim3A_1052 : f32 to vector<16xf32>
      %broadcast_in_dim3A_1054 = arith.constant 0.000000e+00 : f32
      %broadcast_in_dim3A_1055 = vector.broadcast %broadcast_in_dim3A_1054 : f32 to vector<16xf32>
      %scan3A_1056 = arith.constant 0 : i32
      %scan3A_1057 = arith.constant 50 : i32
      %scan3A_1058 = arith.addi %scan3A_1056, %scan3A_1057 : i32
      %scan3A_1059 = arith.constant 1 : i32
      %scan3A_1060:4 = scf.for %scan3A_1667 = %scan3A_1056 to %scan3A_1058 step %scan3A_1059 iter_args(%scan3A_1668 = %broadcast_in_dim3A_1049, %scan3A_1669 = %broadcast_in_dim3A_1051, %scan3A_1670 = %broadcast_in_dim3A_1053, %scan3A_1671 = %broadcast_in_dim3A_1055) -> (vector<16xf32>, vector<16xf32>, vector<16xf32>, vector<16xf32>)  : i32 {
        %mul3A_1672 = arith.constant 4 : i32
        %mul3A_1673 = arith.muli %scan3A_1667, %mul3A_1672 : i32
        %add3A_1674 = arith.constant 0 : i32
        %add3A_1675 = arith.addi %mul3A_1673, %add3A_1674 : i32
        %get3A_1676 = arith.constant 0 : i32
        %get3A_1677 = arith.index_cast %get3A_1676 : i32 to index
        %get3A_1678 = arith.index_cast %add3A_1675 : i32 to index
        %get3A_1679 = arith.constant 0 : index
        %get3A_1680 = tpu.vector_load %arg10[%get3A_1677, %get3A_1678, %get3A_1679] {strides = array<i32>} : memref<4x200x64xf32, #tpu.memory_space<vmem>>, vector<1x1x16xf32>,
        %get3A_1681 = vector.shape_cast %get3A_1680 : vector<1x1x16xf32> to vector<16xf32>
        %add3A_1682 = arith.addf %scan3A_1668, %get3A_1681 : vector<16xf32>
        %get3A_1683 = arith.constant 0 : i32
        %get3A_1684 = arith.index_cast %get3A_1683 : i32 to index
        %get3A_1685 = arith.index_cast %add3A_1675 : i32 to index
        %get3A_1686 = arith.constant 16 : index
        %get3A_1687 = tpu.vector_load %arg10[%get3A_1684, %get3A_1685, %get3A_1686] {strides = array<i32>} : memref<4x200x64xf32, #tpu.memory_space<vmem>>, vector<1x1x16xf32>,
        %get3A_1688 = vector.shape_cast %get3A_1687 : vector<1x1x16xf32> to vector<16xf32>
        %add3A_1689 = arith.addf %scan3A_1669, %get3A_1688 : vector<16xf32>
        %get3A_1690 = arith.constant 0 : i32
        %get3A_1691 = arith.index_cast %get3A_1690 : i32 to index
        %get3A_1692 = arith.index_cast %add3A_1675 : i32 to index
        %get3A_1693 = arith.constant 32 : index
        %get3A_1694 = tpu.vector_load %arg10[%get3A_1691, %get3A_1692, %get3A_1693] {strides = array<i32>} : memref<4x200x64xf32, #tpu.memory_space<vmem>>, vector<1x1x16xf32>,
        %get3A_1695 = vector.shape_cast %get3A_1694 : vector<1x1x16xf32> to vector<16xf32>
        %add3A_1696 = arith.addf %scan3A_1670, %get3A_1695 : vector<16xf32>
        %get3A_1697 = arith.constant 0 : i32
        %get3A_1698 = arith.index_cast %get3A_1697 : i32 to index
        %get3A_1699 = arith.index_cast %add3A_1675 : i32 to index
        %get3A_1700 = arith.constant 48 : index
        %get3A_1701 = tpu.vector_load %arg10[%get3A_1698, %get3A_1699, %get3A_1700] {strides = array<i32>} : memref<4x200x64xf32, #tpu.memory_space<vmem>>, vector<1x1x16xf32>,
        %get3A_1702 = vector.shape_cast %get3A_1701 : vector<1x1x16xf32> to vector<16xf32>
        %add3A_1703 = arith.addf %scan3A_1671, %get3A_1702 : vector<16xf32>
        %mul3A_1704 = arith.constant 4 : i32
        %mul3A_1705 = arith.muli %scan3A_1667, %mul3A_1704 : i32
        %add3A_1706 = arith.constant 1 : i32
        %add3A_1707 = arith.addi %mul3A_1705, %add3A_1706 : i32
        %get3A_1708 = arith.constant 0 : i32
        %get3A_1709 = arith.index_cast %get3A_1708 : i32 to index
        %get3A_1710 = arith.index_cast %add3A_1707 : i32 to index
        %get3A_1711 = arith.constant 0 : index
        %get3A_1712 = tpu.vector_load %arg10[%get3A_1709, %get3A_1710, %get3A_1711] {strides = array<i32>} : memref<4x200x64xf32, #tpu.memory_space<vmem>>, vector<1x1x16xf32>,
        %get3A_1713 = vector.shape_cast %get3A_1712 : vector<1x1x16xf32> to vector<16xf32>
        %add3A_1714 = arith.addf %add3A_1682, %get3A_1713 : vector<16xf32>
        %get3A_1715 = arith.constant 0 : i32
        %get3A_1716 = arith.index_cast %get3A_1715 : i32 to index
        %get3A_1717 = arith.index_cast %add3A_1707 : i32 to index
        %get3A_1718 = arith.constant 16 : index
        %get3A_1719 = tpu.vector_load %arg10[%get3A_1716, %get3A_1717, %get3A_1718] {strides = array<i32>} : memref<4x200x64xf32, #tpu.memory_space<vmem>>, vector<1x1x16xf32>,
        %get3A_1720 = vector.shape_cast %get3A_1719 : vector<1x1x16xf32> to vector<16xf32>
        %add3A_1721 = arith.addf %add3A_1689, %get3A_1720 : vector<16xf32>
        %get3A_1722 = arith.constant 0 : i32
        %get3A_1723 = arith.index_cast %get3A_1722 : i32 to index
        %get3A_1724 = arith.index_cast %add3A_1707 : i32 to index
        %get3A_1725 = arith.constant 32 : index
        %get3A_1726 = tpu.vector_load %arg10[%get3A_1723, %get3A_1724, %get3A_1725] {strides = array<i32>} : memref<4x200x64xf32, #tpu.memory_space<vmem>>, vector<1x1x16xf32>,
        %get3A_1727 = vector.shape_cast %get3A_1726 : vector<1x1x16xf32> to vector<16xf32>
        %add3A_1728 = arith.addf %add3A_1696, %get3A_1727 : vector<16xf32>
        %get3A_1729 = arith.constant 0 : i32
        %get3A_1730 = arith.index_cast %get3A_1729 : i32 to index
        %get3A_1731 = arith.index_cast %add3A_1707 : i32 to index
        %get3A_1732 = arith.constant 48 : index
        %get3A_1733 = tpu.vector_load %arg10[%get3A_1730, %get3A_1731, %get3A_1732] {strides = array<i32>} : memref<4x200x64xf32, #tpu.memory_space<vmem>>, vector<1x1x16xf32>,
        %get3A_1734 = vector.shape_cast %get3A_1733 : vector<1x1x16xf32> to vector<16xf32>
        %add3A_1735 = arith.addf %add3A_1703, %get3A_1734 : vector<16xf32>
        %mul3A_1736 = arith.constant 4 : i32
        %mul3A_1737 = arith.muli %scan3A_1667, %mul3A_1736 : i32
        %add3A_1738 = arith.constant 2 : i32
        %add3A_1739 = arith.addi %mul3A_1737, %add3A_1738 : i32
        %get3A_1740 = arith.constant 0 : i32
        %get3A_1741 = arith.index_cast %get3A_1740 : i32 to index
        %get3A_1742 = arith.index_cast %add3A_1739 : i32 to index
        %get3A_1743 = arith.constant 0 : index
        %get3A_1744 = tpu.vector_load %arg10[%get3A_1741, %get3A_1742, %get3A_1743] {strides = array<i32>} : memref<4x200x64xf32, #tpu.memory_space<vmem>>, vector<1x1x16xf32>,
        %get3A_1745 = vector.shape_cast %get3A_1744 : vector<1x1x16xf32> to vector<16xf32>
        %add3A_1746 = arith.addf %add3A_1714, %get3A_1745 : vector<16xf32>
        %get3A_1747 = arith.constant 0 : i32
        %get3A_1748 = arith.index_cast %get3A_1747 : i32 to index
        %get3A_1749 = arith.index_cast %add3A_1739 : i32 to index
        %get3A_1750 = arith.constant 16 : index
        %get3A_1751 = tpu.vector_load %arg10[%get3A_1748, %get3A_1749, %get3A_1750] {strides = array<i32>} : memref<4x200x64xf32, #tpu.memory_space<vmem>>, vector<1x1x16xf32>,
        %get3A_1752 = vector.shape_cast %get3A_1751 : vector<1x1x16xf32> to vector<16xf32>
        %add3A_1753 = arith.addf %add3A_1721, %get3A_1752 : vector<16xf32>
        %get3A_1754 = arith.constant 0 : i32
        %get3A_1755 = arith.index_cast %get3A_1754 : i32 to index
        %get3A_1756 = arith.index_cast %add3A_1739 : i32 to index
        %get3A_1757 = arith.constant 32 : index
        %get3A_1758 = tpu.vector_load %arg10[%get3A_1755, %get3A_1756, %get3A_1757] {strides = array<i32>} : memref<4x200x64xf32, #tpu.memory_space<vmem>>, vector<1x1x16xf32>,
        %get3A_1759 = vector.shape_cast %get3A_1758 : vector<1x1x16xf32> to vector<16xf32>
        %add3A_1760 = arith.addf %add3A_1728, %get3A_1759 : vector<16xf32>
        %get3A_1761 = arith.constant 0 : i32
        %get3A_1762 = arith.index_cast %get3A_1761 : i32 to index
        %get3A_1763 = arith.index_cast %add3A_1739 : i32 to index
        %get3A_1764 = arith.constant 48 : index
        %get3A_1765 = tpu.vector_load %arg10[%get3A_1762, %get3A_1763, %get3A_1764] {strides = array<i32>} : memref<4x200x64xf32, #tpu.memory_space<vmem>>, vector<1x1x16xf32>,
        %get3A_1766 = vector.shape_cast %get3A_1765 : vector<1x1x16xf32> to vector<16xf32>
        %add3A_1767 = arith.addf %add3A_1735, %get3A_1766 : vector<16xf32>
        %mul3A_1768 = arith.constant 4 : i32
        %mul3A_1769 = arith.muli %scan3A_1667, %mul3A_1768 : i32
        %add3A_1770 = arith.constant 3 : i32
        %add3A_1771 = arith.addi %mul3A_1769, %add3A_1770 : i32
        %get3A_1772 = arith.constant 0 : i32
        %get3A_1773 = arith.index_cast %get3A_1772 : i32 to index
        %get3A_1774 = arith.index_cast %add3A_1771 : i32 to index
        %get3A_1775 = arith.constant 0 : index
        %get3A_1776 = tpu.vector_load %arg10[%get3A_1773, %get3A_1774, %get3A_1775] {strides = array<i32>} : memref<4x200x64xf32, #tpu.memory_space<vmem>>, vector<1x1x16xf32>,
        %get3A_1777 = vector.shape_cast %get3A_1776 : vector<1x1x16xf32> to vector<16xf32>
        %add3A_1778 = arith.addf %add3A_1746, %get3A_1777 : vector<16xf32>
        %get3A_1779 = arith.constant 0 : i32
        %get3A_1780 = arith.index_cast %get3A_1779 : i32 to index
        %get3A_1781 = arith.index_cast %add3A_1771 : i32 to index
        %get3A_1782 = arith.constant 16 : index
        %get3A_1783 = tpu.vector_load %arg10[%get3A_1780, %get3A_1781, %get3A_1782] {strides = array<i32>} : memref<4x200x64xf32, #tpu.memory_space<vmem>>, vector<1x1x16xf32>,
        %get3A_1784 = vector.shape_cast %get3A_1783 : vector<1x1x16xf32> to vector<16xf32>
        %add3A_1785 = arith.addf %add3A_1753, %get3A_1784 : vector<16xf32>
        %get3A_1786 = arith.constant 0 : i32
        %get3A_1787 = arith.index_cast %get3A_1786 : i32 to index
        %get3A_1788 = arith.index_cast %add3A_1771 : i32 to index
        %get3A_1789 = arith.constant 32 : index
        %get3A_1790 = tpu.vector_load %arg10[%get3A_1787, %get3A_1788, %get3A_1789] {strides = array<i32>} : memref<4x200x64xf32, #tpu.memory_space<vmem>>, vector<1x1x16xf32>,
        %get3A_1791 = vector.shape_cast %get3A_1790 : vector<1x1x16xf32> to vector<16xf32>
        %add3A_1792 = arith.addf %add3A_1760, %get3A_1791 : vector<16xf32>
        %get3A_1793 = arith.constant 0 : i32
        %get3A_1794 = arith.index_cast %get3A_1793 : i32 to index
        %get3A_1795 = arith.index_cast %add3A_1771 : i32 to index
        %get3A_1796 = arith.constant 48 : index
        %get3A_1797 = tpu.vector_load %arg10[%get3A_1794, %get3A_1795, %get3A_1796] {strides = array<i32>} : memref<4x200x64xf32, #tpu.memory_space<vmem>>, vector<1x1x16xf32>,
        %get3A_1798 = vector.shape_cast %get3A_1797 : vector<1x1x16xf32> to vector<16xf32>
        %add3A_1799 = arith.addf %add3A_1767, %get3A_1798 : vector<16xf32>
        scf.yield %add3A_1778, %add3A_1785, %add3A_1792, %add3A_1799 : vector<16xf32>, vector<16xf32>, vector<16xf32>, vector<16xf32>
      }
      %scan3A_1061 = arith.constant 50 : i32
      %get3A_1062 = arith.index_cast %add3A_1010 : i32 to index
      %get3A_1063 = arith.constant 0 : index
      %get3A_1064 = tpu.vector_load %arg11[%get3A_1062, %get3A_1063] {strides = array<i32>} : memref<128x64xf32, #tpu.memory_space<vmem>>, vector<1x16xf32>,
      %get3A_1065 = vector.shape_cast %get3A_1064 : vector<1x16xf32> to vector<16xf32>
      %mul3A_1066 = arith.constant 5.000000e-03 : f32
      %mul3A_1067 = vector.broadcast %mul3A_1066 : f32 to vector<16xf32>
      %mul3A_1068 = arith.mulf %scan3A_1060#0, %mul3A_1067 : vector<16xf32>
      %add3A_1069 = arith.addf %get3A_1065, %mul3A_1068 : vector<16xf32>
      %swap3A_1070 = arith.index_cast %add3A_1010 : i32 to index
      %swap3A_1071 = arith.constant 0 : index
      %swap3A_1072 = tpu.vector_load %arg11[%swap3A_1070, %swap3A_1071] {strides = array<i32>} : memref<128x64xf32, #tpu.memory_space<vmem>>, vector<1x16xf32>,
      %swap3A_1073 = vector.shape_cast %swap3A_1072 : vector<1x16xf32> to vector<16xf32>
      %swap3A_1074 = vector.shape_cast %add3A_1069 : vector<16xf32> to vector<1x16xf32>
      tpu.vector_store %arg11[%swap3A_1070, %swap3A_1071], %swap3A_1074 {strides = array<i32>} : memref<128x64xf32, #tpu.memory_space<vmem>>, vector<1x16xf32>,
      %mul3A_1075 = arith.mulf %add3A_1069, %get3A_338 : vector<16xf32>
      %get3A_1076 = arith.index_cast %add3A_1010 : i32 to index
      %get3A_1077 = arith.constant 16 : index
      %get3A_1078 = tpu.vector_load %arg11[%get3A_1076, %get3A_1077] {strides = array<i32>} : memref<128x64xf32, #tpu.memory_space<vmem>>, vector<1x16xf32>,
      %get3A_1079 = vector.shape_cast %get3A_1078 : vector<1x16xf32> to vector<16xf32>
      %mul3A_1080 = arith.constant 5.000000e-03 : f32
      %mul3A_1081 = vector.broadcast %mul3A_1080 : f32 to vector<16xf32>
      %mul3A_1082 = arith.mulf %scan3A_1060#1, %mul3A_1081 : vector<16xf32>
      %add3A_1083 = arith.addf %get3A_1079, %mul3A_1082 : vector<16xf32>
      %swap3A_1084 = arith.index_cast %add3A_1010 : i32 to index
      %swap3A_1085 = arith.constant 16 : index
      %swap3A_1086 = tpu.vector_load %arg11[%swap3A_1084, %swap3A_1085] {strides = array<i32>} : memref<128x64xf32, #tpu.memory_space<vmem>>, vector<1x16xf32>,
      %swap3A_1087 = vector.shape_cast %swap3A_1086 : vector<1x16xf32> to vector<16xf32>
      %swap3A_1088 = vector.shape_cast %add3A_1083 : vector<16xf32> to vector<1x16xf32>
      tpu.vector_store %arg11[%swap3A_1084, %swap3A_1085], %swap3A_1088 {strides = array<i32>} : memref<128x64xf32, #tpu.memory_space<vmem>>, vector<1x16xf32>,
      %mul3A_1089 = arith.mulf %add3A_1083, %get3A_341 : vector<16xf32>
      %add3A_1090 = arith.addf %mul3A_1075, %mul3A_1089 : vector<16xf32>
      %get3A_1091 = arith.index_cast %add3A_1010 : i32 to index
      %get3A_1092 = arith.constant 32 : index
      %get3A_1093 = tpu.vector_load %arg11[%get3A_1091, %get3A_1092] {strides = array<i32>} : memref<128x64xf32, #tpu.memory_space<vmem>>, vector<1x16xf32>,
      %get3A_1094 = vector.shape_cast %get3A_1093 : vector<1x16xf32> to vector<16xf32>
      %mul3A_1095 = arith.constant 5.000000e-03 : f32
      %mul3A_1096 = vector.broadcast %mul3A_1095 : f32 to vector<16xf32>
      %mul3A_1097 = arith.mulf %scan3A_1060#2, %mul3A_1096 : vector<16xf32>
      %add3A_1098 = arith.addf %get3A_1094, %mul3A_1097 : vector<16xf32>
      %swap3A_1099 = arith.index_cast %add3A_1010 : i32 to index
      %swap3A_1100 = arith.constant 32 : index
      %swap3A_1101 = tpu.vector_load %arg11[%swap3A_1099, %swap3A_1100] {strides = array<i32>} : memref<128x64xf32, #tpu.memory_space<vmem>>, vector<1x16xf32>,
      %swap3A_1102 = vector.shape_cast %swap3A_1101 : vector<1x16xf32> to vector<16xf32>
      %swap3A_1103 = vector.shape_cast %add3A_1098 : vector<16xf32> to vector<1x16xf32>
      tpu.vector_store %arg11[%swap3A_1099, %swap3A_1100], %swap3A_1103 {strides = array<i32>} : memref<128x64xf32, #tpu.memory_space<vmem>>, vector<1x16xf32>,
      %mul3A_1104 = arith.mulf %add3A_1098, %get3A_344 : vector<16xf32>
      %add3A_1105 = arith.addf %add3A_1090, %mul3A_1104 : vector<16xf32>
      %get3A_1106 = arith.index_cast %add3A_1010 : i32 to index
      %get3A_1107 = arith.constant 48 : index
      %get3A_1108 = tpu.vector_load %arg11[%get3A_1106, %get3A_1107] {strides = array<i32>} : memref<128x64xf32, #tpu.memory_space<vmem>>, vector<1x16xf32>,
      %get3A_1109 = vector.shape_cast %get3A_1108 : vector<1x16xf32> to vector<16xf32>
      %mul3A_1110 = arith.constant 5.000000e-03 : f32
      %mul3A_1111 = vector.broadcast %mul3A_1110 : f32 to vector<16xf32>
      %mul3A_1112 = arith.mulf %scan3A_1060#3, %mul3A_1111 : vector<16xf32>
      %add3A_1113 = arith.addf %get3A_1109, %mul3A_1112 : vector<16xf32>
      %swap3A_1114 = arith.index_cast %add3A_1010 : i32 to index
      %swap3A_1115 = arith.constant 48 : index
      %swap3A_1116 = tpu.vector_load %arg11[%swap3A_1114, %swap3A_1115] {strides = array<i32>} : memref<128x64xf32, #tpu.memory_space<vmem>>, vector<1x16xf32>,
      %swap3A_1117 = vector.shape_cast %swap3A_1116 : vector<1x16xf32> to vector<16xf32>
      %swap3A_1118 = vector.shape_cast %add3A_1113 : vector<16xf32> to vector<1x16xf32>
      tpu.vector_store %arg11[%swap3A_1114, %swap3A_1115], %swap3A_1118 {strides = array<i32>} : memref<128x64xf32, #tpu.memory_space<vmem>>, vector<1x16xf32>,
      %mul3A_1119 = arith.mulf %add3A_1113, %get3A_347 : vector<16xf32>
      %add3A_1120 = arith.addf %add3A_1105, %mul3A_1119 : vector<16xf32>
      %xor3A_1121 = arith.constant 8 : i32
      %xor3A_1122 = vector.broadcast %xor3A_1121 : i32 to vector<16xi32>
      %xor3A_1123 = arith.xori %iota3A, %xor3A_1122 : vector<16xi32>
      %broadcast_in_dim3A_1124 = vector.shape_cast %xor3A_1123 : vector<16xi32> to vector<16x1xi32>
      %gather3A_1125 = vector.shape_cast %broadcast_in_dim3A_1124 : vector<16x1xi32> to vector<16xi32>
      %gather3A_1126 = tpu.dynamic_gather %add3A_1120[%gather3A_1125] in [0] : vector<16xf32>, vector<16xi32> -> vector<16xf32>
      %add3A_1127 = arith.addf %add3A_1120, %gather3A_1126 : vector<16xf32>
      %xor3A_1128 = arith.constant 4 : i32
      %xor3A_1129 = vector.broadcast %xor3A_1128 : i32 to vector<16xi32>
      %xor3A_1130 = arith.xori %iota3A, %xor3A_1129 : vector<16xi32>
      %broadcast_in_dim3A_1131 = vector.shape_cast %xor3A_1130 : vector<16xi32> to vector<16x1xi32>
      %gather3A_1132 = vector.shape_cast %broadcast_in_dim3A_1131 : vector<16x1xi32> to vector<16xi32>
      %gather3A_1133 = tpu.dynamic_gather %add3A_1127[%gather3A_1132] in [0] : vector<16xf32>, vector<16xi32> -> vector<16xf32>
      %add3A_1134 = arith.addf %add3A_1127, %gather3A_1133 : vector<16xf32>
      %xor3A_1135 = arith.constant 2 : i32
      %xor3A_1136 = vector.broadcast %xor3A_1135 : i32 to vector<16xi32>
      %xor3A_1137 = arith.xori %iota3A, %xor3A_1136 : vector<16xi32>
      %broadcast_in_dim3A_1138 = vector.shape_cast %xor3A_1137 : vector<16xi32> to vector<16x1xi32>
      %gather3A_1139 = vector.shape_cast %broadcast_in_dim3A_1138 : vector<16x1xi32> to vector<16xi32>
      %gather3A_1140 = tpu.dynamic_gather %add3A_1134[%gather3A_1139] in [0] : vector<16xf32>, vector<16xi32> -> vector<16xf32>
      %add3A_1141 = arith.addf %add3A_1134, %gather3A_1140 : vector<16xf32>
      %xor3A_1142 = arith.constant 1 : i32
      %xor3A_1143 = vector.broadcast %xor3A_1142 : i32 to vector<16xi32>
      %xor3A_1144 = arith.xori %iota3A, %xor3A_1143 : vector<16xi32>
      %broadcast_in_dim3A_1145 = vector.shape_cast %xor3A_1144 : vector<16xi32> to vector<16x1xi32>
      %gather3A_1146 = vector.shape_cast %broadcast_in_dim3A_1145 : vector<16x1xi32> to vector<16xi32>
      %gather3A_1147 = tpu.dynamic_gather %add3A_1141[%gather3A_1146] in [0] : vector<16xf32>, vector<16xi32> -> vector<16xf32>
      %add3A_1148 = arith.addf %add3A_1141, %gather3A_1147 : vector<16xf32>
      %add3A_1149 = arith.addf %add3A_1148, %get3A_350 : vector<16xf32>
      %neg3A_1150 = arith.constant 0.000000e+00 : f32
      %neg3A_1151 = vector.broadcast %neg3A_1150 : f32 to vector<16xf32>
      %neg3A_1152 = arith.subf %neg3A_1151, %add3A_1149 : vector<16xf32>
      %exp3A_1153 = math.exp %neg3A_1152 : vector<16xf32>
      %add3A_1154 = arith.constant 1.000000e+00 : f32
      %add3A_1155 = vector.broadcast %add3A_1154 : f32 to vector<16xf32>
      %add3A_1156 = arith.addf %add3A_1155, %exp3A_1153 : vector<16xf32>
      %div3A_1157 = arith.constant 1.000000e+00 : f32
      %div3A_1158 = vector.broadcast %div3A_1157 : f32 to vector<16xf32>
      %div3A_1159 = arith.divf %div3A_1158, %add3A_1156 : vector<16xf32>
      %swap3A_1160 = arith.index_cast %add3A_1010 : i32 to index
      %swap3A_1161 = arith.constant 0 : index
      %swap3A_1162 = tpu.vector_load %arg12[%swap3A_1160, %swap3A_1161] {strides = array<i32>} : memref<128x16xf32, #tpu.memory_space<vmem>>, vector<1x16xf32>,
      %swap3A_1163 = vector.shape_cast %swap3A_1162 : vector<1x16xf32> to vector<16xf32>
      %swap3A_1164 = vector.shape_cast %div3A_1159 : vector<16xf32> to vector<1x16xf32>
      tpu.vector_store %arg12[%swap3A_1160, %swap3A_1161], %swap3A_1164 {strides = array<i32>} : memref<128x16xf32, #tpu.memory_space<vmem>>, vector<1x16xf32>,
      %add3A_1165 = arith.constant 4 : i32
      %add3A_1166 = arith.addi %add3A_1010, %add3A_1165 : i32
      %lt3A_1167 = arith.constant 128 : i32
      %lt3A_1168 = arith.cmpi slt, %add3A_1166, %lt3A_1167 : i32
      %convert_element_type3A_1169 = arith.extui %lt3A_1168 : i1 to i32
      %cond3A_1170 = arith.constant 0 : i32
      %cond3A_1171 = arith.cmpi ne, %convert_element_type3A_1169, %cond3A_1170 : i32
      scf.if %cond3A_1171 {
        %add3A_1667 = arith.constant 4 : i32
        %add3A_1668 = arith.addi %add3A_1010, %add3A_1667 : i32
        %add3A_1669 = arith.addi %mul3A_2, %add3A_1668 : i32
        %dma_wait3A_1670 = arith.constant 0 : i32
        %dma_wait3A_1671 = arith.constant 0 : i32
        %dma_wait3A_1672 = arith.constant 0 : i32
        %dma_wait3A_1673 = tpu.memref_slice %arg9[%dma_wait3A_1670, %dma_wait3A_1672] : memref<8x200xi32, #tpu.memory_space<vmem>> -> memref<1x200xi32, #tpu.memory_space<vmem>>
        %dma_wait3A_1674 = tpu.memref_squeeze %dma_wait3A_1673 : memref<1x200xi32, #tpu.memory_space<vmem>> -> memref<200xi32, #tpu.memory_space<vmem>>
        %dma_wait3A_1675 = arith.constant 0 : i32
        %dma_wait3A_1676 = tpu.memref_slice %arg3[%add3A_1669, %dma_wait3A_1675] : memref<4096x200xi32, #tpu.memory_space<hbm>> -> memref<1x200xi32, #tpu.memory_space<hbm>>
        %dma_wait3A_1677 = tpu.memref_squeeze %dma_wait3A_1676 : memref<1x200xi32, #tpu.memory_space<hbm>> -> memref<200xi32, #tpu.memory_space<hbm>>
        %dma_wait3A_1678 = tpu.memref_slice %arg15[%dma_wait3A_1671] : memref<8x!tpu.dma_semaphore, #tpu.memory_space<semaphore_mem>> -> memref<1x!tpu.dma_semaphore, #tpu.memory_space<semaphore_mem>>
        %dma_wait3A_1679 = tpu.memref_squeeze %dma_wait3A_1678 : memref<1x!tpu.dma_semaphore, #tpu.memory_space<semaphore_mem>> -> memref<!tpu.dma_semaphore, #tpu.memory_space<semaphore_mem>>
        %dma_wait3A_1680 = arith.constant 0 : i32
        %dma_wait3A_1681 = tpu.memref_slice %arg9[%dma_wait3A_1670, %dma_wait3A_1680] : memref<8x200xi32, #tpu.memory_space<vmem>> -> memref<1x200xi32, #tpu.memory_space<vmem>>
        %dma_wait3A_1682 = tpu.memref_squeeze %dma_wait3A_1681 : memref<1x200xi32, #tpu.memory_space<vmem>> -> memref<200xi32, #tpu.memory_space<vmem>>
        %dma_wait3A_1683 = arith.constant 0 : i32
        %dma_wait3A_1684 = tpu.memref_slice %arg3[%add3A_1669, %dma_wait3A_1683] : memref<4096x200xi32, #tpu.memory_space<hbm>> -> memref<1x200xi32, #tpu.memory_space<hbm>>
        %dma_wait3A_1685 = tpu.memref_squeeze %dma_wait3A_1684 : memref<1x200xi32, #tpu.memory_space<hbm>> -> memref<200xi32, #tpu.memory_space<hbm>>
        tpu.wait_dma2 semaphore(%dma_wait3A_1679 : memref<!tpu.dma_semaphore, #tpu.memory_space<semaphore_mem>>) src(%dma_wait3A_1685 : memref<200xi32, #tpu.memory_space<hbm>>) dst(%dma_wait3A_1682 : memref<200xi32, #tpu.memory_space<vmem>>)
        %dma_start3A_1686 = arith.constant 0 : i32
        %dma_start3A_1687 = arith.constant 0 : i32
        %dma_start3A_1688 = arith.constant 0 : i32
        %dma_start3A_1689 = arith.constant 0 : i32
        %dma_start3A_1690 = arith.constant 0 : i32
        %dma_start3A_1691 = tpu.memref_slice %arg10[%dma_start3A_1687, %dma_start3A_1689, %dma_start3A_1690] : memref<4x200x64xf32, #tpu.memory_space<vmem>> -> memref<1x104x64xf32, #tpu.memory_space<vmem>>
        %dma_start3A_1692 = tpu.memref_squeeze %dma_start3A_1691 : memref<1x104x64xf32, #tpu.memory_space<vmem>> -> memref<104x64xf32, #tpu.memory_space<vmem>>
        %dma_start3A_1693 = arith.constant 0 : i32
        %dma_start3A_1694 = tpu.memref_slice %arg9[%dma_start3A_1686, %dma_start3A_1693] : memref<8x200xi32, #tpu.memory_space<vmem>> -> memref<1x104xi32, #tpu.memory_space<vmem>>
        %dma_start3A_1695 = tpu.memref_squeeze %dma_start3A_1694 : memref<1x104xi32, #tpu.memory_space<vmem>> -> memref<104xi32, #tpu.memory_space<vmem>>
        %dma_start3A_1696 = arith.constant 0 : i32
        %dma_start3A_1697 = arith.constant 0 : i32
        %dma_start3A_1698 = tpu.memref_slice %arg4[%dma_start3A_1696, %dma_start3A_1697] : memref<1000000x64xf32, #tpu.memory_space<hbm>> -> memref<1000000x64xf32, #tpu.memory_space<hbm>>
        %dma_start3A_1699 = tpu.memref_slice %arg16[%dma_start3A_1688] : memref<4x!tpu.dma_semaphore, #tpu.memory_space<semaphore_mem>> -> memref<1x!tpu.dma_semaphore, #tpu.memory_space<semaphore_mem>>
        %dma_start3A_1700 = tpu.memref_squeeze %dma_start3A_1699 : memref<1x!tpu.dma_semaphore, #tpu.memory_space<semaphore_mem>> -> memref<!tpu.dma_semaphore, #tpu.memory_space<semaphore_mem>>
        tpu.enqueue_indirect_dma source(%dma_start3A_1698 : memref<1000000x64xf32, #tpu.memory_space<hbm>>) target(%dma_start3A_1692 : memref<104x64xf32, #tpu.memory_space<vmem>>) offsets(%dma_start3A_1695 : memref<104xi32, #tpu.memory_space<vmem>>) semaphore(%dma_start3A_1700 : memref<!tpu.dma_semaphore, #tpu.memory_space<semaphore_mem>>)
        %dma_start3A_1701 = arith.constant 0 : i32
        %dma_start3A_1702 = arith.constant 0 : i32
        %dma_start3A_1703 = arith.constant 0 : i32
        %dma_start3A_1704 = arith.constant 104 : i32
        %dma_start3A_1705 = arith.constant 0 : i32
        %dma_start3A_1706 = tpu.memref_slice %arg10[%dma_start3A_1702, %dma_start3A_1704, %dma_start3A_1705] : memref<4x200x64xf32, #tpu.memory_space<vmem>> -> memref<1x96x64xf32, #tpu.memory_space<vmem>>
        %dma_start3A_1707 = tpu.memref_squeeze %dma_start3A_1706 : memref<1x96x64xf32, #tpu.memory_space<vmem>> -> memref<96x64xf32, #tpu.memory_space<vmem>>
        %dma_start3A_1708 = arith.constant 104 : i32
        %dma_start3A_1709 = tpu.memref_slice %arg9[%dma_start3A_1701, %dma_start3A_1708] : memref<8x200xi32, #tpu.memory_space<vmem>> -> memref<1x96xi32, #tpu.memory_space<vmem>>
        %dma_start3A_1710 = tpu.memref_squeeze %dma_start3A_1709 : memref<1x96xi32, #tpu.memory_space<vmem>> -> memref<96xi32, #tpu.memory_space<vmem>>
        %dma_start3A_1711 = arith.constant 0 : i32
        %dma_start3A_1712 = arith.constant 0 : i32
        %dma_start3A_1713 = tpu.memref_slice %arg4[%dma_start3A_1711, %dma_start3A_1712] : memref<1000000x64xf32, #tpu.memory_space<hbm>> -> memref<1000000x64xf32, #tpu.memory_space<hbm>>
        %dma_start3A_1714 = tpu.memref_slice %arg16[%dma_start3A_1703] : memref<4x!tpu.dma_semaphore, #tpu.memory_space<semaphore_mem>> -> memref<1x!tpu.dma_semaphore, #tpu.memory_space<semaphore_mem>>
        %dma_start3A_1715 = tpu.memref_squeeze %dma_start3A_1714 : memref<1x!tpu.dma_semaphore, #tpu.memory_space<semaphore_mem>> -> memref<!tpu.dma_semaphore, #tpu.memory_space<semaphore_mem>>
        tpu.enqueue_indirect_dma source(%dma_start3A_1713 : memref<1000000x64xf32, #tpu.memory_space<hbm>>) target(%dma_start3A_1707 : memref<96x64xf32, #tpu.memory_space<vmem>>) offsets(%dma_start3A_1710 : memref<96xi32, #tpu.memory_space<vmem>>) semaphore(%dma_start3A_1715 : memref<!tpu.dma_semaphore, #tpu.memory_space<semaphore_mem>>)
      } else {
      }
      %mul3A_1172 = arith.constant 8 : i32
      %mul3A_1173 = arith.muli %mul3A_1172, %scan3A_356 : i32
      %add3A_1174 = arith.constant 5 : i32
      %add3A_1175 = arith.addi %mul3A_1173, %add3A_1174 : i32
      %dma_wait3A_1176 = arith.constant 5 : i32
      %dma_wait3A_1177 = arith.constant 1 : i32
      %dma_wait3A_1178 = arith.constant 1 : i32
      %dma_wait3A_1179 = arith.constant 0 : i32
      %dma_wait3A_1180 = arith.constant 0 : i32
      %dma_wait3A_1181 = tpu.memref_slice %arg10[%dma_wait3A_1177, %dma_wait3A_1179, %dma_wait3A_1180] : memref<4x200x64xf32, #tpu.memory_space<vmem>> -> memref<1x104x64xf32, #tpu.memory_space<vmem>>
      %dma_wait3A_1182 = tpu.memref_squeeze %dma_wait3A_1181 : memref<1x104x64xf32, #tpu.memory_space<vmem>> -> memref<104x64xf32, #tpu.memory_space<vmem>>
      %dma_wait3A_1183 = arith.constant 0 : i32
      %dma_wait3A_1184 = tpu.memref_slice %arg9[%dma_wait3A_1176, %dma_wait3A_1183] : memref<8x200xi32, #tpu.memory_space<vmem>> -> memref<1x104xi32, #tpu.memory_space<vmem>>
      %dma_wait3A_1185 = tpu.memref_squeeze %dma_wait3A_1184 : memref<1x104xi32, #tpu.memory_space<vmem>> -> memref<104xi32, #tpu.memory_space<vmem>>
      %dma_wait3A_1186 = arith.constant 0 : i32
      %dma_wait3A_1187 = arith.constant 0 : i32
      %dma_wait3A_1188 = tpu.memref_slice %arg4[%dma_wait3A_1186, %dma_wait3A_1187] : memref<1000000x64xf32, #tpu.memory_space<hbm>> -> memref<1000000x64xf32, #tpu.memory_space<hbm>>
      %dma_wait3A_1189 = tpu.memref_slice %arg16[%dma_wait3A_1178] : memref<4x!tpu.dma_semaphore, #tpu.memory_space<semaphore_mem>> -> memref<1x!tpu.dma_semaphore, #tpu.memory_space<semaphore_mem>>
      %dma_wait3A_1190 = tpu.memref_squeeze %dma_wait3A_1189 : memref<1x!tpu.dma_semaphore, #tpu.memory_space<semaphore_mem>> -> memref<!tpu.dma_semaphore, #tpu.memory_space<semaphore_mem>>
      tpu.wait_indirect_dma semaphore(%dma_wait3A_1190 : memref<!tpu.dma_semaphore, #tpu.memory_space<semaphore_mem>>) src(%dma_wait3A_1188 : memref<1000000x64xf32, #tpu.memory_space<hbm>>) dst(%dma_wait3A_1182 : memref<104x64xf32, #tpu.memory_space<vmem>>)
      %dma_wait3A_1191 = arith.constant 5 : i32
      %dma_wait3A_1192 = arith.constant 1 : i32
      %dma_wait3A_1193 = arith.constant 1 : i32
      %dma_wait3A_1194 = arith.constant 104 : i32
      %dma_wait3A_1195 = arith.constant 0 : i32
      %dma_wait3A_1196 = tpu.memref_slice %arg10[%dma_wait3A_1192, %dma_wait3A_1194, %dma_wait3A_1195] : memref<4x200x64xf32, #tpu.memory_space<vmem>> -> memref<1x96x64xf32, #tpu.memory_space<vmem>>
      %dma_wait3A_1197 = tpu.memref_squeeze %dma_wait3A_1196 : memref<1x96x64xf32, #tpu.memory_space<vmem>> -> memref<96x64xf32, #tpu.memory_space<vmem>>
      %dma_wait3A_1198 = arith.constant 104 : i32
      %dma_wait3A_1199 = tpu.memref_slice %arg9[%dma_wait3A_1191, %dma_wait3A_1198] : memref<8x200xi32, #tpu.memory_space<vmem>> -> memref<1x96xi32, #tpu.memory_space<vmem>>
      %dma_wait3A_1200 = tpu.memref_squeeze %dma_wait3A_1199 : memref<1x96xi32, #tpu.memory_space<vmem>> -> memref<96xi32, #tpu.memory_space<vmem>>
      %dma_wait3A_1201 = arith.constant 0 : i32
      %dma_wait3A_1202 = arith.constant 0 : i32
      %dma_wait3A_1203 = tpu.memref_slice %arg4[%dma_wait3A_1201, %dma_wait3A_1202] : memref<1000000x64xf32, #tpu.memory_space<hbm>> -> memref<1000000x64xf32, #tpu.memory_space<hbm>>
      %dma_wait3A_1204 = tpu.memref_slice %arg16[%dma_wait3A_1193] : memref<4x!tpu.dma_semaphore, #tpu.memory_space<semaphore_mem>> -> memref<1x!tpu.dma_semaphore, #tpu.memory_space<semaphore_mem>>
      %dma_wait3A_1205 = tpu.memref_squeeze %dma_wait3A_1204 : memref<1x!tpu.dma_semaphore, #tpu.memory_space<semaphore_mem>> -> memref<!tpu.dma_semaphore, #tpu.memory_space<semaphore_mem>>
      tpu.wait_indirect_dma semaphore(%dma_wait3A_1205 : memref<!tpu.dma_semaphore, #tpu.memory_space<semaphore_mem>>) src(%dma_wait3A_1203 : memref<1000000x64xf32, #tpu.memory_space<hbm>>) dst(%dma_wait3A_1197 : memref<96x64xf32, #tpu.memory_space<vmem>>)
      %add3A_1206 = arith.constant 8 : i32
      %add3A_1207 = arith.addi %add3A_1175, %add3A_1206 : i32
      %lt3A_1208 = arith.constant 128 : i32
      %lt3A_1209 = arith.cmpi slt, %add3A_1207, %lt3A_1208 : i32
      %convert_element_type3A_1210 = arith.extui %lt3A_1209 : i1 to i32
      %cond3A_1211 = arith.constant 0 : i32
      %cond3A_1212 = arith.cmpi ne, %convert_element_type3A_1210, %cond3A_1211 : i32
      scf.if %cond3A_1212 {
        %add3A_1667 = arith.constant 8 : i32
        %add3A_1668 = arith.addi %add3A_1175, %add3A_1667 : i32
        %add3A_1669 = arith.addi %mul3A_2, %add3A_1668 : i32
        %dma_start3A_1670 = arith.constant 5 : i32
        %dma_start3A_1671 = arith.constant 5 : i32
        %dma_start3A_1672 = arith.constant 0 : i32
        %dma_start3A_1673 = tpu.memref_slice %arg9[%dma_start3A_1670, %dma_start3A_1672] : memref<8x200xi32, #tpu.memory_space<vmem>> -> memref<1x200xi32, #tpu.memory_space<vmem>>
        %dma_start3A_1674 = tpu.memref_squeeze %dma_start3A_1673 : memref<1x200xi32, #tpu.memory_space<vmem>> -> memref<200xi32, #tpu.memory_space<vmem>>
        %dma_start3A_1675 = arith.constant 0 : i32
        %dma_start3A_1676 = tpu.memref_slice %arg3[%add3A_1669, %dma_start3A_1675] : memref<4096x200xi32, #tpu.memory_space<hbm>> -> memref<1x200xi32, #tpu.memory_space<hbm>>
        %dma_start3A_1677 = tpu.memref_squeeze %dma_start3A_1676 : memref<1x200xi32, #tpu.memory_space<hbm>> -> memref<200xi32, #tpu.memory_space<hbm>>
        %dma_start3A_1678 = tpu.memref_slice %arg15[%dma_start3A_1671] : memref<8x!tpu.dma_semaphore, #tpu.memory_space<semaphore_mem>> -> memref<1x!tpu.dma_semaphore, #tpu.memory_space<semaphore_mem>>
        %dma_start3A_1679 = tpu.memref_squeeze %dma_start3A_1678 : memref<1x!tpu.dma_semaphore, #tpu.memory_space<semaphore_mem>> -> memref<!tpu.dma_semaphore, #tpu.memory_space<semaphore_mem>>
        %dma_start3A_1680 = arith.constant 0 : i32
        %dma_start3A_1681 = tpu.memref_slice %arg9[%dma_start3A_1670, %dma_start3A_1680] : memref<8x200xi32, #tpu.memory_space<vmem>> -> memref<1x200xi32, #tpu.memory_space<vmem>>
        %dma_start3A_1682 = tpu.memref_squeeze %dma_start3A_1681 : memref<1x200xi32, #tpu.memory_space<vmem>> -> memref<200xi32, #tpu.memory_space<vmem>>
        %dma_start3A_1683 = arith.constant 0 : i32
        %dma_start3A_1684 = tpu.memref_slice %arg3[%add3A_1669, %dma_start3A_1683] : memref<4096x200xi32, #tpu.memory_space<hbm>> -> memref<1x200xi32, #tpu.memory_space<hbm>>
        %dma_start3A_1685 = tpu.memref_squeeze %dma_start3A_1684 : memref<1x200xi32, #tpu.memory_space<hbm>> -> memref<200xi32, #tpu.memory_space<hbm>>
        tpu.enqueue_dma source(%dma_start3A_1685 : memref<200xi32, #tpu.memory_space<hbm>>) target(%dma_start3A_1682 : memref<200xi32, #tpu.memory_space<vmem>>) target_semaphore(%dma_start3A_1679 : memref<!tpu.dma_semaphore, #tpu.memory_space<semaphore_mem>>)
      } else {
      }
      %broadcast_in_dim3A_1213 = arith.constant 0.000000e+00 : f32
      %broadcast_in_dim3A_1214 = vector.broadcast %broadcast_in_dim3A_1213 : f32 to vector<16xf32>
      %broadcast_in_dim3A_1215 = arith.constant 0.000000e+00 : f32
      %broadcast_in_dim3A_1216 = vector.broadcast %broadcast_in_dim3A_1215 : f32 to vector<16xf32>
      %broadcast_in_dim3A_1217 = arith.constant 0.000000e+00 : f32
      %broadcast_in_dim3A_1218 = vector.broadcast %broadcast_in_dim3A_1217 : f32 to vector<16xf32>
      %broadcast_in_dim3A_1219 = arith.constant 0.000000e+00 : f32
      %broadcast_in_dim3A_1220 = vector.broadcast %broadcast_in_dim3A_1219 : f32 to vector<16xf32>
      %scan3A_1221 = arith.constant 0 : i32
      %scan3A_1222 = arith.constant 50 : i32
      %scan3A_1223 = arith.addi %scan3A_1221, %scan3A_1222 : i32
      %scan3A_1224 = arith.constant 1 : i32
      %scan3A_1225:4 = scf.for %scan3A_1667 = %scan3A_1221 to %scan3A_1223 step %scan3A_1224 iter_args(%scan3A_1668 = %broadcast_in_dim3A_1214, %scan3A_1669 = %broadcast_in_dim3A_1216, %scan3A_1670 = %broadcast_in_dim3A_1218, %scan3A_1671 = %broadcast_in_dim3A_1220) -> (vector<16xf32>, vector<16xf32>, vector<16xf32>, vector<16xf32>)  : i32 {
        %mul3A_1672 = arith.constant 4 : i32
        %mul3A_1673 = arith.muli %scan3A_1667, %mul3A_1672 : i32
        %add3A_1674 = arith.constant 0 : i32
        %add3A_1675 = arith.addi %mul3A_1673, %add3A_1674 : i32
        %get3A_1676 = arith.constant 1 : i32
        %get3A_1677 = arith.index_cast %get3A_1676 : i32 to index
        %get3A_1678 = arith.index_cast %add3A_1675 : i32 to index
        %get3A_1679 = arith.constant 0 : index
        %get3A_1680 = tpu.vector_load %arg10[%get3A_1677, %get3A_1678, %get3A_1679] {strides = array<i32>} : memref<4x200x64xf32, #tpu.memory_space<vmem>>, vector<1x1x16xf32>,
        %get3A_1681 = vector.shape_cast %get3A_1680 : vector<1x1x16xf32> to vector<16xf32>
        %add3A_1682 = arith.addf %scan3A_1668, %get3A_1681 : vector<16xf32>
        %get3A_1683 = arith.constant 1 : i32
        %get3A_1684 = arith.index_cast %get3A_1683 : i32 to index
        %get3A_1685 = arith.index_cast %add3A_1675 : i32 to index
        %get3A_1686 = arith.constant 16 : index
        %get3A_1687 = tpu.vector_load %arg10[%get3A_1684, %get3A_1685, %get3A_1686] {strides = array<i32>} : memref<4x200x64xf32, #tpu.memory_space<vmem>>, vector<1x1x16xf32>,
        %get3A_1688 = vector.shape_cast %get3A_1687 : vector<1x1x16xf32> to vector<16xf32>
        %add3A_1689 = arith.addf %scan3A_1669, %get3A_1688 : vector<16xf32>
        %get3A_1690 = arith.constant 1 : i32
        %get3A_1691 = arith.index_cast %get3A_1690 : i32 to index
        %get3A_1692 = arith.index_cast %add3A_1675 : i32 to index
        %get3A_1693 = arith.constant 32 : index
        %get3A_1694 = tpu.vector_load %arg10[%get3A_1691, %get3A_1692, %get3A_1693] {strides = array<i32>} : memref<4x200x64xf32, #tpu.memory_space<vmem>>, vector<1x1x16xf32>,
        %get3A_1695 = vector.shape_cast %get3A_1694 : vector<1x1x16xf32> to vector<16xf32>
        %add3A_1696 = arith.addf %scan3A_1670, %get3A_1695 : vector<16xf32>
        %get3A_1697 = arith.constant 1 : i32
        %get3A_1698 = arith.index_cast %get3A_1697 : i32 to index
        %get3A_1699 = arith.index_cast %add3A_1675 : i32 to index
        %get3A_1700 = arith.constant 48 : index
        %get3A_1701 = tpu.vector_load %arg10[%get3A_1698, %get3A_1699, %get3A_1700] {strides = array<i32>} : memref<4x200x64xf32, #tpu.memory_space<vmem>>, vector<1x1x16xf32>,
        %get3A_1702 = vector.shape_cast %get3A_1701 : vector<1x1x16xf32> to vector<16xf32>
        %add3A_1703 = arith.addf %scan3A_1671, %get3A_1702 : vector<16xf32>
        %mul3A_1704 = arith.constant 4 : i32
        %mul3A_1705 = arith.muli %scan3A_1667, %mul3A_1704 : i32
        %add3A_1706 = arith.constant 1 : i32
        %add3A_1707 = arith.addi %mul3A_1705, %add3A_1706 : i32
        %get3A_1708 = arith.constant 1 : i32
        %get3A_1709 = arith.index_cast %get3A_1708 : i32 to index
        %get3A_1710 = arith.index_cast %add3A_1707 : i32 to index
        %get3A_1711 = arith.constant 0 : index
        %get3A_1712 = tpu.vector_load %arg10[%get3A_1709, %get3A_1710, %get3A_1711] {strides = array<i32>} : memref<4x200x64xf32, #tpu.memory_space<vmem>>, vector<1x1x16xf32>,
        %get3A_1713 = vector.shape_cast %get3A_1712 : vector<1x1x16xf32> to vector<16xf32>
        %add3A_1714 = arith.addf %add3A_1682, %get3A_1713 : vector<16xf32>
        %get3A_1715 = arith.constant 1 : i32
        %get3A_1716 = arith.index_cast %get3A_1715 : i32 to index
        %get3A_1717 = arith.index_cast %add3A_1707 : i32 to index
        %get3A_1718 = arith.constant 16 : index
        %get3A_1719 = tpu.vector_load %arg10[%get3A_1716, %get3A_1717, %get3A_1718] {strides = array<i32>} : memref<4x200x64xf32, #tpu.memory_space<vmem>>, vector<1x1x16xf32>,
        %get3A_1720 = vector.shape_cast %get3A_1719 : vector<1x1x16xf32> to vector<16xf32>
        %add3A_1721 = arith.addf %add3A_1689, %get3A_1720 : vector<16xf32>
        %get3A_1722 = arith.constant 1 : i32
        %get3A_1723 = arith.index_cast %get3A_1722 : i32 to index
        %get3A_1724 = arith.index_cast %add3A_1707 : i32 to index
        %get3A_1725 = arith.constant 32 : index
        %get3A_1726 = tpu.vector_load %arg10[%get3A_1723, %get3A_1724, %get3A_1725] {strides = array<i32>} : memref<4x200x64xf32, #tpu.memory_space<vmem>>, vector<1x1x16xf32>,
        %get3A_1727 = vector.shape_cast %get3A_1726 : vector<1x1x16xf32> to vector<16xf32>
        %add3A_1728 = arith.addf %add3A_1696, %get3A_1727 : vector<16xf32>
        %get3A_1729 = arith.constant 1 : i32
        %get3A_1730 = arith.index_cast %get3A_1729 : i32 to index
        %get3A_1731 = arith.index_cast %add3A_1707 : i32 to index
        %get3A_1732 = arith.constant 48 : index
        %get3A_1733 = tpu.vector_load %arg10[%get3A_1730, %get3A_1731, %get3A_1732] {strides = array<i32>} : memref<4x200x64xf32, #tpu.memory_space<vmem>>, vector<1x1x16xf32>,
        %get3A_1734 = vector.shape_cast %get3A_1733 : vector<1x1x16xf32> to vector<16xf32>
        %add3A_1735 = arith.addf %add3A_1703, %get3A_1734 : vector<16xf32>
        %mul3A_1736 = arith.constant 4 : i32
        %mul3A_1737 = arith.muli %scan3A_1667, %mul3A_1736 : i32
        %add3A_1738 = arith.constant 2 : i32
        %add3A_1739 = arith.addi %mul3A_1737, %add3A_1738 : i32
        %get3A_1740 = arith.constant 1 : i32
        %get3A_1741 = arith.index_cast %get3A_1740 : i32 to index
        %get3A_1742 = arith.index_cast %add3A_1739 : i32 to index
        %get3A_1743 = arith.constant 0 : index
        %get3A_1744 = tpu.vector_load %arg10[%get3A_1741, %get3A_1742, %get3A_1743] {strides = array<i32>} : memref<4x200x64xf32, #tpu.memory_space<vmem>>, vector<1x1x16xf32>,
        %get3A_1745 = vector.shape_cast %get3A_1744 : vector<1x1x16xf32> to vector<16xf32>
        %add3A_1746 = arith.addf %add3A_1714, %get3A_1745 : vector<16xf32>
        %get3A_1747 = arith.constant 1 : i32
        %get3A_1748 = arith.index_cast %get3A_1747 : i32 to index
        %get3A_1749 = arith.index_cast %add3A_1739 : i32 to index
        %get3A_1750 = arith.constant 16 : index
        %get3A_1751 = tpu.vector_load %arg10[%get3A_1748, %get3A_1749, %get3A_1750] {strides = array<i32>} : memref<4x200x64xf32, #tpu.memory_space<vmem>>, vector<1x1x16xf32>,
        %get3A_1752 = vector.shape_cast %get3A_1751 : vector<1x1x16xf32> to vector<16xf32>
        %add3A_1753 = arith.addf %add3A_1721, %get3A_1752 : vector<16xf32>
        %get3A_1754 = arith.constant 1 : i32
        %get3A_1755 = arith.index_cast %get3A_1754 : i32 to index
        %get3A_1756 = arith.index_cast %add3A_1739 : i32 to index
        %get3A_1757 = arith.constant 32 : index
        %get3A_1758 = tpu.vector_load %arg10[%get3A_1755, %get3A_1756, %get3A_1757] {strides = array<i32>} : memref<4x200x64xf32, #tpu.memory_space<vmem>>, vector<1x1x16xf32>,
        %get3A_1759 = vector.shape_cast %get3A_1758 : vector<1x1x16xf32> to vector<16xf32>
        %add3A_1760 = arith.addf %add3A_1728, %get3A_1759 : vector<16xf32>
        %get3A_1761 = arith.constant 1 : i32
        %get3A_1762 = arith.index_cast %get3A_1761 : i32 to index
        %get3A_1763 = arith.index_cast %add3A_1739 : i32 to index
        %get3A_1764 = arith.constant 48 : index
        %get3A_1765 = tpu.vector_load %arg10[%get3A_1762, %get3A_1763, %get3A_1764] {strides = array<i32>} : memref<4x200x64xf32, #tpu.memory_space<vmem>>, vector<1x1x16xf32>,
        %get3A_1766 = vector.shape_cast %get3A_1765 : vector<1x1x16xf32> to vector<16xf32>
        %add3A_1767 = arith.addf %add3A_1735, %get3A_1766 : vector<16xf32>
        %mul3A_1768 = arith.constant 4 : i32
        %mul3A_1769 = arith.muli %scan3A_1667, %mul3A_1768 : i32
        %add3A_1770 = arith.constant 3 : i32
        %add3A_1771 = arith.addi %mul3A_1769, %add3A_1770 : i32
        %get3A_1772 = arith.constant 1 : i32
        %get3A_1773 = arith.index_cast %get3A_1772 : i32 to index
        %get3A_1774 = arith.index_cast %add3A_1771 : i32 to index
        %get3A_1775 = arith.constant 0 : index
        %get3A_1776 = tpu.vector_load %arg10[%get3A_1773, %get3A_1774, %get3A_1775] {strides = array<i32>} : memref<4x200x64xf32, #tpu.memory_space<vmem>>, vector<1x1x16xf32>,
        %get3A_1777 = vector.shape_cast %get3A_1776 : vector<1x1x16xf32> to vector<16xf32>
        %add3A_1778 = arith.addf %add3A_1746, %get3A_1777 : vector<16xf32>
        %get3A_1779 = arith.constant 1 : i32
        %get3A_1780 = arith.index_cast %get3A_1779 : i32 to index
        %get3A_1781 = arith.index_cast %add3A_1771 : i32 to index
        %get3A_1782 = arith.constant 16 : index
        %get3A_1783 = tpu.vector_load %arg10[%get3A_1780, %get3A_1781, %get3A_1782] {strides = array<i32>} : memref<4x200x64xf32, #tpu.memory_space<vmem>>, vector<1x1x16xf32>,
        %get3A_1784 = vector.shape_cast %get3A_1783 : vector<1x1x16xf32> to vector<16xf32>
        %add3A_1785 = arith.addf %add3A_1753, %get3A_1784 : vector<16xf32>
        %get3A_1786 = arith.constant 1 : i32
        %get3A_1787 = arith.index_cast %get3A_1786 : i32 to index
        %get3A_1788 = arith.index_cast %add3A_1771 : i32 to index
        %get3A_1789 = arith.constant 32 : index
        %get3A_1790 = tpu.vector_load %arg10[%get3A_1787, %get3A_1788, %get3A_1789] {strides = array<i32>} : memref<4x200x64xf32, #tpu.memory_space<vmem>>, vector<1x1x16xf32>,
        %get3A_1791 = vector.shape_cast %get3A_1790 : vector<1x1x16xf32> to vector<16xf32>
        %add3A_1792 = arith.addf %add3A_1760, %get3A_1791 : vector<16xf32>
        %get3A_1793 = arith.constant 1 : i32
        %get3A_1794 = arith.index_cast %get3A_1793 : i32 to index
        %get3A_1795 = arith.index_cast %add3A_1771 : i32 to index
        %get3A_1796 = arith.constant 48 : index
        %get3A_1797 = tpu.vector_load %arg10[%get3A_1794, %get3A_1795, %get3A_1796] {strides = array<i32>} : memref<4x200x64xf32, #tpu.memory_space<vmem>>, vector<1x1x16xf32>,
        %get3A_1798 = vector.shape_cast %get3A_1797 : vector<1x1x16xf32> to vector<16xf32>
        %add3A_1799 = arith.addf %add3A_1767, %get3A_1798 : vector<16xf32>
        scf.yield %add3A_1778, %add3A_1785, %add3A_1792, %add3A_1799 : vector<16xf32>, vector<16xf32>, vector<16xf32>, vector<16xf32>
      }
      %scan3A_1226 = arith.constant 50 : i32
      %get3A_1227 = arith.index_cast %add3A_1175 : i32 to index
      %get3A_1228 = arith.constant 0 : index
      %get3A_1229 = tpu.vector_load %arg11[%get3A_1227, %get3A_1228] {strides = array<i32>} : memref<128x64xf32, #tpu.memory_space<vmem>>, vector<1x16xf32>,
      %get3A_1230 = vector.shape_cast %get3A_1229 : vector<1x16xf32> to vector<16xf32>
      %mul3A_1231 = arith.constant 5.000000e-03 : f32
      %mul3A_1232 = vector.broadcast %mul3A_1231 : f32 to vector<16xf32>
      %mul3A_1233 = arith.mulf %scan3A_1225#0, %mul3A_1232 : vector<16xf32>
      %add3A_1234 = arith.addf %get3A_1230, %mul3A_1233 : vector<16xf32>
      %swap3A_1235 = arith.index_cast %add3A_1175 : i32 to index
      %swap3A_1236 = arith.constant 0 : index
      %swap3A_1237 = tpu.vector_load %arg11[%swap3A_1235, %swap3A_1236] {strides = array<i32>} : memref<128x64xf32, #tpu.memory_space<vmem>>, vector<1x16xf32>,
      %swap3A_1238 = vector.shape_cast %swap3A_1237 : vector<1x16xf32> to vector<16xf32>
      %swap3A_1239 = vector.shape_cast %add3A_1234 : vector<16xf32> to vector<1x16xf32>
      tpu.vector_store %arg11[%swap3A_1235, %swap3A_1236], %swap3A_1239 {strides = array<i32>} : memref<128x64xf32, #tpu.memory_space<vmem>>, vector<1x16xf32>,
      %mul3A_1240 = arith.mulf %add3A_1234, %get3A_338 : vector<16xf32>
      %get3A_1241 = arith.index_cast %add3A_1175 : i32 to index
      %get3A_1242 = arith.constant 16 : index
      %get3A_1243 = tpu.vector_load %arg11[%get3A_1241, %get3A_1242] {strides = array<i32>} : memref<128x64xf32, #tpu.memory_space<vmem>>, vector<1x16xf32>,
      %get3A_1244 = vector.shape_cast %get3A_1243 : vector<1x16xf32> to vector<16xf32>
      %mul3A_1245 = arith.constant 5.000000e-03 : f32
      %mul3A_1246 = vector.broadcast %mul3A_1245 : f32 to vector<16xf32>
      %mul3A_1247 = arith.mulf %scan3A_1225#1, %mul3A_1246 : vector<16xf32>
      %add3A_1248 = arith.addf %get3A_1244, %mul3A_1247 : vector<16xf32>
      %swap3A_1249 = arith.index_cast %add3A_1175 : i32 to index
      %swap3A_1250 = arith.constant 16 : index
      %swap3A_1251 = tpu.vector_load %arg11[%swap3A_1249, %swap3A_1250] {strides = array<i32>} : memref<128x64xf32, #tpu.memory_space<vmem>>, vector<1x16xf32>,
      %swap3A_1252 = vector.shape_cast %swap3A_1251 : vector<1x16xf32> to vector<16xf32>
      %swap3A_1253 = vector.shape_cast %add3A_1248 : vector<16xf32> to vector<1x16xf32>
      tpu.vector_store %arg11[%swap3A_1249, %swap3A_1250], %swap3A_1253 {strides = array<i32>} : memref<128x64xf32, #tpu.memory_space<vmem>>, vector<1x16xf32>,
      %mul3A_1254 = arith.mulf %add3A_1248, %get3A_341 : vector<16xf32>
      %add3A_1255 = arith.addf %mul3A_1240, %mul3A_1254 : vector<16xf32>
      %get3A_1256 = arith.index_cast %add3A_1175 : i32 to index
      %get3A_1257 = arith.constant 32 : index
      %get3A_1258 = tpu.vector_load %arg11[%get3A_1256, %get3A_1257] {strides = array<i32>} : memref<128x64xf32, #tpu.memory_space<vmem>>, vector<1x16xf32>,
      %get3A_1259 = vector.shape_cast %get3A_1258 : vector<1x16xf32> to vector<16xf32>
      %mul3A_1260 = arith.constant 5.000000e-03 : f32
      %mul3A_1261 = vector.broadcast %mul3A_1260 : f32 to vector<16xf32>
      %mul3A_1262 = arith.mulf %scan3A_1225#2, %mul3A_1261 : vector<16xf32>
      %add3A_1263 = arith.addf %get3A_1259, %mul3A_1262 : vector<16xf32>
      %swap3A_1264 = arith.index_cast %add3A_1175 : i32 to index
      %swap3A_1265 = arith.constant 32 : index
      %swap3A_1266 = tpu.vector_load %arg11[%swap3A_1264, %swap3A_1265] {strides = array<i32>} : memref<128x64xf32, #tpu.memory_space<vmem>>, vector<1x16xf32>,
      %swap3A_1267 = vector.shape_cast %swap3A_1266 : vector<1x16xf32> to vector<16xf32>
      %swap3A_1268 = vector.shape_cast %add3A_1263 : vector<16xf32> to vector<1x16xf32>
      tpu.vector_store %arg11[%swap3A_1264, %swap3A_1265], %swap3A_1268 {strides = array<i32>} : memref<128x64xf32, #tpu.memory_space<vmem>>, vector<1x16xf32>,
      %mul3A_1269 = arith.mulf %add3A_1263, %get3A_344 : vector<16xf32>
      %add3A_1270 = arith.addf %add3A_1255, %mul3A_1269 : vector<16xf32>
      %get3A_1271 = arith.index_cast %add3A_1175 : i32 to index
      %get3A_1272 = arith.constant 48 : index
      %get3A_1273 = tpu.vector_load %arg11[%get3A_1271, %get3A_1272] {strides = array<i32>} : memref<128x64xf32, #tpu.memory_space<vmem>>, vector<1x16xf32>,
      %get3A_1274 = vector.shape_cast %get3A_1273 : vector<1x16xf32> to vector<16xf32>
      %mul3A_1275 = arith.constant 5.000000e-03 : f32
      %mul3A_1276 = vector.broadcast %mul3A_1275 : f32 to vector<16xf32>
      %mul3A_1277 = arith.mulf %scan3A_1225#3, %mul3A_1276 : vector<16xf32>
      %add3A_1278 = arith.addf %get3A_1274, %mul3A_1277 : vector<16xf32>
      %swap3A_1279 = arith.index_cast %add3A_1175 : i32 to index
      %swap3A_1280 = arith.constant 48 : index
      %swap3A_1281 = tpu.vector_load %arg11[%swap3A_1279, %swap3A_1280] {strides = array<i32>} : memref<128x64xf32, #tpu.memory_space<vmem>>, vector<1x16xf32>,
      %swap3A_1282 = vector.shape_cast %swap3A_1281 : vector<1x16xf32> to vector<16xf32>
      %swap3A_1283 = vector.shape_cast %add3A_1278 : vector<16xf32> to vector<1x16xf32>
      tpu.vector_store %arg11[%swap3A_1279, %swap3A_1280], %swap3A_1283 {strides = array<i32>} : memref<128x64xf32, #tpu.memory_space<vmem>>, vector<1x16xf32>,
      %mul3A_1284 = arith.mulf %add3A_1278, %get3A_347 : vector<16xf32>
      %add3A_1285 = arith.addf %add3A_1270, %mul3A_1284 : vector<16xf32>
      %xor3A_1286 = arith.constant 8 : i32
      %xor3A_1287 = vector.broadcast %xor3A_1286 : i32 to vector<16xi32>
      %xor3A_1288 = arith.xori %iota3A, %xor3A_1287 : vector<16xi32>
      %broadcast_in_dim3A_1289 = vector.shape_cast %xor3A_1288 : vector<16xi32> to vector<16x1xi32>
      %gather3A_1290 = vector.shape_cast %broadcast_in_dim3A_1289 : vector<16x1xi32> to vector<16xi32>
      %gather3A_1291 = tpu.dynamic_gather %add3A_1285[%gather3A_1290] in [0] : vector<16xf32>, vector<16xi32> -> vector<16xf32>
      %add3A_1292 = arith.addf %add3A_1285, %gather3A_1291 : vector<16xf32>
      %xor3A_1293 = arith.constant 4 : i32
      %xor3A_1294 = vector.broadcast %xor3A_1293 : i32 to vector<16xi32>
      %xor3A_1295 = arith.xori %iota3A, %xor3A_1294 : vector<16xi32>
      %broadcast_in_dim3A_1296 = vector.shape_cast %xor3A_1295 : vector<16xi32> to vector<16x1xi32>
      %gather3A_1297 = vector.shape_cast %broadcast_in_dim3A_1296 : vector<16x1xi32> to vector<16xi32>
      %gather3A_1298 = tpu.dynamic_gather %add3A_1292[%gather3A_1297] in [0] : vector<16xf32>, vector<16xi32> -> vector<16xf32>
      %add3A_1299 = arith.addf %add3A_1292, %gather3A_1298 : vector<16xf32>
      %xor3A_1300 = arith.constant 2 : i32
      %xor3A_1301 = vector.broadcast %xor3A_1300 : i32 to vector<16xi32>
      %xor3A_1302 = arith.xori %iota3A, %xor3A_1301 : vector<16xi32>
      %broadcast_in_dim3A_1303 = vector.shape_cast %xor3A_1302 : vector<16xi32> to vector<16x1xi32>
      %gather3A_1304 = vector.shape_cast %broadcast_in_dim3A_1303 : vector<16x1xi32> to vector<16xi32>
      %gather3A_1305 = tpu.dynamic_gather %add3A_1299[%gather3A_1304] in [0] : vector<16xf32>, vector<16xi32> -> vector<16xf32>
      %add3A_1306 = arith.addf %add3A_1299, %gather3A_1305 : vector<16xf32>
      %xor3A_1307 = arith.constant 1 : i32
      %xor3A_1308 = vector.broadcast %xor3A_1307 : i32 to vector<16xi32>
      %xor3A_1309 = arith.xori %iota3A, %xor3A_1308 : vector<16xi32>
      %broadcast_in_dim3A_1310 = vector.shape_cast %xor3A_1309 : vector<16xi32> to vector<16x1xi32>
      %gather3A_1311 = vector.shape_cast %broadcast_in_dim3A_1310 : vector<16x1xi32> to vector<16xi32>
      %gather3A_1312 = tpu.dynamic_gather %add3A_1306[%gather3A_1311] in [0] : vector<16xf32>, vector<16xi32> -> vector<16xf32>
      %add3A_1313 = arith.addf %add3A_1306, %gather3A_1312 : vector<16xf32>
      %add3A_1314 = arith.addf %add3A_1313, %get3A_350 : vector<16xf32>
      %neg3A_1315 = arith.constant 0.000000e+00 : f32
      %neg3A_1316 = vector.broadcast %neg3A_1315 : f32 to vector<16xf32>
      %neg3A_1317 = arith.subf %neg3A_1316, %add3A_1314 : vector<16xf32>
      %exp3A_1318 = math.exp %neg3A_1317 : vector<16xf32>
      %add3A_1319 = arith.constant 1.000000e+00 : f32
      %add3A_1320 = vector.broadcast %add3A_1319 : f32 to vector<16xf32>
      %add3A_1321 = arith.addf %add3A_1320, %exp3A_1318 : vector<16xf32>
      %div3A_1322 = arith.constant 1.000000e+00 : f32
      %div3A_1323 = vector.broadcast %div3A_1322 : f32 to vector<16xf32>
      %div3A_1324 = arith.divf %div3A_1323, %add3A_1321 : vector<16xf32>
      %swap3A_1325 = arith.index_cast %add3A_1175 : i32 to index
      %swap3A_1326 = arith.constant 0 : index
      %swap3A_1327 = tpu.vector_load %arg12[%swap3A_1325, %swap3A_1326] {strides = array<i32>} : memref<128x16xf32, #tpu.memory_space<vmem>>, vector<1x16xf32>,
      %swap3A_1328 = vector.shape_cast %swap3A_1327 : vector<1x16xf32> to vector<16xf32>
      %swap3A_1329 = vector.shape_cast %div3A_1324 : vector<16xf32> to vector<1x16xf32>
      tpu.vector_store %arg12[%swap3A_1325, %swap3A_1326], %swap3A_1329 {strides = array<i32>} : memref<128x16xf32, #tpu.memory_space<vmem>>, vector<1x16xf32>,
      %add3A_1330 = arith.constant 4 : i32
      %add3A_1331 = arith.addi %add3A_1175, %add3A_1330 : i32
      %lt3A_1332 = arith.constant 128 : i32
      %lt3A_1333 = arith.cmpi slt, %add3A_1331, %lt3A_1332 : i32
      %convert_element_type3A_1334 = arith.extui %lt3A_1333 : i1 to i32
      %cond3A_1335 = arith.constant 0 : i32
      %cond3A_1336 = arith.cmpi ne, %convert_element_type3A_1334, %cond3A_1335 : i32
      scf.if %cond3A_1336 {
        %add3A_1667 = arith.constant 4 : i32
        %add3A_1668 = arith.addi %add3A_1175, %add3A_1667 : i32
        %add3A_1669 = arith.addi %mul3A_2, %add3A_1668 : i32
        %dma_wait3A_1670 = arith.constant 1 : i32
        %dma_wait3A_1671 = arith.constant 1 : i32
        %dma_wait3A_1672 = arith.constant 0 : i32
        %dma_wait3A_1673 = tpu.memref_slice %arg9[%dma_wait3A_1670, %dma_wait3A_1672] : memref<8x200xi32, #tpu.memory_space<vmem>> -> memref<1x200xi32, #tpu.memory_space<vmem>>
        %dma_wait3A_1674 = tpu.memref_squeeze %dma_wait3A_1673 : memref<1x200xi32, #tpu.memory_space<vmem>> -> memref<200xi32, #tpu.memory_space<vmem>>
        %dma_wait3A_1675 = arith.constant 0 : i32
        %dma_wait3A_1676 = tpu.memref_slice %arg3[%add3A_1669, %dma_wait3A_1675] : memref<4096x200xi32, #tpu.memory_space<hbm>> -> memref<1x200xi32, #tpu.memory_space<hbm>>
        %dma_wait3A_1677 = tpu.memref_squeeze %dma_wait3A_1676 : memref<1x200xi32, #tpu.memory_space<hbm>> -> memref<200xi32, #tpu.memory_space<hbm>>
        %dma_wait3A_1678 = tpu.memref_slice %arg15[%dma_wait3A_1671] : memref<8x!tpu.dma_semaphore, #tpu.memory_space<semaphore_mem>> -> memref<1x!tpu.dma_semaphore, #tpu.memory_space<semaphore_mem>>
        %dma_wait3A_1679 = tpu.memref_squeeze %dma_wait3A_1678 : memref<1x!tpu.dma_semaphore, #tpu.memory_space<semaphore_mem>> -> memref<!tpu.dma_semaphore, #tpu.memory_space<semaphore_mem>>
        %dma_wait3A_1680 = arith.constant 0 : i32
        %dma_wait3A_1681 = tpu.memref_slice %arg9[%dma_wait3A_1670, %dma_wait3A_1680] : memref<8x200xi32, #tpu.memory_space<vmem>> -> memref<1x200xi32, #tpu.memory_space<vmem>>
        %dma_wait3A_1682 = tpu.memref_squeeze %dma_wait3A_1681 : memref<1x200xi32, #tpu.memory_space<vmem>> -> memref<200xi32, #tpu.memory_space<vmem>>
        %dma_wait3A_1683 = arith.constant 0 : i32
        %dma_wait3A_1684 = tpu.memref_slice %arg3[%add3A_1669, %dma_wait3A_1683] : memref<4096x200xi32, #tpu.memory_space<hbm>> -> memref<1x200xi32, #tpu.memory_space<hbm>>
        %dma_wait3A_1685 = tpu.memref_squeeze %dma_wait3A_1684 : memref<1x200xi32, #tpu.memory_space<hbm>> -> memref<200xi32, #tpu.memory_space<hbm>>
        tpu.wait_dma2 semaphore(%dma_wait3A_1679 : memref<!tpu.dma_semaphore, #tpu.memory_space<semaphore_mem>>) src(%dma_wait3A_1685 : memref<200xi32, #tpu.memory_space<hbm>>) dst(%dma_wait3A_1682 : memref<200xi32, #tpu.memory_space<vmem>>)
        %dma_start3A_1686 = arith.constant 1 : i32
        %dma_start3A_1687 = arith.constant 1 : i32
        %dma_start3A_1688 = arith.constant 1 : i32
        %dma_start3A_1689 = arith.constant 0 : i32
        %dma_start3A_1690 = arith.constant 0 : i32
        %dma_start3A_1691 = tpu.memref_slice %arg10[%dma_start3A_1687, %dma_start3A_1689, %dma_start3A_1690] : memref<4x200x64xf32, #tpu.memory_space<vmem>> -> memref<1x104x64xf32, #tpu.memory_space<vmem>>
        %dma_start3A_1692 = tpu.memref_squeeze %dma_start3A_1691 : memref<1x104x64xf32, #tpu.memory_space<vmem>> -> memref<104x64xf32, #tpu.memory_space<vmem>>
        %dma_start3A_1693 = arith.constant 0 : i32
        %dma_start3A_1694 = tpu.memref_slice %arg9[%dma_start3A_1686, %dma_start3A_1693] : memref<8x200xi32, #tpu.memory_space<vmem>> -> memref<1x104xi32, #tpu.memory_space<vmem>>
        %dma_start3A_1695 = tpu.memref_squeeze %dma_start3A_1694 : memref<1x104xi32, #tpu.memory_space<vmem>> -> memref<104xi32, #tpu.memory_space<vmem>>
        %dma_start3A_1696 = arith.constant 0 : i32
        %dma_start3A_1697 = arith.constant 0 : i32
        %dma_start3A_1698 = tpu.memref_slice %arg4[%dma_start3A_1696, %dma_start3A_1697] : memref<1000000x64xf32, #tpu.memory_space<hbm>> -> memref<1000000x64xf32, #tpu.memory_space<hbm>>
        %dma_start3A_1699 = tpu.memref_slice %arg16[%dma_start3A_1688] : memref<4x!tpu.dma_semaphore, #tpu.memory_space<semaphore_mem>> -> memref<1x!tpu.dma_semaphore, #tpu.memory_space<semaphore_mem>>
        %dma_start3A_1700 = tpu.memref_squeeze %dma_start3A_1699 : memref<1x!tpu.dma_semaphore, #tpu.memory_space<semaphore_mem>> -> memref<!tpu.dma_semaphore, #tpu.memory_space<semaphore_mem>>
        tpu.enqueue_indirect_dma source(%dma_start3A_1698 : memref<1000000x64xf32, #tpu.memory_space<hbm>>) target(%dma_start3A_1692 : memref<104x64xf32, #tpu.memory_space<vmem>>) offsets(%dma_start3A_1695 : memref<104xi32, #tpu.memory_space<vmem>>) semaphore(%dma_start3A_1700 : memref<!tpu.dma_semaphore, #tpu.memory_space<semaphore_mem>>)
        %dma_start3A_1701 = arith.constant 1 : i32
        %dma_start3A_1702 = arith.constant 1 : i32
        %dma_start3A_1703 = arith.constant 1 : i32
        %dma_start3A_1704 = arith.constant 104 : i32
        %dma_start3A_1705 = arith.constant 0 : i32
        %dma_start3A_1706 = tpu.memref_slice %arg10[%dma_start3A_1702, %dma_start3A_1704, %dma_start3A_1705] : memref<4x200x64xf32, #tpu.memory_space<vmem>> -> memref<1x96x64xf32, #tpu.memory_space<vmem>>
        %dma_start3A_1707 = tpu.memref_squeeze %dma_start3A_1706 : memref<1x96x64xf32, #tpu.memory_space<vmem>> -> memref<96x64xf32, #tpu.memory_space<vmem>>
        %dma_start3A_1708 = arith.constant 104 : i32
        %dma_start3A_1709 = tpu.memref_slice %arg9[%dma_start3A_1701, %dma_start3A_1708] : memref<8x200xi32, #tpu.memory_space<vmem>> -> memref<1x96xi32, #tpu.memory_space<vmem>>
        %dma_start3A_1710 = tpu.memref_squeeze %dma_start3A_1709 : memref<1x96xi32, #tpu.memory_space<vmem>> -> memref<96xi32, #tpu.memory_space<vmem>>
        %dma_start3A_1711 = arith.constant 0 : i32
        %dma_start3A_1712 = arith.constant 0 : i32
        %dma_start3A_1713 = tpu.memref_slice %arg4[%dma_start3A_1711, %dma_start3A_1712] : memref<1000000x64xf32, #tpu.memory_space<hbm>> -> memref<1000000x64xf32, #tpu.memory_space<hbm>>
        %dma_start3A_1714 = tpu.memref_slice %arg16[%dma_start3A_1703] : memref<4x!tpu.dma_semaphore, #tpu.memory_space<semaphore_mem>> -> memref<1x!tpu.dma_semaphore, #tpu.memory_space<semaphore_mem>>
        %dma_start3A_1715 = tpu.memref_squeeze %dma_start3A_1714 : memref<1x!tpu.dma_semaphore, #tpu.memory_space<semaphore_mem>> -> memref<!tpu.dma_semaphore, #tpu.memory_space<semaphore_mem>>
        tpu.enqueue_indirect_dma source(%dma_start3A_1713 : memref<1000000x64xf32, #tpu.memory_space<hbm>>) target(%dma_start3A_1707 : memref<96x64xf32, #tpu.memory_space<vmem>>) offsets(%dma_start3A_1710 : memref<96xi32, #tpu.memory_space<vmem>>) semaphore(%dma_start3A_1715 : memref<!tpu.dma_semaphore, #tpu.memory_space<semaphore_mem>>)
      } else {
      }
      %mul3A_1337 = arith.constant 8 : i32
      %mul3A_1338 = arith.muli %mul3A_1337, %scan3A_356 : i32
      %add3A_1339 = arith.constant 6 : i32
      %add3A_1340 = arith.addi %mul3A_1338, %add3A_1339 : i32
      %dma_wait3A_1341 = arith.constant 6 : i32
      %dma_wait3A_1342 = arith.constant 2 : i32
      %dma_wait3A_1343 = arith.constant 2 : i32
      %dma_wait3A_1344 = arith.constant 0 : i32
      %dma_wait3A_1345 = arith.constant 0 : i32
      %dma_wait3A_1346 = tpu.memref_slice %arg10[%dma_wait3A_1342, %dma_wait3A_1344, %dma_wait3A_1345] : memref<4x200x64xf32, #tpu.memory_space<vmem>> -> memref<1x104x64xf32, #tpu.memory_space<vmem>>
      %dma_wait3A_1347 = tpu.memref_squeeze %dma_wait3A_1346 : memref<1x104x64xf32, #tpu.memory_space<vmem>> -> memref<104x64xf32, #tpu.memory_space<vmem>>
      %dma_wait3A_1348 = arith.constant 0 : i32
      %dma_wait3A_1349 = tpu.memref_slice %arg9[%dma_wait3A_1341, %dma_wait3A_1348] : memref<8x200xi32, #tpu.memory_space<vmem>> -> memref<1x104xi32, #tpu.memory_space<vmem>>
      %dma_wait3A_1350 = tpu.memref_squeeze %dma_wait3A_1349 : memref<1x104xi32, #tpu.memory_space<vmem>> -> memref<104xi32, #tpu.memory_space<vmem>>
      %dma_wait3A_1351 = arith.constant 0 : i32
      %dma_wait3A_1352 = arith.constant 0 : i32
      %dma_wait3A_1353 = tpu.memref_slice %arg4[%dma_wait3A_1351, %dma_wait3A_1352] : memref<1000000x64xf32, #tpu.memory_space<hbm>> -> memref<1000000x64xf32, #tpu.memory_space<hbm>>
      %dma_wait3A_1354 = tpu.memref_slice %arg16[%dma_wait3A_1343] : memref<4x!tpu.dma_semaphore, #tpu.memory_space<semaphore_mem>> -> memref<1x!tpu.dma_semaphore, #tpu.memory_space<semaphore_mem>>
      %dma_wait3A_1355 = tpu.memref_squeeze %dma_wait3A_1354 : memref<1x!tpu.dma_semaphore, #tpu.memory_space<semaphore_mem>> -> memref<!tpu.dma_semaphore, #tpu.memory_space<semaphore_mem>>
      tpu.wait_indirect_dma semaphore(%dma_wait3A_1355 : memref<!tpu.dma_semaphore, #tpu.memory_space<semaphore_mem>>) src(%dma_wait3A_1353 : memref<1000000x64xf32, #tpu.memory_space<hbm>>) dst(%dma_wait3A_1347 : memref<104x64xf32, #tpu.memory_space<vmem>>)
      %dma_wait3A_1356 = arith.constant 6 : i32
      %dma_wait3A_1357 = arith.constant 2 : i32
      %dma_wait3A_1358 = arith.constant 2 : i32
      %dma_wait3A_1359 = arith.constant 104 : i32
      %dma_wait3A_1360 = arith.constant 0 : i32
      %dma_wait3A_1361 = tpu.memref_slice %arg10[%dma_wait3A_1357, %dma_wait3A_1359, %dma_wait3A_1360] : memref<4x200x64xf32, #tpu.memory_space<vmem>> -> memref<1x96x64xf32, #tpu.memory_space<vmem>>
      %dma_wait3A_1362 = tpu.memref_squeeze %dma_wait3A_1361 : memref<1x96x64xf32, #tpu.memory_space<vmem>> -> memref<96x64xf32, #tpu.memory_space<vmem>>
      %dma_wait3A_1363 = arith.constant 104 : i32
      %dma_wait3A_1364 = tpu.memref_slice %arg9[%dma_wait3A_1356, %dma_wait3A_1363] : memref<8x200xi32, #tpu.memory_space<vmem>> -> memref<1x96xi32, #tpu.memory_space<vmem>>
      %dma_wait3A_1365 = tpu.memref_squeeze %dma_wait3A_1364 : memref<1x96xi32, #tpu.memory_space<vmem>> -> memref<96xi32, #tpu.memory_space<vmem>>
      %dma_wait3A_1366 = arith.constant 0 : i32
      %dma_wait3A_1367 = arith.constant 0 : i32
      %dma_wait3A_1368 = tpu.memref_slice %arg4[%dma_wait3A_1366, %dma_wait3A_1367] : memref<1000000x64xf32, #tpu.memory_space<hbm>> -> memref<1000000x64xf32, #tpu.memory_space<hbm>>
      %dma_wait3A_1369 = tpu.memref_slice %arg16[%dma_wait3A_1358] : memref<4x!tpu.dma_semaphore, #tpu.memory_space<semaphore_mem>> -> memref<1x!tpu.dma_semaphore, #tpu.memory_space<semaphore_mem>>
      %dma_wait3A_1370 = tpu.memref_squeeze %dma_wait3A_1369 : memref<1x!tpu.dma_semaphore, #tpu.memory_space<semaphore_mem>> -> memref<!tpu.dma_semaphore, #tpu.memory_space<semaphore_mem>>
      tpu.wait_indirect_dma semaphore(%dma_wait3A_1370 : memref<!tpu.dma_semaphore, #tpu.memory_space<semaphore_mem>>) src(%dma_wait3A_1368 : memref<1000000x64xf32, #tpu.memory_space<hbm>>) dst(%dma_wait3A_1362 : memref<96x64xf32, #tpu.memory_space<vmem>>)
      %add3A_1371 = arith.constant 8 : i32
      %add3A_1372 = arith.addi %add3A_1340, %add3A_1371 : i32
      %lt3A_1373 = arith.constant 128 : i32
      %lt3A_1374 = arith.cmpi slt, %add3A_1372, %lt3A_1373 : i32
      %convert_element_type3A_1375 = arith.extui %lt3A_1374 : i1 to i32
      %cond3A_1376 = arith.constant 0 : i32
      %cond3A_1377 = arith.cmpi ne, %convert_element_type3A_1375, %cond3A_1376 : i32
      scf.if %cond3A_1377 {
        %add3A_1667 = arith.constant 8 : i32
        %add3A_1668 = arith.addi %add3A_1340, %add3A_1667 : i32
        %add3A_1669 = arith.addi %mul3A_2, %add3A_1668 : i32
        %dma_start3A_1670 = arith.constant 6 : i32
        %dma_start3A_1671 = arith.constant 6 : i32
        %dma_start3A_1672 = arith.constant 0 : i32
        %dma_start3A_1673 = tpu.memref_slice %arg9[%dma_start3A_1670, %dma_start3A_1672] : memref<8x200xi32, #tpu.memory_space<vmem>> -> memref<1x200xi32, #tpu.memory_space<vmem>>
        %dma_start3A_1674 = tpu.memref_squeeze %dma_start3A_1673 : memref<1x200xi32, #tpu.memory_space<vmem>> -> memref<200xi32, #tpu.memory_space<vmem>>
        %dma_start3A_1675 = arith.constant 0 : i32
        %dma_start3A_1676 = tpu.memref_slice %arg3[%add3A_1669, %dma_start3A_1675] : memref<4096x200xi32, #tpu.memory_space<hbm>> -> memref<1x200xi32, #tpu.memory_space<hbm>>
        %dma_start3A_1677 = tpu.memref_squeeze %dma_start3A_1676 : memref<1x200xi32, #tpu.memory_space<hbm>> -> memref<200xi32, #tpu.memory_space<hbm>>
        %dma_start3A_1678 = tpu.memref_slice %arg15[%dma_start3A_1671] : memref<8x!tpu.dma_semaphore, #tpu.memory_space<semaphore_mem>> -> memref<1x!tpu.dma_semaphore, #tpu.memory_space<semaphore_mem>>
        %dma_start3A_1679 = tpu.memref_squeeze %dma_start3A_1678 : memref<1x!tpu.dma_semaphore, #tpu.memory_space<semaphore_mem>> -> memref<!tpu.dma_semaphore, #tpu.memory_space<semaphore_mem>>
        %dma_start3A_1680 = arith.constant 0 : i32
        %dma_start3A_1681 = tpu.memref_slice %arg9[%dma_start3A_1670, %dma_start3A_1680] : memref<8x200xi32, #tpu.memory_space<vmem>> -> memref<1x200xi32, #tpu.memory_space<vmem>>
        %dma_start3A_1682 = tpu.memref_squeeze %dma_start3A_1681 : memref<1x200xi32, #tpu.memory_space<vmem>> -> memref<200xi32, #tpu.memory_space<vmem>>
        %dma_start3A_1683 = arith.constant 0 : i32
        %dma_start3A_1684 = tpu.memref_slice %arg3[%add3A_1669, %dma_start3A_1683] : memref<4096x200xi32, #tpu.memory_space<hbm>> -> memref<1x200xi32, #tpu.memory_space<hbm>>
        %dma_start3A_1685 = tpu.memref_squeeze %dma_start3A_1684 : memref<1x200xi32, #tpu.memory_space<hbm>> -> memref<200xi32, #tpu.memory_space<hbm>>
        tpu.enqueue_dma source(%dma_start3A_1685 : memref<200xi32, #tpu.memory_space<hbm>>) target(%dma_start3A_1682 : memref<200xi32, #tpu.memory_space<vmem>>) target_semaphore(%dma_start3A_1679 : memref<!tpu.dma_semaphore, #tpu.memory_space<semaphore_mem>>)
      } else {
      }
      %broadcast_in_dim3A_1378 = arith.constant 0.000000e+00 : f32
      %broadcast_in_dim3A_1379 = vector.broadcast %broadcast_in_dim3A_1378 : f32 to vector<16xf32>
      %broadcast_in_dim3A_1380 = arith.constant 0.000000e+00 : f32
      %broadcast_in_dim3A_1381 = vector.broadcast %broadcast_in_dim3A_1380 : f32 to vector<16xf32>
      %broadcast_in_dim3A_1382 = arith.constant 0.000000e+00 : f32
      %broadcast_in_dim3A_1383 = vector.broadcast %broadcast_in_dim3A_1382 : f32 to vector<16xf32>
      %broadcast_in_dim3A_1384 = arith.constant 0.000000e+00 : f32
      %broadcast_in_dim3A_1385 = vector.broadcast %broadcast_in_dim3A_1384 : f32 to vector<16xf32>
      %scan3A_1386 = arith.constant 0 : i32
      %scan3A_1387 = arith.constant 50 : i32
      %scan3A_1388 = arith.addi %scan3A_1386, %scan3A_1387 : i32
      %scan3A_1389 = arith.constant 1 : i32
      %scan3A_1390:4 = scf.for %scan3A_1667 = %scan3A_1386 to %scan3A_1388 step %scan3A_1389 iter_args(%scan3A_1668 = %broadcast_in_dim3A_1379, %scan3A_1669 = %broadcast_in_dim3A_1381, %scan3A_1670 = %broadcast_in_dim3A_1383, %scan3A_1671 = %broadcast_in_dim3A_1385) -> (vector<16xf32>, vector<16xf32>, vector<16xf32>, vector<16xf32>)  : i32 {
        %mul3A_1672 = arith.constant 4 : i32
        %mul3A_1673 = arith.muli %scan3A_1667, %mul3A_1672 : i32
        %add3A_1674 = arith.constant 0 : i32
        %add3A_1675 = arith.addi %mul3A_1673, %add3A_1674 : i32
        %get3A_1676 = arith.constant 2 : i32
        %get3A_1677 = arith.index_cast %get3A_1676 : i32 to index
        %get3A_1678 = arith.index_cast %add3A_1675 : i32 to index
        %get3A_1679 = arith.constant 0 : index
        %get3A_1680 = tpu.vector_load %arg10[%get3A_1677, %get3A_1678, %get3A_1679] {strides = array<i32>} : memref<4x200x64xf32, #tpu.memory_space<vmem>>, vector<1x1x16xf32>,
        %get3A_1681 = vector.shape_cast %get3A_1680 : vector<1x1x16xf32> to vector<16xf32>
        %add3A_1682 = arith.addf %scan3A_1668, %get3A_1681 : vector<16xf32>
        %get3A_1683 = arith.constant 2 : i32
        %get3A_1684 = arith.index_cast %get3A_1683 : i32 to index
        %get3A_1685 = arith.index_cast %add3A_1675 : i32 to index
        %get3A_1686 = arith.constant 16 : index
        %get3A_1687 = tpu.vector_load %arg10[%get3A_1684, %get3A_1685, %get3A_1686] {strides = array<i32>} : memref<4x200x64xf32, #tpu.memory_space<vmem>>, vector<1x1x16xf32>,
        %get3A_1688 = vector.shape_cast %get3A_1687 : vector<1x1x16xf32> to vector<16xf32>
        %add3A_1689 = arith.addf %scan3A_1669, %get3A_1688 : vector<16xf32>
        %get3A_1690 = arith.constant 2 : i32
        %get3A_1691 = arith.index_cast %get3A_1690 : i32 to index
        %get3A_1692 = arith.index_cast %add3A_1675 : i32 to index
        %get3A_1693 = arith.constant 32 : index
        %get3A_1694 = tpu.vector_load %arg10[%get3A_1691, %get3A_1692, %get3A_1693] {strides = array<i32>} : memref<4x200x64xf32, #tpu.memory_space<vmem>>, vector<1x1x16xf32>,
        %get3A_1695 = vector.shape_cast %get3A_1694 : vector<1x1x16xf32> to vector<16xf32>
        %add3A_1696 = arith.addf %scan3A_1670, %get3A_1695 : vector<16xf32>
        %get3A_1697 = arith.constant 2 : i32
        %get3A_1698 = arith.index_cast %get3A_1697 : i32 to index
        %get3A_1699 = arith.index_cast %add3A_1675 : i32 to index
        %get3A_1700 = arith.constant 48 : index
        %get3A_1701 = tpu.vector_load %arg10[%get3A_1698, %get3A_1699, %get3A_1700] {strides = array<i32>} : memref<4x200x64xf32, #tpu.memory_space<vmem>>, vector<1x1x16xf32>,
        %get3A_1702 = vector.shape_cast %get3A_1701 : vector<1x1x16xf32> to vector<16xf32>
        %add3A_1703 = arith.addf %scan3A_1671, %get3A_1702 : vector<16xf32>
        %mul3A_1704 = arith.constant 4 : i32
        %mul3A_1705 = arith.muli %scan3A_1667, %mul3A_1704 : i32
        %add3A_1706 = arith.constant 1 : i32
        %add3A_1707 = arith.addi %mul3A_1705, %add3A_1706 : i32
        %get3A_1708 = arith.constant 2 : i32
        %get3A_1709 = arith.index_cast %get3A_1708 : i32 to index
        %get3A_1710 = arith.index_cast %add3A_1707 : i32 to index
        %get3A_1711 = arith.constant 0 : index
        %get3A_1712 = tpu.vector_load %arg10[%get3A_1709, %get3A_1710, %get3A_1711] {strides = array<i32>} : memref<4x200x64xf32, #tpu.memory_space<vmem>>, vector<1x1x16xf32>,
        %get3A_1713 = vector.shape_cast %get3A_1712 : vector<1x1x16xf32> to vector<16xf32>
        %add3A_1714 = arith.addf %add3A_1682, %get3A_1713 : vector<16xf32>
        %get3A_1715 = arith.constant 2 : i32
        %get3A_1716 = arith.index_cast %get3A_1715 : i32 to index
        %get3A_1717 = arith.index_cast %add3A_1707 : i32 to index
        %get3A_1718 = arith.constant 16 : index
        %get3A_1719 = tpu.vector_load %arg10[%get3A_1716, %get3A_1717, %get3A_1718] {strides = array<i32>} : memref<4x200x64xf32, #tpu.memory_space<vmem>>, vector<1x1x16xf32>,
        %get3A_1720 = vector.shape_cast %get3A_1719 : vector<1x1x16xf32> to vector<16xf32>
        %add3A_1721 = arith.addf %add3A_1689, %get3A_1720 : vector<16xf32>
        %get3A_1722 = arith.constant 2 : i32
        %get3A_1723 = arith.index_cast %get3A_1722 : i32 to index
        %get3A_1724 = arith.index_cast %add3A_1707 : i32 to index
        %get3A_1725 = arith.constant 32 : index
        %get3A_1726 = tpu.vector_load %arg10[%get3A_1723, %get3A_1724, %get3A_1725] {strides = array<i32>} : memref<4x200x64xf32, #tpu.memory_space<vmem>>, vector<1x1x16xf32>,
        %get3A_1727 = vector.shape_cast %get3A_1726 : vector<1x1x16xf32> to vector<16xf32>
        %add3A_1728 = arith.addf %add3A_1696, %get3A_1727 : vector<16xf32>
        %get3A_1729 = arith.constant 2 : i32
        %get3A_1730 = arith.index_cast %get3A_1729 : i32 to index
        %get3A_1731 = arith.index_cast %add3A_1707 : i32 to index
        %get3A_1732 = arith.constant 48 : index
        %get3A_1733 = tpu.vector_load %arg10[%get3A_1730, %get3A_1731, %get3A_1732] {strides = array<i32>} : memref<4x200x64xf32, #tpu.memory_space<vmem>>, vector<1x1x16xf32>,
        %get3A_1734 = vector.shape_cast %get3A_1733 : vector<1x1x16xf32> to vector<16xf32>
        %add3A_1735 = arith.addf %add3A_1703, %get3A_1734 : vector<16xf32>
        %mul3A_1736 = arith.constant 4 : i32
        %mul3A_1737 = arith.muli %scan3A_1667, %mul3A_1736 : i32
        %add3A_1738 = arith.constant 2 : i32
        %add3A_1739 = arith.addi %mul3A_1737, %add3A_1738 : i32
        %get3A_1740 = arith.constant 2 : i32
        %get3A_1741 = arith.index_cast %get3A_1740 : i32 to index
        %get3A_1742 = arith.index_cast %add3A_1739 : i32 to index
        %get3A_1743 = arith.constant 0 : index
        %get3A_1744 = tpu.vector_load %arg10[%get3A_1741, %get3A_1742, %get3A_1743] {strides = array<i32>} : memref<4x200x64xf32, #tpu.memory_space<vmem>>, vector<1x1x16xf32>,
        %get3A_1745 = vector.shape_cast %get3A_1744 : vector<1x1x16xf32> to vector<16xf32>
        %add3A_1746 = arith.addf %add3A_1714, %get3A_1745 : vector<16xf32>
        %get3A_1747 = arith.constant 2 : i32
        %get3A_1748 = arith.index_cast %get3A_1747 : i32 to index
        %get3A_1749 = arith.index_cast %add3A_1739 : i32 to index
        %get3A_1750 = arith.constant 16 : index
        %get3A_1751 = tpu.vector_load %arg10[%get3A_1748, %get3A_1749, %get3A_1750] {strides = array<i32>} : memref<4x200x64xf32, #tpu.memory_space<vmem>>, vector<1x1x16xf32>,
        %get3A_1752 = vector.shape_cast %get3A_1751 : vector<1x1x16xf32> to vector<16xf32>
        %add3A_1753 = arith.addf %add3A_1721, %get3A_1752 : vector<16xf32>
        %get3A_1754 = arith.constant 2 : i32
        %get3A_1755 = arith.index_cast %get3A_1754 : i32 to index
        %get3A_1756 = arith.index_cast %add3A_1739 : i32 to index
        %get3A_1757 = arith.constant 32 : index
        %get3A_1758 = tpu.vector_load %arg10[%get3A_1755, %get3A_1756, %get3A_1757] {strides = array<i32>} : memref<4x200x64xf32, #tpu.memory_space<vmem>>, vector<1x1x16xf32>,
        %get3A_1759 = vector.shape_cast %get3A_1758 : vector<1x1x16xf32> to vector<16xf32>
        %add3A_1760 = arith.addf %add3A_1728, %get3A_1759 : vector<16xf32>
        %get3A_1761 = arith.constant 2 : i32
        %get3A_1762 = arith.index_cast %get3A_1761 : i32 to index
        %get3A_1763 = arith.index_cast %add3A_1739 : i32 to index
        %get3A_1764 = arith.constant 48 : index
        %get3A_1765 = tpu.vector_load %arg10[%get3A_1762, %get3A_1763, %get3A_1764] {strides = array<i32>} : memref<4x200x64xf32, #tpu.memory_space<vmem>>, vector<1x1x16xf32>,
        %get3A_1766 = vector.shape_cast %get3A_1765 : vector<1x1x16xf32> to vector<16xf32>
        %add3A_1767 = arith.addf %add3A_1735, %get3A_1766 : vector<16xf32>
        %mul3A_1768 = arith.constant 4 : i32
        %mul3A_1769 = arith.muli %scan3A_1667, %mul3A_1768 : i32
        %add3A_1770 = arith.constant 3 : i32
        %add3A_1771 = arith.addi %mul3A_1769, %add3A_1770 : i32
        %get3A_1772 = arith.constant 2 : i32
        %get3A_1773 = arith.index_cast %get3A_1772 : i32 to index
        %get3A_1774 = arith.index_cast %add3A_1771 : i32 to index
        %get3A_1775 = arith.constant 0 : index
        %get3A_1776 = tpu.vector_load %arg10[%get3A_1773, %get3A_1774, %get3A_1775] {strides = array<i32>} : memref<4x200x64xf32, #tpu.memory_space<vmem>>, vector<1x1x16xf32>,
        %get3A_1777 = vector.shape_cast %get3A_1776 : vector<1x1x16xf32> to vector<16xf32>
        %add3A_1778 = arith.addf %add3A_1746, %get3A_1777 : vector<16xf32>
        %get3A_1779 = arith.constant 2 : i32
        %get3A_1780 = arith.index_cast %get3A_1779 : i32 to index
        %get3A_1781 = arith.index_cast %add3A_1771 : i32 to index
        %get3A_1782 = arith.constant 16 : index
        %get3A_1783 = tpu.vector_load %arg10[%get3A_1780, %get3A_1781, %get3A_1782] {strides = array<i32>} : memref<4x200x64xf32, #tpu.memory_space<vmem>>, vector<1x1x16xf32>,
        %get3A_1784 = vector.shape_cast %get3A_1783 : vector<1x1x16xf32> to vector<16xf32>
        %add3A_1785 = arith.addf %add3A_1753, %get3A_1784 : vector<16xf32>
        %get3A_1786 = arith.constant 2 : i32
        %get3A_1787 = arith.index_cast %get3A_1786 : i32 to index
        %get3A_1788 = arith.index_cast %add3A_1771 : i32 to index
        %get3A_1789 = arith.constant 32 : index
        %get3A_1790 = tpu.vector_load %arg10[%get3A_1787, %get3A_1788, %get3A_1789] {strides = array<i32>} : memref<4x200x64xf32, #tpu.memory_space<vmem>>, vector<1x1x16xf32>,
        %get3A_1791 = vector.shape_cast %get3A_1790 : vector<1x1x16xf32> to vector<16xf32>
        %add3A_1792 = arith.addf %add3A_1760, %get3A_1791 : vector<16xf32>
        %get3A_1793 = arith.constant 2 : i32
        %get3A_1794 = arith.index_cast %get3A_1793 : i32 to index
        %get3A_1795 = arith.index_cast %add3A_1771 : i32 to index
        %get3A_1796 = arith.constant 48 : index
        %get3A_1797 = tpu.vector_load %arg10[%get3A_1794, %get3A_1795, %get3A_1796] {strides = array<i32>} : memref<4x200x64xf32, #tpu.memory_space<vmem>>, vector<1x1x16xf32>,
        %get3A_1798 = vector.shape_cast %get3A_1797 : vector<1x1x16xf32> to vector<16xf32>
        %add3A_1799 = arith.addf %add3A_1767, %get3A_1798 : vector<16xf32>
        scf.yield %add3A_1778, %add3A_1785, %add3A_1792, %add3A_1799 : vector<16xf32>, vector<16xf32>, vector<16xf32>, vector<16xf32>
      }
      %scan3A_1391 = arith.constant 50 : i32
      %get3A_1392 = arith.index_cast %add3A_1340 : i32 to index
      %get3A_1393 = arith.constant 0 : index
      %get3A_1394 = tpu.vector_load %arg11[%get3A_1392, %get3A_1393] {strides = array<i32>} : memref<128x64xf32, #tpu.memory_space<vmem>>, vector<1x16xf32>,
      %get3A_1395 = vector.shape_cast %get3A_1394 : vector<1x16xf32> to vector<16xf32>
      %mul3A_1396 = arith.constant 5.000000e-03 : f32
      %mul3A_1397 = vector.broadcast %mul3A_1396 : f32 to vector<16xf32>
      %mul3A_1398 = arith.mulf %scan3A_1390#0, %mul3A_1397 : vector<16xf32>
      %add3A_1399 = arith.addf %get3A_1395, %mul3A_1398 : vector<16xf32>
      %swap3A_1400 = arith.index_cast %add3A_1340 : i32 to index
      %swap3A_1401 = arith.constant 0 : index
      %swap3A_1402 = tpu.vector_load %arg11[%swap3A_1400, %swap3A_1401] {strides = array<i32>} : memref<128x64xf32, #tpu.memory_space<vmem>>, vector<1x16xf32>,
      %swap3A_1403 = vector.shape_cast %swap3A_1402 : vector<1x16xf32> to vector<16xf32>
      %swap3A_1404 = vector.shape_cast %add3A_1399 : vector<16xf32> to vector<1x16xf32>
      tpu.vector_store %arg11[%swap3A_1400, %swap3A_1401], %swap3A_1404 {strides = array<i32>} : memref<128x64xf32, #tpu.memory_space<vmem>>, vector<1x16xf32>,
      %mul3A_1405 = arith.mulf %add3A_1399, %get3A_338 : vector<16xf32>
      %get3A_1406 = arith.index_cast %add3A_1340 : i32 to index
      %get3A_1407 = arith.constant 16 : index
      %get3A_1408 = tpu.vector_load %arg11[%get3A_1406, %get3A_1407] {strides = array<i32>} : memref<128x64xf32, #tpu.memory_space<vmem>>, vector<1x16xf32>,
      %get3A_1409 = vector.shape_cast %get3A_1408 : vector<1x16xf32> to vector<16xf32>
      %mul3A_1410 = arith.constant 5.000000e-03 : f32
      %mul3A_1411 = vector.broadcast %mul3A_1410 : f32 to vector<16xf32>
      %mul3A_1412 = arith.mulf %scan3A_1390#1, %mul3A_1411 : vector<16xf32>
      %add3A_1413 = arith.addf %get3A_1409, %mul3A_1412 : vector<16xf32>
      %swap3A_1414 = arith.index_cast %add3A_1340 : i32 to index
      %swap3A_1415 = arith.constant 16 : index
      %swap3A_1416 = tpu.vector_load %arg11[%swap3A_1414, %swap3A_1415] {strides = array<i32>} : memref<128x64xf32, #tpu.memory_space<vmem>>, vector<1x16xf32>,
      %swap3A_1417 = vector.shape_cast %swap3A_1416 : vector<1x16xf32> to vector<16xf32>
      %swap3A_1418 = vector.shape_cast %add3A_1413 : vector<16xf32> to vector<1x16xf32>
      tpu.vector_store %arg11[%swap3A_1414, %swap3A_1415], %swap3A_1418 {strides = array<i32>} : memref<128x64xf32, #tpu.memory_space<vmem>>, vector<1x16xf32>,
      %mul3A_1419 = arith.mulf %add3A_1413, %get3A_341 : vector<16xf32>
      %add3A_1420 = arith.addf %mul3A_1405, %mul3A_1419 : vector<16xf32>
      %get3A_1421 = arith.index_cast %add3A_1340 : i32 to index
      %get3A_1422 = arith.constant 32 : index
      %get3A_1423 = tpu.vector_load %arg11[%get3A_1421, %get3A_1422] {strides = array<i32>} : memref<128x64xf32, #tpu.memory_space<vmem>>, vector<1x16xf32>,
      %get3A_1424 = vector.shape_cast %get3A_1423 : vector<1x16xf32> to vector<16xf32>
      %mul3A_1425 = arith.constant 5.000000e-03 : f32
      %mul3A_1426 = vector.broadcast %mul3A_1425 : f32 to vector<16xf32>
      %mul3A_1427 = arith.mulf %scan3A_1390#2, %mul3A_1426 : vector<16xf32>
      %add3A_1428 = arith.addf %get3A_1424, %mul3A_1427 : vector<16xf32>
      %swap3A_1429 = arith.index_cast %add3A_1340 : i32 to index
      %swap3A_1430 = arith.constant 32 : index
      %swap3A_1431 = tpu.vector_load %arg11[%swap3A_1429, %swap3A_1430] {strides = array<i32>} : memref<128x64xf32, #tpu.memory_space<vmem>>, vector<1x16xf32>,
      %swap3A_1432 = vector.shape_cast %swap3A_1431 : vector<1x16xf32> to vector<16xf32>
      %swap3A_1433 = vector.shape_cast %add3A_1428 : vector<16xf32> to vector<1x16xf32>
      tpu.vector_store %arg11[%swap3A_1429, %swap3A_1430], %swap3A_1433 {strides = array<i32>} : memref<128x64xf32, #tpu.memory_space<vmem>>, vector<1x16xf32>,
      %mul3A_1434 = arith.mulf %add3A_1428, %get3A_344 : vector<16xf32>
      %add3A_1435 = arith.addf %add3A_1420, %mul3A_1434 : vector<16xf32>
      %get3A_1436 = arith.index_cast %add3A_1340 : i32 to index
      %get3A_1437 = arith.constant 48 : index
      %get3A_1438 = tpu.vector_load %arg11[%get3A_1436, %get3A_1437] {strides = array<i32>} : memref<128x64xf32, #tpu.memory_space<vmem>>, vector<1x16xf32>,
      %get3A_1439 = vector.shape_cast %get3A_1438 : vector<1x16xf32> to vector<16xf32>
      %mul3A_1440 = arith.constant 5.000000e-03 : f32
      %mul3A_1441 = vector.broadcast %mul3A_1440 : f32 to vector<16xf32>
      %mul3A_1442 = arith.mulf %scan3A_1390#3, %mul3A_1441 : vector<16xf32>
      %add3A_1443 = arith.addf %get3A_1439, %mul3A_1442 : vector<16xf32>
      %swap3A_1444 = arith.index_cast %add3A_1340 : i32 to index
      %swap3A_1445 = arith.constant 48 : index
      %swap3A_1446 = tpu.vector_load %arg11[%swap3A_1444, %swap3A_1445] {strides = array<i32>} : memref<128x64xf32, #tpu.memory_space<vmem>>, vector<1x16xf32>,
      %swap3A_1447 = vector.shape_cast %swap3A_1446 : vector<1x16xf32> to vector<16xf32>
      %swap3A_1448 = vector.shape_cast %add3A_1443 : vector<16xf32> to vector<1x16xf32>
      tpu.vector_store %arg11[%swap3A_1444, %swap3A_1445], %swap3A_1448 {strides = array<i32>} : memref<128x64xf32, #tpu.memory_space<vmem>>, vector<1x16xf32>,
      %mul3A_1449 = arith.mulf %add3A_1443, %get3A_347 : vector<16xf32>
      %add3A_1450 = arith.addf %add3A_1435, %mul3A_1449 : vector<16xf32>
      %xor3A_1451 = arith.constant 8 : i32
      %xor3A_1452 = vector.broadcast %xor3A_1451 : i32 to vector<16xi32>
      %xor3A_1453 = arith.xori %iota3A, %xor3A_1452 : vector<16xi32>
      %broadcast_in_dim3A_1454 = vector.shape_cast %xor3A_1453 : vector<16xi32> to vector<16x1xi32>
      %gather3A_1455 = vector.shape_cast %broadcast_in_dim3A_1454 : vector<16x1xi32> to vector<16xi32>
      %gather3A_1456 = tpu.dynamic_gather %add3A_1450[%gather3A_1455] in [0] : vector<16xf32>, vector<16xi32> -> vector<16xf32>
      %add3A_1457 = arith.addf %add3A_1450, %gather3A_1456 : vector<16xf32>
      %xor3A_1458 = arith.constant 4 : i32
      %xor3A_1459 = vector.broadcast %xor3A_1458 : i32 to vector<16xi32>
      %xor3A_1460 = arith.xori %iota3A, %xor3A_1459 : vector<16xi32>
      %broadcast_in_dim3A_1461 = vector.shape_cast %xor3A_1460 : vector<16xi32> to vector<16x1xi32>
      %gather3A_1462 = vector.shape_cast %broadcast_in_dim3A_1461 : vector<16x1xi32> to vector<16xi32>
      %gather3A_1463 = tpu.dynamic_gather %add3A_1457[%gather3A_1462] in [0] : vector<16xf32>, vector<16xi32> -> vector<16xf32>
      %add3A_1464 = arith.addf %add3A_1457, %gather3A_1463 : vector<16xf32>
      %xor3A_1465 = arith.constant 2 : i32
      %xor3A_1466 = vector.broadcast %xor3A_1465 : i32 to vector<16xi32>
      %xor3A_1467 = arith.xori %iota3A, %xor3A_1466 : vector<16xi32>
      %broadcast_in_dim3A_1468 = vector.shape_cast %xor3A_1467 : vector<16xi32> to vector<16x1xi32>
      %gather3A_1469 = vector.shape_cast %broadcast_in_dim3A_1468 : vector<16x1xi32> to vector<16xi32>
      %gather3A_1470 = tpu.dynamic_gather %add3A_1464[%gather3A_1469] in [0] : vector<16xf32>, vector<16xi32> -> vector<16xf32>
      %add3A_1471 = arith.addf %add3A_1464, %gather3A_1470 : vector<16xf32>
      %xor3A_1472 = arith.constant 1 : i32
      %xor3A_1473 = vector.broadcast %xor3A_1472 : i32 to vector<16xi32>
      %xor3A_1474 = arith.xori %iota3A, %xor3A_1473 : vector<16xi32>
      %broadcast_in_dim3A_1475 = vector.shape_cast %xor3A_1474 : vector<16xi32> to vector<16x1xi32>
      %gather3A_1476 = vector.shape_cast %broadcast_in_dim3A_1475 : vector<16x1xi32> to vector<16xi32>
      %gather3A_1477 = tpu.dynamic_gather %add3A_1471[%gather3A_1476] in [0] : vector<16xf32>, vector<16xi32> -> vector<16xf32>
      %add3A_1478 = arith.addf %add3A_1471, %gather3A_1477 : vector<16xf32>
      %add3A_1479 = arith.addf %add3A_1478, %get3A_350 : vector<16xf32>
      %neg3A_1480 = arith.constant 0.000000e+00 : f32
      %neg3A_1481 = vector.broadcast %neg3A_1480 : f32 to vector<16xf32>
      %neg3A_1482 = arith.subf %neg3A_1481, %add3A_1479 : vector<16xf32>
      %exp3A_1483 = math.exp %neg3A_1482 : vector<16xf32>
      %add3A_1484 = arith.constant 1.000000e+00 : f32
      %add3A_1485 = vector.broadcast %add3A_1484 : f32 to vector<16xf32>
      %add3A_1486 = arith.addf %add3A_1485, %exp3A_1483 : vector<16xf32>
      %div3A_1487 = arith.constant 1.000000e+00 : f32
      %div3A_1488 = vector.broadcast %div3A_1487 : f32 to vector<16xf32>
      %div3A_1489 = arith.divf %div3A_1488, %add3A_1486 : vector<16xf32>
      %swap3A_1490 = arith.index_cast %add3A_1340 : i32 to index
      %swap3A_1491 = arith.constant 0 : index
      %swap3A_1492 = tpu.vector_load %arg12[%swap3A_1490, %swap3A_1491] {strides = array<i32>} : memref<128x16xf32, #tpu.memory_space<vmem>>, vector<1x16xf32>,
      %swap3A_1493 = vector.shape_cast %swap3A_1492 : vector<1x16xf32> to vector<16xf32>
      %swap3A_1494 = vector.shape_cast %div3A_1489 : vector<16xf32> to vector<1x16xf32>
      tpu.vector_store %arg12[%swap3A_1490, %swap3A_1491], %swap3A_1494 {strides = array<i32>} : memref<128x16xf32, #tpu.memory_space<vmem>>, vector<1x16xf32>,
      %add3A_1495 = arith.constant 4 : i32
      %add3A_1496 = arith.addi %add3A_1340, %add3A_1495 : i32
      %lt3A_1497 = arith.constant 128 : i32
      %lt3A_1498 = arith.cmpi slt, %add3A_1496, %lt3A_1497 : i32
      %convert_element_type3A_1499 = arith.extui %lt3A_1498 : i1 to i32
      %cond3A_1500 = arith.constant 0 : i32
      %cond3A_1501 = arith.cmpi ne, %convert_element_type3A_1499, %cond3A_1500 : i32
      scf.if %cond3A_1501 {
        %add3A_1667 = arith.constant 4 : i32
        %add3A_1668 = arith.addi %add3A_1340, %add3A_1667 : i32
        %add3A_1669 = arith.addi %mul3A_2, %add3A_1668 : i32
        %dma_wait3A_1670 = arith.constant 2 : i32
        %dma_wait3A_1671 = arith.constant 2 : i32
        %dma_wait3A_1672 = arith.constant 0 : i32
        %dma_wait3A_1673 = tpu.memref_slice %arg9[%dma_wait3A_1670, %dma_wait3A_1672] : memref<8x200xi32, #tpu.memory_space<vmem>> -> memref<1x200xi32, #tpu.memory_space<vmem>>
        %dma_wait3A_1674 = tpu.memref_squeeze %dma_wait3A_1673 : memref<1x200xi32, #tpu.memory_space<vmem>> -> memref<200xi32, #tpu.memory_space<vmem>>
        %dma_wait3A_1675 = arith.constant 0 : i32
        %dma_wait3A_1676 = tpu.memref_slice %arg3[%add3A_1669, %dma_wait3A_1675] : memref<4096x200xi32, #tpu.memory_space<hbm>> -> memref<1x200xi32, #tpu.memory_space<hbm>>
        %dma_wait3A_1677 = tpu.memref_squeeze %dma_wait3A_1676 : memref<1x200xi32, #tpu.memory_space<hbm>> -> memref<200xi32, #tpu.memory_space<hbm>>
        %dma_wait3A_1678 = tpu.memref_slice %arg15[%dma_wait3A_1671] : memref<8x!tpu.dma_semaphore, #tpu.memory_space<semaphore_mem>> -> memref<1x!tpu.dma_semaphore, #tpu.memory_space<semaphore_mem>>
        %dma_wait3A_1679 = tpu.memref_squeeze %dma_wait3A_1678 : memref<1x!tpu.dma_semaphore, #tpu.memory_space<semaphore_mem>> -> memref<!tpu.dma_semaphore, #tpu.memory_space<semaphore_mem>>
        %dma_wait3A_1680 = arith.constant 0 : i32
        %dma_wait3A_1681 = tpu.memref_slice %arg9[%dma_wait3A_1670, %dma_wait3A_1680] : memref<8x200xi32, #tpu.memory_space<vmem>> -> memref<1x200xi32, #tpu.memory_space<vmem>>
        %dma_wait3A_1682 = tpu.memref_squeeze %dma_wait3A_1681 : memref<1x200xi32, #tpu.memory_space<vmem>> -> memref<200xi32, #tpu.memory_space<vmem>>
        %dma_wait3A_1683 = arith.constant 0 : i32
        %dma_wait3A_1684 = tpu.memref_slice %arg3[%add3A_1669, %dma_wait3A_1683] : memref<4096x200xi32, #tpu.memory_space<hbm>> -> memref<1x200xi32, #tpu.memory_space<hbm>>
        %dma_wait3A_1685 = tpu.memref_squeeze %dma_wait3A_1684 : memref<1x200xi32, #tpu.memory_space<hbm>> -> memref<200xi32, #tpu.memory_space<hbm>>
        tpu.wait_dma2 semaphore(%dma_wait3A_1679 : memref<!tpu.dma_semaphore, #tpu.memory_space<semaphore_mem>>) src(%dma_wait3A_1685 : memref<200xi32, #tpu.memory_space<hbm>>) dst(%dma_wait3A_1682 : memref<200xi32, #tpu.memory_space<vmem>>)
        %dma_start3A_1686 = arith.constant 2 : i32
        %dma_start3A_1687 = arith.constant 2 : i32
        %dma_start3A_1688 = arith.constant 2 : i32
        %dma_start3A_1689 = arith.constant 0 : i32
        %dma_start3A_1690 = arith.constant 0 : i32
        %dma_start3A_1691 = tpu.memref_slice %arg10[%dma_start3A_1687, %dma_start3A_1689, %dma_start3A_1690] : memref<4x200x64xf32, #tpu.memory_space<vmem>> -> memref<1x104x64xf32, #tpu.memory_space<vmem>>
        %dma_start3A_1692 = tpu.memref_squeeze %dma_start3A_1691 : memref<1x104x64xf32, #tpu.memory_space<vmem>> -> memref<104x64xf32, #tpu.memory_space<vmem>>
        %dma_start3A_1693 = arith.constant 0 : i32
        %dma_start3A_1694 = tpu.memref_slice %arg9[%dma_start3A_1686, %dma_start3A_1693] : memref<8x200xi32, #tpu.memory_space<vmem>> -> memref<1x104xi32, #tpu.memory_space<vmem>>
        %dma_start3A_1695 = tpu.memref_squeeze %dma_start3A_1694 : memref<1x104xi32, #tpu.memory_space<vmem>> -> memref<104xi32, #tpu.memory_space<vmem>>
        %dma_start3A_1696 = arith.constant 0 : i32
        %dma_start3A_1697 = arith.constant 0 : i32
        %dma_start3A_1698 = tpu.memref_slice %arg4[%dma_start3A_1696, %dma_start3A_1697] : memref<1000000x64xf32, #tpu.memory_space<hbm>> -> memref<1000000x64xf32, #tpu.memory_space<hbm>>
        %dma_start3A_1699 = tpu.memref_slice %arg16[%dma_start3A_1688] : memref<4x!tpu.dma_semaphore, #tpu.memory_space<semaphore_mem>> -> memref<1x!tpu.dma_semaphore, #tpu.memory_space<semaphore_mem>>
        %dma_start3A_1700 = tpu.memref_squeeze %dma_start3A_1699 : memref<1x!tpu.dma_semaphore, #tpu.memory_space<semaphore_mem>> -> memref<!tpu.dma_semaphore, #tpu.memory_space<semaphore_mem>>
        tpu.enqueue_indirect_dma source(%dma_start3A_1698 : memref<1000000x64xf32, #tpu.memory_space<hbm>>) target(%dma_start3A_1692 : memref<104x64xf32, #tpu.memory_space<vmem>>) offsets(%dma_start3A_1695 : memref<104xi32, #tpu.memory_space<vmem>>) semaphore(%dma_start3A_1700 : memref<!tpu.dma_semaphore, #tpu.memory_space<semaphore_mem>>)
        %dma_start3A_1701 = arith.constant 2 : i32
        %dma_start3A_1702 = arith.constant 2 : i32
        %dma_start3A_1703 = arith.constant 2 : i32
        %dma_start3A_1704 = arith.constant 104 : i32
        %dma_start3A_1705 = arith.constant 0 : i32
        %dma_start3A_1706 = tpu.memref_slice %arg10[%dma_start3A_1702, %dma_start3A_1704, %dma_start3A_1705] : memref<4x200x64xf32, #tpu.memory_space<vmem>> -> memref<1x96x64xf32, #tpu.memory_space<vmem>>
        %dma_start3A_1707 = tpu.memref_squeeze %dma_start3A_1706 : memref<1x96x64xf32, #tpu.memory_space<vmem>> -> memref<96x64xf32, #tpu.memory_space<vmem>>
        %dma_start3A_1708 = arith.constant 104 : i32
        %dma_start3A_1709 = tpu.memref_slice %arg9[%dma_start3A_1701, %dma_start3A_1708] : memref<8x200xi32, #tpu.memory_space<vmem>> -> memref<1x96xi32, #tpu.memory_space<vmem>>
        %dma_start3A_1710 = tpu.memref_squeeze %dma_start3A_1709 : memref<1x96xi32, #tpu.memory_space<vmem>> -> memref<96xi32, #tpu.memory_space<vmem>>
        %dma_start3A_1711 = arith.constant 0 : i32
        %dma_start3A_1712 = arith.constant 0 : i32
        %dma_start3A_1713 = tpu.memref_slice %arg4[%dma_start3A_1711, %dma_start3A_1712] : memref<1000000x64xf32, #tpu.memory_space<hbm>> -> memref<1000000x64xf32, #tpu.memory_space<hbm>>
        %dma_start3A_1714 = tpu.memref_slice %arg16[%dma_start3A_1703] : memref<4x!tpu.dma_semaphore, #tpu.memory_space<semaphore_mem>> -> memref<1x!tpu.dma_semaphore, #tpu.memory_space<semaphore_mem>>
        %dma_start3A_1715 = tpu.memref_squeeze %dma_start3A_1714 : memref<1x!tpu.dma_semaphore, #tpu.memory_space<semaphore_mem>> -> memref<!tpu.dma_semaphore, #tpu.memory_space<semaphore_mem>>
        tpu.enqueue_indirect_dma source(%dma_start3A_1713 : memref<1000000x64xf32, #tpu.memory_space<hbm>>) target(%dma_start3A_1707 : memref<96x64xf32, #tpu.memory_space<vmem>>) offsets(%dma_start3A_1710 : memref<96xi32, #tpu.memory_space<vmem>>) semaphore(%dma_start3A_1715 : memref<!tpu.dma_semaphore, #tpu.memory_space<semaphore_mem>>)
      } else {
      }
      %mul3A_1502 = arith.constant 8 : i32
      %mul3A_1503 = arith.muli %mul3A_1502, %scan3A_356 : i32
      %add3A_1504 = arith.constant 7 : i32
      %add3A_1505 = arith.addi %mul3A_1503, %add3A_1504 : i32
      %dma_wait3A_1506 = arith.constant 7 : i32
      %dma_wait3A_1507 = arith.constant 3 : i32
      %dma_wait3A_1508 = arith.constant 3 : i32
      %dma_wait3A_1509 = arith.constant 0 : i32
      %dma_wait3A_1510 = arith.constant 0 : i32
      %dma_wait3A_1511 = tpu.memref_slice %arg10[%dma_wait3A_1507, %dma_wait3A_1509, %dma_wait3A_1510] : memref<4x200x64xf32, #tpu.memory_space<vmem>> -> memref<1x104x64xf32, #tpu.memory_space<vmem>>
      %dma_wait3A_1512 = tpu.memref_squeeze %dma_wait3A_1511 : memref<1x104x64xf32, #tpu.memory_space<vmem>> -> memref<104x64xf32, #tpu.memory_space<vmem>>
      %dma_wait3A_1513 = arith.constant 0 : i32
      %dma_wait3A_1514 = tpu.memref_slice %arg9[%dma_wait3A_1506, %dma_wait3A_1513] : memref<8x200xi32, #tpu.memory_space<vmem>> -> memref<1x104xi32, #tpu.memory_space<vmem>>
      %dma_wait3A_1515 = tpu.memref_squeeze %dma_wait3A_1514 : memref<1x104xi32, #tpu.memory_space<vmem>> -> memref<104xi32, #tpu.memory_space<vmem>>
      %dma_wait3A_1516 = arith.constant 0 : i32
      %dma_wait3A_1517 = arith.constant 0 : i32
      %dma_wait3A_1518 = tpu.memref_slice %arg4[%dma_wait3A_1516, %dma_wait3A_1517] : memref<1000000x64xf32, #tpu.memory_space<hbm>> -> memref<1000000x64xf32, #tpu.memory_space<hbm>>
      %dma_wait3A_1519 = tpu.memref_slice %arg16[%dma_wait3A_1508] : memref<4x!tpu.dma_semaphore, #tpu.memory_space<semaphore_mem>> -> memref<1x!tpu.dma_semaphore, #tpu.memory_space<semaphore_mem>>
      %dma_wait3A_1520 = tpu.memref_squeeze %dma_wait3A_1519 : memref<1x!tpu.dma_semaphore, #tpu.memory_space<semaphore_mem>> -> memref<!tpu.dma_semaphore, #tpu.memory_space<semaphore_mem>>
      tpu.wait_indirect_dma semaphore(%dma_wait3A_1520 : memref<!tpu.dma_semaphore, #tpu.memory_space<semaphore_mem>>) src(%dma_wait3A_1518 : memref<1000000x64xf32, #tpu.memory_space<hbm>>) dst(%dma_wait3A_1512 : memref<104x64xf32, #tpu.memory_space<vmem>>)
      %dma_wait3A_1521 = arith.constant 7 : i32
      %dma_wait3A_1522 = arith.constant 3 : i32
      %dma_wait3A_1523 = arith.constant 3 : i32
      %dma_wait3A_1524 = arith.constant 104 : i32
      %dma_wait3A_1525 = arith.constant 0 : i32
      %dma_wait3A_1526 = tpu.memref_slice %arg10[%dma_wait3A_1522, %dma_wait3A_1524, %dma_wait3A_1525] : memref<4x200x64xf32, #tpu.memory_space<vmem>> -> memref<1x96x64xf32, #tpu.memory_space<vmem>>
      %dma_wait3A_1527 = tpu.memref_squeeze %dma_wait3A_1526 : memref<1x96x64xf32, #tpu.memory_space<vmem>> -> memref<96x64xf32, #tpu.memory_space<vmem>>
      %dma_wait3A_1528 = arith.constant 104 : i32
      %dma_wait3A_1529 = tpu.memref_slice %arg9[%dma_wait3A_1521, %dma_wait3A_1528] : memref<8x200xi32, #tpu.memory_space<vmem>> -> memref<1x96xi32, #tpu.memory_space<vmem>>
      %dma_wait3A_1530 = tpu.memref_squeeze %dma_wait3A_1529 : memref<1x96xi32, #tpu.memory_space<vmem>> -> memref<96xi32, #tpu.memory_space<vmem>>
      %dma_wait3A_1531 = arith.constant 0 : i32
      %dma_wait3A_1532 = arith.constant 0 : i32
      %dma_wait3A_1533 = tpu.memref_slice %arg4[%dma_wait3A_1531, %dma_wait3A_1532] : memref<1000000x64xf32, #tpu.memory_space<hbm>> -> memref<1000000x64xf32, #tpu.memory_space<hbm>>
      %dma_wait3A_1534 = tpu.memref_slice %arg16[%dma_wait3A_1523] : memref<4x!tpu.dma_semaphore, #tpu.memory_space<semaphore_mem>> -> memref<1x!tpu.dma_semaphore, #tpu.memory_space<semaphore_mem>>
      %dma_wait3A_1535 = tpu.memref_squeeze %dma_wait3A_1534 : memref<1x!tpu.dma_semaphore, #tpu.memory_space<semaphore_mem>> -> memref<!tpu.dma_semaphore, #tpu.memory_space<semaphore_mem>>
      tpu.wait_indirect_dma semaphore(%dma_wait3A_1535 : memref<!tpu.dma_semaphore, #tpu.memory_space<semaphore_mem>>) src(%dma_wait3A_1533 : memref<1000000x64xf32, #tpu.memory_space<hbm>>) dst(%dma_wait3A_1527 : memref<96x64xf32, #tpu.memory_space<vmem>>)
      %add3A_1536 = arith.constant 8 : i32
      %add3A_1537 = arith.addi %add3A_1505, %add3A_1536 : i32
      %lt3A_1538 = arith.constant 128 : i32
      %lt3A_1539 = arith.cmpi slt, %add3A_1537, %lt3A_1538 : i32
      %convert_element_type3A_1540 = arith.extui %lt3A_1539 : i1 to i32
      %cond3A_1541 = arith.constant 0 : i32
      %cond3A_1542 = arith.cmpi ne, %convert_element_type3A_1540, %cond3A_1541 : i32
      scf.if %cond3A_1542 {
        %add3A_1667 = arith.constant 8 : i32
        %add3A_1668 = arith.addi %add3A_1505, %add3A_1667 : i32
        %add3A_1669 = arith.addi %mul3A_2, %add3A_1668 : i32
        %dma_start3A_1670 = arith.constant 7 : i32
        %dma_start3A_1671 = arith.constant 7 : i32
        %dma_start3A_1672 = arith.constant 0 : i32
        %dma_start3A_1673 = tpu.memref_slice %arg9[%dma_start3A_1670, %dma_start3A_1672] : memref<8x200xi32, #tpu.memory_space<vmem>> -> memref<1x200xi32, #tpu.memory_space<vmem>>
        %dma_start3A_1674 = tpu.memref_squeeze %dma_start3A_1673 : memref<1x200xi32, #tpu.memory_space<vmem>> -> memref<200xi32, #tpu.memory_space<vmem>>
        %dma_start3A_1675 = arith.constant 0 : i32
        %dma_start3A_1676 = tpu.memref_slice %arg3[%add3A_1669, %dma_start3A_1675] : memref<4096x200xi32, #tpu.memory_space<hbm>> -> memref<1x200xi32, #tpu.memory_space<hbm>>
        %dma_start3A_1677 = tpu.memref_squeeze %dma_start3A_1676 : memref<1x200xi32, #tpu.memory_space<hbm>> -> memref<200xi32, #tpu.memory_space<hbm>>
        %dma_start3A_1678 = tpu.memref_slice %arg15[%dma_start3A_1671] : memref<8x!tpu.dma_semaphore, #tpu.memory_space<semaphore_mem>> -> memref<1x!tpu.dma_semaphore, #tpu.memory_space<semaphore_mem>>
        %dma_start3A_1679 = tpu.memref_squeeze %dma_start3A_1678 : memref<1x!tpu.dma_semaphore, #tpu.memory_space<semaphore_mem>> -> memref<!tpu.dma_semaphore, #tpu.memory_space<semaphore_mem>>
        %dma_start3A_1680 = arith.constant 0 : i32
        %dma_start3A_1681 = tpu.memref_slice %arg9[%dma_start3A_1670, %dma_start3A_1680] : memref<8x200xi32, #tpu.memory_space<vmem>> -> memref<1x200xi32, #tpu.memory_space<vmem>>
        %dma_start3A_1682 = tpu.memref_squeeze %dma_start3A_1681 : memref<1x200xi32, #tpu.memory_space<vmem>> -> memref<200xi32, #tpu.memory_space<vmem>>
        %dma_start3A_1683 = arith.constant 0 : i32
        %dma_start3A_1684 = tpu.memref_slice %arg3[%add3A_1669, %dma_start3A_1683] : memref<4096x200xi32, #tpu.memory_space<hbm>> -> memref<1x200xi32, #tpu.memory_space<hbm>>
        %dma_start3A_1685 = tpu.memref_squeeze %dma_start3A_1684 : memref<1x200xi32, #tpu.memory_space<hbm>> -> memref<200xi32, #tpu.memory_space<hbm>>
        tpu.enqueue_dma source(%dma_start3A_1685 : memref<200xi32, #tpu.memory_space<hbm>>) target(%dma_start3A_1682 : memref<200xi32, #tpu.memory_space<vmem>>) target_semaphore(%dma_start3A_1679 : memref<!tpu.dma_semaphore, #tpu.memory_space<semaphore_mem>>)
      } else {
      }
      %broadcast_in_dim3A_1543 = arith.constant 0.000000e+00 : f32
      %broadcast_in_dim3A_1544 = vector.broadcast %broadcast_in_dim3A_1543 : f32 to vector<16xf32>
      %broadcast_in_dim3A_1545 = arith.constant 0.000000e+00 : f32
      %broadcast_in_dim3A_1546 = vector.broadcast %broadcast_in_dim3A_1545 : f32 to vector<16xf32>
      %broadcast_in_dim3A_1547 = arith.constant 0.000000e+00 : f32
      %broadcast_in_dim3A_1548 = vector.broadcast %broadcast_in_dim3A_1547 : f32 to vector<16xf32>
      %broadcast_in_dim3A_1549 = arith.constant 0.000000e+00 : f32
      %broadcast_in_dim3A_1550 = vector.broadcast %broadcast_in_dim3A_1549 : f32 to vector<16xf32>
      %scan3A_1551 = arith.constant 0 : i32
      %scan3A_1552 = arith.constant 50 : i32
      %scan3A_1553 = arith.addi %scan3A_1551, %scan3A_1552 : i32
      %scan3A_1554 = arith.constant 1 : i32
      %scan3A_1555:4 = scf.for %scan3A_1667 = %scan3A_1551 to %scan3A_1553 step %scan3A_1554 iter_args(%scan3A_1668 = %broadcast_in_dim3A_1544, %scan3A_1669 = %broadcast_in_dim3A_1546, %scan3A_1670 = %broadcast_in_dim3A_1548, %scan3A_1671 = %broadcast_in_dim3A_1550) -> (vector<16xf32>, vector<16xf32>, vector<16xf32>, vector<16xf32>)  : i32 {
        %mul3A_1672 = arith.constant 4 : i32
        %mul3A_1673 = arith.muli %scan3A_1667, %mul3A_1672 : i32
        %add3A_1674 = arith.constant 0 : i32
        %add3A_1675 = arith.addi %mul3A_1673, %add3A_1674 : i32
        %get3A_1676 = arith.constant 3 : i32
        %get3A_1677 = arith.index_cast %get3A_1676 : i32 to index
        %get3A_1678 = arith.index_cast %add3A_1675 : i32 to index
        %get3A_1679 = arith.constant 0 : index
        %get3A_1680 = tpu.vector_load %arg10[%get3A_1677, %get3A_1678, %get3A_1679] {strides = array<i32>} : memref<4x200x64xf32, #tpu.memory_space<vmem>>, vector<1x1x16xf32>,
        %get3A_1681 = vector.shape_cast %get3A_1680 : vector<1x1x16xf32> to vector<16xf32>
        %add3A_1682 = arith.addf %scan3A_1668, %get3A_1681 : vector<16xf32>
        %get3A_1683 = arith.constant 3 : i32
        %get3A_1684 = arith.index_cast %get3A_1683 : i32 to index
        %get3A_1685 = arith.index_cast %add3A_1675 : i32 to index
        %get3A_1686 = arith.constant 16 : index
        %get3A_1687 = tpu.vector_load %arg10[%get3A_1684, %get3A_1685, %get3A_1686] {strides = array<i32>} : memref<4x200x64xf32, #tpu.memory_space<vmem>>, vector<1x1x16xf32>,
        %get3A_1688 = vector.shape_cast %get3A_1687 : vector<1x1x16xf32> to vector<16xf32>
        %add3A_1689 = arith.addf %scan3A_1669, %get3A_1688 : vector<16xf32>
        %get3A_1690 = arith.constant 3 : i32
        %get3A_1691 = arith.index_cast %get3A_1690 : i32 to index
        %get3A_1692 = arith.index_cast %add3A_1675 : i32 to index
        %get3A_1693 = arith.constant 32 : index
        %get3A_1694 = tpu.vector_load %arg10[%get3A_1691, %get3A_1692, %get3A_1693] {strides = array<i32>} : memref<4x200x64xf32, #tpu.memory_space<vmem>>, vector<1x1x16xf32>,
        %get3A_1695 = vector.shape_cast %get3A_1694 : vector<1x1x16xf32> to vector<16xf32>
        %add3A_1696 = arith.addf %scan3A_1670, %get3A_1695 : vector<16xf32>
        %get3A_1697 = arith.constant 3 : i32
        %get3A_1698 = arith.index_cast %get3A_1697 : i32 to index
        %get3A_1699 = arith.index_cast %add3A_1675 : i32 to index
        %get3A_1700 = arith.constant 48 : index
        %get3A_1701 = tpu.vector_load %arg10[%get3A_1698, %get3A_1699, %get3A_1700] {strides = array<i32>} : memref<4x200x64xf32, #tpu.memory_space<vmem>>, vector<1x1x16xf32>,
        %get3A_1702 = vector.shape_cast %get3A_1701 : vector<1x1x16xf32> to vector<16xf32>
        %add3A_1703 = arith.addf %scan3A_1671, %get3A_1702 : vector<16xf32>
        %mul3A_1704 = arith.constant 4 : i32
        %mul3A_1705 = arith.muli %scan3A_1667, %mul3A_1704 : i32
        %add3A_1706 = arith.constant 1 : i32
        %add3A_1707 = arith.addi %mul3A_1705, %add3A_1706 : i32
        %get3A_1708 = arith.constant 3 : i32
        %get3A_1709 = arith.index_cast %get3A_1708 : i32 to index
        %get3A_1710 = arith.index_cast %add3A_1707 : i32 to index
        %get3A_1711 = arith.constant 0 : index
        %get3A_1712 = tpu.vector_load %arg10[%get3A_1709, %get3A_1710, %get3A_1711] {strides = array<i32>} : memref<4x200x64xf32, #tpu.memory_space<vmem>>, vector<1x1x16xf32>,
        %get3A_1713 = vector.shape_cast %get3A_1712 : vector<1x1x16xf32> to vector<16xf32>
        %add3A_1714 = arith.addf %add3A_1682, %get3A_1713 : vector<16xf32>
        %get3A_1715 = arith.constant 3 : i32
        %get3A_1716 = arith.index_cast %get3A_1715 : i32 to index
        %get3A_1717 = arith.index_cast %add3A_1707 : i32 to index
        %get3A_1718 = arith.constant 16 : index
        %get3A_1719 = tpu.vector_load %arg10[%get3A_1716, %get3A_1717, %get3A_1718] {strides = array<i32>} : memref<4x200x64xf32, #tpu.memory_space<vmem>>, vector<1x1x16xf32>,
        %get3A_1720 = vector.shape_cast %get3A_1719 : vector<1x1x16xf32> to vector<16xf32>
        %add3A_1721 = arith.addf %add3A_1689, %get3A_1720 : vector<16xf32>
        %get3A_1722 = arith.constant 3 : i32
        %get3A_1723 = arith.index_cast %get3A_1722 : i32 to index
        %get3A_1724 = arith.index_cast %add3A_1707 : i32 to index
        %get3A_1725 = arith.constant 32 : index
        %get3A_1726 = tpu.vector_load %arg10[%get3A_1723, %get3A_1724, %get3A_1725] {strides = array<i32>} : memref<4x200x64xf32, #tpu.memory_space<vmem>>, vector<1x1x16xf32>,
        %get3A_1727 = vector.shape_cast %get3A_1726 : vector<1x1x16xf32> to vector<16xf32>
        %add3A_1728 = arith.addf %add3A_1696, %get3A_1727 : vector<16xf32>
        %get3A_1729 = arith.constant 3 : i32
        %get3A_1730 = arith.index_cast %get3A_1729 : i32 to index
        %get3A_1731 = arith.index_cast %add3A_1707 : i32 to index
        %get3A_1732 = arith.constant 48 : index
        %get3A_1733 = tpu.vector_load %arg10[%get3A_1730, %get3A_1731, %get3A_1732] {strides = array<i32>} : memref<4x200x64xf32, #tpu.memory_space<vmem>>, vector<1x1x16xf32>,
        %get3A_1734 = vector.shape_cast %get3A_1733 : vector<1x1x16xf32> to vector<16xf32>
        %add3A_1735 = arith.addf %add3A_1703, %get3A_1734 : vector<16xf32>
        %mul3A_1736 = arith.constant 4 : i32
        %mul3A_1737 = arith.muli %scan3A_1667, %mul3A_1736 : i32
        %add3A_1738 = arith.constant 2 : i32
        %add3A_1739 = arith.addi %mul3A_1737, %add3A_1738 : i32
        %get3A_1740 = arith.constant 3 : i32
        %get3A_1741 = arith.index_cast %get3A_1740 : i32 to index
        %get3A_1742 = arith.index_cast %add3A_1739 : i32 to index
        %get3A_1743 = arith.constant 0 : index
        %get3A_1744 = tpu.vector_load %arg10[%get3A_1741, %get3A_1742, %get3A_1743] {strides = array<i32>} : memref<4x200x64xf32, #tpu.memory_space<vmem>>, vector<1x1x16xf32>,
        %get3A_1745 = vector.shape_cast %get3A_1744 : vector<1x1x16xf32> to vector<16xf32>
        %add3A_1746 = arith.addf %add3A_1714, %get3A_1745 : vector<16xf32>
        %get3A_1747 = arith.constant 3 : i32
        %get3A_1748 = arith.index_cast %get3A_1747 : i32 to index
        %get3A_1749 = arith.index_cast %add3A_1739 : i32 to index
        %get3A_1750 = arith.constant 16 : index
        %get3A_1751 = tpu.vector_load %arg10[%get3A_1748, %get3A_1749, %get3A_1750] {strides = array<i32>} : memref<4x200x64xf32, #tpu.memory_space<vmem>>, vector<1x1x16xf32>,
        %get3A_1752 = vector.shape_cast %get3A_1751 : vector<1x1x16xf32> to vector<16xf32>
        %add3A_1753 = arith.addf %add3A_1721, %get3A_1752 : vector<16xf32>
        %get3A_1754 = arith.constant 3 : i32
        %get3A_1755 = arith.index_cast %get3A_1754 : i32 to index
        %get3A_1756 = arith.index_cast %add3A_1739 : i32 to index
        %get3A_1757 = arith.constant 32 : index
        %get3A_1758 = tpu.vector_load %arg10[%get3A_1755, %get3A_1756, %get3A_1757] {strides = array<i32>} : memref<4x200x64xf32, #tpu.memory_space<vmem>>, vector<1x1x16xf32>,
        %get3A_1759 = vector.shape_cast %get3A_1758 : vector<1x1x16xf32> to vector<16xf32>
        %add3A_1760 = arith.addf %add3A_1728, %get3A_1759 : vector<16xf32>
        %get3A_1761 = arith.constant 3 : i32
        %get3A_1762 = arith.index_cast %get3A_1761 : i32 to index
        %get3A_1763 = arith.index_cast %add3A_1739 : i32 to index
        %get3A_1764 = arith.constant 48 : index
        %get3A_1765 = tpu.vector_load %arg10[%get3A_1762, %get3A_1763, %get3A_1764] {strides = array<i32>} : memref<4x200x64xf32, #tpu.memory_space<vmem>>, vector<1x1x16xf32>,
        %get3A_1766 = vector.shape_cast %get3A_1765 : vector<1x1x16xf32> to vector<16xf32>
        %add3A_1767 = arith.addf %add3A_1735, %get3A_1766 : vector<16xf32>
        %mul3A_1768 = arith.constant 4 : i32
        %mul3A_1769 = arith.muli %scan3A_1667, %mul3A_1768 : i32
        %add3A_1770 = arith.constant 3 : i32
        %add3A_1771 = arith.addi %mul3A_1769, %add3A_1770 : i32
        %get3A_1772 = arith.constant 3 : i32
        %get3A_1773 = arith.index_cast %get3A_1772 : i32 to index
        %get3A_1774 = arith.index_cast %add3A_1771 : i32 to index
        %get3A_1775 = arith.constant 0 : index
        %get3A_1776 = tpu.vector_load %arg10[%get3A_1773, %get3A_1774, %get3A_1775] {strides = array<i32>} : memref<4x200x64xf32, #tpu.memory_space<vmem>>, vector<1x1x16xf32>,
        %get3A_1777 = vector.shape_cast %get3A_1776 : vector<1x1x16xf32> to vector<16xf32>
        %add3A_1778 = arith.addf %add3A_1746, %get3A_1777 : vector<16xf32>
        %get3A_1779 = arith.constant 3 : i32
        %get3A_1780 = arith.index_cast %get3A_1779 : i32 to index
        %get3A_1781 = arith.index_cast %add3A_1771 : i32 to index
        %get3A_1782 = arith.constant 16 : index
        %get3A_1783 = tpu.vector_load %arg10[%get3A_1780, %get3A_1781, %get3A_1782] {strides = array<i32>} : memref<4x200x64xf32, #tpu.memory_space<vmem>>, vector<1x1x16xf32>,
        %get3A_1784 = vector.shape_cast %get3A_1783 : vector<1x1x16xf32> to vector<16xf32>
        %add3A_1785 = arith.addf %add3A_1753, %get3A_1784 : vector<16xf32>
        %get3A_1786 = arith.constant 3 : i32
        %get3A_1787 = arith.index_cast %get3A_1786 : i32 to index
        %get3A_1788 = arith.index_cast %add3A_1771 : i32 to index
        %get3A_1789 = arith.constant 32 : index
        %get3A_1790 = tpu.vector_load %arg10[%get3A_1787, %get3A_1788, %get3A_1789] {strides = array<i32>} : memref<4x200x64xf32, #tpu.memory_space<vmem>>, vector<1x1x16xf32>,
        %get3A_1791 = vector.shape_cast %get3A_1790 : vector<1x1x16xf32> to vector<16xf32>
        %add3A_1792 = arith.addf %add3A_1760, %get3A_1791 : vector<16xf32>
        %get3A_1793 = arith.constant 3 : i32
        %get3A_1794 = arith.index_cast %get3A_1793 : i32 to index
        %get3A_1795 = arith.index_cast %add3A_1771 : i32 to index
        %get3A_1796 = arith.constant 48 : index
        %get3A_1797 = tpu.vector_load %arg10[%get3A_1794, %get3A_1795, %get3A_1796] {strides = array<i32>} : memref<4x200x64xf32, #tpu.memory_space<vmem>>, vector<1x1x16xf32>,
        %get3A_1798 = vector.shape_cast %get3A_1797 : vector<1x1x16xf32> to vector<16xf32>
        %add3A_1799 = arith.addf %add3A_1767, %get3A_1798 : vector<16xf32>
        scf.yield %add3A_1778, %add3A_1785, %add3A_1792, %add3A_1799 : vector<16xf32>, vector<16xf32>, vector<16xf32>, vector<16xf32>
      }
      %scan3A_1556 = arith.constant 50 : i32
      %get3A_1557 = arith.index_cast %add3A_1505 : i32 to index
      %get3A_1558 = arith.constant 0 : index
      %get3A_1559 = tpu.vector_load %arg11[%get3A_1557, %get3A_1558] {strides = array<i32>} : memref<128x64xf32, #tpu.memory_space<vmem>>, vector<1x16xf32>,
      %get3A_1560 = vector.shape_cast %get3A_1559 : vector<1x16xf32> to vector<16xf32>
      %mul3A_1561 = arith.constant 5.000000e-03 : f32
      %mul3A_1562 = vector.broadcast %mul3A_1561 : f32 to vector<16xf32>
      %mul3A_1563 = arith.mulf %scan3A_1555#0, %mul3A_1562 : vector<16xf32>
      %add3A_1564 = arith.addf %get3A_1560, %mul3A_1563 : vector<16xf32>
      %swap3A_1565 = arith.index_cast %add3A_1505 : i32 to index
      %swap3A_1566 = arith.constant 0 : index
      %swap3A_1567 = tpu.vector_load %arg11[%swap3A_1565, %swap3A_1566] {strides = array<i32>} : memref<128x64xf32, #tpu.memory_space<vmem>>, vector<1x16xf32>,
      %swap3A_1568 = vector.shape_cast %swap3A_1567 : vector<1x16xf32> to vector<16xf32>
      %swap3A_1569 = vector.shape_cast %add3A_1564 : vector<16xf32> to vector<1x16xf32>
      tpu.vector_store %arg11[%swap3A_1565, %swap3A_1566], %swap3A_1569 {strides = array<i32>} : memref<128x64xf32, #tpu.memory_space<vmem>>, vector<1x16xf32>,
      %mul3A_1570 = arith.mulf %add3A_1564, %get3A_338 : vector<16xf32>
      %get3A_1571 = arith.index_cast %add3A_1505 : i32 to index
      %get3A_1572 = arith.constant 16 : index
      %get3A_1573 = tpu.vector_load %arg11[%get3A_1571, %get3A_1572] {strides = array<i32>} : memref<128x64xf32, #tpu.memory_space<vmem>>, vector<1x16xf32>,
      %get3A_1574 = vector.shape_cast %get3A_1573 : vector<1x16xf32> to vector<16xf32>
      %mul3A_1575 = arith.constant 5.000000e-03 : f32
      %mul3A_1576 = vector.broadcast %mul3A_1575 : f32 to vector<16xf32>
      %mul3A_1577 = arith.mulf %scan3A_1555#1, %mul3A_1576 : vector<16xf32>
      %add3A_1578 = arith.addf %get3A_1574, %mul3A_1577 : vector<16xf32>
      %swap3A_1579 = arith.index_cast %add3A_1505 : i32 to index
      %swap3A_1580 = arith.constant 16 : index
      %swap3A_1581 = tpu.vector_load %arg11[%swap3A_1579, %swap3A_1580] {strides = array<i32>} : memref<128x64xf32, #tpu.memory_space<vmem>>, vector<1x16xf32>,
      %swap3A_1582 = vector.shape_cast %swap3A_1581 : vector<1x16xf32> to vector<16xf32>
      %swap3A_1583 = vector.shape_cast %add3A_1578 : vector<16xf32> to vector<1x16xf32>
      tpu.vector_store %arg11[%swap3A_1579, %swap3A_1580], %swap3A_1583 {strides = array<i32>} : memref<128x64xf32, #tpu.memory_space<vmem>>, vector<1x16xf32>,
      %mul3A_1584 = arith.mulf %add3A_1578, %get3A_341 : vector<16xf32>
      %add3A_1585 = arith.addf %mul3A_1570, %mul3A_1584 : vector<16xf32>
      %get3A_1586 = arith.index_cast %add3A_1505 : i32 to index
      %get3A_1587 = arith.constant 32 : index
      %get3A_1588 = tpu.vector_load %arg11[%get3A_1586, %get3A_1587] {strides = array<i32>} : memref<128x64xf32, #tpu.memory_space<vmem>>, vector<1x16xf32>,
      %get3A_1589 = vector.shape_cast %get3A_1588 : vector<1x16xf32> to vector<16xf32>
      %mul3A_1590 = arith.constant 5.000000e-03 : f32
      %mul3A_1591 = vector.broadcast %mul3A_1590 : f32 to vector<16xf32>
      %mul3A_1592 = arith.mulf %scan3A_1555#2, %mul3A_1591 : vector<16xf32>
      %add3A_1593 = arith.addf %get3A_1589, %mul3A_1592 : vector<16xf32>
      %swap3A_1594 = arith.index_cast %add3A_1505 : i32 to index
      %swap3A_1595 = arith.constant 32 : index
      %swap3A_1596 = tpu.vector_load %arg11[%swap3A_1594, %swap3A_1595] {strides = array<i32>} : memref<128x64xf32, #tpu.memory_space<vmem>>, vector<1x16xf32>,
      %swap3A_1597 = vector.shape_cast %swap3A_1596 : vector<1x16xf32> to vector<16xf32>
      %swap3A_1598 = vector.shape_cast %add3A_1593 : vector<16xf32> to vector<1x16xf32>
      tpu.vector_store %arg11[%swap3A_1594, %swap3A_1595], %swap3A_1598 {strides = array<i32>} : memref<128x64xf32, #tpu.memory_space<vmem>>, vector<1x16xf32>,
      %mul3A_1599 = arith.mulf %add3A_1593, %get3A_344 : vector<16xf32>
      %add3A_1600 = arith.addf %add3A_1585, %mul3A_1599 : vector<16xf32>
      %get3A_1601 = arith.index_cast %add3A_1505 : i32 to index
      %get3A_1602 = arith.constant 48 : index
      %get3A_1603 = tpu.vector_load %arg11[%get3A_1601, %get3A_1602] {strides = array<i32>} : memref<128x64xf32, #tpu.memory_space<vmem>>, vector<1x16xf32>,
      %get3A_1604 = vector.shape_cast %get3A_1603 : vector<1x16xf32> to vector<16xf32>
      %mul3A_1605 = arith.constant 5.000000e-03 : f32
      %mul3A_1606 = vector.broadcast %mul3A_1605 : f32 to vector<16xf32>
      %mul3A_1607 = arith.mulf %scan3A_1555#3, %mul3A_1606 : vector<16xf32>
      %add3A_1608 = arith.addf %get3A_1604, %mul3A_1607 : vector<16xf32>
      %swap3A_1609 = arith.index_cast %add3A_1505 : i32 to index
      %swap3A_1610 = arith.constant 48 : index
      %swap3A_1611 = tpu.vector_load %arg11[%swap3A_1609, %swap3A_1610] {strides = array<i32>} : memref<128x64xf32, #tpu.memory_space<vmem>>, vector<1x16xf32>,
      %swap3A_1612 = vector.shape_cast %swap3A_1611 : vector<1x16xf32> to vector<16xf32>
      %swap3A_1613 = vector.shape_cast %add3A_1608 : vector<16xf32> to vector<1x16xf32>
      tpu.vector_store %arg11[%swap3A_1609, %swap3A_1610], %swap3A_1613 {strides = array<i32>} : memref<128x64xf32, #tpu.memory_space<vmem>>, vector<1x16xf32>,
      %mul3A_1614 = arith.mulf %add3A_1608, %get3A_347 : vector<16xf32>
      %add3A_1615 = arith.addf %add3A_1600, %mul3A_1614 : vector<16xf32>
      %xor3A_1616 = arith.constant 8 : i32
      %xor3A_1617 = vector.broadcast %xor3A_1616 : i32 to vector<16xi32>
      %xor3A_1618 = arith.xori %iota3A, %xor3A_1617 : vector<16xi32>
      %broadcast_in_dim3A_1619 = vector.shape_cast %xor3A_1618 : vector<16xi32> to vector<16x1xi32>
      %gather3A_1620 = vector.shape_cast %broadcast_in_dim3A_1619 : vector<16x1xi32> to vector<16xi32>
      %gather3A_1621 = tpu.dynamic_gather %add3A_1615[%gather3A_1620] in [0] : vector<16xf32>, vector<16xi32> -> vector<16xf32>
      %add3A_1622 = arith.addf %add3A_1615, %gather3A_1621 : vector<16xf32>
      %xor3A_1623 = arith.constant 4 : i32
      %xor3A_1624 = vector.broadcast %xor3A_1623 : i32 to vector<16xi32>
      %xor3A_1625 = arith.xori %iota3A, %xor3A_1624 : vector<16xi32>
      %broadcast_in_dim3A_1626 = vector.shape_cast %xor3A_1625 : vector<16xi32> to vector<16x1xi32>
      %gather3A_1627 = vector.shape_cast %broadcast_in_dim3A_1626 : vector<16x1xi32> to vector<16xi32>
      %gather3A_1628 = tpu.dynamic_gather %add3A_1622[%gather3A_1627] in [0] : vector<16xf32>, vector<16xi32> -> vector<16xf32>
      %add3A_1629 = arith.addf %add3A_1622, %gather3A_1628 : vector<16xf32>
      %xor3A_1630 = arith.constant 2 : i32
      %xor3A_1631 = vector.broadcast %xor3A_1630 : i32 to vector<16xi32>
      %xor3A_1632 = arith.xori %iota3A, %xor3A_1631 : vector<16xi32>
      %broadcast_in_dim3A_1633 = vector.shape_cast %xor3A_1632 : vector<16xi32> to vector<16x1xi32>
      %gather3A_1634 = vector.shape_cast %broadcast_in_dim3A_1633 : vector<16x1xi32> to vector<16xi32>
      %gather3A_1635 = tpu.dynamic_gather %add3A_1629[%gather3A_1634] in [0] : vector<16xf32>, vector<16xi32> -> vector<16xf32>
      %add3A_1636 = arith.addf %add3A_1629, %gather3A_1635 : vector<16xf32>
      %xor3A_1637 = arith.constant 1 : i32
      %xor3A_1638 = vector.broadcast %xor3A_1637 : i32 to vector<16xi32>
      %xor3A_1639 = arith.xori %iota3A, %xor3A_1638 : vector<16xi32>
      %broadcast_in_dim3A_1640 = vector.shape_cast %xor3A_1639 : vector<16xi32> to vector<16x1xi32>
      %gather3A_1641 = vector.shape_cast %broadcast_in_dim3A_1640 : vector<16x1xi32> to vector<16xi32>
      %gather3A_1642 = tpu.dynamic_gather %add3A_1636[%gather3A_1641] in [0] : vector<16xf32>, vector<16xi32> -> vector<16xf32>
      %add3A_1643 = arith.addf %add3A_1636, %gather3A_1642 : vector<16xf32>
      %add3A_1644 = arith.addf %add3A_1643, %get3A_350 : vector<16xf32>
      %neg3A_1645 = arith.constant 0.000000e+00 : f32
      %neg3A_1646 = vector.broadcast %neg3A_1645 : f32 to vector<16xf32>
      %neg3A_1647 = arith.subf %neg3A_1646, %add3A_1644 : vector<16xf32>
      %exp3A_1648 = math.exp %neg3A_1647 : vector<16xf32>
      %add3A_1649 = arith.constant 1.000000e+00 : f32
      %add3A_1650 = vector.broadcast %add3A_1649 : f32 to vector<16xf32>
      %add3A_1651 = arith.addf %add3A_1650, %exp3A_1648 : vector<16xf32>
      %div3A_1652 = arith.constant 1.000000e+00 : f32
      %div3A_1653 = vector.broadcast %div3A_1652 : f32 to vector<16xf32>
      %div3A_1654 = arith.divf %div3A_1653, %add3A_1651 : vector<16xf32>
      %swap3A_1655 = arith.index_cast %add3A_1505 : i32 to index
      %swap3A_1656 = arith.constant 0 : index
      %swap3A_1657 = tpu.vector_load %arg12[%swap3A_1655, %swap3A_1656] {strides = array<i32>} : memref<128x16xf32, #tpu.memory_space<vmem>>, vector<1x16xf32>,
      %swap3A_1658 = vector.shape_cast %swap3A_1657 : vector<1x16xf32> to vector<16xf32>
      %swap3A_1659 = vector.shape_cast %div3A_1654 : vector<16xf32> to vector<1x16xf32>
      tpu.vector_store %arg12[%swap3A_1655, %swap3A_1656], %swap3A_1659 {strides = array<i32>} : memref<128x16xf32, #tpu.memory_space<vmem>>, vector<1x16xf32>,
      %add3A_1660 = arith.constant 4 : i32
      %add3A_1661 = arith.addi %add3A_1505, %add3A_1660 : i32
      %lt3A_1662 = arith.constant 128 : i32
      %lt3A_1663 = arith.cmpi slt, %add3A_1661, %lt3A_1662 : i32
      %convert_element_type3A_1664 = arith.extui %lt3A_1663 : i1 to i32
      %cond3A_1665 = arith.constant 0 : i32
      %cond3A_1666 = arith.cmpi ne, %convert_element_type3A_1664, %cond3A_1665 : i32
      scf.if %cond3A_1666 {
        %add3A_1667 = arith.constant 4 : i32
        %add3A_1668 = arith.addi %add3A_1505, %add3A_1667 : i32
        %add3A_1669 = arith.addi %mul3A_2, %add3A_1668 : i32
        %dma_wait3A_1670 = arith.constant 3 : i32
        %dma_wait3A_1671 = arith.constant 3 : i32
        %dma_wait3A_1672 = arith.constant 0 : i32
        %dma_wait3A_1673 = tpu.memref_slice %arg9[%dma_wait3A_1670, %dma_wait3A_1672] : memref<8x200xi32, #tpu.memory_space<vmem>> -> memref<1x200xi32, #tpu.memory_space<vmem>>
        %dma_wait3A_1674 = tpu.memref_squeeze %dma_wait3A_1673 : memref<1x200xi32, #tpu.memory_space<vmem>> -> memref<200xi32, #tpu.memory_space<vmem>>
        %dma_wait3A_1675 = arith.constant 0 : i32
        %dma_wait3A_1676 = tpu.memref_slice %arg3[%add3A_1669, %dma_wait3A_1675] : memref<4096x200xi32, #tpu.memory_space<hbm>> -> memref<1x200xi32, #tpu.memory_space<hbm>>
        %dma_wait3A_1677 = tpu.memref_squeeze %dma_wait3A_1676 : memref<1x200xi32, #tpu.memory_space<hbm>> -> memref<200xi32, #tpu.memory_space<hbm>>
        %dma_wait3A_1678 = tpu.memref_slice %arg15[%dma_wait3A_1671] : memref<8x!tpu.dma_semaphore, #tpu.memory_space<semaphore_mem>> -> memref<1x!tpu.dma_semaphore, #tpu.memory_space<semaphore_mem>>
        %dma_wait3A_1679 = tpu.memref_squeeze %dma_wait3A_1678 : memref<1x!tpu.dma_semaphore, #tpu.memory_space<semaphore_mem>> -> memref<!tpu.dma_semaphore, #tpu.memory_space<semaphore_mem>>
        %dma_wait3A_1680 = arith.constant 0 : i32
        %dma_wait3A_1681 = tpu.memref_slice %arg9[%dma_wait3A_1670, %dma_wait3A_1680] : memref<8x200xi32, #tpu.memory_space<vmem>> -> memref<1x200xi32, #tpu.memory_space<vmem>>
        %dma_wait3A_1682 = tpu.memref_squeeze %dma_wait3A_1681 : memref<1x200xi32, #tpu.memory_space<vmem>> -> memref<200xi32, #tpu.memory_space<vmem>>
        %dma_wait3A_1683 = arith.constant 0 : i32
        %dma_wait3A_1684 = tpu.memref_slice %arg3[%add3A_1669, %dma_wait3A_1683] : memref<4096x200xi32, #tpu.memory_space<hbm>> -> memref<1x200xi32, #tpu.memory_space<hbm>>
        %dma_wait3A_1685 = tpu.memref_squeeze %dma_wait3A_1684 : memref<1x200xi32, #tpu.memory_space<hbm>> -> memref<200xi32, #tpu.memory_space<hbm>>
        tpu.wait_dma2 semaphore(%dma_wait3A_1679 : memref<!tpu.dma_semaphore, #tpu.memory_space<semaphore_mem>>) src(%dma_wait3A_1685 : memref<200xi32, #tpu.memory_space<hbm>>) dst(%dma_wait3A_1682 : memref<200xi32, #tpu.memory_space<vmem>>)
        %dma_start3A_1686 = arith.constant 3 : i32
        %dma_start3A_1687 = arith.constant 3 : i32
        %dma_start3A_1688 = arith.constant 3 : i32
        %dma_start3A_1689 = arith.constant 0 : i32
        %dma_start3A_1690 = arith.constant 0 : i32
        %dma_start3A_1691 = tpu.memref_slice %arg10[%dma_start3A_1687, %dma_start3A_1689, %dma_start3A_1690] : memref<4x200x64xf32, #tpu.memory_space<vmem>> -> memref<1x104x64xf32, #tpu.memory_space<vmem>>
        %dma_start3A_1692 = tpu.memref_squeeze %dma_start3A_1691 : memref<1x104x64xf32, #tpu.memory_space<vmem>> -> memref<104x64xf32, #tpu.memory_space<vmem>>
        %dma_start3A_1693 = arith.constant 0 : i32
        %dma_start3A_1694 = tpu.memref_slice %arg9[%dma_start3A_1686, %dma_start3A_1693] : memref<8x200xi32, #tpu.memory_space<vmem>> -> memref<1x104xi32, #tpu.memory_space<vmem>>
        %dma_start3A_1695 = tpu.memref_squeeze %dma_start3A_1694 : memref<1x104xi32, #tpu.memory_space<vmem>> -> memref<104xi32, #tpu.memory_space<vmem>>
        %dma_start3A_1696 = arith.constant 0 : i32
        %dma_start3A_1697 = arith.constant 0 : i32
        %dma_start3A_1698 = tpu.memref_slice %arg4[%dma_start3A_1696, %dma_start3A_1697] : memref<1000000x64xf32, #tpu.memory_space<hbm>> -> memref<1000000x64xf32, #tpu.memory_space<hbm>>
        %dma_start3A_1699 = tpu.memref_slice %arg16[%dma_start3A_1688] : memref<4x!tpu.dma_semaphore, #tpu.memory_space<semaphore_mem>> -> memref<1x!tpu.dma_semaphore, #tpu.memory_space<semaphore_mem>>
        %dma_start3A_1700 = tpu.memref_squeeze %dma_start3A_1699 : memref<1x!tpu.dma_semaphore, #tpu.memory_space<semaphore_mem>> -> memref<!tpu.dma_semaphore, #tpu.memory_space<semaphore_mem>>
        tpu.enqueue_indirect_dma source(%dma_start3A_1698 : memref<1000000x64xf32, #tpu.memory_space<hbm>>) target(%dma_start3A_1692 : memref<104x64xf32, #tpu.memory_space<vmem>>) offsets(%dma_start3A_1695 : memref<104xi32, #tpu.memory_space<vmem>>) semaphore(%dma_start3A_1700 : memref<!tpu.dma_semaphore, #tpu.memory_space<semaphore_mem>>)
        %dma_start3A_1701 = arith.constant 3 : i32
        %dma_start3A_1702 = arith.constant 3 : i32
        %dma_start3A_1703 = arith.constant 3 : i32
        %dma_start3A_1704 = arith.constant 104 : i32
        %dma_start3A_1705 = arith.constant 0 : i32
        %dma_start3A_1706 = tpu.memref_slice %arg10[%dma_start3A_1702, %dma_start3A_1704, %dma_start3A_1705] : memref<4x200x64xf32, #tpu.memory_space<vmem>> -> memref<1x96x64xf32, #tpu.memory_space<vmem>>
        %dma_start3A_1707 = tpu.memref_squeeze %dma_start3A_1706 : memref<1x96x64xf32, #tpu.memory_space<vmem>> -> memref<96x64xf32, #tpu.memory_space<vmem>>
        %dma_start3A_1708 = arith.constant 104 : i32
        %dma_start3A_1709 = tpu.memref_slice %arg9[%dma_start3A_1701, %dma_start3A_1708] : memref<8x200xi32, #tpu.memory_space<vmem>> -> memref<1x96xi32, #tpu.memory_space<vmem>>
        %dma_start3A_1710 = tpu.memref_squeeze %dma_start3A_1709 : memref<1x96xi32, #tpu.memory_space<vmem>> -> memref<96xi32, #tpu.memory_space<vmem>>
        %dma_start3A_1711 = arith.constant 0 : i32
        %dma_start3A_1712 = arith.constant 0 : i32
        %dma_start3A_1713 = tpu.memref_slice %arg4[%dma_start3A_1711, %dma_start3A_1712] : memref<1000000x64xf32, #tpu.memory_space<hbm>> -> memref<1000000x64xf32, #tpu.memory_space<hbm>>
        %dma_start3A_1714 = tpu.memref_slice %arg16[%dma_start3A_1703] : memref<4x!tpu.dma_semaphore, #tpu.memory_space<semaphore_mem>> -> memref<1x!tpu.dma_semaphore, #tpu.memory_space<semaphore_mem>>
        %dma_start3A_1715 = tpu.memref_squeeze %dma_start3A_1714 : memref<1x!tpu.dma_semaphore, #tpu.memory_space<semaphore_mem>> -> memref<!tpu.dma_semaphore, #tpu.memory_space<semaphore_mem>>
        tpu.enqueue_indirect_dma source(%dma_start3A_1713 : memref<1000000x64xf32, #tpu.memory_space<hbm>>) target(%dma_start3A_1707 : memref<96x64xf32, #tpu.memory_space<vmem>>) offsets(%dma_start3A_1710 : memref<96xi32, #tpu.memory_space<vmem>>) semaphore(%dma_start3A_1715 : memref<!tpu.dma_semaphore, #tpu.memory_space<semaphore_mem>>)
      } else {
      }
    }
    %scan3A_355 = arith.constant 16 : i32
    "tpu.region"() ({
      %run_scoped3A = tpu.sem_alloc : memref<!tpu.dma_semaphore, #tpu.memory_space<semaphore_mem>>
      %dma_start3A_356 = arith.constant 0 : i32
      %dma_start3A_357 = tpu.memref_slice %arg7[%mul3A_2, %dma_start3A_356] : memref<4096x64xf32, #tpu.memory_space<hbm>> -> memref<128x64xf32, #tpu.memory_space<hbm>>
      %dma_start3A_358 = arith.constant 0 : i32
      %dma_start3A_359 = tpu.memref_slice %arg7[%mul3A_2, %dma_start3A_358] : memref<4096x64xf32, #tpu.memory_space<hbm>> -> memref<128x64xf32, #tpu.memory_space<hbm>>
      tpu.enqueue_dma source(%arg11 : memref<128x64xf32, #tpu.memory_space<vmem>>) target(%dma_start3A_359 : memref<128x64xf32, #tpu.memory_space<hbm>>) target_semaphore(%run_scoped3A : memref<!tpu.dma_semaphore, #tpu.memory_space<semaphore_mem>>)
      %dma_wait3A_360 = arith.constant 0 : i32
      %dma_wait3A_361 = tpu.memref_slice %arg7[%mul3A_2, %dma_wait3A_360] : memref<4096x64xf32, #tpu.memory_space<hbm>> -> memref<128x64xf32, #tpu.memory_space<hbm>>
      %dma_wait3A_362 = arith.constant 0 : i32
      %dma_wait3A_363 = tpu.memref_slice %arg7[%mul3A_2, %dma_wait3A_362] : memref<4096x64xf32, #tpu.memory_space<hbm>> -> memref<128x64xf32, #tpu.memory_space<hbm>>
      tpu.wait_dma2 semaphore(%run_scoped3A : memref<!tpu.dma_semaphore, #tpu.memory_space<semaphore_mem>>) src(%arg11 : memref<128x64xf32, #tpu.memory_space<vmem>>) dst(%dma_wait3A_363 : memref<128x64xf32, #tpu.memory_space<hbm>>)
      tpu.yield
    }) : () -> ()
    "tpu.region"() ({
      %run_scoped3A = tpu.sem_alloc : memref<!tpu.dma_semaphore, #tpu.memory_space<semaphore_mem>>
      %dma_start3A_356 = arith.constant 0 : i32
      %dma_start3A_357 = tpu.memref_slice %arg8[%mul3A_2, %dma_start3A_356] : memref<4096x16xf32, #tpu.memory_space<hbm>> -> memref<128x16xf32, #tpu.memory_space<hbm>>
      %dma_start3A_358 = arith.constant 0 : i32
      %dma_start3A_359 = tpu.memref_slice %arg8[%mul3A_2, %dma_start3A_358] : memref<4096x16xf32, #tpu.memory_space<hbm>> -> memref<128x16xf32, #tpu.memory_space<hbm>>
      tpu.enqueue_dma source(%arg12 : memref<128x16xf32, #tpu.memory_space<vmem>>) target(%dma_start3A_359 : memref<128x16xf32, #tpu.memory_space<hbm>>) target_semaphore(%run_scoped3A : memref<!tpu.dma_semaphore, #tpu.memory_space<semaphore_mem>>)
      %dma_wait3A_360 = arith.constant 0 : i32
      %dma_wait3A_361 = tpu.memref_slice %arg8[%mul3A_2, %dma_wait3A_360] : memref<4096x16xf32, #tpu.memory_space<hbm>> -> memref<128x16xf32, #tpu.memory_space<hbm>>
      %dma_wait3A_362 = arith.constant 0 : i32
      %dma_wait3A_363 = tpu.memref_slice %arg8[%mul3A_2, %dma_wait3A_362] : memref<4096x16xf32, #tpu.memory_space<hbm>> -> memref<128x16xf32, #tpu.memory_space<hbm>>
      tpu.wait_dma2 semaphore(%run_scoped3A : memref<!tpu.dma_semaphore, #tpu.memory_space<semaphore_mem>>) src(%arg12 : memref<128x16xf32, #tpu.memory_space<vmem>>) dst(%dma_wait3A_363 : memref<128x16xf32, #tpu.memory_space<hbm>>)
      tpu.yield
    }) : () -> ()
    return
  }
}

</mosaic_0001>

<sc_bundles>
// kernel: kernel.3.cloned.1.call-start
scs
__scs_entry_jumppad:
0x0: {  	(pc) =	sbr.rel $0x88, $3  }
0x1: {  	(tag) =	ssettag $0x0;
	lr =	simm.s32 $0x1  }
0x2: {  	[smem:$0x3F9C] =	sst lr;
	_ =	strace $0xD0000000  }
0x3: {  	_ = 	snop  }
0x4: {  	_ = 	snop  }
0x5: {  	_ = 	snop  }
0x6: {  	_ = 	snop  }
0x7: {  	_ = 	snop  }
__scs_overlays_trampoline_lowered:
0x8: {  	[smem:$0x3FAB] =	sst s0  }
0x9: {  	[smem:$0x3FAC] =	sst s1  }
0xa: {  	[smem:$0x3FAD] =	sst s2  }
0xb: {  	[smem:$0x3FAE] =	sst s3  }
0xc: {  	[smem:$0x3FAF] =	sst s4  }
0xd: {  	[smem:$0x3FB0] =	sst s5  }
0xe: {  	[smem:$0x3FB1] =	sst s6  }
0xf: {  	[smem:$0x3FB2] =	sst s7  }
0x10: {  	[smem:$0x3FB3] =	sst s8  }
0x11: {  	[smem:$0x3FB4] =	sst s9;
	s0 =	simm.s32 @!p0 $0x0  }
0x12: {  	s1 =	sld [smem:$0x3F9A];
	s0 =	simm.s32 @p0 $0x1  }
0x13: {  	[smem:$0x3FB5] =	sst s0;
	s0 =	simm.s32 @!p1 $0x0  }
0x14: {  	s2 =	sld [smem:$0x3F99];
	s0 =	simm.s32 @p1 $0x1  }
0x15: {  	[smem:$0x3FB6] =	sst s0;
	s0 =	simm.s32 @!p2 $0x0  }
0x16: {  	s3 =	sld [smem:$0x3FDB];
	s0 =	simm.s32 @p2 $0x1  }
0x17: {  	s4 =	simm.s32 $0x1BF5;
	[smem:$0x3FB8] =	sst s0  }
0x18: {  	s0 =	sld [smem:$0x3F9B];
	_ =	swait.ge [sflag:s4], $0x0  }
0x19: {  	s7 =	sld [smem:$0x3F9C]  }
0x1a: {  	s8 =	sadd.s32 $0xFFFFE003, lr  }
0x1b: {  	s9 =	sadd.s32 $0xFFFFFEF7, lr;
	s5 =	simm.s32 $0xFFFFFFFF;
	p2 =	slt.u32 s8, $0xFFFFF086  }
0x1c: {  	p1 =	slt.u32 s9, $0xF7A;
	s5 =	simm.s32 @!p2 $0x0  }
0x1d: {  	s5 =	simm.s32 @p1 $0x1;
	p0 =	seq.s32 s7, s2  }
0x1e: {  	s7 =	smul.u32 @!p0 $0xF7A, s2;
	p2 =	seq.s32 @!p0 s5, $0x0  }
0x1f: {  	s9 =	smul.u32 $0xF7A, s1;
	s8 =	simm.s32 @!p0 $0x1BF5;
	p2 =	por !p2, p0  }
0x20: {  	[sflag:s8] =	ssyncset.s32 @!p0 $0xFFFFF086;
	s6 =	sadd.s32 @!p0 s3, s7;
	s7 =	simm.s32 @!p0 $0x108  }
0x21: {  	s3 =	sadd.s32 s3, s9;
	s6 =	sadd.s32 @!p0 $0x88, s6;
	s7 =	simm.s32 @p2 $0x1082  }
0x22: {  	[simem:s7], [sflag:s8] =	dma.local @!p0 [hbm:s6], $0xF7A  }
0x23: {  	s9 =	sor.u32 $0xD0000000, s2;
	s6 =	simm.s32 $0x108;
	_ =	swait.ge @!p0 [sflag:s8], $0x0  }
0x24: {  	s3 =	sadd.s32 $0x88, s3;
	s6 =	simm.s32 @!p1 $0x1082;
	[sflag:s4] =	ssyncset.s32 $0xFFFFF086  }
0x25: {  	[simem:s6], [sflag:s4] =	dma.local [hbm:s3], $0xF7A  }
0x26: {  	[smem:$0x3F9C] =	sst s1;
	(tag) =	ssettag s2;
	_ =	strace s9  }
0x27: {  	s1 =	sld [smem:$0x3FAC]  }
0x28: {  	s2 =	sld [smem:$0x3FAD]  }
0x29: {  	s4 =	sld [smem:$0x3FAF]  }
0x2a: {  	p0 =	seq.s32 s5, $0x0;
	s5 =	sld [smem:$0x3FB0]  }
0x2b: {  	s6 =	sld [smem:$0x3FB1]  }
0x2c: {  	s7 =	sld [smem:$0x3FB2]  }
0x2d: {  	s3 =	simm.s32 $0x108;
	s8 =	sld [smem:$0x3FB3]  }
0x2e: {  	s3 =	simm.s32 @!p0 $0x1082;
	s9 =	sld [smem:$0x3FB4]  }
0x2f: {  	lr =	sadd.s32 s0, s3;
	s0 =	sld [smem:$0x3FAB]  }
0x30: {  	s3 =	sld [smem:$0x3FAE]  }
0x31: {  	[smem:$0x3FB7] =	sst s10  }
0x32: {  	s10 =	sld [smem:$0x3FB5];
	_ =	sdelay $0x3  }
0x33: {  	p0 =	seq.s32 s10, $0x1;
	s10 =	sld [smem:$0x3FB7];
	_ =	sdelay $0x3  }
0x34: {  	[smem:$0x3FB7] =	sst s10  }
0x35: {  	s10 =	sld [smem:$0x3FB6];
	_ =	sdelay $0x3  }
0x36: {  	p1 =	seq.s32 s10, $0x1;
	s10 =	sld [smem:$0x3FB7];
	_ =	sdelay $0x3  }
0x37: {  	[smem:$0x3FB7] =	sst s10  }
0x38: {  	s10 =	sld [smem:$0x3FB8]  }
0x39: {  	_ = 	snop;
	(pc) =	sbr.ind lr, $3  }
0x3a: {  	_ = 	snop  }
0x3b: {  	_ = 	snop  }
0x3c: {  	p2 =	seq.s32 s10, $0x1;
	s10 =	sld [smem:$0x3FB7]  }
0x3d: {  	_ =	shalt  }
0x3e: {  	_ =	shalt  }
0x3f: {  	_ =	shalt  }
0x40: {  	_ =	shalt  }
0x41: {  	_ =	shalt  }
0x42: {  	_ =	shalt  }
0x43: {  	_ =	shalt  }
0x44: {  	_ =	shalt  }
0x45: {  	_ =	shalt  }
0x46: {  	_ =	shalt  }
0x47: {  	_ =	shalt  }
0x48: {  	_ =	shalt  }
0x49: {  	_ =	shalt  }
0x4a: {  	_ =	shalt  }
0x4b: {  	_ =	shalt  }
0x4c: {  	_ =	shalt  }
0x4d: {  	_ =	shalt  }
0x4e: {  	_ =	shalt  }
0x4f: {  	_ =	shalt  }
0x50: {  	_ =	shalt  }
0x51: {  	_ =	shalt  }
0x52: {  	_ =	shalt  }
0x53: {  	_ =	shalt  }
0x54: {  	_ =	shalt  }
0x55: {  	_ =	shalt  }
0x56: {  	_ =	shalt  }
0x57: {  	_ =	shalt  }
0x58: {  	_ =	shalt  }
0x59: {  	_ =	shalt  }
0x5a: {  	_ =	shalt  }
0x5b: {  	_ =	shalt  }
0x5c: {  	_ =	shalt  }
0x5d: {  	_ =	shalt  }
0x5e: {  	_ =	shalt  }
0x5f: {  	_ =	shalt  }
0x60: {  	_ =	shalt  }
0x61: {  	_ =	shalt  }
0x62: {  	_ =	shalt  }
0x63: {  	_ =	shalt  }
0x64: {  	_ =	shalt  }
0x65: {  	_ =	shalt  }
0x66: {  	_ =	shalt  }
0x67: {  	_ =	shalt  }
0x68: {  	_ =	shalt  }
0x69: {  	_ =	shalt  }
0x6a: {  	_ =	shalt  }
0x6b: {  	_ =	shalt  }
0x6c: {  	_ =	shalt  }
0x6d: {  	_ =	shalt  }
0x6e: {  	_ =	shalt  }
0x6f: {  	_ =	shalt  }
0x70: {  	_ =	shalt  }
0x71: {  	_ =	shalt  }
0x72: {  	_ =	shalt  }
0x73: {  	_ =	shalt  }
0x74: {  	_ =	shalt  }
0x75: {  	_ =	shalt  }
0x76: {  	_ =	shalt  }
0x77: {  	_ =	shalt  }
0x78: {  	_ =	shalt  }
0x79: {  	_ =	shalt  }
0x7a: {  	_ =	shalt  }
0x7b: {  	_ =	shalt  }
0x7c: {  	_ =	shalt  }
0x7d: {  	_ =	shalt  }
0x7e: {  	_ =	shalt  }
0x7f: {  	_ =	shalt  }
0x80: {  	_ =	shalt  }
0x81: {  	_ =	shalt  }
0x82: {  	_ =	shalt  }
0x83: {  	_ =	shalt  }
0x84: {  	_ =	shalt  }
0x85: {  	_ =	shalt  }
0x86: {  	_ =	shalt  }
0x87: {  	_ =	shalt  }
.Lfunc_end0:
.L_simem_size_0:
called_computation_lowered:
.L_overlay_start_0:
0x88: {  	s2 =	sld [smem:$0x3FD9]  }
0x89: {  	s3 =	sld [smem:$0x3FFE];
	_ =	sdelay $0x1  }
0x8a: {  	s1 =	srdreg.scid  }
0x8b: {  	s0 =	sand.u32 $0x1, s1  }
0x8c: {  	s14 =	sshll.u32 s0, $0xA;
	s2 =	sadd.s32 s3, s2  }
0x8d: {  	s2 =	sadd.s32 s2, s14  }
0x8e: {  	[smem:$0x3FC3] =	sst s2  }
0x8f: {  	_ = 	snop  }
0x90: {  	s2 =	sld [smem:$0x3FD0];
	_ =	sdelay $0x2  }
0x91: {  	s4 =	simm.s32 $0xA;
	s5 =	simm.s32 $0x10;
	s15 =	sld [smem:$0x3FC6]  }
0x92: {  	[smem:s5], [sflag:s4] =	dma.local [hbm:s2], $0x1  }
0x93: {  	_ =	swait.eq [sflag:s4], $0x1  }
0x94: {  	[sflag:s4] =	ssyncset.done $0x0  }
0x95: {  	[sflag:s4] =	ssyncadd.s32 $0xFFFFFFFF  }
0x96: {  	s16 =	sld [smem:$0x10];
	(tm) =	ssettm $0x1  }
0x97: {  	s17 =	sld [smem:$0x3FFB];
	_ =	sdelay $0x3  }
0x98: {  	_ =	strace s17  }
0x99: {  	s4 =	sld [smem:$0x3FFC];
	_ =	sdelay $0x3  }
0x9a: {  	_ =	strace s4  }
0x9b: {  	s4 =	sld [smem:$0x3FFD];
	_ =	sdelay $0x3  }
0x9c: {  	_ =	strace s4  }
0x9d: {  	_ =	strace $0x8FFFFFFF  }
0x9e: {  	s18 =	sld [smem:$0x3FDB];
	_ =	sdelay $0x1  }
0x9f: {  	s19 =	simm.s32 $_scs_section_size  }
0xa0: {  	s6 =	simm.s32 $_size__tile_overlayer_lowered;
	s7 =	simm.s32 $_tile_overlayer_lowered  }
0xa1: {  	s22 =	simm.s32 $0x1BFF;
	s21 =	sshll.u32 s7, $0x1;
	s4 =	sadd.s32 s19, s18  }
0xa2: {  	s8 =	simm.s32 $0x0;
	s20 =	sshll.u32 s6, $0x1;
	s6 =	sadd.s32 s21, s4  }
0xa3: {  	[timem:s8], [sflag:s22] =	dma.local [hbm:s6], s20  }
0xa4: {  	_ =	swait.ge [sflag:s22], s20  }
0xa5: {  	s5 =	ssub.s32 $0x0, s20;
	[sflag:s22] =	ssyncset.done $0x0  }
0xa6: {  	[sflag:s22] =	ssyncadd.s32 s5;
	_ =	sdelay $0x1  }
0xa7: {  	s23 =	simm.s32 $0x1B8B  }
0xa8: {  	_ =	swait.ge [sflag:s23], $0x1  }
0xa9: {  	[sflag:s23] =	ssyncset.done $0x0  }
0xaa: {  	s25 =	simm.s32 $0x1B8E;
	s24 =	sld [smem:$0x3FFE];
	[sflag:s23] =	ssyncadd.s32 $0xFFFFFFFF  }
0xab: {  	s26 =	simm.s32 $execute0_lowered;
	[smem:$0x3FD2] =	sst s25  }
0xac: {  	s6 =	sshll.u32 s26, $0x1;
	_ =	strace $0x80000046;
	[dreg:$0x1] =	wrdreg $0xFFFFFFFF  }
0xad: {  	s28 =	simm.s32 $_size_execute0_lowered;
	s4 =	sadd.s32 s4, s6;
	[dreg:$0x0] =	wrdreg $0x0  }
0xae: {  	s6 =	sshll.u32 s28, $0x1;
	[dreg:$0x2] =	wrdreg s4  }
0xaf: {  	[dreg:$0x3] =	wrdreg s6  }
0xb0: {  	[dreg:$0x4] =	wrdreg $0xC0  }
0xb1: {  	_ =	task [dreg:s8], $0x5FFFF  }
0xb2: {  	[dreg:$0x1] =	wrdreg $0xFFFFFFFF  }
0xb3: {  	[dreg:$0x0] =	wrdreg $0x60  }
0xb4: {  	[dreg:$0x2] =	wrdreg s16  }
0xb5: {  	[dreg:$0x3] =	wrdreg s24  }
0xb6: {  	[dreg:$0x4] =	wrdreg s15  }
0xb7: {  	[dreg:$0x5] =	wrdreg $0x9  }
0xb8: {  	_ =	task.clear_ibuf [dreg:s8], $0x6FFFF;
	_ =	strace $0x90000046  }
0xb9: {  	s29 =	simm.s32 $0x9;
	_ =	strace $0x80000048  }
0xba: {  	_ =	swait.ge [sflag:s29], $0x1  }
0xbb: {  	[sflag:s29] =	ssyncadd.s32 $0xFFFFFFFF  }
0xbc: {  	_ =	strace $0x90000048  }
0xbd: {  	_ =	sfence  }
0xbe: {  	s30 =	sld [smem:$0x0];
	_ =	sdelay $0x2  }
0xbf: {  	s31 =	sshll.u32 s1, $0xD;
	s1 =	sshrl.u32 s1, $0x2  }
0xc0: {  	s3 =	sand.u32 $0x4000, s31;
	s1 =	sadd.s32 s1, s30  }
0xc1: {  	s0 =	sor.u32 s3, s0;
	s1 =	sshll.u32 s1, $0x11  }
0xc2: {  	s0 =	sor.u32 s1, s0  }
0xc3: {  	s0 =	sadd.s32 $0x8F2B, s0  }
0xc4: {  	[sflag:s0] =	ssyncadd.remote.s32 $0x1  }
0xc5: {  	_ =	sfence.sel $0xFFFF  }
0xc6: {  	[dreg:$0x0] =	wrdreg $0xFFFFFFFF;
	(pc) =	sbr.abs _section_cstart, $3  }
0xc7: {  	[dreg:$0x1] =	wrdreg $0xFFFFFFFF  }
0xc8: {  	_ =	task.clear_ibuf [dreg:s8], $0x2FFFF;
	_ =	strace $0x9FFFFFFF  }
0xc9: {  	(tm) =	ssettm $0x7FFFFFFF  }
tec
execute0_lowered:
.L_overlay_start_1:
0x0: {  	(tag) =	ssettag $0x1  }
0x1: {  	s0 =	rddreg [dreg:$0x0]  }
0x2: {  	s1 =	rddreg [dreg:$0x1];
	s10 =	simm.s32 $0x0  }
0x3: {  	s2 =	srdreg.scid;
	s3 =	stileid.u32;
	s12 =	simm.s32 $0xD  }
0x4: {  	s28 =	simm.s32 $0x68;
	s29 =	simm.s32 $0xA;
	s30 =	simm.s32 $0x7  }
0x5: {  	s13 =	simm.s32 $0x0;
	[smem:$0x7FF] =	sst s10;
	s2 =	sand.u32 $0x1, s2  }
0x6: {  	s4 =	sadd.s32 $0xE00, s1;
	s3 =	sshll.u32 s3, $0x8;
	s5 =	sadd.s32 $0xF43200, s1  }
0x7: {  	s7 =	sadd.s32 $0x19E00, s1;
	_ =	strace $0x80000047;
	s6 =	sshll.u32 s2, $0x7  }
0x8: {  	[dreg:$0x4] =	wrdreg s7;
	s2 =	ssub.s32 $0x2, s2;
	s3 =	sor.u32 s6, s3  }
0x9: {  	s7 =	simm.s32 $0x6;
	s15 =	sshrl.u32 s2, $0x1;
	s8 =	smul.u32 $0x19, s3  }
0xa: {  	s6 =	sshll.u32 s3, $0x3;
	s14 =	sshll.u32 s3, $0x1;
	s16 =	smul.u32 $0xC8, s3  }
0xb: {  	s2 =	ssub.s32 s2, s15;
	s15 =	sor.u32 $0x8, s3;
	s9 =	sadd.s32 s6, s1  }
0xc: {  	s1 =	sadd.s32 s14, s1;
	s0 =	sadd.s32 s0, s6;
	s26 =	smax.u32 s2, $0x1  }
0xd: {  	s2 =	simm.s32 $0x9;
	s14 =	simm.s32 $0x5;
	s11 =	sadd.s32 s4, s8  }
0xe: {  	[dreg:$0x6] =	wrdreg s0;
	s19 =	sshrl.u32 s16, $0x3;
	s20 =	sadd.s32 $0x578, s16  }
0xf: {  	s16 =	sor.u32 $0x9, s3;
	s24 =	sadd.s32 $0x1A000, s9;
	s25 =	sadd.s32 $0x22000, s1  }
0x10: {  	[dreg:$0xf] =	wrdreg s26;
	s1 =	simm.s32 $0xCE40;
	s26 =	simm.s32 $0x9C40  }
0x11: {  	v0 =	vimm.s32 $0xFEDCBA98;
	v1 =	vimm.s32 $0x76543210;
	s9 =	simm.s32 $0xB640;
	s8 =	simm.s32 $0x8;
	s17 =	sadd.s32 $0x19, s11  }
0x12: {  	v2 =	vimm.s32 $0xBA98FEDC;
	v3 =	vimm.s32 $0x32107654;
	s18 =	sadd.s32 $0x32, s11;
	s21 =	sadd.s32 $0x4B, s11;
	[dreg:$0xd] =	wrdreg s24  }
0x13: {  	v4 =	vimm.s32 $0xDCFE98BA;
	v5 =	vimm.s32 $0x54761032;
	v6 =	vimm.s32 $0xEFCDAB89;
	s0 =	sadd.s32 s4, s19;
	s6 =	sshrl.u32 s20, $0x3;
	[dreg:$0xe] =	wrdreg s25  }
0x14: {  	v7 =	vimm.s32 $0x67452301;
	v0 =	vunpack.c.l.s4.s8 v0;
	v1 =	vunpack.c.l.s4.s8 v1;
	s22 =	sadd.s32 $0x64, s11;
	s19 =	sor.u32 $0xC, s3;
	[dreg:$0x5] =	wrdreg s11  }
0x15: {  	v2 =	vunpack.c.l.s4.s8 v2;
	v3 =	vunpack.c.l.s4.s8 v3;
	v4 =	vunpack.c.l.s4.s8 v4;
	s20 =	sor.u32 $0xD, s3;
	s31 =	sadd.s32 $0x7D, s11;
	[dreg:$0x7] =	wrdreg s17  }
0x16: {  	v5 =	vunpack.c.l.s4.s8 v5;
	v6 =	vunpack.c.l.s4.s8 v6;
	v7 =	vunpack.c.l.s4.s8 v7;
	s11 =	simm.s32 $0x60;
	s25 =	simm.s32 $0x4;
	[dreg:$0x8] =	wrdreg s18  }
.Ltmp0:
0x17: {  	v0 =	vunpack.c.0.s8.s32 v0;
	v1 =	vunpack.c.0.s8.s32 v1;
	v2 =	vunpack.c.0.s8.s32 v2;
	s24 =	simm.s32 $0x258;
	[dreg:$0x9] =	wrdreg s21;
	(pc) =	sbr.rel .LBB2_1-.Ltmp0, $4  }
0x18: {  	v3 =	vunpack.c.0.s8.s32 v3;
	v4 =	vunpack.c.0.s8.s32 v4;
	v5 =	vunpack.c.0.s8.s32 v5;
	[dreg:$0xa] =	wrdreg s22;
	s0 =	sadd.s32 $0x96, s0;
	s23 =	sadd.s32 s4, s6  }
0x19: {  	v6 =	vunpack.c.0.s8.s32 v6;
	v7 =	vunpack.c.0.s8.s32 v7;
	v0 =	vand.u32 $0xF, v0;
	s17 =	sor.u32 $0xA, s3;
	s18 =	sor.u32 $0xB, s3;
	[dreg:$0x10] =	wrdreg s31  }
0x1a: {  	v0 =	vcombine.low v0, v1;
	v1 =	vcombine.low v3, v2;
	s21 =	sor.u32 $0xE, s3;
	s22 =	sor.u32 $0xF, s3;
	[dreg:$0xb] =	wrdreg s0  }
0x1b: {  	v2 =	vcombine.low v5, v4;
	v3 =	vcombine.low v7, v6;
	s3 =	simm.s32 $0xB;
	s6 =	simm.s32 $0xC;
	[dreg:$0xc] =	wrdreg s23  }
.LBB2_20:
0x1c: {  	s10 =	simm.s32 $0x0  }
0x1d: {  	s0 =	rddreg [dreg:$0xd];
	s1 =	simm.s32 $0xCE40;
	s12 =	simm.s32 $0xD  }
0x1e: {  	[hbm4b:s0+s10] =	stream.linear.scatter [tilespmem:s1], [sflag:$0xD], $0x2000, $0x38;
	[tilespmem:$0xF690] =	vst v63  }
0x1f: {  	_ =	swait.ge [sflag:s12], $0x2000  }
0x20: {  	[sflag:s12] =	ssyncset.done $0x0  }
0x21: {  	s13 =	simm.s32 $0xEE40;
	s31 =	rddreg [dreg:$0xe];
	[sflag:s12] =	ssyncadd.s32 $0xFFFFE000  }
0x22: {  	[hbm4b:s31+s10] =	stream.linear.scatter [tilespmem:s13], [sflag:$0xD], $0x800, $0x38;
	[tilespmem:$0xF690] =	vst v63  }
0x23: {  	_ =	swait.ge [sflag:s12], $0x800  }
0x24: {  	s23 =	rddreg [dreg:$0x11]  }
0x25: {  	s31 =	rddreg [dreg:$0xf];
	s13 =	sadd.s32 $0x1, s23  }
0x26: {  	p0 =	sne.s32 s13, s31  }
.Ltmp1:
0x27: {  	_ = 	snop;
	(pc) =	sbr.rel @!p0 .LBB2_21-.Ltmp1, $3  }
0x28: {  	_ =	sdelay $0x1  }
0x29: {  	[sflag:s12] =	ssyncset.done $0x0  }
0x2a: {  	[sflag:s12] =	ssyncadd.s32 $0xFFFFF800  }
.LBB2_1:
0x2b: {  	[dreg:$0x11] =	wrdreg s13  }
0x2c: {  	s0 =	rddreg [dreg:$0x6]  }
0x2d: {  	[tilespmem:s1], [sflag:$0xD] =	stream.linear.gather [hbm4b:s0+s10], $0x2000, $0x38;
	[tilespmem:$0xF690] =	vst v63  }
0x2e: {  	_ =	swait.ge [sflag:s12], $0x2000  }
0x2f: {  	[sflag:s12] =	ssyncset.done $0x0  }
0x30: {  	[sflag:s12] =	ssyncadd.s32 $0xFFFFE000  }
0x31: {  	s13 =	simm.s32 $0xF640;
	s1 =	rddreg [dreg:$0x2]  }
0x32: {  	[tilespmem:s13], [sflag:$0xD] =	stream.linear.gather [hbm4b:s1+s10], $0x40, $0x38;
	[tilespmem:$0xF690] =	vst v63  }
0x33: {  	_ =	swait.ge [sflag:s12], $0x40  }
0x34: {  	[sflag:s12] =	ssyncset.done $0x0  }
0x35: {  	s31 =	simm.s32 $0xF680;
	s23 =	rddreg [dreg:$0x4];
	[sflag:s12] =	ssyncadd.s32 $0xFFFFFFC0  }
0x36: {  	[tilespmem:s31], [sflag:$0xD] =	stream.linear.gather [hbm4b:s23+s10], $0x10, $0x38;
	[tilespmem:$0xF690] =	vst v63  }
0x37: {  	_ =	swait.ge [sflag:s12], $0x10  }
0x38: {  	[sflag:s12] =	ssyncset.done $0x0  }
0x39: {  	s1 =	rddreg [dreg:$0x5];
	[sflag:s12] =	ssyncadd.s32 $0xFFFFFFF0  }
0x3a: {  	[tilespmem:s10], [sflag:$0x1] =	stream.linear.gather [hbm4b:s1+s10], $0xC8, $0x38;
	[tilespmem:$0xF690] =	vst v63  }
0x3b: {  	s12 =	rddreg [dreg:$0x7];
	s1 =	simm.s32 $0xC8  }
0x3c: {  	[tilespmem:s1], [sflag:$0x2] =	stream.linear.gather [hbm4b:s12+s10], $0xC8, $0x38;
	[tilespmem:$0xF690] =	vst v63  }
0x3d: {  	s13 =	rddreg [dreg:$0x8];
	s12 =	simm.s32 $0x190  }
0x3e: {  	[tilespmem:s12], [sflag:$0x3] =	stream.linear.gather [hbm4b:s13+s10], $0xC8, $0x38;
	[tilespmem:$0xF690] =	vst v63  }
0x3f: {  	s23 =	rddreg [dreg:$0x9];
	s13 =	simm.s32 $0x258  }
0x40: {  	[tilespmem:s13], [sflag:$0x4] =	stream.linear.gather [hbm4b:s23+s10], $0xC8, $0x38;
	[tilespmem:$0xF690] =	vst v63  }
0x41: {  	s31 =	rddreg [dreg:$0xa];
	s23 =	simm.s32 $0x320  }
0x42: {  	[tilespmem:s23], [sflag:$0x5] =	stream.linear.gather [hbm4b:s31+s10], $0xC8, $0x38;
	[tilespmem:$0xF690] =	vst v63  }
0x43: {  	s23 =	rddreg [dreg:$0x10];
	s31 =	simm.s32 $0x3E8  }
0x44: {  	[tilespmem:s31], [sflag:$0x6] =	stream.linear.gather [hbm4b:s23+s10], $0xC8, $0x38;
	[tilespmem:$0xF690] =	vst v63  }
0x45: {  	s23 =	rddreg [dreg:$0xb];
	s31 =	simm.s32 $0x4B0  }
0x46: {  	[tilespmem:s31], [sflag:$0x7] =	stream.linear.gather [hbm4b:s23+s10], $0xC8, $0x38;
	[tilespmem:$0xF690] =	vst v63  }
0x47: {  	s23 =	rddreg [dreg:$0xc];
	s31 =	simm.s32 $0x578  }
0x48: {  	[tilespmem:s31], [sflag:$0x8] =	stream.linear.gather [hbm4b:s23+s10], $0xC8, $0x38;
	[tilespmem:$0xF690] =	vst v63  }
0x49: {  	s23 =	simm.s32 $0x1  }
0x4a: {  	_ =	swait.ge [sflag:s23], $0xC8  }
0x4b: {  	[sflag:s23] =	ssyncset.done $0x0  }
0x4c: {  	s31 =	simm.s32 $0x640;
	[sflag:s23] =	ssyncadd.s32 $0xFFFFFF38  }
0x4d: {  	[tilespmem:s31], [sflag:$0x9] =	stream.indirect.gather [hbm4b:s5+s28], $0x40, s10, s28, $0xb8;
	[tilespmem:$0xF690] =	vst v63  }
0x4e: {  	s23 =	simm.s32 $0x2040;
	s31 =	simm.s32 $0x2  }
0x4f: {  	[tilespmem:s23], [sflag:$0x9] =	stream.indirect.gather [hbm4b:s5+s11], $0x40, s28, s11, $0xb8;
	[tilespmem:$0xF690] =	vst v63  }
0x50: {  	_ =	swait.ge [sflag:s31], $0xC8  }
0x51: {  	[sflag:s31] =	ssyncset.done $0x0  }
0x52: {  	s10 =	simm.s32 $0x3840;
	[sflag:s31] =	ssyncadd.s32 $0xFFFFFF38  }
0x53: {  	[tilespmem:s10], [sflag:$0xA] =	stream.indirect.gather [hbm4b:s5+s28], $0x40, s1, s28, $0xb8;
	[tilespmem:$0xF690] =	vst v63  }
0x54: {  	s23 =	simm.s32 $0x130;
	s31 =	simm.s32 $0x5240;
	s1 =	simm.s32 $0x3  }
0x55: {  	[tilespmem:s31], [sflag:$0xA] =	stream.indirect.gather [hbm4b:s5+s11], $0x40, s23, s11, $0xb8;
	[tilespmem:$0xF690] =	vst v63  }
0x56: {  	_ =	swait.ge [sflag:s1], $0xC8  }
0x57: {  	[sflag:s1] =	ssyncset.done $0x0  }
0x58: {  	s10 =	simm.s32 $0x6A40;
	[sflag:s1] =	ssyncadd.s32 $0xFFFFFF38  }
0x59: {  	[tilespmem:s10], [sflag:$0xB] =	stream.indirect.gather [hbm4b:s5+s28], $0x40, s12, s28, $0xb8;
	[tilespmem:$0xF690] =	vst v63  }
0x5a: {  	s23 =	simm.s32 $0x8440;
	s12 =	simm.s32 $0x1F8  }
0x5b: {  	[tilespmem:s23], [sflag:$0xB] =	stream.indirect.gather [hbm4b:s5+s11], $0x40, s12, s11, $0xb8;
	[tilespmem:$0xF690] =	vst v63  }
0x5c: {  	_ =	swait.ge [sflag:s25], $0xC8  }
0x5d: {  	[sflag:s25] =	ssyncset.done $0x0  }
0x5e: {  	[sflag:s25] =	ssyncadd.s32 $0xFFFFFF38  }
0x5f: {  	[tilespmem:s26], [sflag:$0xC] =	stream.indirect.gather [hbm4b:s5+s28], $0x40, s13, s28, $0xb8;
	[tilespmem:$0xF690] =	vst v63  }
0x60: {  	s31 =	simm.s32 $0x2C0  }
0x61: {  	[tilespmem:s9], [sflag:$0xC] =	stream.indirect.gather [hbm4b:s5+s11], $0x40, s31, s11, $0xb8;
	[tilespmem:$0xF690] =	vst v63  }
0x62: {  	v4 =	vld [tilespmem:$0xF640]  }
0x63: {  	v5 =	vld [tilespmem:$0xF650]  }
0x64: {  	v6 =	vld [tilespmem:$0xF660]  }
0x65: {  	v7 =	vld [tilespmem:$0xF670]  }
0x66: {  	s10 =	simm.s32 $0x0;
	v8 =	vld [tilespmem:$0xF680]  }
.LBB2_2:
0x67: {  	_ =	swait.ge [sflag:s2], $0x1A00  }
0x68: {  	s0 =	sshll.u32 s10, $0x3;
	p0 =	seq.s32 s10, $0xF;
	[sflag:s2] =	ssyncset.done $0x0  }
0x69: {  	s1 =	sadd.s32 @!p0 s0, s15;
	[sflag:s2] =	ssyncadd.s32 $0xFFFFE600  }
0x6a: {  	s1 =	smul.u32 @!p0 $0x19, s1;
	_ =	swait.ge [sflag:s2], $0x1800  }
0x6b: {  	s31 =	simm.s32 $0x0;
	[sflag:s2] =	ssyncset.done $0x0  }
0x6c: {  	s12 =	simm.s32 @!p0 $0x0;
	s1 =	sadd.s32 @!p0 s4, s1;
	[sflag:s2] =	ssyncadd.s32 $0xFFFFE800  }
0x6d: {  	[tilespmem:s12], [sflag:$0x1] =	stream.linear.gather @!p0 [hbm4b:s1+s12], $0xC8, $0x38;
	[tilespmem:$0xF690] =	vst v63  }
0x6e: {  	v9 =	vld [tilespmem:s31+$0x700]  }
0x6f: {  	v10 =	vld [tilespmem:s31+$0x710]  }
0x70: {  	v11 =	vld [tilespmem:s31+$0x6C0]  }
0x71: {  	v12 =	vld [tilespmem:s31+$0x6D0]  }
0x72: {  	v13 =	vld [tilespmem:s31+$0x680]  }
0x73: {  	v14 =	vld [tilespmem:s31+$0x690]  }
0x74: {  	v20 =	vld [tilespmem:s31+$0x640]  }
0x75: {  	v16 =	vimm.f32 $0.0e+00;
	v21 =	vld [tilespmem:s31+$0x650]  }
0x76: {  	v18 =	vimm.f32 $0.0e+00;
	v17 =	vimm.f32 $0.0e+00;
	v15 =	vimm.f32 $0.0e+00;
	s12 =	simm.s32 $0x400;
	v19 =	vld [tilespmem:s31+$0x660]  }
.LBB2_3:
0x77: {  	p1 =	sne.s32 s12, $0xC400;
	v22 =	vld [tilespmem:s31+$0x670]  }
0x78: {  	v23 =	vld [tilespmem:s31+$0x6A0]  }
0x79: {  	v24 =	vld [tilespmem:s31+$0x6B0]  }
0x7a: {  	v25 =	vld [tilespmem:s31+$0x6E0]  }
0x7b: {  	v16 =	vadd.f32 v20, v16;
	v18 =	vadd.f32 v21, v18;
	v20 =	vld [tilespmem:s31+$0x6F0]  }
0x7c: {  	v17 =	vadd.f32 v19, v17;
	v15 =	vadd.f32 v22, v15;
	v19 =	vld [tilespmem:s31+$0x720]  }
0x7d: {  	v13 =	vadd.f32 v13, v16;
	v14 =	vadd.f32 v14, v18;
	v21 =	vld [tilespmem:s31+$0x730];
	s31 =	sshra.s32 s12, $0x2  }
0x7e: {  	v16 =	vadd.f32 v23, v17;
	v22 =	vld [tilespmem:s31+$0x700];
	v15 =	vadd.f32 v24, v15  }
0x7f: {  	v13 =	vadd.f32 v11, v13;
	v14 =	vadd.f32 v12, v14;
	v23 =	vld [tilespmem:s31+$0x710]  }
0x80: {  	v17 =	vadd.f32 v25, v16;
	v11 =	vld [tilespmem:s31+$0x6C0];
	v15 =	vadd.f32 v20, v15  }
0x81: {  	v16 =	vadd.f32 v9, v13;
	v18 =	vadd.f32 v10, v14;
	v12 =	vld [tilespmem:s31+$0x6D0]  }
.Ltmp2:
0x82: {  	v17 =	vadd.f32 v19, v17;
	v13 =	vld [tilespmem:s31+$0x680];
	v15 =	vadd.f32 v21, v15;
	(pc) =	sbr.rel @p1 .LBB2_3-.Ltmp2, $4  }
0x83: {  	v14 =	vld [tilespmem:s31+$0x690];
	v9 =	vmov v22  }
0x84: {  	v20 =	vld [tilespmem:s31+$0x640];
	v10 =	vmov v23  }
0x85: {  	v21 =	vld [tilespmem:s31+$0x650]  }
0x86: {  	s12 =	sadd.s32 $0x400, s12;
	v19 =	vld [tilespmem:s31+$0x660]  }
0x87: {  	v22 =	vld [tilespmem:s31+$0x670]  }
0x88: {  	v23 =	vld [tilespmem:s31+$0x6A0]  }
0x89: {  	v24 =	vld [tilespmem:s31+$0x6B0];
	v16 =	vadd.f32 v20, v16  }
0x8a: {  	v20 =	vld [tilespmem:s31+$0x6E0];
	v18 =	vadd.f32 v21, v18  }
0x8b: {  	v21 =	vld [tilespmem:s31+$0x6F0];
	v13 =	vadd.f32 v13, v16  }
0x8c: {  	v16 =	vadd.f32 v19, v17;
	v17 =	vld [tilespmem:s31+$0x720];
	v14 =	vadd.f32 v14, v18  }
0x8d: {  	v15 =	vadd.f32 v22, v15;
	v18 =	vld [tilespmem:s31+$0x730];
	s31 =	sshll.u32 s10, $0x9;
	v11 =	vadd.f32 v11, v13  }
0x8e: {  	v13 =	vadd.f32 v23, v16;
	v12 =	vadd.f32 v12, v14;
	v14 =	vld [tilespmem:s31+$0xCE40]  }
0x8f: {  	v15 =	vadd.f32 v24, v15;
	v9 =	vadd.f32 v9, v11;
	v11 =	vld [tilespmem:s31+$0xCE50]  }
0x90: {  	v13 =	vadd.f32 v20, v13;
	v10 =	vadd.f32 v10, v12  }
0x91: {  	v12 =	vld [tilespmem:s31+$0xCE60];
	v9 =	vmul.f32 $4.999999890e-03, v9  }
0x92: {  	v15 =	vadd.f32 v21, v15;
	v13 =	vadd.f32 v17, v13;
	v10 =	vmul.f32 $4.999999890e-03, v10  }
0x93: {  	v9 =	vadd.f32 v14, v9;
	v14 =	vld [tilespmem:s31+$0xCE70]  }
0x94: {  	v15 =	vadd.f32 v18, v15;
	v10 =	vadd.f32 v11, v10;
	v11 =	vmul.f32 $4.999999890e-03, v13  }
0x95: {  	v13 =	vmul.f32 v9, v4  }
0x96: {  	v16 =	vmul.f32 v10, v5;
	v11 =	vadd.f32 v12, v11;
	v12 =	vmul.f32 $4.999999890e-03, v15;
	_ =	sdelay $0x1  }
0x97: {  	v13 =	vadd.f32 v16, v13;
	v15 =	vmul.f32 v11, v6;
	v12 =	vadd.f32 v14, v12;
	_ =	sdelay $0x1  }
0x98: {  	v13 =	vadd.f32 v15, v13;
	v14 =	vmul.f32 v12, v7;
	_ =	sdelay $0x1  }
0x99: {  	v13 =	vadd.f32 v14, v13;
	_ =	sdelay $0x1  }
0x9a: {  	v14 =	vperm.xlane v13, v0;
	_ =	sdelay $0x1  }
0x9b: {  	v13 =	vadd.f32 v13, v14;
	_ =	sdelay $0x1  }
0x9c: {  	v14 =	vperm.xlane v13, v1;
	_ =	sdelay $0x1  }
0x9d: {  	v13 =	vadd.f32 v13, v14;
	_ =	sdelay $0x1  }
0x9e: {  	v14 =	vperm.xlane v13, v2;
	_ =	sdelay $0x1  }
0x9f: {  	v13 =	vadd.f32 v13, v14;
	_ =	sdelay $0x1  }
0xa0: {  	v14 =	vperm.xlane v13, v3;
	_ =	sdelay $0x1  }
0xa1: {  	v13 =	vadd.f32 v13, v14;
	_ =	sdelay $0x1  }
0xa2: {  	v13 =	vadd.f32 v13, v8;
	_ =	sdelay $0x1  }
0xa3: {  	v13 =	vsub.f32 $0.0e+00, v13;
	_ =	sdelay $0x1  }
0xa4: {  	v13 =	vmul.f32 $1.442695020e+00, v13;
	_ =	sdelay $0x1  }
0xa5: {  	(erf) = vpow2.f32 v13;
	_ =	sdelay $0x8  }
0xa6: {  	v13 =	vpop (erf)  }
0xa7: {  	v13 =	vadd.f32 $1.000000000e+00, v13;
	_ =	sdelay $0x1  }
0xa8: {  	(erf) = vrcp.f32 v13;
	_ =	sdelay $0x5  }
0xa9: {  	[tilespmem:s31+$0xCE40] =	vst v9  }
0xaa: {  	[tilespmem:s31+$0xCE50] =	vst v10  }
0xab: {  	[tilespmem:s31+$0xCE60] =	vst v11  }
0xac: {  	s1 =	sshrl.u32 s31, $0x2;
	[tilespmem:s31+$0xCE70] =	vst v12;
	v9 =	vpop (erf)  }
0xad: {  	[tilespmem:s1+$0xEE40] =	vst v9  }
0xae: {  	_ =	swait.ge [sflag:s14], $0xC8  }
0xaf: {  	[sflag:s14] =	ssyncset.done $0x0  }
0xb0: {  	s23 =	simm.s32 $0x320;
	s12 =	simm.s32 $0x640;
	[sflag:s14] =	ssyncadd.s32 $0xFFFFFF38  }
0xb1: {  	[tilespmem:s12], [sflag:$0x9] =	stream.indirect.gather [hbm4b:s5+s28], $0x40, s23, s28, $0xb8;
	[tilespmem:$0xF690] =	vst v63  }
0xb2: {  	s13 =	simm.s32 $0x2040;
	s23 =	simm.s32 $0x388  }
0xb3: {  	[tilespmem:s13], [sflag:$0x9] =	stream.indirect.gather [hbm4b:s5+s11], $0x40, s23, s11, $0xb8;
	[tilespmem:$0xF690] =	vst v63  }
0xb4: {  	_ =	swait.ge [sflag:s29], $0x1A00  }
0xb5: {  	s1 =	sadd.s32 @!p0 s0, s16;
	[sflag:s29] =	ssyncset.done $0x0  }
0xb6: {  	s1 =	smul.u32 @!p0 $0x19, s1;
	[sflag:s29] =	ssyncadd.s32 $0xFFFFE600  }
0xb7: {  	_ =	swait.ge [sflag:s29], $0x1800  }
0xb8: {  	s1 =	sadd.s32 @!p0 s4, s1;
	[sflag:s29] =	ssyncset.done $0x0  }
0xb9: {  	s12 =	simm.s32 @!p0 $0x0;
	s13 =	simm.s32 @!p0 $0xC8;
	[sflag:s29] =	ssyncadd.s32 $0xFFFFE800  }
0xba: {  	[tilespmem:s13], [sflag:$0x2] =	stream.linear.gather @!p0 [hbm4b:s1+s12], $0xC8, $0x38;
	[tilespmem:$0xF690] =	vst v63  }
0xbb: {  	s12 =	simm.s32 $0x0  }
0xbc: {  	v9 =	vld [tilespmem:s12+$0x3900]  }
0xbd: {  	v10 =	vld [tilespmem:s12+$0x3910]  }
0xbe: {  	v11 =	vld [tilespmem:s12+$0x38C0]  }
0xbf: {  	v12 =	vld [tilespmem:s12+$0x38D0]  }
0xc0: {  	v13 =	vld [tilespmem:s12+$0x3880]  }
0xc1: {  	v14 =	vld [tilespmem:s12+$0x3890]  }
0xc2: {  	v20 =	vld [tilespmem:s12+$0x3840]  }
0xc3: {  	v17 =	vimm.f32 $0.0e+00;
	v21 =	vld [tilespmem:s12+$0x3850]  }
0xc4: {  	v18 =	vimm.f32 $0.0e+00;
	v16 =	vimm.f32 $0.0e+00;
	v15 =	vimm.f32 $0.0e+00;
	s1 =	simm.s32 $0x400;
	v19 =	vld [tilespmem:s12+$0x3860]  }
.LBB2_5:
0xc5: {  	p1 =	sne.s32 s1, $0xC400;
	v22 =	vld [tilespmem:s12+$0x3870]  }
0xc6: {  	v23 =	vld [tilespmem:s12+$0x38A0]  }
0xc7: {  	v24 =	vld [tilespmem:s12+$0x38B0]  }
0xc8: {  	v25 =	vld [tilespmem:s12+$0x38E0]  }
0xc9: {  	v16 =	vadd.f32 v20, v16;
	v18 =	vadd.f32 v21, v18;
	v20 =	vld [tilespmem:s12+$0x38F0]  }
0xca: {  	v17 =	vadd.f32 v19, v17;
	v15 =	vadd.f32 v22, v15;
	v19 =	vld [tilespmem:s12+$0x3920]  }
0xcb: {  	v13 =	vadd.f32 v13, v16;
	v14 =	vadd.f32 v14, v18;
	v21 =	vld [tilespmem:s12+$0x3930];
	s12 =	sshra.s32 s1, $0x2  }
0xcc: {  	v16 =	vadd.f32 v23, v17;
	v22 =	vld [tilespmem:s12+$0x3900];
	v15 =	vadd.f32 v24, v15  }
0xcd: {  	v13 =	vadd.f32 v11, v13;
	v14 =	vadd.f32 v12, v14;
	v23 =	vld [tilespmem:s12+$0x3910]  }
0xce: {  	v17 =	vadd.f32 v25, v16;
	v11 =	vld [tilespmem:s12+$0x38C0];
	v15 =	vadd.f32 v20, v15  }
0xcf: {  	v16 =	vadd.f32 v9, v13;
	v18 =	vadd.f32 v10, v14;
	v12 =	vld [tilespmem:s12+$0x38D0]  }
.Ltmp3:
0xd0: {  	v17 =	vadd.f32 v19, v17;
	v13 =	vld [tilespmem:s12+$0x3880];
	v15 =	vadd.f32 v21, v15;
	(pc) =	sbr.rel @p1 .LBB2_5-.Ltmp3, $4  }
0xd1: {  	v14 =	vld [tilespmem:s12+$0x3890];
	v9 =	vmov v22  }
0xd2: {  	v20 =	vld [tilespmem:s12+$0x3840];
	v10 =	vmov v23  }
0xd3: {  	v21 =	vld [tilespmem:s12+$0x3850]  }
0xd4: {  	s1 =	sadd.s32 $0x400, s1;
	v19 =	vld [tilespmem:s12+$0x3860]  }
0xd5: {  	v22 =	vld [tilespmem:s12+$0x3870]  }
0xd6: {  	v23 =	vld [tilespmem:s12+$0x38A0]  }
0xd7: {  	v24 =	vld [tilespmem:s12+$0x38B0];
	v16 =	vadd.f32 v20, v16  }
0xd8: {  	v20 =	vld [tilespmem:s12+$0x38E0];
	v18 =	vadd.f32 v21, v18  }
0xd9: {  	v21 =	vld [tilespmem:s12+$0x38F0];
	v13 =	vadd.f32 v13, v16  }
0xda: {  	v16 =	vadd.f32 v19, v17;
	v17 =	vld [tilespmem:s12+$0x3920];
	v14 =	vadd.f32 v14, v18  }
0xdb: {  	v15 =	vadd.f32 v22, v15;
	v18 =	vld [tilespmem:s12+$0x3930];
	v11 =	vadd.f32 v11, v13  }
0xdc: {  	v13 =	vadd.f32 v23, v16;
	v12 =	vadd.f32 v12, v14;
	v14 =	vld [tilespmem:s31+$0xCE80]  }
0xdd: {  	v15 =	vadd.f32 v24, v15;
	v9 =	vadd.f32 v9, v11;
	v11 =	vld [tilespmem:s31+$0xCE90]  }
0xde: {  	v13 =	vadd.f32 v20, v13;
	v10 =	vadd.f32 v10, v12  }
0xdf: {  	v12 =	vld [tilespmem:s31+$0xCEA0];
	v9 =	vmul.f32 $4.999999890e-03, v9  }
0xe0: {  	v15 =	vadd.f32 v21, v15;
	v13 =	vadd.f32 v17, v13;
	v10 =	vmul.f32 $4.999999890e-03, v10  }
0xe1: {  	v9 =	vadd.f32 v14, v9;
	v14 =	vld [tilespmem:s31+$0xCEB0]  }
0xe2: {  	v15 =	vadd.f32 v18, v15;
	v10 =	vadd.f32 v11, v10;
	v11 =	vmul.f32 $4.999999890e-03, v13  }
0xe3: {  	v13 =	vmul.f32 v9, v4  }
0xe4: {  	v16 =	vmul.f32 v10, v5;
	v11 =	vadd.f32 v12, v11;
	v12 =	vmul.f32 $4.999999890e-03, v15;
	_ =	sdelay $0x1  }
0xe5: {  	v13 =	vadd.f32 v16, v13;
	v15 =	vmul.f32 v11, v6;
	v12 =	vadd.f32 v14, v12;
	_ =	sdelay $0x1  }
0xe6: {  	v13 =	vadd.f32 v15, v13;
	v14 =	vmul.f32 v12, v7;
	_ =	sdelay $0x1  }
0xe7: {  	v13 =	vadd.f32 v14, v13;
	_ =	sdelay $0x1  }
0xe8: {  	v14 =	vperm.xlane v13, v0;
	_ =	sdelay $0x1  }
0xe9: {  	v13 =	vadd.f32 v13, v14;
	_ =	sdelay $0x1  }
0xea: {  	v14 =	vperm.xlane v13, v1;
	_ =	sdelay $0x1  }
0xeb: {  	v13 =	vadd.f32 v13, v14;
	_ =	sdelay $0x1  }
0xec: {  	v14 =	vperm.xlane v13, v2;
	_ =	sdelay $0x1  }
0xed: {  	v13 =	vadd.f32 v13, v14;
	_ =	sdelay $0x1  }
0xee: {  	v14 =	vperm.xlane v13, v3;
	_ =	sdelay $0x1  }
0xef: {  	v13 =	vadd.f32 v13, v14;
	_ =	sdelay $0x1  }
0xf0: {  	v13 =	vadd.f32 v13, v8;
	_ =	sdelay $0x1  }
0xf1: {  	v13 =	vsub.f32 $0.0e+00, v13;
	_ =	sdelay $0x1  }
0xf2: {  	v13 =	vmul.f32 $1.442695020e+00, v13;
	_ =	sdelay $0x1  }
0xf3: {  	(erf) = vpow2.f32 v13;
	_ =	sdelay $0x8  }
0xf4: {  	v13 =	vpop (erf)  }
0xf5: {  	v13 =	vadd.f32 $1.000000000e+00, v13;
	_ =	sdelay $0x1  }
0xf6: {  	(erf) = vrcp.f32 v13;
	_ =	sdelay $0x5  }
0xf7: {  	[tilespmem:s31+$0xCE80] =	vst v9  }
0xf8: {  	[tilespmem:s31+$0xCE90] =	vst v10  }
0xf9: {  	s1 =	sor.u32 $0x40, s31;
	[tilespmem:s31+$0xCEA0] =	vst v11  }
0xfa: {  	s1 =	sshrl.u32 s1, $0x2;
	[tilespmem:s31+$0xCEB0] =	vst v12;
	v9 =	vpop (erf)  }
0xfb: {  	[tilespmem:s1+$0xEE40] =	vst v9  }
0xfc: {  	_ =	swait.ge [sflag:s7], $0xC8  }
0xfd: {  	[sflag:s7] =	ssyncset.done $0x0  }
0xfe: {  	s13 =	simm.s32 $0x3E8;
	s23 =	simm.s32 $0x3840;
	[sflag:s7] =	ssyncadd.s32 $0xFFFFFF38  }
0xff: {  	[tilespmem:s23], [sflag:$0xA] =	stream.indirect.gather [hbm4b:s5+s28], $0x40, s13, s28, $0xb8;
	[tilespmem:$0xF690] =	vst v63  }
0x100: {  	s13 =	simm.s32 $0x5240;
	s23 =	simm.s32 $0x450  }
0x101: {  	[tilespmem:s13], [sflag:$0xA] =	stream.indirect.gather [hbm4b:s5+s11], $0x40, s23, s11, $0xb8;
	[tilespmem:$0xF690] =	vst v63  }
0x102: {  	_ =	swait.ge [sflag:s3], $0x1A00  }
0x103: {  	[sflag:s3] =	ssyncset.done $0x0  }
0x104: {  	s1 =	sadd.s32 @!p0 s0, s17;
	[sflag:s3] =	ssyncadd.s32 $0xFFFFE600  }
0x105: {  	s1 =	smul.u32 @!p0 $0x19, s1;
	_ =	swait.ge [sflag:s3], $0x1800  }
0x106: {  	s12 =	simm.s32 @!p0 $0x0;
	[sflag:s3] =	ssyncset.done $0x0  }
0x107: {  	s1 =	sadd.s32 @!p0 s4, s1;
	s13 =	simm.s32 @!p0 $0x190;
	[sflag:s3] =	ssyncadd.s32 $0xFFFFE800  }
0x108: {  	[tilespmem:s13], [sflag:$0x3] =	stream.linear.gather @!p0 [hbm4b:s1+s12], $0xC8, $0x38;
	[tilespmem:$0xF690] =	vst v63  }
0x109: {  	s12 =	simm.s32 $0x0  }
0x10a: {  	v9 =	vld [tilespmem:s12+$0x6B00]  }
0x10b: {  	v10 =	vld [tilespmem:s12+$0x6B10]  }
0x10c: {  	v11 =	vld [tilespmem:s12+$0x6AC0]  }
0x10d: {  	v12 =	vld [tilespmem:s12+$0x6AD0]  }
0x10e: {  	v13 =	vld [tilespmem:s12+$0x6A80]  }
0x10f: {  	v14 =	vld [tilespmem:s12+$0x6A90]  }
0x110: {  	v20 =	vld [tilespmem:s12+$0x6A40]  }
0x111: {  	v17 =	vimm.f32 $0.0e+00;
	v21 =	vld [tilespmem:s12+$0x6A50]  }
0x112: {  	v18 =	vimm.f32 $0.0e+00;
	v16 =	vimm.f32 $0.0e+00;
	v15 =	vimm.f32 $0.0e+00;
	s1 =	simm.s32 $0x400;
	v19 =	vld [tilespmem:s12+$0x6A60]  }
.LBB2_7:
0x113: {  	p1 =	sne.s32 s1, $0xC400;
	v22 =	vld [tilespmem:s12+$0x6A70]  }
0x114: {  	v23 =	vld [tilespmem:s12+$0x6AA0]  }
0x115: {  	v24 =	vld [tilespmem:s12+$0x6AB0]  }
0x116: {  	v25 =	vld [tilespmem:s12+$0x6AE0]  }
0x117: {  	v16 =	vadd.f32 v20, v16;
	v18 =	vadd.f32 v21, v18;
	v20 =	vld [tilespmem:s12+$0x6AF0]  }
0x118: {  	v17 =	vadd.f32 v19, v17;
	v15 =	vadd.f32 v22, v15;
	v19 =	vld [tilespmem:s12+$0x6B20]  }
0x119: {  	v13 =	vadd.f32 v13, v16;
	v14 =	vadd.f32 v14, v18;
	v21 =	vld [tilespmem:s12+$0x6B30];
	s12 =	sshra.s32 s1, $0x2  }
0x11a: {  	v16 =	vadd.f32 v23, v17;
	v22 =	vld [tilespmem:s12+$0x6B00];
	v15 =	vadd.f32 v24, v15  }
0x11b: {  	v13 =	vadd.f32 v11, v13;
	v14 =	vadd.f32 v12, v14;
	v23 =	vld [tilespmem:s12+$0x6B10]  }
0x11c: {  	v17 =	vadd.f32 v25, v16;
	v11 =	vld [tilespmem:s12+$0x6AC0];
	v15 =	vadd.f32 v20, v15  }
0x11d: {  	v16 =	vadd.f32 v9, v13;
	v18 =	vadd.f32 v10, v14;
	v12 =	vld [tilespmem:s12+$0x6AD0]  }
.Ltmp4:
0x11e: {  	v17 =	vadd.f32 v19, v17;
	v13 =	vld [tilespmem:s12+$0x6A80];
	v15 =	vadd.f32 v21, v15;
	(pc) =	sbr.rel @p1 .LBB2_7-.Ltmp4, $4  }
0x11f: {  	v14 =	vld [tilespmem:s12+$0x6A90];
	v9 =	vmov v22  }
0x120: {  	v20 =	vld [tilespmem:s12+$0x6A40];
	v10 =	vmov v23  }
0x121: {  	v21 =	vld [tilespmem:s12+$0x6A50]  }
0x122: {  	s1 =	sadd.s32 $0x400, s1;
	v19 =	vld [tilespmem:s12+$0x6A60]  }
0x123: {  	v22 =	vld [tilespmem:s12+$0x6A70]  }
0x124: {  	v23 =	vld [tilespmem:s12+$0x6AA0]  }
0x125: {  	v24 =	vld [tilespmem:s12+$0x6AB0];
	v16 =	vadd.f32 v20, v16  }
0x126: {  	v20 =	vld [tilespmem:s12+$0x6AE0];
	v18 =	vadd.f32 v21, v18  }
0x127: {  	v21 =	vld [tilespmem:s12+$0x6AF0];
	v13 =	vadd.f32 v13, v16  }
0x128: {  	v16 =	vadd.f32 v19, v17;
	v17 =	vld [tilespmem:s12+$0x6B20];
	v14 =	vadd.f32 v14, v18  }
0x129: {  	v15 =	vadd.f32 v22, v15;
	v18 =	vld [tilespmem:s12+$0x6B30];
	v11 =	vadd.f32 v11, v13  }
0x12a: {  	v13 =	vadd.f32 v23, v16;
	v12 =	vadd.f32 v12, v14;
	v14 =	vld [tilespmem:s31+$0xCEC0]  }
0x12b: {  	v15 =	vadd.f32 v24, v15;
	v9 =	vadd.f32 v9, v11;
	v11 =	vld [tilespmem:s31+$0xCED0]  }
0x12c: {  	v13 =	vadd.f32 v20, v13;
	v10 =	vadd.f32 v10, v12  }
0x12d: {  	v12 =	vld [tilespmem:s31+$0xCEE0];
	v9 =	vmul.f32 $4.999999890e-03, v9  }
0x12e: {  	v15 =	vadd.f32 v21, v15;
	v13 =	vadd.f32 v17, v13;
	v10 =	vmul.f32 $4.999999890e-03, v10  }
0x12f: {  	v9 =	vadd.f32 v14, v9;
	v14 =	vld [tilespmem:s31+$0xCEF0]  }
0x130: {  	v15 =	vadd.f32 v18, v15;
	v10 =	vadd.f32 v11, v10;
	v11 =	vmul.f32 $4.999999890e-03, v13  }
0x131: {  	v13 =	vmul.f32 v9, v4  }
0x132: {  	v16 =	vmul.f32 v10, v5;
	v11 =	vadd.f32 v12, v11;
	v12 =	vmul.f32 $4.999999890e-03, v15;
	_ =	sdelay $0x1  }
0x133: {  	v13 =	vadd.f32 v16, v13;
	v15 =	vmul.f32 v11, v6;
	v12 =	vadd.f32 v14, v12;
	_ =	sdelay $0x1  }
0x134: {  	v13 =	vadd.f32 v15, v13;
	v14 =	vmul.f32 v12, v7;
	_ =	sdelay $0x1  }
0x135: {  	v13 =	vadd.f32 v14, v13;
	_ =	sdelay $0x1  }
0x136: {  	v14 =	vperm.xlane v13, v0;
	_ =	sdelay $0x1  }
0x137: {  	v13 =	vadd.f32 v13, v14;
	_ =	sdelay $0x1  }
0x138: {  	v14 =	vperm.xlane v13, v1;
	_ =	sdelay $0x1  }
0x139: {  	v13 =	vadd.f32 v13, v14;
	_ =	sdelay $0x1  }
0x13a: {  	v14 =	vperm.xlane v13, v2;
	_ =	sdelay $0x1  }
0x13b: {  	v13 =	vadd.f32 v13, v14;
	_ =	sdelay $0x1  }
0x13c: {  	v14 =	vperm.xlane v13, v3;
	_ =	sdelay $0x1  }
0x13d: {  	v13 =	vadd.f32 v13, v14;
	_ =	sdelay $0x1  }
0x13e: {  	v13 =	vadd.f32 v13, v8;
	_ =	sdelay $0x1  }
0x13f: {  	v13 =	vsub.f32 $0.0e+00, v13;
	_ =	sdelay $0x1  }
0x140: {  	v13 =	vmul.f32 $1.442695020e+00, v13;
	_ =	sdelay $0x1  }
0x141: {  	(erf) = vpow2.f32 v13;
	_ =	sdelay $0x8  }
0x142: {  	v13 =	vpop (erf)  }
0x143: {  	v13 =	vadd.f32 $1.000000000e+00, v13;
	_ =	sdelay $0x1  }
0x144: {  	(erf) = vrcp.f32 v13;
	_ =	sdelay $0x5  }
0x145: {  	[tilespmem:s31+$0xCEC0] =	vst v9  }
0x146: {  	[tilespmem:s31+$0xCED0] =	vst v10  }
0x147: {  	s1 =	sor.u32 $0x80, s31;
	[tilespmem:s31+$0xCEE0] =	vst v11  }
0x148: {  	s1 =	sshrl.u32 s1, $0x2;
	[tilespmem:s31+$0xCEF0] =	vst v12;
	v9 =	vpop (erf)  }
0x149: {  	[tilespmem:s1+$0xEE40] =	vst v9  }
0x14a: {  	_ =	swait.ge [sflag:s30], $0xC8  }
0x14b: {  	[sflag:s30] =	ssyncset.done $0x0  }
0x14c: {  	s13 =	simm.s32 $0x4B0;
	s23 =	simm.s32 $0x6A40;
	[sflag:s30] =	ssyncadd.s32 $0xFFFFFF38  }
0x14d: {  	[tilespmem:s23], [sflag:$0xB] =	stream.indirect.gather [hbm4b:s5+s28], $0x40, s13, s28, $0xb8;
	[tilespmem:$0xF690] =	vst v63  }
0x14e: {  	s13 =	simm.s32 $0x8440;
	s23 =	simm.s32 $0x518  }
0x14f: {  	[tilespmem:s13], [sflag:$0xB] =	stream.indirect.gather [hbm4b:s5+s11], $0x40, s23, s11, $0xb8;
	[tilespmem:$0xF690] =	vst v63  }
0x150: {  	_ =	swait.ge [sflag:s6], $0x1A00  }
0x151: {  	[sflag:s6] =	ssyncset.done $0x0  }
0x152: {  	s1 =	sadd.s32 @!p0 s0, s18;
	[sflag:s6] =	ssyncadd.s32 $0xFFFFE600  }
0x153: {  	s1 =	smul.u32 @!p0 $0x19, s1;
	_ =	swait.ge [sflag:s6], $0x1800  }
0x154: {  	s12 =	simm.s32 @!p0 $0x0;
	[sflag:s6] =	ssyncset.done $0x0  }
0x155: {  	s1 =	sadd.s32 @!p0 s4, s1;
	s13 =	simm.s32 @!p0 $0x258;
	[sflag:s6] =	ssyncadd.s32 $0xFFFFE800  }
0x156: {  	[tilespmem:s13], [sflag:$0x4] =	stream.linear.gather @!p0 [hbm4b:s1+s12], $0xC8, $0x38;
	[tilespmem:$0xF690] =	vst v63  }
0x157: {  	s12 =	simm.s32 $0x0  }
0x158: {  	v9 =	vld [tilespmem:s12+$0x9D00]  }
0x159: {  	v10 =	vld [tilespmem:s12+$0x9D10]  }
0x15a: {  	v11 =	vld [tilespmem:s12+$0x9CC0]  }
0x15b: {  	v12 =	vld [tilespmem:s12+$0x9CD0]  }
0x15c: {  	v13 =	vld [tilespmem:s12+$0x9C80]  }
0x15d: {  	v14 =	vld [tilespmem:s12+$0x9C90]  }
0x15e: {  	v20 =	vld [tilespmem:s12+$0x9C40]  }
0x15f: {  	v17 =	vimm.f32 $0.0e+00;
	v21 =	vld [tilespmem:s12+$0x9C50]  }
0x160: {  	v18 =	vimm.f32 $0.0e+00;
	v16 =	vimm.f32 $0.0e+00;
	v15 =	vimm.f32 $0.0e+00;
	s1 =	simm.s32 $0x400;
	v19 =	vld [tilespmem:s12+$0x9C60]  }
.LBB2_9:
0x161: {  	p1 =	sne.s32 s1, $0xC400;
	v22 =	vld [tilespmem:s12+$0x9C70]  }
0x162: {  	v23 =	vld [tilespmem:s12+$0x9CA0]  }
0x163: {  	v24 =	vld [tilespmem:s12+$0x9CB0]  }
0x164: {  	v25 =	vld [tilespmem:s12+$0x9CE0]  }
0x165: {  	v16 =	vadd.f32 v20, v16;
	v18 =	vadd.f32 v21, v18;
	v20 =	vld [tilespmem:s12+$0x9CF0]  }
0x166: {  	v17 =	vadd.f32 v19, v17;
	v15 =	vadd.f32 v22, v15;
	v19 =	vld [tilespmem:s12+$0x9D20]  }
0x167: {  	v13 =	vadd.f32 v13, v16;
	v14 =	vadd.f32 v14, v18;
	v21 =	vld [tilespmem:s12+$0x9D30];
	s12 =	sshra.s32 s1, $0x2  }
0x168: {  	v16 =	vadd.f32 v23, v17;
	v22 =	vld [tilespmem:s12+$0x9D00];
	v15 =	vadd.f32 v24, v15  }
0x169: {  	v13 =	vadd.f32 v11, v13;
	v14 =	vadd.f32 v12, v14;
	v23 =	vld [tilespmem:s12+$0x9D10]  }
0x16a: {  	v17 =	vadd.f32 v25, v16;
	v11 =	vld [tilespmem:s12+$0x9CC0];
	v15 =	vadd.f32 v20, v15  }
0x16b: {  	v16 =	vadd.f32 v9, v13;
	v18 =	vadd.f32 v10, v14;
	v12 =	vld [tilespmem:s12+$0x9CD0]  }
.Ltmp5:
0x16c: {  	v17 =	vadd.f32 v19, v17;
	v13 =	vld [tilespmem:s12+$0x9C80];
	v15 =	vadd.f32 v21, v15;
	(pc) =	sbr.rel @p1 .LBB2_9-.Ltmp5, $4  }
0x16d: {  	v14 =	vld [tilespmem:s12+$0x9C90];
	v9 =	vmov v22  }
0x16e: {  	v20 =	vld [tilespmem:s12+$0x9C40];
	v10 =	vmov v23  }
0x16f: {  	v21 =	vld [tilespmem:s12+$0x9C50]  }
0x170: {  	s1 =	sadd.s32 $0x400, s1;
	v19 =	vld [tilespmem:s12+$0x9C60]  }
0x171: {  	v22 =	vld [tilespmem:s12+$0x9C70]  }
0x172: {  	v23 =	vld [tilespmem:s12+$0x9CA0]  }
0x173: {  	v24 =	vld [tilespmem:s12+$0x9CB0];
	v16 =	vadd.f32 v20, v16  }
0x174: {  	v20 =	vld [tilespmem:s12+$0x9CE0];
	v18 =	vadd.f32 v21, v18  }
0x175: {  	v21 =	vld [tilespmem:s12+$0x9CF0];
	v13 =	vadd.f32 v13, v16  }
0x176: {  	v16 =	vadd.f32 v19, v17;
	v17 =	vld [tilespmem:s12+$0x9D20];
	v14 =	vadd.f32 v14, v18  }
0x177: {  	v15 =	vadd.f32 v22, v15;
	v18 =	vld [tilespmem:s12+$0x9D30];
	v11 =	vadd.f32 v11, v13  }
0x178: {  	v13 =	vadd.f32 v23, v16;
	v12 =	vadd.f32 v12, v14;
	v14 =	vld [tilespmem:s31+$0xCF00]  }
0x179: {  	v15 =	vadd.f32 v24, v15;
	v9 =	vadd.f32 v9, v11;
	v11 =	vld [tilespmem:s31+$0xCF10]  }
0x17a: {  	v13 =	vadd.f32 v20, v13;
	v10 =	vadd.f32 v10, v12  }
0x17b: {  	v12 =	vld [tilespmem:s31+$0xCF20];
	v9 =	vmul.f32 $4.999999890e-03, v9  }
0x17c: {  	v15 =	vadd.f32 v21, v15;
	v13 =	vadd.f32 v17, v13;
	v10 =	vmul.f32 $4.999999890e-03, v10  }
0x17d: {  	v9 =	vadd.f32 v14, v9;
	v14 =	vld [tilespmem:s31+$0xCF30]  }
0x17e: {  	v15 =	vadd.f32 v18, v15;
	v10 =	vadd.f32 v11, v10;
	v11 =	vmul.f32 $4.999999890e-03, v13  }
0x17f: {  	v13 =	vmul.f32 v9, v4  }
0x180: {  	v16 =	vmul.f32 v10, v5;
	v11 =	vadd.f32 v12, v11;
	v12 =	vmul.f32 $4.999999890e-03, v15;
	_ =	sdelay $0x1  }
0x181: {  	v13 =	vadd.f32 v16, v13;
	v15 =	vmul.f32 v11, v6;
	v12 =	vadd.f32 v14, v12;
	_ =	sdelay $0x1  }
0x182: {  	v13 =	vadd.f32 v15, v13;
	v14 =	vmul.f32 v12, v7;
	_ =	sdelay $0x1  }
0x183: {  	v13 =	vadd.f32 v14, v13;
	_ =	sdelay $0x1  }
0x184: {  	v14 =	vperm.xlane v13, v0;
	_ =	sdelay $0x1  }
0x185: {  	v13 =	vadd.f32 v13, v14;
	_ =	sdelay $0x1  }
0x186: {  	v14 =	vperm.xlane v13, v1;
	_ =	sdelay $0x1  }
0x187: {  	v13 =	vadd.f32 v13, v14;
	_ =	sdelay $0x1  }
0x188: {  	v14 =	vperm.xlane v13, v2;
	_ =	sdelay $0x1  }
0x189: {  	v13 =	vadd.f32 v13, v14;
	_ =	sdelay $0x1  }
0x18a: {  	v14 =	vperm.xlane v13, v3;
	_ =	sdelay $0x1  }
0x18b: {  	v13 =	vadd.f32 v13, v14;
	_ =	sdelay $0x1  }
0x18c: {  	v13 =	vadd.f32 v13, v8;
	_ =	sdelay $0x1  }
0x18d: {  	v13 =	vsub.f32 $0.0e+00, v13;
	_ =	sdelay $0x1  }
0x18e: {  	v13 =	vmul.f32 $1.442695020e+00, v13;
	_ =	sdelay $0x1  }
0x18f: {  	(erf) = vpow2.f32 v13;
	_ =	sdelay $0x8  }
0x190: {  	v13 =	vpop (erf)  }
0x191: {  	v13 =	vadd.f32 $1.000000000e+00, v13;
	_ =	sdelay $0x1  }
0x192: {  	(erf) = vrcp.f32 v13;
	_ =	sdelay $0x5  }
0x193: {  	[tilespmem:s31+$0xCF00] =	vst v9  }
0x194: {  	[tilespmem:s31+$0xCF10] =	vst v10  }
0x195: {  	s1 =	sor.u32 $0xC0, s31;
	[tilespmem:s31+$0xCF20] =	vst v11  }
0x196: {  	s1 =	sshrl.u32 s1, $0x2;
	[tilespmem:s31+$0xCF30] =	vst v12;
	v9 =	vpop (erf)  }
0x197: {  	[tilespmem:s1+$0xEE40] =	vst v9  }
0x198: {  	_ =	swait.ge [sflag:s8], $0xC8  }
0x199: {  	[sflag:s8] =	ssyncset.done $0x0  }
0x19a: {  	s13 =	simm.s32 $0x578;
	[sflag:s8] =	ssyncadd.s32 $0xFFFFFF38  }
0x19b: {  	[tilespmem:s26], [sflag:$0xC] =	stream.indirect.gather [hbm4b:s5+s28], $0x40, s13, s28, $0xb8;
	[tilespmem:$0xF690] =	vst v63  }
0x19c: {  	s23 =	simm.s32 $0x5E0  }
0x19d: {  	[tilespmem:s9], [sflag:$0xC] =	stream.indirect.gather [hbm4b:s5+s11], $0x40, s23, s11, $0xb8;
	[tilespmem:$0xF690] =	vst v63  }
0x19e: {  	_ =	swait.ge [sflag:s2], $0x1A00  }
0x19f: {  	[sflag:s2] =	ssyncset.done $0x0  }
0x1a0: {  	s1 =	sadd.s32 @!p0 s0, s19;
	[sflag:s2] =	ssyncadd.s32 $0xFFFFE600  }
0x1a1: {  	s1 =	smul.u32 @!p0 $0x19, s1;
	_ =	swait.ge [sflag:s2], $0x1800  }
0x1a2: {  	s12 =	simm.s32 @!p0 $0x0;
	[sflag:s2] =	ssyncset.done $0x0  }
0x1a3: {  	s1 =	sadd.s32 @!p0 s4, s1;
	s13 =	simm.s32 @!p0 $0x320;
	[sflag:s2] =	ssyncadd.s32 $0xFFFFE800  }
0x1a4: {  	[tilespmem:s13], [sflag:$0x5] =	stream.linear.gather @!p0 [hbm4b:s1+s12], $0xC8, $0x38;
	[tilespmem:$0xF690] =	vst v63  }
0x1a5: {  	s12 =	simm.s32 $0x0  }
0x1a6: {  	v9 =	vld [tilespmem:s12+$0x700]  }
0x1a7: {  	v10 =	vld [tilespmem:s12+$0x710]  }
0x1a8: {  	v11 =	vld [tilespmem:s12+$0x6C0]  }
0x1a9: {  	v12 =	vld [tilespmem:s12+$0x6D0]  }
0x1aa: {  	v13 =	vld [tilespmem:s12+$0x680]  }
0x1ab: {  	v14 =	vld [tilespmem:s12+$0x690]  }
0x1ac: {  	v20 =	vld [tilespmem:s12+$0x640]  }
0x1ad: {  	v17 =	vimm.f32 $0.0e+00;
	v21 =	vld [tilespmem:s12+$0x650]  }
0x1ae: {  	v18 =	vimm.f32 $0.0e+00;
	v16 =	vimm.f32 $0.0e+00;
	v15 =	vimm.f32 $0.0e+00;
	s1 =	simm.s32 $0x400;
	v19 =	vld [tilespmem:s12+$0x660]  }
.LBB2_11:
0x1af: {  	p1 =	sne.s32 s1, $0xC400;
	v22 =	vld [tilespmem:s12+$0x670]  }
0x1b0: {  	v23 =	vld [tilespmem:s12+$0x6A0]  }
0x1b1: {  	v24 =	vld [tilespmem:s12+$0x6B0]  }
0x1b2: {  	v25 =	vld [tilespmem:s12+$0x6E0]  }
0x1b3: {  	v16 =	vadd.f32 v20, v16;
	v18 =	vadd.f32 v21, v18;
	v20 =	vld [tilespmem:s12+$0x6F0]  }
0x1b4: {  	v17 =	vadd.f32 v19, v17;
	v15 =	vadd.f32 v22, v15;
	v19 =	vld [tilespmem:s12+$0x720]  }
0x1b5: {  	v13 =	vadd.f32 v13, v16;
	v14 =	vadd.f32 v14, v18;
	v21 =	vld [tilespmem:s12+$0x730];
	s12 =	sshra.s32 s1, $0x2  }
0x1b6: {  	v16 =	vadd.f32 v23, v17;
	v22 =	vld [tilespmem:s12+$0x700];
	v15 =	vadd.f32 v24, v15  }
0x1b7: {  	v13 =	vadd.f32 v11, v13;
	v14 =	vadd.f32 v12, v14;
	v23 =	vld [tilespmem:s12+$0x710]  }
0x1b8: {  	v17 =	vadd.f32 v25, v16;
	v11 =	vld [tilespmem:s12+$0x6C0];
	v15 =	vadd.f32 v20, v15  }
0x1b9: {  	v16 =	vadd.f32 v9, v13;
	v18 =	vadd.f32 v10, v14;
	v12 =	vld [tilespmem:s12+$0x6D0]  }
.Ltmp6:
0x1ba: {  	v17 =	vadd.f32 v19, v17;
	v13 =	vld [tilespmem:s12+$0x680];
	v15 =	vadd.f32 v21, v15;
	(pc) =	sbr.rel @p1 .LBB2_11-.Ltmp6, $4  }
0x1bb: {  	v14 =	vld [tilespmem:s12+$0x690];
	v9 =	vmov v22  }
0x1bc: {  	v20 =	vld [tilespmem:s12+$0x640];
	v10 =	vmov v23  }
0x1bd: {  	v21 =	vld [tilespmem:s12+$0x650]  }
0x1be: {  	s1 =	sadd.s32 $0x400, s1;
	v19 =	vld [tilespmem:s12+$0x660]  }
0x1bf: {  	v22 =	vld [tilespmem:s12+$0x670]  }
0x1c0: {  	v23 =	vld [tilespmem:s12+$0x6A0]  }
0x1c1: {  	v24 =	vld [tilespmem:s12+$0x6B0];
	v16 =	vadd.f32 v20, v16  }
0x1c2: {  	v20 =	vld [tilespmem:s12+$0x6E0];
	v18 =	vadd.f32 v21, v18  }
0x1c3: {  	v21 =	vld [tilespmem:s12+$0x6F0];
	v13 =	vadd.f32 v13, v16  }
0x1c4: {  	v16 =	vadd.f32 v19, v17;
	v17 =	vld [tilespmem:s12+$0x720];
	v14 =	vadd.f32 v14, v18  }
0x1c5: {  	v15 =	vadd.f32 v22, v15;
	v18 =	vld [tilespmem:s12+$0x730];
	v11 =	vadd.f32 v11, v13  }
0x1c6: {  	v13 =	vadd.f32 v23, v16;
	v12 =	vadd.f32 v12, v14;
	v14 =	vld [tilespmem:s31+$0xCF40]  }
0x1c7: {  	v15 =	vadd.f32 v24, v15;
	v9 =	vadd.f32 v9, v11;
	v11 =	vld [tilespmem:s31+$0xCF50]  }
0x1c8: {  	v13 =	vadd.f32 v20, v13;
	v10 =	vadd.f32 v10, v12  }
0x1c9: {  	v12 =	vld [tilespmem:s31+$0xCF60];
	v9 =	vmul.f32 $4.999999890e-03, v9  }
0x1ca: {  	v15 =	vadd.f32 v21, v15;
	v13 =	vadd.f32 v17, v13;
	v10 =	vmul.f32 $4.999999890e-03, v10  }
0x1cb: {  	v9 =	vadd.f32 v14, v9;
	v14 =	vld [tilespmem:s31+$0xCF70]  }
0x1cc: {  	v15 =	vadd.f32 v18, v15;
	v10 =	vadd.f32 v11, v10;
	v11 =	vmul.f32 $4.999999890e-03, v13  }
0x1cd: {  	v13 =	vmul.f32 v9, v4  }
0x1ce: {  	v16 =	vmul.f32 v10, v5;
	v11 =	vadd.f32 v12, v11;
	v12 =	vmul.f32 $4.999999890e-03, v15;
	_ =	sdelay $0x1  }
0x1cf: {  	v13 =	vadd.f32 v16, v13;
	v15 =	vmul.f32 v11, v6;
	v12 =	vadd.f32 v14, v12;
	_ =	sdelay $0x1  }
0x1d0: {  	v13 =	vadd.f32 v15, v13;
	v14 =	vmul.f32 v12, v7;
	_ =	sdelay $0x1  }
0x1d1: {  	v13 =	vadd.f32 v14, v13;
	_ =	sdelay $0x1  }
0x1d2: {  	v14 =	vperm.xlane v13, v0;
	_ =	sdelay $0x1  }
0x1d3: {  	v13 =	vadd.f32 v13, v14;
	_ =	sdelay $0x1  }
0x1d4: {  	v14 =	vperm.xlane v13, v1;
	_ =	sdelay $0x1  }
0x1d5: {  	v13 =	vadd.f32 v13, v14;
	_ =	sdelay $0x1  }
0x1d6: {  	v14 =	vperm.xlane v13, v2;
	_ =	sdelay $0x1  }
0x1d7: {  	v13 =	vadd.f32 v13, v14;
	_ =	sdelay $0x1  }
0x1d8: {  	v14 =	vperm.xlane v13, v3;
	_ =	sdelay $0x1  }
0x1d9: {  	v13 =	vadd.f32 v13, v14;
	_ =	sdelay $0x1  }
0x1da: {  	v13 =	vadd.f32 v13, v8;
	_ =	sdelay $0x1  }
0x1db: {  	v13 =	vsub.f32 $0.0e+00, v13;
	_ =	sdelay $0x1  }
0x1dc: {  	v13 =	vmul.f32 $1.442695020e+00, v13;
	_ =	sdelay $0x1  }
0x1dd: {  	(erf) = vpow2.f32 v13;
	_ =	sdelay $0x8  }
0x1de: {  	v13 =	vpop (erf)  }
0x1df: {  	v13 =	vadd.f32 $1.000000000e+00, v13;
	_ =	sdelay $0x1  }
0x1e0: {  	(erf) = vrcp.f32 v13;
	_ =	sdelay $0x5  }
0x1e1: {  	[tilespmem:s31+$0xCF40] =	vst v9  }
0x1e2: {  	[tilespmem:s31+$0xCF50] =	vst v10  }
0x1e3: {  	s1 =	sor.u32 $0x100, s31;
	[tilespmem:s31+$0xCF60] =	vst v11  }
0x1e4: {  	s1 =	sshrl.u32 s1, $0x2;
	[tilespmem:s31+$0xCF70] =	vst v12;
	v9 =	vpop (erf)  }
0x1e5: {  	[tilespmem:s1+$0xEE40] =	vst v9;
	s1 =	simm.s32 @p0 $0xA  }
0x1e6: {  	_ =	swait.ge @p0 [sflag:s1], $0x1A00  }
0x1e7: {  	[sflag:s1] =	ssyncset.done @p0 $0x0  }
0x1e8: {  	[sflag:s1] =	ssyncadd.s32 @p0 $0xFFFFE600  }
0x1e9: {  	_ =	swait.ge @p0 [sflag:s1], $0x1800  }
0x1ea: {  	[sflag:s1] =	ssyncset.done @p0 $0x0  }
0x1eb: {  	[sflag:s1] =	ssyncadd.s32 @p0 $0xFFFFE800;
	s1 =	simm.s32 @!p0 $0x1  }
0x1ec: {  	_ =	swait.ge @!p0 [sflag:s1], $0xC8  }
0x1ed: {  	s13 =	simm.s32 @!p0 $0x640;
	[sflag:s1] =	ssyncset.done @!p0 $0x0  }
0x1ee: {  	s12 =	simm.s32 @!p0 $0x0;
	[sflag:s1] =	ssyncadd.s32 @!p0 $0xFFFFFF38;
	s1 =	simm.s32 @!p0 $0x68  }
0x1ef: {  	[tilespmem:s13], [sflag:$0x9] =	stream.indirect.gather @!p0 [hbm4b:s5+s1], $0x40, s12, s1, $0xb8;
	[tilespmem:$0xF690] =	vst v63  }
0x1f0: {  	s23 =	simm.s32 @!p0 $0x2040;
	s13 =	simm.s32 @!p0 $0x60  }
0x1f1: {  	[tilespmem:s23], [sflag:$0x9] =	stream.indirect.gather @!p0 [hbm4b:s5+s13], $0x40, s1, s13, $0xb8;
	[tilespmem:$0xF690] =	vst v63  }
0x1f2: {  	s1 =	simm.s32 @!p0 $0xA  }
0x1f3: {  	_ =	swait.ge @!p0 [sflag:s1], $0x1A00  }
0x1f4: {  	[sflag:s1] =	ssyncset.done @!p0 $0x0  }
0x1f5: {  	s13 =	sadd.s32 @!p0 s0, s20;
	[sflag:s1] =	ssyncadd.s32 @!p0 $0xFFFFE600  }
0x1f6: {  	s13 =	smul.u32 @!p0 $0x19, s13;
	_ =	swait.ge @!p0 [sflag:s1], $0x1800  }
0x1f7: {  	[sflag:s1] =	ssyncset.done @!p0 $0x0  }
0x1f8: {  	[sflag:s1] =	ssyncadd.s32 @!p0 $0xFFFFE800;
	s1 =	sadd.s32 @!p0 s4, s13;
	s13 =	simm.s32 @!p0 $0x3E8  }
0x1f9: {  	[tilespmem:s13], [sflag:$0x6] =	stream.linear.gather @!p0 [hbm4b:s1+s12], $0xC8, $0x38;
	[tilespmem:$0xF690] =	vst v63  }
0x1fa: {  	s12 =	simm.s32 $0x0  }
0x1fb: {  	v9 =	vld [tilespmem:s12+$0x3900]  }
0x1fc: {  	v10 =	vld [tilespmem:s12+$0x3910]  }
0x1fd: {  	v11 =	vld [tilespmem:s12+$0x38C0]  }
0x1fe: {  	v12 =	vld [tilespmem:s12+$0x38D0]  }
0x1ff: {  	v13 =	vld [tilespmem:s12+$0x3880]  }
0x200: {  	v14 =	vld [tilespmem:s12+$0x3890]  }
0x201: {  	v20 =	vld [tilespmem:s12+$0x3840]  }
0x202: {  	v17 =	vimm.f32 $0.0e+00;
	v21 =	vld [tilespmem:s12+$0x3850]  }
0x203: {  	v18 =	vimm.f32 $0.0e+00;
	v16 =	vimm.f32 $0.0e+00;
	v15 =	vimm.f32 $0.0e+00;
	s1 =	simm.s32 $0x400;
	v19 =	vld [tilespmem:s12+$0x3860]  }
.LBB2_13:
0x204: {  	p1 =	sne.s32 s1, $0xC400;
	v22 =	vld [tilespmem:s12+$0x3870]  }
0x205: {  	v23 =	vld [tilespmem:s12+$0x38A0]  }
0x206: {  	v24 =	vld [tilespmem:s12+$0x38B0]  }
0x207: {  	v25 =	vld [tilespmem:s12+$0x38E0]  }
0x208: {  	v16 =	vadd.f32 v20, v16;
	v18 =	vadd.f32 v21, v18;
	v20 =	vld [tilespmem:s12+$0x38F0]  }
0x209: {  	v17 =	vadd.f32 v19, v17;
	v15 =	vadd.f32 v22, v15;
	v19 =	vld [tilespmem:s12+$0x3920]  }
0x20a: {  	v13 =	vadd.f32 v13, v16;
	v14 =	vadd.f32 v14, v18;
	v21 =	vld [tilespmem:s12+$0x3930];
	s12 =	sshra.s32 s1, $0x2  }
0x20b: {  	v16 =	vadd.f32 v23, v17;
	v22 =	vld [tilespmem:s12+$0x3900];
	v15 =	vadd.f32 v24, v15  }
0x20c: {  	v13 =	vadd.f32 v11, v13;
	v14 =	vadd.f32 v12, v14;
	v23 =	vld [tilespmem:s12+$0x3910]  }
0x20d: {  	v17 =	vadd.f32 v25, v16;
	v11 =	vld [tilespmem:s12+$0x38C0];
	v15 =	vadd.f32 v20, v15  }
0x20e: {  	v16 =	vadd.f32 v9, v13;
	v18 =	vadd.f32 v10, v14;
	v12 =	vld [tilespmem:s12+$0x38D0]  }
.Ltmp7:
0x20f: {  	v17 =	vadd.f32 v19, v17;
	v13 =	vld [tilespmem:s12+$0x3880];
	v15 =	vadd.f32 v21, v15;
	(pc) =	sbr.rel @p1 .LBB2_13-.Ltmp7, $4  }
0x210: {  	v14 =	vld [tilespmem:s12+$0x3890];
	v9 =	vmov v22  }
0x211: {  	v20 =	vld [tilespmem:s12+$0x3840];
	v10 =	vmov v23  }
0x212: {  	v21 =	vld [tilespmem:s12+$0x3850]  }
0x213: {  	s1 =	sadd.s32 $0x400, s1;
	v19 =	vld [tilespmem:s12+$0x3860]  }
0x214: {  	v22 =	vld [tilespmem:s12+$0x3870]  }
0x215: {  	v23 =	vld [tilespmem:s12+$0x38A0]  }
0x216: {  	v24 =	vld [tilespmem:s12+$0x38B0];
	v16 =	vadd.f32 v20, v16  }
0x217: {  	v20 =	vld [tilespmem:s12+$0x38E0];
	v18 =	vadd.f32 v21, v18  }
0x218: {  	v21 =	vld [tilespmem:s12+$0x38F0];
	v13 =	vadd.f32 v13, v16  }
0x219: {  	v16 =	vadd.f32 v19, v17;
	v17 =	vld [tilespmem:s12+$0x3920];
	v14 =	vadd.f32 v14, v18  }
0x21a: {  	v15 =	vadd.f32 v22, v15;
	v18 =	vld [tilespmem:s12+$0x3930];
	v11 =	vadd.f32 v11, v13  }
0x21b: {  	v13 =	vadd.f32 v23, v16;
	v12 =	vadd.f32 v12, v14;
	v14 =	vld [tilespmem:s31+$0xCF80]  }
0x21c: {  	v15 =	vadd.f32 v24, v15;
	v9 =	vadd.f32 v9, v11;
	v11 =	vld [tilespmem:s31+$0xCF90]  }
0x21d: {  	v13 =	vadd.f32 v20, v13;
	v10 =	vadd.f32 v10, v12  }
0x21e: {  	v12 =	vld [tilespmem:s31+$0xCFA0];
	v9 =	vmul.f32 $4.999999890e-03, v9  }
0x21f: {  	v15 =	vadd.f32 v21, v15;
	v13 =	vadd.f32 v17, v13;
	v10 =	vmul.f32 $4.999999890e-03, v10  }
0x220: {  	v9 =	vadd.f32 v14, v9;
	v14 =	vld [tilespmem:s31+$0xCFB0]  }
0x221: {  	v15 =	vadd.f32 v18, v15;
	v10 =	vadd.f32 v11, v10;
	v11 =	vmul.f32 $4.999999890e-03, v13  }
0x222: {  	v13 =	vmul.f32 v9, v4  }
0x223: {  	v16 =	vmul.f32 v10, v5;
	v11 =	vadd.f32 v12, v11;
	v12 =	vmul.f32 $4.999999890e-03, v15;
	_ =	sdelay $0x1  }
0x224: {  	v13 =	vadd.f32 v16, v13;
	v15 =	vmul.f32 v11, v6;
	v12 =	vadd.f32 v14, v12;
	_ =	sdelay $0x1  }
0x225: {  	v13 =	vadd.f32 v15, v13;
	v14 =	vmul.f32 v12, v7;
	_ =	sdelay $0x1  }
0x226: {  	v13 =	vadd.f32 v14, v13;
	_ =	sdelay $0x1  }
0x227: {  	v14 =	vperm.xlane v13, v0;
	_ =	sdelay $0x1  }
0x228: {  	v13 =	vadd.f32 v13, v14;
	_ =	sdelay $0x1  }
0x229: {  	v14 =	vperm.xlane v13, v1;
	_ =	sdelay $0x1  }
0x22a: {  	v13 =	vadd.f32 v13, v14;
	_ =	sdelay $0x1  }
0x22b: {  	v14 =	vperm.xlane v13, v2;
	_ =	sdelay $0x1  }
0x22c: {  	v13 =	vadd.f32 v13, v14;
	_ =	sdelay $0x1  }
0x22d: {  	v14 =	vperm.xlane v13, v3;
	_ =	sdelay $0x1  }
0x22e: {  	v13 =	vadd.f32 v13, v14;
	_ =	sdelay $0x1  }
0x22f: {  	v13 =	vadd.f32 v13, v8;
	_ =	sdelay $0x1  }
0x230: {  	v13 =	vsub.f32 $0.0e+00, v13;
	_ =	sdelay $0x1  }
0x231: {  	v13 =	vmul.f32 $1.442695020e+00, v13;
	_ =	sdelay $0x1  }
0x232: {  	(erf) = vpow2.f32 v13;
	_ =	sdelay $0x8  }
0x233: {  	v13 =	vpop (erf)  }
0x234: {  	v13 =	vadd.f32 $1.000000000e+00, v13;
	_ =	sdelay $0x1  }
0x235: {  	(erf) = vrcp.f32 v13;
	_ =	sdelay $0x5  }
0x236: {  	[tilespmem:s31+$0xCF80] =	vst v9  }
0x237: {  	[tilespmem:s31+$0xCF90] =	vst v10  }
0x238: {  	s1 =	sor.u32 $0x140, s31;
	[tilespmem:s31+$0xCFA0] =	vst v11  }
0x239: {  	s1 =	sshrl.u32 s1, $0x2;
	[tilespmem:s31+$0xCFB0] =	vst v12;
	v9 =	vpop (erf)  }
0x23a: {  	[tilespmem:s1+$0xEE40] =	vst v9;
	s1 =	simm.s32 @p0 $0xB  }
0x23b: {  	_ =	swait.ge @p0 [sflag:s1], $0x1A00  }
0x23c: {  	[sflag:s1] =	ssyncset.done @p0 $0x0  }
0x23d: {  	[sflag:s1] =	ssyncadd.s32 @p0 $0xFFFFE600  }
0x23e: {  	_ =	swait.ge @p0 [sflag:s1], $0x1800  }
0x23f: {  	[sflag:s1] =	ssyncset.done @p0 $0x0  }
0x240: {  	[sflag:s1] =	ssyncadd.s32 @p0 $0xFFFFE800;
	s1 =	simm.s32 @!p0 $0x2  }
0x241: {  	_ =	swait.ge @!p0 [sflag:s1], $0xC8  }
0x242: {  	s13 =	simm.s32 @!p0 $0x3840;
	[sflag:s1] =	ssyncset.done @!p0 $0x0  }
0x243: {  	s12 =	simm.s32 @!p0 $0xC8;
	[sflag:s1] =	ssyncadd.s32 @!p0 $0xFFFFFF38;
	s1 =	simm.s32 @!p0 $0x68  }
0x244: {  	[tilespmem:s13], [sflag:$0xA] =	stream.indirect.gather @!p0 [hbm4b:s5+s1], $0x40, s12, s1, $0xb8;
	[tilespmem:$0xF690] =	vst v63  }
0x245: {  	s1 =	simm.s32 @!p0 $0x60;
	s12 =	simm.s32 @!p0 $0x130;
	s13 =	simm.s32 @!p0 $0x5240  }
0x246: {  	[tilespmem:s13], [sflag:$0xA] =	stream.indirect.gather @!p0 [hbm4b:s5+s1], $0x40, s12, s1, $0xb8;
	[tilespmem:$0xF690] =	vst v63  }
0x247: {  	s1 =	simm.s32 @!p0 $0xB  }
0x248: {  	_ =	swait.ge @!p0 [sflag:s1], $0x1A00  }
0x249: {  	[sflag:s1] =	ssyncset.done @!p0 $0x0  }
0x24a: {  	s12 =	sadd.s32 @!p0 s0, s21;
	[sflag:s1] =	ssyncadd.s32 @!p0 $0xFFFFE600  }
0x24b: {  	s12 =	smul.u32 @!p0 $0x19, s12;
	_ =	swait.ge @!p0 [sflag:s1], $0x1800  }
0x24c: {  	s13 =	simm.s32 @!p0 $0x4B0;
	[sflag:s1] =	ssyncset.done @!p0 $0x0  }
0x24d: {  	[sflag:s1] =	ssyncadd.s32 @!p0 $0xFFFFE800;
	s1 =	sadd.s32 @!p0 s4, s12;
	s12 =	simm.s32 @!p0 $0x0  }
0x24e: {  	[tilespmem:s13], [sflag:$0x7] =	stream.linear.gather @!p0 [hbm4b:s1+s12], $0xC8, $0x38;
	[tilespmem:$0xF690] =	vst v63  }
0x24f: {  	s12 =	simm.s32 $0x0  }
0x250: {  	v9 =	vld [tilespmem:s12+$0x6B00]  }
0x251: {  	v10 =	vld [tilespmem:s12+$0x6B10]  }
0x252: {  	v11 =	vld [tilespmem:s12+$0x6AC0]  }
0x253: {  	v12 =	vld [tilespmem:s12+$0x6AD0]  }
0x254: {  	v13 =	vld [tilespmem:s12+$0x6A80]  }
0x255: {  	v14 =	vld [tilespmem:s12+$0x6A90]  }
0x256: {  	v20 =	vld [tilespmem:s12+$0x6A40]  }
0x257: {  	v17 =	vimm.f32 $0.0e+00;
	v21 =	vld [tilespmem:s12+$0x6A50]  }
0x258: {  	v18 =	vimm.f32 $0.0e+00;
	v16 =	vimm.f32 $0.0e+00;
	v15 =	vimm.f32 $0.0e+00;
	s1 =	simm.s32 $0x400;
	v19 =	vld [tilespmem:s12+$0x6A60]  }
.LBB2_15:
0x259: {  	p1 =	sne.s32 s1, $0xC400;
	v22 =	vld [tilespmem:s12+$0x6A70]  }
0x25a: {  	v23 =	vld [tilespmem:s12+$0x6AA0]  }
0x25b: {  	v24 =	vld [tilespmem:s12+$0x6AB0]  }
0x25c: {  	v25 =	vld [tilespmem:s12+$0x6AE0]  }
0x25d: {  	v16 =	vadd.f32 v20, v16;
	v18 =	vadd.f32 v21, v18;
	v20 =	vld [tilespmem:s12+$0x6AF0]  }
0x25e: {  	v17 =	vadd.f32 v19, v17;
	v15 =	vadd.f32 v22, v15;
	v19 =	vld [tilespmem:s12+$0x6B20]  }
0x25f: {  	v13 =	vadd.f32 v13, v16;
	v14 =	vadd.f32 v14, v18;
	v21 =	vld [tilespmem:s12+$0x6B30];
	s12 =	sshra.s32 s1, $0x2  }
0x260: {  	v16 =	vadd.f32 v23, v17;
	v22 =	vld [tilespmem:s12+$0x6B00];
	v15 =	vadd.f32 v24, v15  }
0x261: {  	v13 =	vadd.f32 v11, v13;
	v14 =	vadd.f32 v12, v14;
	v23 =	vld [tilespmem:s12+$0x6B10]  }
0x262: {  	v17 =	vadd.f32 v25, v16;
	v11 =	vld [tilespmem:s12+$0x6AC0];
	v15 =	vadd.f32 v20, v15  }
0x263: {  	v16 =	vadd.f32 v9, v13;
	v18 =	vadd.f32 v10, v14;
	v12 =	vld [tilespmem:s12+$0x6AD0]  }
.Ltmp8:
0x264: {  	v17 =	vadd.f32 v19, v17;
	v13 =	vld [tilespmem:s12+$0x6A80];
	v15 =	vadd.f32 v21, v15;
	(pc) =	sbr.rel @p1 .LBB2_15-.Ltmp8, $4  }
0x265: {  	v14 =	vld [tilespmem:s12+$0x6A90];
	v9 =	vmov v22  }
0x266: {  	v20 =	vld [tilespmem:s12+$0x6A40];
	v10 =	vmov v23  }
0x267: {  	v21 =	vld [tilespmem:s12+$0x6A50]  }
0x268: {  	s1 =	sadd.s32 $0x400, s1;
	v19 =	vld [tilespmem:s12+$0x6A60]  }
0x269: {  	v22 =	vld [tilespmem:s12+$0x6A70]  }
0x26a: {  	v23 =	vld [tilespmem:s12+$0x6AA0]  }
0x26b: {  	v24 =	vld [tilespmem:s12+$0x6AB0];
	v16 =	vadd.f32 v20, v16  }
0x26c: {  	v20 =	vld [tilespmem:s12+$0x6AE0];
	v18 =	vadd.f32 v21, v18  }
0x26d: {  	v21 =	vld [tilespmem:s12+$0x6AF0];
	v13 =	vadd.f32 v13, v16  }
0x26e: {  	v16 =	vadd.f32 v19, v17;
	v17 =	vld [tilespmem:s12+$0x6B20];
	v14 =	vadd.f32 v14, v18  }
0x26f: {  	v15 =	vadd.f32 v22, v15;
	v18 =	vld [tilespmem:s12+$0x6B30];
	v11 =	vadd.f32 v11, v13  }
0x270: {  	v13 =	vadd.f32 v23, v16;
	v12 =	vadd.f32 v12, v14;
	v14 =	vld [tilespmem:s31+$0xCFC0]  }
0x271: {  	v15 =	vadd.f32 v24, v15;
	v9 =	vadd.f32 v9, v11;
	v11 =	vld [tilespmem:s31+$0xCFD0]  }
0x272: {  	v13 =	vadd.f32 v20, v13;
	v10 =	vadd.f32 v10, v12  }
0x273: {  	v12 =	vld [tilespmem:s31+$0xCFE0];
	v9 =	vmul.f32 $4.999999890e-03, v9  }
0x274: {  	v15 =	vadd.f32 v21, v15;
	v13 =	vadd.f32 v17, v13;
	v10 =	vmul.f32 $4.999999890e-03, v10  }
0x275: {  	v9 =	vadd.f32 v14, v9;
	v14 =	vld [tilespmem:s31+$0xCFF0]  }
0x276: {  	v15 =	vadd.f32 v18, v15;
	v10 =	vadd.f32 v11, v10;
	v11 =	vmul.f32 $4.999999890e-03, v13  }
0x277: {  	v13 =	vmul.f32 v9, v4  }
0x278: {  	v16 =	vmul.f32 v10, v5;
	v11 =	vadd.f32 v12, v11;
	v12 =	vmul.f32 $4.999999890e-03, v15;
	_ =	sdelay $0x1  }
0x279: {  	v13 =	vadd.f32 v16, v13;
	v15 =	vmul.f32 v11, v6;
	v12 =	vadd.f32 v14, v12;
	_ =	sdelay $0x1  }
0x27a: {  	v13 =	vadd.f32 v15, v13;
	v14 =	vmul.f32 v12, v7;
	_ =	sdelay $0x1  }
0x27b: {  	v13 =	vadd.f32 v14, v13;
	_ =	sdelay $0x1  }
0x27c: {  	v14 =	vperm.xlane v13, v0;
	_ =	sdelay $0x1  }
0x27d: {  	v13 =	vadd.f32 v13, v14;
	_ =	sdelay $0x1  }
0x27e: {  	v14 =	vperm.xlane v13, v1;
	_ =	sdelay $0x1  }
0x27f: {  	v13 =	vadd.f32 v13, v14;
	_ =	sdelay $0x1  }
0x280: {  	v14 =	vperm.xlane v13, v2;
	_ =	sdelay $0x1  }
0x281: {  	v13 =	vadd.f32 v13, v14;
	_ =	sdelay $0x1  }
0x282: {  	v14 =	vperm.xlane v13, v3;
	_ =	sdelay $0x1  }
0x283: {  	v13 =	vadd.f32 v13, v14;
	_ =	sdelay $0x1  }
0x284: {  	v13 =	vadd.f32 v13, v8;
	_ =	sdelay $0x1  }
0x285: {  	v13 =	vsub.f32 $0.0e+00, v13;
	_ =	sdelay $0x1  }
0x286: {  	v13 =	vmul.f32 $1.442695020e+00, v13;
	_ =	sdelay $0x1  }
0x287: {  	(erf) = vpow2.f32 v13;
	_ =	sdelay $0x8  }
0x288: {  	v13 =	vpop (erf)  }
0x289: {  	v13 =	vadd.f32 $1.000000000e+00, v13;
	_ =	sdelay $0x1  }
0x28a: {  	(erf) = vrcp.f32 v13;
	_ =	sdelay $0x5  }
0x28b: {  	[tilespmem:s31+$0xCFC0] =	vst v9  }
0x28c: {  	[tilespmem:s31+$0xCFD0] =	vst v10  }
0x28d: {  	s1 =	sor.u32 $0x180, s31;
	[tilespmem:s31+$0xCFE0] =	vst v11  }
0x28e: {  	s1 =	sshrl.u32 s1, $0x2;
	[tilespmem:s31+$0xCFF0] =	vst v12;
	v9 =	vpop (erf)  }
0x28f: {  	[tilespmem:s1+$0xEE40] =	vst v9;
	s1 =	simm.s32 @p0 $0xC  }
0x290: {  	_ =	swait.ge @p0 [sflag:s1], $0x1A00  }
0x291: {  	[sflag:s1] =	ssyncset.done @p0 $0x0  }
0x292: {  	[sflag:s1] =	ssyncadd.s32 @p0 $0xFFFFE600  }
0x293: {  	_ =	swait.ge @p0 [sflag:s1], $0x1800  }
0x294: {  	[sflag:s1] =	ssyncset.done @p0 $0x0  }
0x295: {  	[sflag:s1] =	ssyncadd.s32 @p0 $0xFFFFE800;
	s1 =	simm.s32 @!p0 $0x3  }
0x296: {  	_ =	swait.ge @!p0 [sflag:s1], $0xC8  }
0x297: {  	s13 =	simm.s32 @!p0 $0x6A40;
	[sflag:s1] =	ssyncset.done @!p0 $0x0  }
0x298: {  	s12 =	simm.s32 @!p0 $0x190;
	[sflag:s1] =	ssyncadd.s32 @!p0 $0xFFFFFF38;
	s1 =	simm.s32 @!p0 $0x68  }
0x299: {  	[tilespmem:s13], [sflag:$0xB] =	stream.indirect.gather @!p0 [hbm4b:s5+s1], $0x40, s12, s1, $0xb8;
	[tilespmem:$0xF690] =	vst v63  }
0x29a: {  	s1 =	simm.s32 @!p0 $0x60;
	s12 =	simm.s32 @!p0 $0x1F8;
	s13 =	simm.s32 @!p0 $0x8440  }
0x29b: {  	[tilespmem:s13], [sflag:$0xB] =	stream.indirect.gather @!p0 [hbm4b:s5+s1], $0x40, s12, s1, $0xb8;
	[tilespmem:$0xF690] =	vst v63  }
0x29c: {  	s1 =	simm.s32 @!p0 $0xC  }
0x29d: {  	_ =	swait.ge @!p0 [sflag:s1], $0x1A00  }
0x29e: {  	s0 =	sadd.s32 @!p0 s0, s22;
	[sflag:s1] =	ssyncset.done @!p0 $0x0  }
0x29f: {  	s0 =	smul.u32 @!p0 $0x19, s0;
	[sflag:s1] =	ssyncadd.s32 @!p0 $0xFFFFE600  }
0x2a0: {  	_ =	swait.ge @!p0 [sflag:s1], $0x1800  }
0x2a1: {  	s0 =	sadd.s32 @!p0 s4, s0;
	[sflag:s1] =	ssyncset.done @!p0 $0x0  }
0x2a2: {  	s12 =	simm.s32 @!p0 $0x578;
	[sflag:s1] =	ssyncadd.s32 @!p0 $0xFFFFE800;
	s1 =	simm.s32 @!p0 $0x0  }
0x2a3: {  	[tilespmem:s12], [sflag:$0x8] =	stream.linear.gather @!p0 [hbm4b:s0+s1], $0xC8, $0x38;
	[tilespmem:$0xF690] =	vst v63  }
0x2a4: {  	s0 =	simm.s32 $0x0  }
0x2a5: {  	v9 =	vld [tilespmem:s0+$0x9D00]  }
0x2a6: {  	v10 =	vld [tilespmem:s0+$0x9D10]  }
0x2a7: {  	v11 =	vld [tilespmem:s0+$0x9CC0]  }
0x2a8: {  	v12 =	vld [tilespmem:s0+$0x9CD0]  }
0x2a9: {  	v13 =	vld [tilespmem:s0+$0x9C80]  }
0x2aa: {  	v14 =	vld [tilespmem:s0+$0x9C90]  }
0x2ab: {  	v20 =	vld [tilespmem:s0+$0x9C40]  }
0x2ac: {  	v17 =	vimm.f32 $0.0e+00;
	v21 =	vld [tilespmem:s0+$0x9C50]  }
0x2ad: {  	v18 =	vimm.f32 $0.0e+00;
	v16 =	vimm.f32 $0.0e+00;
	v15 =	vimm.f32 $0.0e+00;
	s1 =	simm.s32 $0x400;
	v19 =	vld [tilespmem:s0+$0x9C60]  }
.LBB2_17:
0x2ae: {  	p1 =	sne.s32 s1, $0xC400;
	v22 =	vld [tilespmem:s0+$0x9C70]  }
0x2af: {  	v23 =	vld [tilespmem:s0+$0x9CA0]  }
0x2b0: {  	v24 =	vld [tilespmem:s0+$0x9CB0]  }
0x2b1: {  	v25 =	vld [tilespmem:s0+$0x9CE0]  }
0x2b2: {  	v16 =	vadd.f32 v20, v16;
	v18 =	vadd.f32 v21, v18;
	v20 =	vld [tilespmem:s0+$0x9CF0]  }
0x2b3: {  	v17 =	vadd.f32 v19, v17;
	v15 =	vadd.f32 v22, v15;
	v19 =	vld [tilespmem:s0+$0x9D20]  }
0x2b4: {  	v13 =	vadd.f32 v13, v16;
	v14 =	vadd.f32 v14, v18;
	v21 =	vld [tilespmem:s0+$0x9D30];
	s0 =	sshra.s32 s1, $0x2  }
0x2b5: {  	v16 =	vadd.f32 v23, v17;
	v22 =	vld [tilespmem:s0+$0x9D00];
	v15 =	vadd.f32 v24, v15  }
0x2b6: {  	v13 =	vadd.f32 v11, v13;
	v14 =	vadd.f32 v12, v14;
	v23 =	vld [tilespmem:s0+$0x9D10]  }
0x2b7: {  	v17 =	vadd.f32 v25, v16;
	v11 =	vld [tilespmem:s0+$0x9CC0];
	v15 =	vadd.f32 v20, v15  }
0x2b8: {  	v16 =	vadd.f32 v9, v13;
	v18 =	vadd.f32 v10, v14;
	v12 =	vld [tilespmem:s0+$0x9CD0]  }
.Ltmp9:
0x2b9: {  	v17 =	vadd.f32 v19, v17;
	v13 =	vld [tilespmem:s0+$0x9C80];
	v15 =	vadd.f32 v21, v15;
	(pc) =	sbr.rel @p1 .LBB2_17-.Ltmp9, $4  }
0x2ba: {  	v14 =	vld [tilespmem:s0+$0x9C90];
	v9 =	vmov v22  }
0x2bb: {  	v20 =	vld [tilespmem:s0+$0x9C40];
	v10 =	vmov v23  }
0x2bc: {  	v21 =	vld [tilespmem:s0+$0x9C50]  }
0x2bd: {  	s1 =	sadd.s32 $0x400, s1;
	v19 =	vld [tilespmem:s0+$0x9C60]  }
0x2be: {  	v22 =	vld [tilespmem:s0+$0x9C70]  }
0x2bf: {  	v23 =	vld [tilespmem:s0+$0x9CA0]  }
0x2c0: {  	v24 =	vld [tilespmem:s0+$0x9CB0];
	v16 =	vadd.f32 v20, v16  }
0x2c1: {  	v51 =	vld [tilespmem:s0+$0x9CE0];
	v18 =	vadd.f32 v21, v18  }
0x2c2: {  	v52 =	vld [tilespmem:s0+$0x9CF0];
	v13 =	vadd.f32 v13, v16  }
0x2c3: {  	v54 =	vld [tilespmem:s0+$0x9D20];
	v53 =	vadd.f32 v19, v17;
	v14 =	vadd.f32 v14, v18  }
0x2c4: {  	v55 =	vld [tilespmem:s0+$0x9D30];
	v15 =	vadd.f32 v22, v15;
	v11 =	vadd.f32 v11, v13  }
0x2c5: {  	v57 =	vld [tilespmem:s31+$0xD000];
	v56 =	vadd.f32 v23, v53;
	v12 =	vadd.f32 v12, v14  }
0x2c6: {  	v15 =	vadd.f32 v24, v15;
	v9 =	vadd.f32 v9, v11;
	v11 =	vld [tilespmem:s31+$0xD010]  }
0x2c7: {  	v13 =	vadd.f32 v51, v56;
	v10 =	vadd.f32 v10, v12  }
0x2c8: {  	v58 =	vld [tilespmem:s31+$0xD020];
	v15 =	vadd.f32 v52, v15  }
0x2c9: {  	v9 =	vmul.f32 $4.999999890e-03, v9;
	v13 =	vadd.f32 v54, v13;
	v10 =	vmul.f32 $4.999999890e-03, v10  }
0x2ca: {  	v59 =	vld [tilespmem:s31+$0xD030];
	v15 =	vadd.f32 v55, v15  }
0x2cb: {  	v9 =	vadd.f32 v57, v9;
	v10 =	vadd.f32 v11, v10;
	v11 =	vmul.f32 $4.999999890e-03, v13  }
0x2cc: {  	v62 =	vmul.f32 $4.999999890e-03, v15  }
0x2cd: {  	v60 =	vmul.f32 v9, v4;
	v61 =	vmul.f32 v10, v5;
	v11 =	vadd.f32 v58, v11;
	_ =	sdelay $0x1  }
0x2ce: {  	v12 =	vadd.f32 v59, v62;
	v13 =	vadd.f32 v61, v60;
	v63 =	vmul.f32 v11, v6;
	_ =	sdelay $0x1  }
0x2cf: {  	v14 =	vmul.f32 v12, v7;
	v13 =	vadd.f32 v63, v13;
	_ =	sdelay $0x1  }
0x2d0: {  	v13 =	vadd.f32 v14, v13;
	_ =	sdelay $0x1  }
0x2d1: {  	v14 =	vperm.xlane v13, v0;
	_ =	sdelay $0x1  }
0x2d2: {  	v13 =	vadd.f32 v13, v14;
	_ =	sdelay $0x1  }
0x2d3: {  	v14 =	vperm.xlane v13, v1;
	_ =	sdelay $0x1  }
0x2d4: {  	v13 =	vadd.f32 v13, v14;
	_ =	sdelay $0x1  }
0x2d5: {  	v14 =	vperm.xlane v13, v2;
	_ =	sdelay $0x1  }
0x2d6: {  	v13 =	vadd.f32 v13, v14;
	_ =	sdelay $0x1  }
0x2d7: {  	v14 =	vperm.xlane v13, v3;
	_ =	sdelay $0x1  }
0x2d8: {  	v13 =	vadd.f32 v13, v14;
	_ =	sdelay $0x1  }
0x2d9: {  	v13 =	vadd.f32 v13, v8;
	_ =	sdelay $0x1  }
0x2da: {  	v13 =	vsub.f32 $0.0e+00, v13;
	_ =	sdelay $0x1  }
0x2db: {  	v13 =	vmul.f32 $1.442695020e+00, v13;
	_ =	sdelay $0x1  }
0x2dc: {  	(erf) = vpow2.f32 v13;
	_ =	sdelay $0x8  }
0x2dd: {  	v13 =	vpop (erf)  }
0x2de: {  	v13 =	vadd.f32 $1.000000000e+00, v13;
	_ =	sdelay $0x1  }
0x2df: {  	(erf) = vrcp.f32 v13;
	_ =	sdelay $0x5  }
.Ltmp10:
0x2e0: {  	[tilespmem:s31+$0xD000] =	vst v9;
	(pc) =	sbr.rel @p0 .LBB2_20-.Ltmp10, $4  }
0x2e1: {  	[tilespmem:s31+$0xD010] =	vst v10  }
0x2e2: {  	s23 =	sor.u32 $0x1C0, s31;
	[tilespmem:s31+$0xD020] =	vst v11  }
0x2e3: {  	s0 =	sshrl.u32 s23, $0x2;
	[tilespmem:s31+$0xD030] =	vst v12;
	v9 =	vpop (erf)  }
0x2e4: {  	[tilespmem:s0+$0xEE40] =	vst v9  }
0x2e5: {  	_ =	swait.ge [sflag:s25], $0xC8  }
.Ltmp11:
0x2e6: {  	[sflag:s25] =	ssyncset.done $0x0;
	(pc) =	sbr.rel .LBB2_2-.Ltmp11, $4  }
0x2e7: {  	[sflag:s25] =	ssyncadd.s32 $0xFFFFFF38  }
0x2e8: {  	[tilespmem:s26], [sflag:$0xC] =	stream.indirect.gather [hbm4b:s5+s28], $0x40, s24, s28, $0xb8;
	[tilespmem:$0xF690] =	vst v63  }
0x2e9: {  	s0 =	simm.s32 $0x2C0;
	s10 =	sadd.s32 $0x1, s10  }
0x2ea: {  	[tilespmem:s9], [sflag:$0xC] =	stream.indirect.gather [hbm4b:s5+s11], $0x40, s0, s11, $0xb8;
	[tilespmem:$0xF690] =	vst v63  }
.LBB2_21:
0x2eb: {  	_ =	sfence.sel $0x180000  }
0x2ec: {  	[bflag:$0x0] =	sbarrier.arrive $0xFFFF  }
0x2ed: {  	_ =	strace $0x90000047  }
0x2ee: {  	s0 =	stileid.u32;
	[bflag:$0x2] =	sbarrier.arrive $0xFFFF  }
0x2ef: {  	p0 =	sne.s32 s0, $0x0;
	s0 =	rddreg [dreg:$0x3]  }
0x2f0: {  	s0 =	sadd.s32 @!p0 $0x100000, s0  }
0x2f1: {  	[sflag:s0] =	ssyncadd.tile.s32 @!p0 $0x1;
	_ =	shalt  }
.Lfunc_end2:
_tile_overlayer_lowered:
.L_overlay_start_2:
0x2f2: {  	(tag) =	ssettag $0x2  }
0x2f3: {  	s0 =	rddreg [dreg:$0x0];
	s2 =	stileid.u32  }
0x2f4: {  	s1 =	rddreg [dreg:$0x1];
	p0 =	sne.s32 s2, $0x0  }
0x2f5: {  	s3 =	rddreg [dreg:$0x2];
	[bflag:$0x3] =	sbarrier.arrive $0xFFFF;
	s2 =	simm.s32 @!p0 $0x1C0D  }
0x2f6: {  	[timem:s3], [sflag:s2] =	dma.local @!p0 [hbm:s0], s1  }
0x2f7: {  	s0 =	simm.s32 @!p0 $0xD  }
0x2f8: {  	_ =	swait.ge @!p0 [sflag:s0], s1  }
0x2f9: {  	s1 =	ssub.s32 @!p0 $0x0, s1;
	[sflag:s0] =	ssyncset.done @!p0 $0x0  }
0x2fa: {  	[sflag:s0] =	ssyncadd.s32 @!p0 s1  }
0x2fb: {  	[bflag:$0x3] =	sbarrier.arrive $0xFFFF  }
0x2fc: {  	_ =	shalt  }

</sc_bundles>
